<compile_context>
chip_gen: v7x
topology: tpu7x:2x2x1
jax: 0.10.2.dev20260603
libtpu: 0.0.44.dev20260713+nightly
codegen_flags: <defaults>
</compile_context>

<pallas_src>
import jax
import jax.numpy as jnp
from jax import lax
from jax.experimental import pallas as pl
from jax.experimental.pallas import tpu as pltpu
from jax.experimental.pallas import tpu_sc as plsc

B = 16384
L = 200
EMB = 16
V = 1000000
NC = 2
NS = 16
NW = NC * NS
BPW = B // NW
BB = 16
NBLK = BPW // BB
RPB = BB * L

TCH = 8192
G = TCH // 8
NTB = (V + TCH - 1) // TCH
LAST = (NTB - 1) * TCH
VP = NTB * TCH
PCH = 3


def _remap(r):
    i = r & ~(TCH - 1)
    loc = r & (TCH - 1)
    k = loc >> 10
    g = loc & (G - 1)
    rho_main = i | (g << 3) | k
    rho_tail = LAST + ((r - LAST) << 3)
    return jnp.where(r < LAST, rho_main, rho_tail)


def _xprep_body(x_ref, lo_ref, hi_ref):
    t = _remap(x_ref[...]).T
    lo_ref[...] = t[:, :128]
    hi_ref[...] = jnp.concatenate(
        [t[:, 128:L], jnp.zeros((t.shape[0], 256 - L), jnp.int32)], axis=1
    )


def _pack_body(t_ref, o_ref):
    for j in range(PCH):
        base = j * TCH
        qq = jnp.concatenate(
            [t_ref[:, base + k * G:base + (k + 1) * G] for k in range(8)], axis=0
        )
        o_ref[pl.ds(j * G, G), :] = qq.T


def _sc_pool_body(
    xlo_hbm, xhi_hbm, table_hbm, out_hbm,
    ilo0, ihi0, ilo1, ihi1, rows0, rows1, accblk, sem0, sem1, ssem0, ssem1,
):
    wid = lax.axis_index("c") * NS + lax.axis_index("s")

    def stage_copies(blk, ilo_b, ihi_b, ssem_b):
        s0 = wid * BPW + blk * BB
        return [
            pltpu.make_async_copy(xlo_hbm.at[pl.ds(s0, BB)], ilo_b, ssem_b),
            pltpu.make_async_copy(xhi_hbm.at[pl.ds(s0, BB)], ihi_b, ssem_b),
        ]

    def stage_start(blk, ilo_b, ihi_b, ssem_b):
        for c in stage_copies(blk, ilo_b, ihi_b, ssem_b):
            c.start()

    def stage_wait(blk, ilo_b, ihi_b, ssem_b):
        for c in stage_copies(blk, ilo_b, ihi_b, ssem_b):
            c.wait()

    def row_copies(ilo_b, ihi_b, rows_b, sem_b):
        out = []
        for i in range(BB):
            out.append(
                pltpu.make_async_copy(
                    table_hbm.at[ilo_b.at[i]],
                    rows_b.at[pl.ds(i * L, 128)],
                    sem_b,
                )
            )
            out.append(
                pltpu.make_async_copy(
                    table_hbm.at[ihi_b.at[i, pl.ds(0, L - 128)]],
                    rows_b.at[pl.ds(i * L + 128, L - 128)],
                    sem_b,
                )
            )
        return out

    def fire(ilo_b, ihi_b, rows_b, sem_b):
        for c in row_copies(ilo_b, ihi_b, rows_b, sem_b):
            c.start()

    def drain(ilo_b, ihi_b, rows_b, sem_b):
        for c in row_copies(ilo_b, ihi_b, rows_b, sem_b):
            c.wait()

    def acc_store(blk, rows_b):
        zero = jnp.zeros((EMB,), jnp.float32)

        def acc_step(l, accs):
            return tuple(accs[i] + rows_b[i * L + l] for i in range(BB))

        accs = lax.fori_loop(0, L, acc_step, (zero,) * BB)
        for i in range(BB):
            accblk[i] = accs[i]
        pltpu.sync_copy(accblk, out_hbm.at[pl.ds(wid * BPW + blk * BB, BB)])

    stage_start(0, ilo0, ihi0, ssem0)
    stage_wait(0, ilo0, ihi0, ssem0)
    fire(ilo0, ihi0, rows0, sem0)
    stage_start(1, ilo1, ihi1, ssem1)

    def pair(g, carry):
        blk0 = 2 * g
        blk1 = blk0 + 1
        stage_wait(blk1, ilo1, ihi1, ssem1)
        fire(ilo1, ihi1, rows1, sem1)
        drain(ilo0, ihi0, rows0, sem0)

        @pl.when(blk0 + 2 < NBLK)
        def _():
            stage_start(blk0 + 2, ilo0, ihi0, ssem0)

        acc_store(blk0, rows0)

        @pl.when(blk0 + 2 < NBLK)
        def _():
            stage_wait(blk0 + 2, ilo0, ihi0, ssem0)
            fire(ilo0, ihi0, rows0, sem0)

        drain(ilo1, ihi1, rows1, sem1)

        @pl.when(blk1 + 2 < NBLK)
        def _():
            stage_start(blk1 + 2, ilo1, ihi1, ssem1)

        acc_store(blk1, rows1)
        return carry

    lax.fori_loop(0, NBLK // 2, pair, 0)


def _mlp_body(s_ref, w1_ref, b1_ref, w2_ref, b2_ref, o_ref):
    h = jnp.tanh(s_ref[...] * (1.0 / L))
    h = jnp.tanh(jnp.dot(h, w1_ref[...]) + b1_ref[...])
    o_ref[...] = jnp.dot(h, w2_ref[...]) + b2_ref[...]


@jax.jit
def kernel(x, table, W1, b1, W2, b2):
    XB = 2048
    xlo, xhi = pl.pallas_call(
        _xprep_body,
        grid=(B // XB,),
        in_specs=[pl.BlockSpec((L, XB), lambda i: (0, i))],
        out_specs=[
            pl.BlockSpec((XB, 128), lambda i: (i, 0)),
            pl.BlockSpec((XB, 128), lambda i: (i, 0)),
        ],
        out_shape=[
            jax.ShapeDtypeStruct((B, 128), jnp.int32),
            jax.ShapeDtypeStruct((B, 128), jnp.int32),
        ],
    )(x.astype(jnp.int32).T)

    table_pk = pl.pallas_call(
        _pack_body,
        grid=(NTB // PCH,),
        in_specs=[pl.BlockSpec((EMB, PCH * TCH), lambda i: (0, i))],
        out_specs=pl.BlockSpec((PCH * G, 128), lambda i: (i, 0)),
        out_shape=jax.ShapeDtypeStruct((NTB * G, 128), jnp.float32),
    )(table.T)
    table_l = table_pk.reshape(VP, EMB)

    mesh = plsc.VectorSubcoreMesh(
        core_axis_name="c", subcore_axis_name="s", num_cores=NC, num_subcores=NS
    )
    sums = pl.kernel(
        _sc_pool_body,
        mesh=mesh,
        out_type=jax.ShapeDtypeStruct((B, EMB), jnp.float32),
        scratch_types=[
            pltpu.VMEM((BB, 128), jnp.int32),
            pltpu.VMEM((BB, 128), jnp.int32),
            pltpu.VMEM((BB, 128), jnp.int32),
            pltpu.VMEM((BB, 128), jnp.int32),
            pltpu.VMEM((RPB, EMB), jnp.float32),
            pltpu.VMEM((RPB, EMB), jnp.float32),
            pltpu.VMEM((BB, EMB), jnp.float32),
            pltpu.SemaphoreType.DMA,
            pltpu.SemaphoreType.DMA,
            pltpu.SemaphoreType.DMA,
            pltpu.SemaphoreType.DMA,
        ],
        compiler_params=pltpu.CompilerParams(use_tc_tiling_on_sc=False),
    )(xlo, xhi, table_l)

    TBLK = 16384
    out = pl.pallas_call(
        _mlp_body,
        grid=(B // TBLK,),
        in_specs=[
            pl.BlockSpec((TBLK, EMB), lambda i: (i, 0)),
            pl.BlockSpec((EMB, EMB), lambda i: (0, 0)),
            pl.BlockSpec((1, EMB), lambda i: (0, 0)),
            pl.BlockSpec((EMB, 2), lambda i: (0, 0)),
            pl.BlockSpec((1, 2), lambda i: (0, 0)),
        ],
        out_specs=pl.BlockSpec((TBLK, 2), lambda i: (i, 0)),
        out_shape=jax.ShapeDtypeStruct((B, 2), jnp.float32),
    )(sums, W1, b1.reshape(1, EMB), W2, b2.reshape(1, 2))
    return out

# --- scband reference (transcript-rebuilt; emitter-appended) ---
"""Pipeline reference for scband-sample-net-15839839388102 (READ-ONLY COPY).

The authoritative reference and input builder live on the scoring server;
editing this copy changes nothing except your own understanding.
"""

import jax, jax.numpy as jnp
import numpy as np

VOCAB = 1000000
EMB = 16
B = 16384
L = 200

def setup_inputs(seed: int = 0) -> dict:
    key = jax.random.key(seed)
    k1, k2, k3, k4, k5, k6 = jax.random.split(key, 6)
    x = jax.random.randint(k1, (B, L), 0, VOCAB, dtype=jnp.int64 if jax.config.jax_enable_x64 else jnp.int32)
    table = jax.random.normal(k2, (VOCAB, EMB), dtype=jnp.float32)
    W1 = jax.random.normal(k3, (EMB, EMB), dtype=jnp.float32) * (1.0 / np.sqrt(EMB))
    b1 = jax.random.normal(k4, (EMB,), dtype=jnp.float32) * 0.01
    W2 = jax.random.normal(k5, (EMB, 2), dtype=jnp.float32) * (1.0 / np.sqrt(EMB))
    b2 = jax.random.normal(k6, (2,), dtype=jnp.float32) * 0.01
    return {"x": x, "table": table, "W1": W1, "b1": b1, "W2": W2, "b2": b2}

def reference(x, table, W1, b1, W2, b2):
    # emb lookup: [B, L, 16]
    h = jnp.take(table, x, axis=0)
    # transpose(1,2) -> [B, 16, L]; AdaptiveAvgPool1d(1) -> mean over L -> [B, 16, 1]; squeeze -> [B, 16]
    h = jnp.mean(h, axis=1)
    h = jnp.tanh(h)
    h = h @ W1 + b1
    h = jnp.tanh(h)
    h = h @ W2 + b2
    return h

if __name__ == "__main__":
    import jax
    _d = setup_inputs()
    print(jax.jit(kernel)(*tuple(_d.values())))

</pallas_src>

<mosaic_0001>
#map = affine_map<(d0, d1) -> (0, 0)>
module attributes {stable_mosaic.version = 14 : i64} {
  func.func @_sc_pool_body(%arg0: i32, %arg1: i32, %arg2: memref<16384x128xi32, #tpu.memory_space<hbm>>, %arg3: memref<16384x128xi32, #tpu.memory_space<hbm>>, %arg4: memref<1007616x16xf32, #tpu.memory_space<hbm>>, %arg5: memref<16384x16xf32, #tpu.memory_space<hbm>>, %arg6: memref<16x128xi32, #tpu.memory_space<vmem>>, %arg7: memref<16x128xi32, #tpu.memory_space<vmem>>, %arg8: memref<16x128xi32, #tpu.memory_space<vmem>>, %arg9: memref<16x128xi32, #tpu.memory_space<vmem>>, %arg10: memref<3200x16xf32, #tpu.memory_space<vmem>>, %arg11: memref<3200x16xf32, #tpu.memory_space<vmem>>, %arg12: memref<16x16xf32, #tpu.memory_space<vmem>>, %arg13: memref<!tpu.dma_semaphore, #tpu.memory_space<semaphore_mem>>, %arg14: memref<!tpu.dma_semaphore, #tpu.memory_space<semaphore_mem>>, %arg15: memref<!tpu.dma_semaphore, #tpu.memory_space<semaphore_mem>>, %arg16: memref<!tpu.dma_semaphore, #tpu.memory_space<semaphore_mem>>) attributes {dimension_semantics = [#tpu.dimension_semantics<core_parallel>, #tpu.dimension_semantics<subcore_parallel>], iteration_bounds = array<i64: 2, 16>, scalar_prefetch = 0 : i64, scratch_operands = 11 : i64, tpu.core_type = #tpu.core_type<sc_vector_subcore>, window_params = [{transform_indices = #map}, {transform_indices = #map}, {transform_indices = #map}, {transform_indices = #map}]} {
    %mul3A = arith.constant 16 : i32
    %mul3A_0 = arith.muli %arg0, %mul3A : i32
    %add3A = arith.addi %mul3A_0, %arg1 : i32
    %mul3A_1 = arith.constant 512 : i32
    %mul3A_2 = arith.muli %add3A, %mul3A_1 : i32
    %add3A_3 = arith.constant 0 : i32
    %add3A_4 = arith.addi %mul3A_2, %add3A_3 : i32
    %dma_start3A = arith.constant 0 : i32
    %dma_start3A_5 = tpu.memref_slice %arg2[%add3A_4, %dma_start3A] : memref<16384x128xi32, #tpu.memory_space<hbm>> -> memref<16x128xi32, #tpu.memory_space<hbm>>
    %dma_start3A_6 = arith.constant 0 : i32
    %dma_start3A_7 = tpu.memref_slice %arg2[%add3A_4, %dma_start3A_6] : memref<16384x128xi32, #tpu.memory_space<hbm>> -> memref<16x128xi32, #tpu.memory_space<hbm>>
    tpu.enqueue_dma source(%dma_start3A_7 : memref<16x128xi32, #tpu.memory_space<hbm>>) target(%arg6 : memref<16x128xi32, #tpu.memory_space<vmem>>) target_semaphore(%arg15 : memref<!tpu.dma_semaphore, #tpu.memory_space<semaphore_mem>>)
    %dma_start3A_8 = arith.constant 0 : i32
    %dma_start3A_9 = tpu.memref_slice %arg3[%add3A_4, %dma_start3A_8] : memref<16384x128xi32, #tpu.memory_space<hbm>> -> memref<16x128xi32, #tpu.memory_space<hbm>>
    %dma_start3A_10 = arith.constant 0 : i32
    %dma_start3A_11 = tpu.memref_slice %arg3[%add3A_4, %dma_start3A_10] : memref<16384x128xi32, #tpu.memory_space<hbm>> -> memref<16x128xi32, #tpu.memory_space<hbm>>
    tpu.enqueue_dma source(%dma_start3A_11 : memref<16x128xi32, #tpu.memory_space<hbm>>) target(%arg7 : memref<16x128xi32, #tpu.memory_space<vmem>>) target_semaphore(%arg15 : memref<!tpu.dma_semaphore, #tpu.memory_space<semaphore_mem>>)
    %mul3A_12 = arith.constant 512 : i32
    %mul3A_13 = arith.muli %add3A, %mul3A_12 : i32
    %add3A_14 = arith.constant 0 : i32
    %add3A_15 = arith.addi %mul3A_13, %add3A_14 : i32
    %dma_wait3A = arith.constant 0 : i32
    %dma_wait3A_16 = tpu.memref_slice %arg2[%add3A_15, %dma_wait3A] : memref<16384x128xi32, #tpu.memory_space<hbm>> -> memref<16x128xi32, #tpu.memory_space<hbm>>
    %dma_wait3A_17 = arith.constant 0 : i32
    %dma_wait3A_18 = tpu.memref_slice %arg2[%add3A_15, %dma_wait3A_17] : memref<16384x128xi32, #tpu.memory_space<hbm>> -> memref<16x128xi32, #tpu.memory_space<hbm>>
    tpu.wait_dma2 semaphore(%arg15 : memref<!tpu.dma_semaphore, #tpu.memory_space<semaphore_mem>>) src(%dma_wait3A_18 : memref<16x128xi32, #tpu.memory_space<hbm>>) dst(%arg6 : memref<16x128xi32, #tpu.memory_space<vmem>>)
    %dma_wait3A_19 = arith.constant 0 : i32
    %dma_wait3A_20 = tpu.memref_slice %arg3[%add3A_15, %dma_wait3A_19] : memref<16384x128xi32, #tpu.memory_space<hbm>> -> memref<16x128xi32, #tpu.memory_space<hbm>>
    %dma_wait3A_21 = arith.constant 0 : i32
    %dma_wait3A_22 = tpu.memref_slice %arg3[%add3A_15, %dma_wait3A_21] : memref<16384x128xi32, #tpu.memory_space<hbm>> -> memref<16x128xi32, #tpu.memory_space<hbm>>
    tpu.wait_dma2 semaphore(%arg15 : memref<!tpu.dma_semaphore, #tpu.memory_space<semaphore_mem>>) src(%dma_wait3A_22 : memref<16x128xi32, #tpu.memory_space<hbm>>) dst(%arg7 : memref<16x128xi32, #tpu.memory_space<vmem>>)
    %dma_start3A_23 = arith.constant 0 : i32
    %dma_start3A_24 = arith.constant 0 : i32
    %dma_start3A_25 = arith.constant 0 : i32
    %dma_start3A_26 = tpu.memref_slice %arg10[%dma_start3A_24, %dma_start3A_25] : memref<3200x16xf32, #tpu.memory_space<vmem>> -> memref<128x16xf32, #tpu.memory_space<vmem>>
    %dma_start3A_27 = arith.constant 0 : i32
    %dma_start3A_28 = tpu.memref_slice %arg6[%dma_start3A_23, %dma_start3A_27] : memref<16x128xi32, #tpu.memory_space<vmem>> -> memref<1x128xi32, #tpu.memory_space<vmem>>
    %dma_start3A_29 = tpu.memref_squeeze %dma_start3A_28 : memref<1x128xi32, #tpu.memory_space<vmem>> -> memref<128xi32, #tpu.memory_space<vmem>>
    %dma_start3A_30 = arith.constant 0 : i32
    %dma_start3A_31 = arith.constant 0 : i32
    %dma_start3A_32 = tpu.memref_slice %arg4[%dma_start3A_30, %dma_start3A_31] : memref<1007616x16xf32, #tpu.memory_space<hbm>> -> memref<1007616x16xf32, #tpu.memory_space<hbm>>
    tpu.enqueue_indirect_dma source(%dma_start3A_32 : memref<1007616x16xf32, #tpu.memory_space<hbm>>) target(%dma_start3A_26 : memref<128x16xf32, #tpu.memory_space<vmem>>) offsets(%dma_start3A_29 : memref<128xi32, #tpu.memory_space<vmem>>) semaphore(%arg13 : memref<!tpu.dma_semaphore, #tpu.memory_space<semaphore_mem>>)
    %dma_start3A_33 = arith.constant 0 : i32
    %dma_start3A_34 = arith.constant 128 : i32
    %dma_start3A_35 = arith.constant 0 : i32
    %dma_start3A_36 = tpu.memref_slice %arg10[%dma_start3A_34, %dma_start3A_35] : memref<3200x16xf32, #tpu.memory_space<vmem>> -> memref<72x16xf32, #tpu.memory_space<vmem>>
    %dma_start3A_37 = arith.constant 0 : i32
    %dma_start3A_38 = tpu.memref_slice %arg7[%dma_start3A_33, %dma_start3A_37] : memref<16x128xi32, #tpu.memory_space<vmem>> -> memref<1x72xi32, #tpu.memory_space<vmem>>
    %dma_start3A_39 = tpu.memref_squeeze %dma_start3A_38 : memref<1x72xi32, #tpu.memory_space<vmem>> -> memref<72xi32, #tpu.memory_space<vmem>>
    %dma_start3A_40 = arith.constant 0 : i32
    %dma_start3A_41 = arith.constant 0 : i32
    %dma_start3A_42 = tpu.memref_slice %arg4[%dma_start3A_40, %dma_start3A_41] : memref<1007616x16xf32, #tpu.memory_space<hbm>> -> memref<1007616x16xf32, #tpu.memory_space<hbm>>
    tpu.enqueue_indirect_dma source(%dma_start3A_42 : memref<1007616x16xf32, #tpu.memory_space<hbm>>) target(%dma_start3A_36 : memref<72x16xf32, #tpu.memory_space<vmem>>) offsets(%dma_start3A_39 : memref<72xi32, #tpu.memory_space<vmem>>) semaphore(%arg13 : memref<!tpu.dma_semaphore, #tpu.memory_space<semaphore_mem>>)
    %dma_start3A_43 = arith.constant 1 : i32
    %dma_start3A_44 = arith.constant 200 : i32
    %dma_start3A_45 = arith.constant 0 : i32
    %dma_start3A_46 = tpu.memref_slice %arg10[%dma_start3A_44, %dma_start3A_45] : memref<3200x16xf32, #tpu.memory_space<vmem>> -> memref<128x16xf32, #tpu.memory_space<vmem>>
    %dma_start3A_47 = arith.constant 0 : i32
    %dma_start3A_48 = tpu.memref_slice %arg6[%dma_start3A_43, %dma_start3A_47] : memref<16x128xi32, #tpu.memory_space<vmem>> -> memref<1x128xi32, #tpu.memory_space<vmem>>
    %dma_start3A_49 = tpu.memref_squeeze %dma_start3A_48 : memref<1x128xi32, #tpu.memory_space<vmem>> -> memref<128xi32, #tpu.memory_space<vmem>>
    %dma_start3A_50 = arith.constant 0 : i32
    %dma_start3A_51 = arith.constant 0 : i32
    %dma_start3A_52 = tpu.memref_slice %arg4[%dma_start3A_50, %dma_start3A_51] : memref<1007616x16xf32, #tpu.memory_space<hbm>> -> memref<1007616x16xf32, #tpu.memory_space<hbm>>
    tpu.enqueue_indirect_dma source(%dma_start3A_52 : memref<1007616x16xf32, #tpu.memory_space<hbm>>) target(%dma_start3A_46 : memref<128x16xf32, #tpu.memory_space<vmem>>) offsets(%dma_start3A_49 : memref<128xi32, #tpu.memory_space<vmem>>) semaphore(%arg13 : memref<!tpu.dma_semaphore, #tpu.memory_space<semaphore_mem>>)
    %dma_start3A_53 = arith.constant 1 : i32
    %dma_start3A_54 = arith.constant 328 : i32
    %dma_start3A_55 = arith.constant 0 : i32
    %dma_start3A_56 = tpu.memref_slice %arg10[%dma_start3A_54, %dma_start3A_55] : memref<3200x16xf32, #tpu.memory_space<vmem>> -> memref<72x16xf32, #tpu.memory_space<vmem>>
    %dma_start3A_57 = arith.constant 0 : i32
    %dma_start3A_58 = tpu.memref_slice %arg7[%dma_start3A_53, %dma_start3A_57] : memref<16x128xi32, #tpu.memory_space<vmem>> -> memref<1x72xi32, #tpu.memory_space<vmem>>
    %dma_start3A_59 = tpu.memref_squeeze %dma_start3A_58 : memref<1x72xi32, #tpu.memory_space<vmem>> -> memref<72xi32, #tpu.memory_space<vmem>>
    %dma_start3A_60 = arith.constant 0 : i32
    %dma_start3A_61 = arith.constant 0 : i32
    %dma_start3A_62 = tpu.memref_slice %arg4[%dma_start3A_60, %dma_start3A_61] : memref<1007616x16xf32, #tpu.memory_space<hbm>> -> memref<1007616x16xf32, #tpu.memory_space<hbm>>
    tpu.enqueue_indirect_dma source(%dma_start3A_62 : memref<1007616x16xf32, #tpu.memory_space<hbm>>) target(%dma_start3A_56 : memref<72x16xf32, #tpu.memory_space<vmem>>) offsets(%dma_start3A_59 : memref<72xi32, #tpu.memory_space<vmem>>) semaphore(%arg13 : memref<!tpu.dma_semaphore, #tpu.memory_space<semaphore_mem>>)
    %dma_start3A_63 = arith.constant 2 : i32
    %dma_start3A_64 = arith.constant 400 : i32
    %dma_start3A_65 = arith.constant 0 : i32
    %dma_start3A_66 = tpu.memref_slice %arg10[%dma_start3A_64, %dma_start3A_65] : memref<3200x16xf32, #tpu.memory_space<vmem>> -> memref<128x16xf32, #tpu.memory_space<vmem>>
    %dma_start3A_67 = arith.constant 0 : i32
    %dma_start3A_68 = tpu.memref_slice %arg6[%dma_start3A_63, %dma_start3A_67] : memref<16x128xi32, #tpu.memory_space<vmem>> -> memref<1x128xi32, #tpu.memory_space<vmem>>
    %dma_start3A_69 = tpu.memref_squeeze %dma_start3A_68 : memref<1x128xi32, #tpu.memory_space<vmem>> -> memref<128xi32, #tpu.memory_space<vmem>>
    %dma_start3A_70 = arith.constant 0 : i32
    %dma_start3A_71 = arith.constant 0 : i32
    %dma_start3A_72 = tpu.memref_slice %arg4[%dma_start3A_70, %dma_start3A_71] : memref<1007616x16xf32, #tpu.memory_space<hbm>> -> memref<1007616x16xf32, #tpu.memory_space<hbm>>
    tpu.enqueue_indirect_dma source(%dma_start3A_72 : memref<1007616x16xf32, #tpu.memory_space<hbm>>) target(%dma_start3A_66 : memref<128x16xf32, #tpu.memory_space<vmem>>) offsets(%dma_start3A_69 : memref<128xi32, #tpu.memory_space<vmem>>) semaphore(%arg13 : memref<!tpu.dma_semaphore, #tpu.memory_space<semaphore_mem>>)
    %dma_start3A_73 = arith.constant 2 : i32
    %dma_start3A_74 = arith.constant 528 : i32
    %dma_start3A_75 = arith.constant 0 : i32
    %dma_start3A_76 = tpu.memref_slice %arg10[%dma_start3A_74, %dma_start3A_75] : memref<3200x16xf32, #tpu.memory_space<vmem>> -> memref<72x16xf32, #tpu.memory_space<vmem>>
    %dma_start3A_77 = arith.constant 0 : i32
    %dma_start3A_78 = tpu.memref_slice %arg7[%dma_start3A_73, %dma_start3A_77] : memref<16x128xi32, #tpu.memory_space<vmem>> -> memref<1x72xi32, #tpu.memory_space<vmem>>
    %dma_start3A_79 = tpu.memref_squeeze %dma_start3A_78 : memref<1x72xi32, #tpu.memory_space<vmem>> -> memref<72xi32, #tpu.memory_space<vmem>>
    %dma_start3A_80 = arith.constant 0 : i32
    %dma_start3A_81 = arith.constant 0 : i32
    %dma_start3A_82 = tpu.memref_slice %arg4[%dma_start3A_80, %dma_start3A_81] : memref<1007616x16xf32, #tpu.memory_space<hbm>> -> memref<1007616x16xf32, #tpu.memory_space<hbm>>
    tpu.enqueue_indirect_dma source(%dma_start3A_82 : memref<1007616x16xf32, #tpu.memory_space<hbm>>) target(%dma_start3A_76 : memref<72x16xf32, #tpu.memory_space<vmem>>) offsets(%dma_start3A_79 : memref<72xi32, #tpu.memory_space<vmem>>) semaphore(%arg13 : memref<!tpu.dma_semaphore, #tpu.memory_space<semaphore_mem>>)
    %dma_start3A_83 = arith.constant 3 : i32
    %dma_start3A_84 = arith.constant 600 : i32
    %dma_start3A_85 = arith.constant 0 : i32
    %dma_start3A_86 = tpu.memref_slice %arg10[%dma_start3A_84, %dma_start3A_85] : memref<3200x16xf32, #tpu.memory_space<vmem>> -> memref<128x16xf32, #tpu.memory_space<vmem>>
    %dma_start3A_87 = arith.constant 0 : i32
    %dma_start3A_88 = tpu.memref_slice %arg6[%dma_start3A_83, %dma_start3A_87] : memref<16x128xi32, #tpu.memory_space<vmem>> -> memref<1x128xi32, #tpu.memory_space<vmem>>
    %dma_start3A_89 = tpu.memref_squeeze %dma_start3A_88 : memref<1x128xi32, #tpu.memory_space<vmem>> -> memref<128xi32, #tpu.memory_space<vmem>>
    %dma_start3A_90 = arith.constant 0 : i32
    %dma_start3A_91 = arith.constant 0 : i32
    %dma_start3A_92 = tpu.memref_slice %arg4[%dma_start3A_90, %dma_start3A_91] : memref<1007616x16xf32, #tpu.memory_space<hbm>> -> memref<1007616x16xf32, #tpu.memory_space<hbm>>
    tpu.enqueue_indirect_dma source(%dma_start3A_92 : memref<1007616x16xf32, #tpu.memory_space<hbm>>) target(%dma_start3A_86 : memref<128x16xf32, #tpu.memory_space<vmem>>) offsets(%dma_start3A_89 : memref<128xi32, #tpu.memory_space<vmem>>) semaphore(%arg13 : memref<!tpu.dma_semaphore, #tpu.memory_space<semaphore_mem>>)
    %dma_start3A_93 = arith.constant 3 : i32
    %dma_start3A_94 = arith.constant 728 : i32
    %dma_start3A_95 = arith.constant 0 : i32
    %dma_start3A_96 = tpu.memref_slice %arg10[%dma_start3A_94, %dma_start3A_95] : memref<3200x16xf32, #tpu.memory_space<vmem>> -> memref<72x16xf32, #tpu.memory_space<vmem>>
    %dma_start3A_97 = arith.constant 0 : i32
    %dma_start3A_98 = tpu.memref_slice %arg7[%dma_start3A_93, %dma_start3A_97] : memref<16x128xi32, #tpu.memory_space<vmem>> -> memref<1x72xi32, #tpu.memory_space<vmem>>
    %dma_start3A_99 = tpu.memref_squeeze %dma_start3A_98 : memref<1x72xi32, #tpu.memory_space<vmem>> -> memref<72xi32, #tpu.memory_space<vmem>>
    %dma_start3A_100 = arith.constant 0 : i32
    %dma_start3A_101 = arith.constant 0 : i32
    %dma_start3A_102 = tpu.memref_slice %arg4[%dma_start3A_100, %dma_start3A_101] : memref<1007616x16xf32, #tpu.memory_space<hbm>> -> memref<1007616x16xf32, #tpu.memory_space<hbm>>
    tpu.enqueue_indirect_dma source(%dma_start3A_102 : memref<1007616x16xf32, #tpu.memory_space<hbm>>) target(%dma_start3A_96 : memref<72x16xf32, #tpu.memory_space<vmem>>) offsets(%dma_start3A_99 : memref<72xi32, #tpu.memory_space<vmem>>) semaphore(%arg13 : memref<!tpu.dma_semaphore, #tpu.memory_space<semaphore_mem>>)
    %dma_start3A_103 = arith.constant 4 : i32
    %dma_start3A_104 = arith.constant 800 : i32
    %dma_start3A_105 = arith.constant 0 : i32
    %dma_start3A_106 = tpu.memref_slice %arg10[%dma_start3A_104, %dma_start3A_105] : memref<3200x16xf32, #tpu.memory_space<vmem>> -> memref<128x16xf32, #tpu.memory_space<vmem>>
    %dma_start3A_107 = arith.constant 0 : i32
    %dma_start3A_108 = tpu.memref_slice %arg6[%dma_start3A_103, %dma_start3A_107] : memref<16x128xi32, #tpu.memory_space<vmem>> -> memref<1x128xi32, #tpu.memory_space<vmem>>
    %dma_start3A_109 = tpu.memref_squeeze %dma_start3A_108 : memref<1x128xi32, #tpu.memory_space<vmem>> -> memref<128xi32, #tpu.memory_space<vmem>>
    %dma_start3A_110 = arith.constant 0 : i32
    %dma_start3A_111 = arith.constant 0 : i32
    %dma_start3A_112 = tpu.memref_slice %arg4[%dma_start3A_110, %dma_start3A_111] : memref<1007616x16xf32, #tpu.memory_space<hbm>> -> memref<1007616x16xf32, #tpu.memory_space<hbm>>
    tpu.enqueue_indirect_dma source(%dma_start3A_112 : memref<1007616x16xf32, #tpu.memory_space<hbm>>) target(%dma_start3A_106 : memref<128x16xf32, #tpu.memory_space<vmem>>) offsets(%dma_start3A_109 : memref<128xi32, #tpu.memory_space<vmem>>) semaphore(%arg13 : memref<!tpu.dma_semaphore, #tpu.memory_space<semaphore_mem>>)
    %dma_start3A_113 = arith.constant 4 : i32
    %dma_start3A_114 = arith.constant 928 : i32
    %dma_start3A_115 = arith.constant 0 : i32
    %dma_start3A_116 = tpu.memref_slice %arg10[%dma_start3A_114, %dma_start3A_115] : memref<3200x16xf32, #tpu.memory_space<vmem>> -> memref<72x16xf32, #tpu.memory_space<vmem>>
    %dma_start3A_117 = arith.constant 0 : i32
    %dma_start3A_118 = tpu.memref_slice %arg7[%dma_start3A_113, %dma_start3A_117] : memref<16x128xi32, #tpu.memory_space<vmem>> -> memref<1x72xi32, #tpu.memory_space<vmem>>
    %dma_start3A_119 = tpu.memref_squeeze %dma_start3A_118 : memref<1x72xi32, #tpu.memory_space<vmem>> -> memref<72xi32, #tpu.memory_space<vmem>>
    %dma_start3A_120 = arith.constant 0 : i32
    %dma_start3A_121 = arith.constant 0 : i32
    %dma_start3A_122 = tpu.memref_slice %arg4[%dma_start3A_120, %dma_start3A_121] : memref<1007616x16xf32, #tpu.memory_space<hbm>> -> memref<1007616x16xf32, #tpu.memory_space<hbm>>
    tpu.enqueue_indirect_dma source(%dma_start3A_122 : memref<1007616x16xf32, #tpu.memory_space<hbm>>) target(%dma_start3A_116 : memref<72x16xf32, #tpu.memory_space<vmem>>) offsets(%dma_start3A_119 : memref<72xi32, #tpu.memory_space<vmem>>) semaphore(%arg13 : memref<!tpu.dma_semaphore, #tpu.memory_space<semaphore_mem>>)
    %dma_start3A_123 = arith.constant 5 : i32
    %dma_start3A_124 = arith.constant 1000 : i32
    %dma_start3A_125 = arith.constant 0 : i32
    %dma_start3A_126 = tpu.memref_slice %arg10[%dma_start3A_124, %dma_start3A_125] : memref<3200x16xf32, #tpu.memory_space<vmem>> -> memref<128x16xf32, #tpu.memory_space<vmem>>
    %dma_start3A_127 = arith.constant 0 : i32
    %dma_start3A_128 = tpu.memref_slice %arg6[%dma_start3A_123, %dma_start3A_127] : memref<16x128xi32, #tpu.memory_space<vmem>> -> memref<1x128xi32, #tpu.memory_space<vmem>>
    %dma_start3A_129 = tpu.memref_squeeze %dma_start3A_128 : memref<1x128xi32, #tpu.memory_space<vmem>> -> memref<128xi32, #tpu.memory_space<vmem>>
    %dma_start3A_130 = arith.constant 0 : i32
    %dma_start3A_131 = arith.constant 0 : i32
    %dma_start3A_132 = tpu.memref_slice %arg4[%dma_start3A_130, %dma_start3A_131] : memref<1007616x16xf32, #tpu.memory_space<hbm>> -> memref<1007616x16xf32, #tpu.memory_space<hbm>>
    tpu.enqueue_indirect_dma source(%dma_start3A_132 : memref<1007616x16xf32, #tpu.memory_space<hbm>>) target(%dma_start3A_126 : memref<128x16xf32, #tpu.memory_space<vmem>>) offsets(%dma_start3A_129 : memref<128xi32, #tpu.memory_space<vmem>>) semaphore(%arg13 : memref<!tpu.dma_semaphore, #tpu.memory_space<semaphore_mem>>)
    %dma_start3A_133 = arith.constant 5 : i32
    %dma_start3A_134 = arith.constant 1128 : i32
    %dma_start3A_135 = arith.constant 0 : i32
    %dma_start3A_136 = tpu.memref_slice %arg10[%dma_start3A_134, %dma_start3A_135] : memref<3200x16xf32, #tpu.memory_space<vmem>> -> memref<72x16xf32, #tpu.memory_space<vmem>>
    %dma_start3A_137 = arith.constant 0 : i32
    %dma_start3A_138 = tpu.memref_slice %arg7[%dma_start3A_133, %dma_start3A_137] : memref<16x128xi32, #tpu.memory_space<vmem>> -> memref<1x72xi32, #tpu.memory_space<vmem>>
    %dma_start3A_139 = tpu.memref_squeeze %dma_start3A_138 : memref<1x72xi32, #tpu.memory_space<vmem>> -> memref<72xi32, #tpu.memory_space<vmem>>
    %dma_start3A_140 = arith.constant 0 : i32
    %dma_start3A_141 = arith.constant 0 : i32
    %dma_start3A_142 = tpu.memref_slice %arg4[%dma_start3A_140, %dma_start3A_141] : memref<1007616x16xf32, #tpu.memory_space<hbm>> -> memref<1007616x16xf32, #tpu.memory_space<hbm>>
    tpu.enqueue_indirect_dma source(%dma_start3A_142 : memref<1007616x16xf32, #tpu.memory_space<hbm>>) target(%dma_start3A_136 : memref<72x16xf32, #tpu.memory_space<vmem>>) offsets(%dma_start3A_139 : memref<72xi32, #tpu.memory_space<vmem>>) semaphore(%arg13 : memref<!tpu.dma_semaphore, #tpu.memory_space<semaphore_mem>>)
    %dma_start3A_143 = arith.constant 6 : i32
    %dma_start3A_144 = arith.constant 1200 : i32
    %dma_start3A_145 = arith.constant 0 : i32
    %dma_start3A_146 = tpu.memref_slice %arg10[%dma_start3A_144, %dma_start3A_145] : memref<3200x16xf32, #tpu.memory_space<vmem>> -> memref<128x16xf32, #tpu.memory_space<vmem>>
    %dma_start3A_147 = arith.constant 0 : i32
    %dma_start3A_148 = tpu.memref_slice %arg6[%dma_start3A_143, %dma_start3A_147] : memref<16x128xi32, #tpu.memory_space<vmem>> -> memref<1x128xi32, #tpu.memory_space<vmem>>
    %dma_start3A_149 = tpu.memref_squeeze %dma_start3A_148 : memref<1x128xi32, #tpu.memory_space<vmem>> -> memref<128xi32, #tpu.memory_space<vmem>>
    %dma_start3A_150 = arith.constant 0 : i32
    %dma_start3A_151 = arith.constant 0 : i32
    %dma_start3A_152 = tpu.memref_slice %arg4[%dma_start3A_150, %dma_start3A_151] : memref<1007616x16xf32, #tpu.memory_space<hbm>> -> memref<1007616x16xf32, #tpu.memory_space<hbm>>
    tpu.enqueue_indirect_dma source(%dma_start3A_152 : memref<1007616x16xf32, #tpu.memory_space<hbm>>) target(%dma_start3A_146 : memref<128x16xf32, #tpu.memory_space<vmem>>) offsets(%dma_start3A_149 : memref<128xi32, #tpu.memory_space<vmem>>) semaphore(%arg13 : memref<!tpu.dma_semaphore, #tpu.memory_space<semaphore_mem>>)
    %dma_start3A_153 = arith.constant 6 : i32
    %dma_start3A_154 = arith.constant 1328 : i32
    %dma_start3A_155 = arith.constant 0 : i32
    %dma_start3A_156 = tpu.memref_slice %arg10[%dma_start3A_154, %dma_start3A_155] : memref<3200x16xf32, #tpu.memory_space<vmem>> -> memref<72x16xf32, #tpu.memory_space<vmem>>
    %dma_start3A_157 = arith.constant 0 : i32
    %dma_start3A_158 = tpu.memref_slice %arg7[%dma_start3A_153, %dma_start3A_157] : memref<16x128xi32, #tpu.memory_space<vmem>> -> memref<1x72xi32, #tpu.memory_space<vmem>>
    %dma_start3A_159 = tpu.memref_squeeze %dma_start3A_158 : memref<1x72xi32, #tpu.memory_space<vmem>> -> memref<72xi32, #tpu.memory_space<vmem>>
    %dma_start3A_160 = arith.constant 0 : i32
    %dma_start3A_161 = arith.constant 0 : i32
    %dma_start3A_162 = tpu.memref_slice %arg4[%dma_start3A_160, %dma_start3A_161] : memref<1007616x16xf32, #tpu.memory_space<hbm>> -> memref<1007616x16xf32, #tpu.memory_space<hbm>>
    tpu.enqueue_indirect_dma source(%dma_start3A_162 : memref<1007616x16xf32, #tpu.memory_space<hbm>>) target(%dma_start3A_156 : memref<72x16xf32, #tpu.memory_space<vmem>>) offsets(%dma_start3A_159 : memref<72xi32, #tpu.memory_space<vmem>>) semaphore(%arg13 : memref<!tpu.dma_semaphore, #tpu.memory_space<semaphore_mem>>)
    %dma_start3A_163 = arith.constant 7 : i32
    %dma_start3A_164 = arith.constant 1400 : i32
    %dma_start3A_165 = arith.constant 0 : i32
    %dma_start3A_166 = tpu.memref_slice %arg10[%dma_start3A_164, %dma_start3A_165] : memref<3200x16xf32, #tpu.memory_space<vmem>> -> memref<128x16xf32, #tpu.memory_space<vmem>>
    %dma_start3A_167 = arith.constant 0 : i32
    %dma_start3A_168 = tpu.memref_slice %arg6[%dma_start3A_163, %dma_start3A_167] : memref<16x128xi32, #tpu.memory_space<vmem>> -> memref<1x128xi32, #tpu.memory_space<vmem>>
    %dma_start3A_169 = tpu.memref_squeeze %dma_start3A_168 : memref<1x128xi32, #tpu.memory_space<vmem>> -> memref<128xi32, #tpu.memory_space<vmem>>
    %dma_start3A_170 = arith.constant 0 : i32
    %dma_start3A_171 = arith.constant 0 : i32
    %dma_start3A_172 = tpu.memref_slice %arg4[%dma_start3A_170, %dma_start3A_171] : memref<1007616x16xf32, #tpu.memory_space<hbm>> -> memref<1007616x16xf32, #tpu.memory_space<hbm>>
    tpu.enqueue_indirect_dma source(%dma_start3A_172 : memref<1007616x16xf32, #tpu.memory_space<hbm>>) target(%dma_start3A_166 : memref<128x16xf32, #tpu.memory_space<vmem>>) offsets(%dma_start3A_169 : memref<128xi32, #tpu.memory_space<vmem>>) semaphore(%arg13 : memref<!tpu.dma_semaphore, #tpu.memory_space<semaphore_mem>>)
    %dma_start3A_173 = arith.constant 7 : i32
    %dma_start3A_174 = arith.constant 1528 : i32
    %dma_start3A_175 = arith.constant 0 : i32
    %dma_start3A_176 = tpu.memref_slice %arg10[%dma_start3A_174, %dma_start3A_175] : memref<3200x16xf32, #tpu.memory_space<vmem>> -> memref<72x16xf32, #tpu.memory_space<vmem>>
    %dma_start3A_177 = arith.constant 0 : i32
    %dma_start3A_178 = tpu.memref_slice %arg7[%dma_start3A_173, %dma_start3A_177] : memref<16x128xi32, #tpu.memory_space<vmem>> -> memref<1x72xi32, #tpu.memory_space<vmem>>
    %dma_start3A_179 = tpu.memref_squeeze %dma_start3A_178 : memref<1x72xi32, #tpu.memory_space<vmem>> -> memref<72xi32, #tpu.memory_space<vmem>>
    %dma_start3A_180 = arith.constant 0 : i32
    %dma_start3A_181 = arith.constant 0 : i32
    %dma_start3A_182 = tpu.memref_slice %arg4[%dma_start3A_180, %dma_start3A_181] : memref<1007616x16xf32, #tpu.memory_space<hbm>> -> memref<1007616x16xf32, #tpu.memory_space<hbm>>
    tpu.enqueue_indirect_dma source(%dma_start3A_182 : memref<1007616x16xf32, #tpu.memory_space<hbm>>) target(%dma_start3A_176 : memref<72x16xf32, #tpu.memory_space<vmem>>) offsets(%dma_start3A_179 : memref<72xi32, #tpu.memory_space<vmem>>) semaphore(%arg13 : memref<!tpu.dma_semaphore, #tpu.memory_space<semaphore_mem>>)
    %dma_start3A_183 = arith.constant 8 : i32
    %dma_start3A_184 = arith.constant 1600 : i32
    %dma_start3A_185 = arith.constant 0 : i32
    %dma_start3A_186 = tpu.memref_slice %arg10[%dma_start3A_184, %dma_start3A_185] : memref<3200x16xf32, #tpu.memory_space<vmem>> -> memref<128x16xf32, #tpu.memory_space<vmem>>
    %dma_start3A_187 = arith.constant 0 : i32
    %dma_start3A_188 = tpu.memref_slice %arg6[%dma_start3A_183, %dma_start3A_187] : memref<16x128xi32, #tpu.memory_space<vmem>> -> memref<1x128xi32, #tpu.memory_space<vmem>>
    %dma_start3A_189 = tpu.memref_squeeze %dma_start3A_188 : memref<1x128xi32, #tpu.memory_space<vmem>> -> memref<128xi32, #tpu.memory_space<vmem>>
    %dma_start3A_190 = arith.constant 0 : i32
    %dma_start3A_191 = arith.constant 0 : i32
    %dma_start3A_192 = tpu.memref_slice %arg4[%dma_start3A_190, %dma_start3A_191] : memref<1007616x16xf32, #tpu.memory_space<hbm>> -> memref<1007616x16xf32, #tpu.memory_space<hbm>>
    tpu.enqueue_indirect_dma source(%dma_start3A_192 : memref<1007616x16xf32, #tpu.memory_space<hbm>>) target(%dma_start3A_186 : memref<128x16xf32, #tpu.memory_space<vmem>>) offsets(%dma_start3A_189 : memref<128xi32, #tpu.memory_space<vmem>>) semaphore(%arg13 : memref<!tpu.dma_semaphore, #tpu.memory_space<semaphore_mem>>)
    %dma_start3A_193 = arith.constant 8 : i32
    %dma_start3A_194 = arith.constant 1728 : i32
    %dma_start3A_195 = arith.constant 0 : i32
    %dma_start3A_196 = tpu.memref_slice %arg10[%dma_start3A_194, %dma_start3A_195] : memref<3200x16xf32, #tpu.memory_space<vmem>> -> memref<72x16xf32, #tpu.memory_space<vmem>>
    %dma_start3A_197 = arith.constant 0 : i32
    %dma_start3A_198 = tpu.memref_slice %arg7[%dma_start3A_193, %dma_start3A_197] : memref<16x128xi32, #tpu.memory_space<vmem>> -> memref<1x72xi32, #tpu.memory_space<vmem>>
    %dma_start3A_199 = tpu.memref_squeeze %dma_start3A_198 : memref<1x72xi32, #tpu.memory_space<vmem>> -> memref<72xi32, #tpu.memory_space<vmem>>
    %dma_start3A_200 = arith.constant 0 : i32
    %dma_start3A_201 = arith.constant 0 : i32
    %dma_start3A_202 = tpu.memref_slice %arg4[%dma_start3A_200, %dma_start3A_201] : memref<1007616x16xf32, #tpu.memory_space<hbm>> -> memref<1007616x16xf32, #tpu.memory_space<hbm>>
    tpu.enqueue_indirect_dma source(%dma_start3A_202 : memref<1007616x16xf32, #tpu.memory_space<hbm>>) target(%dma_start3A_196 : memref<72x16xf32, #tpu.memory_space<vmem>>) offsets(%dma_start3A_199 : memref<72xi32, #tpu.memory_space<vmem>>) semaphore(%arg13 : memref<!tpu.dma_semaphore, #tpu.memory_space<semaphore_mem>>)
    %dma_start3A_203 = arith.constant 9 : i32
    %dma_start3A_204 = arith.constant 1800 : i32
    %dma_start3A_205 = arith.constant 0 : i32
    %dma_start3A_206 = tpu.memref_slice %arg10[%dma_start3A_204, %dma_start3A_205] : memref<3200x16xf32, #tpu.memory_space<vmem>> -> memref<128x16xf32, #tpu.memory_space<vmem>>
    %dma_start3A_207 = arith.constant 0 : i32
    %dma_start3A_208 = tpu.memref_slice %arg6[%dma_start3A_203, %dma_start3A_207] : memref<16x128xi32, #tpu.memory_space<vmem>> -> memref<1x128xi32, #tpu.memory_space<vmem>>
    %dma_start3A_209 = tpu.memref_squeeze %dma_start3A_208 : memref<1x128xi32, #tpu.memory_space<vmem>> -> memref<128xi32, #tpu.memory_space<vmem>>
    %dma_start3A_210 = arith.constant 0 : i32
    %dma_start3A_211 = arith.constant 0 : i32
    %dma_start3A_212 = tpu.memref_slice %arg4[%dma_start3A_210, %dma_start3A_211] : memref<1007616x16xf32, #tpu.memory_space<hbm>> -> memref<1007616x16xf32, #tpu.memory_space<hbm>>
    tpu.enqueue_indirect_dma source(%dma_start3A_212 : memref<1007616x16xf32, #tpu.memory_space<hbm>>) target(%dma_start3A_206 : memref<128x16xf32, #tpu.memory_space<vmem>>) offsets(%dma_start3A_209 : memref<128xi32, #tpu.memory_space<vmem>>) semaphore(%arg13 : memref<!tpu.dma_semaphore, #tpu.memory_space<semaphore_mem>>)
    %dma_start3A_213 = arith.constant 9 : i32
    %dma_start3A_214 = arith.constant 1928 : i32
    %dma_start3A_215 = arith.constant 0 : i32
    %dma_start3A_216 = tpu.memref_slice %arg10[%dma_start3A_214, %dma_start3A_215] : memref<3200x16xf32, #tpu.memory_space<vmem>> -> memref<72x16xf32, #tpu.memory_space<vmem>>
    %dma_start3A_217 = arith.constant 0 : i32
    %dma_start3A_218 = tpu.memref_slice %arg7[%dma_start3A_213, %dma_start3A_217] : memref<16x128xi32, #tpu.memory_space<vmem>> -> memref<1x72xi32, #tpu.memory_space<vmem>>
    %dma_start3A_219 = tpu.memref_squeeze %dma_start3A_218 : memref<1x72xi32, #tpu.memory_space<vmem>> -> memref<72xi32, #tpu.memory_space<vmem>>
    %dma_start3A_220 = arith.constant 0 : i32
    %dma_start3A_221 = arith.constant 0 : i32
    %dma_start3A_222 = tpu.memref_slice %arg4[%dma_start3A_220, %dma_start3A_221] : memref<1007616x16xf32, #tpu.memory_space<hbm>> -> memref<1007616x16xf32, #tpu.memory_space<hbm>>
    tpu.enqueue_indirect_dma source(%dma_start3A_222 : memref<1007616x16xf32, #tpu.memory_space<hbm>>) target(%dma_start3A_216 : memref<72x16xf32, #tpu.memory_space<vmem>>) offsets(%dma_start3A_219 : memref<72xi32, #tpu.memory_space<vmem>>) semaphore(%arg13 : memref<!tpu.dma_semaphore, #tpu.memory_space<semaphore_mem>>)
    %dma_start3A_223 = arith.constant 10 : i32
    %dma_start3A_224 = arith.constant 2000 : i32
    %dma_start3A_225 = arith.constant 0 : i32
    %dma_start3A_226 = tpu.memref_slice %arg10[%dma_start3A_224, %dma_start3A_225] : memref<3200x16xf32, #tpu.memory_space<vmem>> -> memref<128x16xf32, #tpu.memory_space<vmem>>
    %dma_start3A_227 = arith.constant 0 : i32
    %dma_start3A_228 = tpu.memref_slice %arg6[%dma_start3A_223, %dma_start3A_227] : memref<16x128xi32, #tpu.memory_space<vmem>> -> memref<1x128xi32, #tpu.memory_space<vmem>>
    %dma_start3A_229 = tpu.memref_squeeze %dma_start3A_228 : memref<1x128xi32, #tpu.memory_space<vmem>> -> memref<128xi32, #tpu.memory_space<vmem>>
    %dma_start3A_230 = arith.constant 0 : i32
    %dma_start3A_231 = arith.constant 0 : i32
    %dma_start3A_232 = tpu.memref_slice %arg4[%dma_start3A_230, %dma_start3A_231] : memref<1007616x16xf32, #tpu.memory_space<hbm>> -> memref<1007616x16xf32, #tpu.memory_space<hbm>>
    tpu.enqueue_indirect_dma source(%dma_start3A_232 : memref<1007616x16xf32, #tpu.memory_space<hbm>>) target(%dma_start3A_226 : memref<128x16xf32, #tpu.memory_space<vmem>>) offsets(%dma_start3A_229 : memref<128xi32, #tpu.memory_space<vmem>>) semaphore(%arg13 : memref<!tpu.dma_semaphore, #tpu.memory_space<semaphore_mem>>)
    %dma_start3A_233 = arith.constant 10 : i32
    %dma_start3A_234 = arith.constant 2128 : i32
    %dma_start3A_235 = arith.constant 0 : i32
    %dma_start3A_236 = tpu.memref_slice %arg10[%dma_start3A_234, %dma_start3A_235] : memref<3200x16xf32, #tpu.memory_space<vmem>> -> memref<72x16xf32, #tpu.memory_space<vmem>>
    %dma_start3A_237 = arith.constant 0 : i32
    %dma_start3A_238 = tpu.memref_slice %arg7[%dma_start3A_233, %dma_start3A_237] : memref<16x128xi32, #tpu.memory_space<vmem>> -> memref<1x72xi32, #tpu.memory_space<vmem>>
    %dma_start3A_239 = tpu.memref_squeeze %dma_start3A_238 : memref<1x72xi32, #tpu.memory_space<vmem>> -> memref<72xi32, #tpu.memory_space<vmem>>
    %dma_start3A_240 = arith.constant 0 : i32
    %dma_start3A_241 = arith.constant 0 : i32
    %dma_start3A_242 = tpu.memref_slice %arg4[%dma_start3A_240, %dma_start3A_241] : memref<1007616x16xf32, #tpu.memory_space<hbm>> -> memref<1007616x16xf32, #tpu.memory_space<hbm>>
    tpu.enqueue_indirect_dma source(%dma_start3A_242 : memref<1007616x16xf32, #tpu.memory_space<hbm>>) target(%dma_start3A_236 : memref<72x16xf32, #tpu.memory_space<vmem>>) offsets(%dma_start3A_239 : memref<72xi32, #tpu.memory_space<vmem>>) semaphore(%arg13 : memref<!tpu.dma_semaphore, #tpu.memory_space<semaphore_mem>>)
    %dma_start3A_243 = arith.constant 11 : i32
    %dma_start3A_244 = arith.constant 2200 : i32
    %dma_start3A_245 = arith.constant 0 : i32
    %dma_start3A_246 = tpu.memref_slice %arg10[%dma_start3A_244, %dma_start3A_245] : memref<3200x16xf32, #tpu.memory_space<vmem>> -> memref<128x16xf32, #tpu.memory_space<vmem>>
    %dma_start3A_247 = arith.constant 0 : i32
    %dma_start3A_248 = tpu.memref_slice %arg6[%dma_start3A_243, %dma_start3A_247] : memref<16x128xi32, #tpu.memory_space<vmem>> -> memref<1x128xi32, #tpu.memory_space<vmem>>
    %dma_start3A_249 = tpu.memref_squeeze %dma_start3A_248 : memref<1x128xi32, #tpu.memory_space<vmem>> -> memref<128xi32, #tpu.memory_space<vmem>>
    %dma_start3A_250 = arith.constant 0 : i32
    %dma_start3A_251 = arith.constant 0 : i32
    %dma_start3A_252 = tpu.memref_slice %arg4[%dma_start3A_250, %dma_start3A_251] : memref<1007616x16xf32, #tpu.memory_space<hbm>> -> memref<1007616x16xf32, #tpu.memory_space<hbm>>
    tpu.enqueue_indirect_dma source(%dma_start3A_252 : memref<1007616x16xf32, #tpu.memory_space<hbm>>) target(%dma_start3A_246 : memref<128x16xf32, #tpu.memory_space<vmem>>) offsets(%dma_start3A_249 : memref<128xi32, #tpu.memory_space<vmem>>) semaphore(%arg13 : memref<!tpu.dma_semaphore, #tpu.memory_space<semaphore_mem>>)
    %dma_start3A_253 = arith.constant 11 : i32
    %dma_start3A_254 = arith.constant 2328 : i32
    %dma_start3A_255 = arith.constant 0 : i32
    %dma_start3A_256 = tpu.memref_slice %arg10[%dma_start3A_254, %dma_start3A_255] : memref<3200x16xf32, #tpu.memory_space<vmem>> -> memref<72x16xf32, #tpu.memory_space<vmem>>
    %dma_start3A_257 = arith.constant 0 : i32
    %dma_start3A_258 = tpu.memref_slice %arg7[%dma_start3A_253, %dma_start3A_257] : memref<16x128xi32, #tpu.memory_space<vmem>> -> memref<1x72xi32, #tpu.memory_space<vmem>>
    %dma_start3A_259 = tpu.memref_squeeze %dma_start3A_258 : memref<1x72xi32, #tpu.memory_space<vmem>> -> memref<72xi32, #tpu.memory_space<vmem>>
    %dma_start3A_260 = arith.constant 0 : i32
    %dma_start3A_261 = arith.constant 0 : i32
    %dma_start3A_262 = tpu.memref_slice %arg4[%dma_start3A_260, %dma_start3A_261] : memref<1007616x16xf32, #tpu.memory_space<hbm>> -> memref<1007616x16xf32, #tpu.memory_space<hbm>>
    tpu.enqueue_indirect_dma source(%dma_start3A_262 : memref<1007616x16xf32, #tpu.memory_space<hbm>>) target(%dma_start3A_256 : memref<72x16xf32, #tpu.memory_space<vmem>>) offsets(%dma_start3A_259 : memref<72xi32, #tpu.memory_space<vmem>>) semaphore(%arg13 : memref<!tpu.dma_semaphore, #tpu.memory_space<semaphore_mem>>)
    %dma_start3A_263 = arith.constant 12 : i32
    %dma_start3A_264 = arith.constant 2400 : i32
    %dma_start3A_265 = arith.constant 0 : i32
    %dma_start3A_266 = tpu.memref_slice %arg10[%dma_start3A_264, %dma_start3A_265] : memref<3200x16xf32, #tpu.memory_space<vmem>> -> memref<128x16xf32, #tpu.memory_space<vmem>>
    %dma_start3A_267 = arith.constant 0 : i32
    %dma_start3A_268 = tpu.memref_slice %arg6[%dma_start3A_263, %dma_start3A_267] : memref<16x128xi32, #tpu.memory_space<vmem>> -> memref<1x128xi32, #tpu.memory_space<vmem>>
    %dma_start3A_269 = tpu.memref_squeeze %dma_start3A_268 : memref<1x128xi32, #tpu.memory_space<vmem>> -> memref<128xi32, #tpu.memory_space<vmem>>
    %dma_start3A_270 = arith.constant 0 : i32
    %dma_start3A_271 = arith.constant 0 : i32
    %dma_start3A_272 = tpu.memref_slice %arg4[%dma_start3A_270, %dma_start3A_271] : memref<1007616x16xf32, #tpu.memory_space<hbm>> -> memref<1007616x16xf32, #tpu.memory_space<hbm>>
    tpu.enqueue_indirect_dma source(%dma_start3A_272 : memref<1007616x16xf32, #tpu.memory_space<hbm>>) target(%dma_start3A_266 : memref<128x16xf32, #tpu.memory_space<vmem>>) offsets(%dma_start3A_269 : memref<128xi32, #tpu.memory_space<vmem>>) semaphore(%arg13 : memref<!tpu.dma_semaphore, #tpu.memory_space<semaphore_mem>>)
    %dma_start3A_273 = arith.constant 12 : i32
    %dma_start3A_274 = arith.constant 2528 : i32
    %dma_start3A_275 = arith.constant 0 : i32
    %dma_start3A_276 = tpu.memref_slice %arg10[%dma_start3A_274, %dma_start3A_275] : memref<3200x16xf32, #tpu.memory_space<vmem>> -> memref<72x16xf32, #tpu.memory_space<vmem>>
    %dma_start3A_277 = arith.constant 0 : i32
    %dma_start3A_278 = tpu.memref_slice %arg7[%dma_start3A_273, %dma_start3A_277] : memref<16x128xi32, #tpu.memory_space<vmem>> -> memref<1x72xi32, #tpu.memory_space<vmem>>
    %dma_start3A_279 = tpu.memref_squeeze %dma_start3A_278 : memref<1x72xi32, #tpu.memory_space<vmem>> -> memref<72xi32, #tpu.memory_space<vmem>>
    %dma_start3A_280 = arith.constant 0 : i32
    %dma_start3A_281 = arith.constant 0 : i32
    %dma_start3A_282 = tpu.memref_slice %arg4[%dma_start3A_280, %dma_start3A_281] : memref<1007616x16xf32, #tpu.memory_space<hbm>> -> memref<1007616x16xf32, #tpu.memory_space<hbm>>
    tpu.enqueue_indirect_dma source(%dma_start3A_282 : memref<1007616x16xf32, #tpu.memory_space<hbm>>) target(%dma_start3A_276 : memref<72x16xf32, #tpu.memory_space<vmem>>) offsets(%dma_start3A_279 : memref<72xi32, #tpu.memory_space<vmem>>) semaphore(%arg13 : memref<!tpu.dma_semaphore, #tpu.memory_space<semaphore_mem>>)
    %dma_start3A_283 = arith.constant 13 : i32
    %dma_start3A_284 = arith.constant 2600 : i32
    %dma_start3A_285 = arith.constant 0 : i32
    %dma_start3A_286 = tpu.memref_slice %arg10[%dma_start3A_284, %dma_start3A_285] : memref<3200x16xf32, #tpu.memory_space<vmem>> -> memref<128x16xf32, #tpu.memory_space<vmem>>
    %dma_start3A_287 = arith.constant 0 : i32
    %dma_start3A_288 = tpu.memref_slice %arg6[%dma_start3A_283, %dma_start3A_287] : memref<16x128xi32, #tpu.memory_space<vmem>> -> memref<1x128xi32, #tpu.memory_space<vmem>>
    %dma_start3A_289 = tpu.memref_squeeze %dma_start3A_288 : memref<1x128xi32, #tpu.memory_space<vmem>> -> memref<128xi32, #tpu.memory_space<vmem>>
    %dma_start3A_290 = arith.constant 0 : i32
    %dma_start3A_291 = arith.constant 0 : i32
    %dma_start3A_292 = tpu.memref_slice %arg4[%dma_start3A_290, %dma_start3A_291] : memref<1007616x16xf32, #tpu.memory_space<hbm>> -> memref<1007616x16xf32, #tpu.memory_space<hbm>>
    tpu.enqueue_indirect_dma source(%dma_start3A_292 : memref<1007616x16xf32, #tpu.memory_space<hbm>>) target(%dma_start3A_286 : memref<128x16xf32, #tpu.memory_space<vmem>>) offsets(%dma_start3A_289 : memref<128xi32, #tpu.memory_space<vmem>>) semaphore(%arg13 : memref<!tpu.dma_semaphore, #tpu.memory_space<semaphore_mem>>)
    %dma_start3A_293 = arith.constant 13 : i32
    %dma_start3A_294 = arith.constant 2728 : i32
    %dma_start3A_295 = arith.constant 0 : i32
    %dma_start3A_296 = tpu.memref_slice %arg10[%dma_start3A_294, %dma_start3A_295] : memref<3200x16xf32, #tpu.memory_space<vmem>> -> memref<72x16xf32, #tpu.memory_space<vmem>>
    %dma_start3A_297 = arith.constant 0 : i32
    %dma_start3A_298 = tpu.memref_slice %arg7[%dma_start3A_293, %dma_start3A_297] : memref<16x128xi32, #tpu.memory_space<vmem>> -> memref<1x72xi32, #tpu.memory_space<vmem>>
    %dma_start3A_299 = tpu.memref_squeeze %dma_start3A_298 : memref<1x72xi32, #tpu.memory_space<vmem>> -> memref<72xi32, #tpu.memory_space<vmem>>
    %dma_start3A_300 = arith.constant 0 : i32
    %dma_start3A_301 = arith.constant 0 : i32
    %dma_start3A_302 = tpu.memref_slice %arg4[%dma_start3A_300, %dma_start3A_301] : memref<1007616x16xf32, #tpu.memory_space<hbm>> -> memref<1007616x16xf32, #tpu.memory_space<hbm>>
    tpu.enqueue_indirect_dma source(%dma_start3A_302 : memref<1007616x16xf32, #tpu.memory_space<hbm>>) target(%dma_start3A_296 : memref<72x16xf32, #tpu.memory_space<vmem>>) offsets(%dma_start3A_299 : memref<72xi32, #tpu.memory_space<vmem>>) semaphore(%arg13 : memref<!tpu.dma_semaphore, #tpu.memory_space<semaphore_mem>>)
    %dma_start3A_303 = arith.constant 14 : i32
    %dma_start3A_304 = arith.constant 2800 : i32
    %dma_start3A_305 = arith.constant 0 : i32
    %dma_start3A_306 = tpu.memref_slice %arg10[%dma_start3A_304, %dma_start3A_305] : memref<3200x16xf32, #tpu.memory_space<vmem>> -> memref<128x16xf32, #tpu.memory_space<vmem>>
    %dma_start3A_307 = arith.constant 0 : i32
    %dma_start3A_308 = tpu.memref_slice %arg6[%dma_start3A_303, %dma_start3A_307] : memref<16x128xi32, #tpu.memory_space<vmem>> -> memref<1x128xi32, #tpu.memory_space<vmem>>
    %dma_start3A_309 = tpu.memref_squeeze %dma_start3A_308 : memref<1x128xi32, #tpu.memory_space<vmem>> -> memref<128xi32, #tpu.memory_space<vmem>>
    %dma_start3A_310 = arith.constant 0 : i32
    %dma_start3A_311 = arith.constant 0 : i32
    %dma_start3A_312 = tpu.memref_slice %arg4[%dma_start3A_310, %dma_start3A_311] : memref<1007616x16xf32, #tpu.memory_space<hbm>> -> memref<1007616x16xf32, #tpu.memory_space<hbm>>
    tpu.enqueue_indirect_dma source(%dma_start3A_312 : memref<1007616x16xf32, #tpu.memory_space<hbm>>) target(%dma_start3A_306 : memref<128x16xf32, #tpu.memory_space<vmem>>) offsets(%dma_start3A_309 : memref<128xi32, #tpu.memory_space<vmem>>) semaphore(%arg13 : memref<!tpu.dma_semaphore, #tpu.memory_space<semaphore_mem>>)
    %dma_start3A_313 = arith.constant 14 : i32
    %dma_start3A_314 = arith.constant 2928 : i32
    %dma_start3A_315 = arith.constant 0 : i32
    %dma_start3A_316 = tpu.memref_slice %arg10[%dma_start3A_314, %dma_start3A_315] : memref<3200x16xf32, #tpu.memory_space<vmem>> -> memref<72x16xf32, #tpu.memory_space<vmem>>
    %dma_start3A_317 = arith.constant 0 : i32
    %dma_start3A_318 = tpu.memref_slice %arg7[%dma_start3A_313, %dma_start3A_317] : memref<16x128xi32, #tpu.memory_space<vmem>> -> memref<1x72xi32, #tpu.memory_space<vmem>>
    %dma_start3A_319 = tpu.memref_squeeze %dma_start3A_318 : memref<1x72xi32, #tpu.memory_space<vmem>> -> memref<72xi32, #tpu.memory_space<vmem>>
    %dma_start3A_320 = arith.constant 0 : i32
    %dma_start3A_321 = arith.constant 0 : i32
    %dma_start3A_322 = tpu.memref_slice %arg4[%dma_start3A_320, %dma_start3A_321] : memref<1007616x16xf32, #tpu.memory_space<hbm>> -> memref<1007616x16xf32, #tpu.memory_space<hbm>>
    tpu.enqueue_indirect_dma source(%dma_start3A_322 : memref<1007616x16xf32, #tpu.memory_space<hbm>>) target(%dma_start3A_316 : memref<72x16xf32, #tpu.memory_space<vmem>>) offsets(%dma_start3A_319 : memref<72xi32, #tpu.memory_space<vmem>>) semaphore(%arg13 : memref<!tpu.dma_semaphore, #tpu.memory_space<semaphore_mem>>)
    %dma_start3A_323 = arith.constant 15 : i32
    %dma_start3A_324 = arith.constant 3000 : i32
    %dma_start3A_325 = arith.constant 0 : i32
    %dma_start3A_326 = tpu.memref_slice %arg10[%dma_start3A_324, %dma_start3A_325] : memref<3200x16xf32, #tpu.memory_space<vmem>> -> memref<128x16xf32, #tpu.memory_space<vmem>>
    %dma_start3A_327 = arith.constant 0 : i32
    %dma_start3A_328 = tpu.memref_slice %arg6[%dma_start3A_323, %dma_start3A_327] : memref<16x128xi32, #tpu.memory_space<vmem>> -> memref<1x128xi32, #tpu.memory_space<vmem>>
    %dma_start3A_329 = tpu.memref_squeeze %dma_start3A_328 : memref<1x128xi32, #tpu.memory_space<vmem>> -> memref<128xi32, #tpu.memory_space<vmem>>
    %dma_start3A_330 = arith.constant 0 : i32
    %dma_start3A_331 = arith.constant 0 : i32
    %dma_start3A_332 = tpu.memref_slice %arg4[%dma_start3A_330, %dma_start3A_331] : memref<1007616x16xf32, #tpu.memory_space<hbm>> -> memref<1007616x16xf32, #tpu.memory_space<hbm>>
    tpu.enqueue_indirect_dma source(%dma_start3A_332 : memref<1007616x16xf32, #tpu.memory_space<hbm>>) target(%dma_start3A_326 : memref<128x16xf32, #tpu.memory_space<vmem>>) offsets(%dma_start3A_329 : memref<128xi32, #tpu.memory_space<vmem>>) semaphore(%arg13 : memref<!tpu.dma_semaphore, #tpu.memory_space<semaphore_mem>>)
    %dma_start3A_333 = arith.constant 15 : i32
    %dma_start3A_334 = arith.constant 3128 : i32
    %dma_start3A_335 = arith.constant 0 : i32
    %dma_start3A_336 = tpu.memref_slice %arg10[%dma_start3A_334, %dma_start3A_335] : memref<3200x16xf32, #tpu.memory_space<vmem>> -> memref<72x16xf32, #tpu.memory_space<vmem>>
    %dma_start3A_337 = arith.constant 0 : i32
    %dma_start3A_338 = tpu.memref_slice %arg7[%dma_start3A_333, %dma_start3A_337] : memref<16x128xi32, #tpu.memory_space<vmem>> -> memref<1x72xi32, #tpu.memory_space<vmem>>
    %dma_start3A_339 = tpu.memref_squeeze %dma_start3A_338 : memref<1x72xi32, #tpu.memory_space<vmem>> -> memref<72xi32, #tpu.memory_space<vmem>>
    %dma_start3A_340 = arith.constant 0 : i32
    %dma_start3A_341 = arith.constant 0 : i32
    %dma_start3A_342 = tpu.memref_slice %arg4[%dma_start3A_340, %dma_start3A_341] : memref<1007616x16xf32, #tpu.memory_space<hbm>> -> memref<1007616x16xf32, #tpu.memory_space<hbm>>
    tpu.enqueue_indirect_dma source(%dma_start3A_342 : memref<1007616x16xf32, #tpu.memory_space<hbm>>) target(%dma_start3A_336 : memref<72x16xf32, #tpu.memory_space<vmem>>) offsets(%dma_start3A_339 : memref<72xi32, #tpu.memory_space<vmem>>) semaphore(%arg13 : memref<!tpu.dma_semaphore, #tpu.memory_space<semaphore_mem>>)
    %mul3A_343 = arith.constant 512 : i32
    %mul3A_344 = arith.muli %add3A, %mul3A_343 : i32
    %add3A_345 = arith.constant 16 : i32
    %add3A_346 = arith.addi %mul3A_344, %add3A_345 : i32
    %dma_start3A_347 = arith.constant 0 : i32
    %dma_start3A_348 = tpu.memref_slice %arg2[%add3A_346, %dma_start3A_347] : memref<16384x128xi32, #tpu.memory_space<hbm>> -> memref<16x128xi32, #tpu.memory_space<hbm>>
    %dma_start3A_349 = arith.constant 0 : i32
    %dma_start3A_350 = tpu.memref_slice %arg2[%add3A_346, %dma_start3A_349] : memref<16384x128xi32, #tpu.memory_space<hbm>> -> memref<16x128xi32, #tpu.memory_space<hbm>>
    tpu.enqueue_dma source(%dma_start3A_350 : memref<16x128xi32, #tpu.memory_space<hbm>>) target(%arg8 : memref<16x128xi32, #tpu.memory_space<vmem>>) target_semaphore(%arg16 : memref<!tpu.dma_semaphore, #tpu.memory_space<semaphore_mem>>)
    %dma_start3A_351 = arith.constant 0 : i32
    %dma_start3A_352 = tpu.memref_slice %arg3[%add3A_346, %dma_start3A_351] : memref<16384x128xi32, #tpu.memory_space<hbm>> -> memref<16x128xi32, #tpu.memory_space<hbm>>
    %dma_start3A_353 = arith.constant 0 : i32
    %dma_start3A_354 = tpu.memref_slice %arg3[%add3A_346, %dma_start3A_353] : memref<16384x128xi32, #tpu.memory_space<hbm>> -> memref<16x128xi32, #tpu.memory_space<hbm>>
    tpu.enqueue_dma source(%dma_start3A_354 : memref<16x128xi32, #tpu.memory_space<hbm>>) target(%arg9 : memref<16x128xi32, #tpu.memory_space<vmem>>) target_semaphore(%arg16 : memref<!tpu.dma_semaphore, #tpu.memory_space<semaphore_mem>>)
    %scan3A = arith.constant 0 : i32
    %scan3A_355 = arith.constant 0 : i32
    %scan3A_356 = arith.constant 16 : i32
    %scan3A_357 = arith.addi %scan3A_355, %scan3A_356 : i32
    %scan3A_358 = arith.constant 1 : i32
    scf.for %scan3A_360 = %scan3A_355 to %scan3A_357 step %scan3A_358  : i32 {
      %mul3A_361 = arith.constant 2 : i32
      %mul3A_362 = arith.muli %mul3A_361, %scan3A_360 : i32
      %add3A_363 = arith.constant 1 : i32
      %add3A_364 = arith.addi %mul3A_362, %add3A_363 : i32
      %mul3A_365 = arith.constant 512 : i32
      %mul3A_366 = arith.muli %add3A, %mul3A_365 : i32
      %mul3A_367 = arith.constant 16 : i32
      %mul3A_368 = arith.muli %add3A_364, %mul3A_367 : i32
      %add3A_369 = arith.addi %mul3A_366, %mul3A_368 : i32
      %dma_wait3A_370 = arith.constant 0 : i32
      %dma_wait3A_371 = tpu.memref_slice %arg2[%add3A_369, %dma_wait3A_370] : memref<16384x128xi32, #tpu.memory_space<hbm>> -> memref<16x128xi32, #tpu.memory_space<hbm>>
      %dma_wait3A_372 = arith.constant 0 : i32
      %dma_wait3A_373 = tpu.memref_slice %arg2[%add3A_369, %dma_wait3A_372] : memref<16384x128xi32, #tpu.memory_space<hbm>> -> memref<16x128xi32, #tpu.memory_space<hbm>>
      tpu.wait_dma2 semaphore(%arg16 : memref<!tpu.dma_semaphore, #tpu.memory_space<semaphore_mem>>) src(%dma_wait3A_373 : memref<16x128xi32, #tpu.memory_space<hbm>>) dst(%arg8 : memref<16x128xi32, #tpu.memory_space<vmem>>)
      %dma_wait3A_374 = arith.constant 0 : i32
      %dma_wait3A_375 = tpu.memref_slice %arg3[%add3A_369, %dma_wait3A_374] : memref<16384x128xi32, #tpu.memory_space<hbm>> -> memref<16x128xi32, #tpu.memory_space<hbm>>
      %dma_wait3A_376 = arith.constant 0 : i32
      %dma_wait3A_377 = tpu.memref_slice %arg3[%add3A_369, %dma_wait3A_376] : memref<16384x128xi32, #tpu.memory_space<hbm>> -> memref<16x128xi32, #tpu.memory_space<hbm>>
      tpu.wait_dma2 semaphore(%arg16 : memref<!tpu.dma_semaphore, #tpu.memory_space<semaphore_mem>>) src(%dma_wait3A_377 : memref<16x128xi32, #tpu.memory_space<hbm>>) dst(%arg9 : memref<16x128xi32, #tpu.memory_space<vmem>>)
      %dma_start3A_378 = arith.constant 0 : i32
      %dma_start3A_379 = arith.constant 0 : i32
      %dma_start3A_380 = arith.constant 0 : i32
      %dma_start3A_381 = tpu.memref_slice %arg11[%dma_start3A_379, %dma_start3A_380] : memref<3200x16xf32, #tpu.memory_space<vmem>> -> memref<128x16xf32, #tpu.memory_space<vmem>>
      %dma_start3A_382 = arith.constant 0 : i32
      %dma_start3A_383 = tpu.memref_slice %arg8[%dma_start3A_378, %dma_start3A_382] : memref<16x128xi32, #tpu.memory_space<vmem>> -> memref<1x128xi32, #tpu.memory_space<vmem>>
      %dma_start3A_384 = tpu.memref_squeeze %dma_start3A_383 : memref<1x128xi32, #tpu.memory_space<vmem>> -> memref<128xi32, #tpu.memory_space<vmem>>
      %dma_start3A_385 = arith.constant 0 : i32
      %dma_start3A_386 = arith.constant 0 : i32
      %dma_start3A_387 = tpu.memref_slice %arg4[%dma_start3A_385, %dma_start3A_386] : memref<1007616x16xf32, #tpu.memory_space<hbm>> -> memref<1007616x16xf32, #tpu.memory_space<hbm>>
      tpu.enqueue_indirect_dma source(%dma_start3A_387 : memref<1007616x16xf32, #tpu.memory_space<hbm>>) target(%dma_start3A_381 : memref<128x16xf32, #tpu.memory_space<vmem>>) offsets(%dma_start3A_384 : memref<128xi32, #tpu.memory_space<vmem>>) semaphore(%arg14 : memref<!tpu.dma_semaphore, #tpu.memory_space<semaphore_mem>>)
      %dma_start3A_388 = arith.constant 0 : i32
      %dma_start3A_389 = arith.constant 128 : i32
      %dma_start3A_390 = arith.constant 0 : i32
      %dma_start3A_391 = tpu.memref_slice %arg11[%dma_start3A_389, %dma_start3A_390] : memref<3200x16xf32, #tpu.memory_space<vmem>> -> memref<72x16xf32, #tpu.memory_space<vmem>>
      %dma_start3A_392 = arith.constant 0 : i32
      %dma_start3A_393 = tpu.memref_slice %arg9[%dma_start3A_388, %dma_start3A_392] : memref<16x128xi32, #tpu.memory_space<vmem>> -> memref<1x72xi32, #tpu.memory_space<vmem>>
      %dma_start3A_394 = tpu.memref_squeeze %dma_start3A_393 : memref<1x72xi32, #tpu.memory_space<vmem>> -> memref<72xi32, #tpu.memory_space<vmem>>
      %dma_start3A_395 = arith.constant 0 : i32
      %dma_start3A_396 = arith.constant 0 : i32
      %dma_start3A_397 = tpu.memref_slice %arg4[%dma_start3A_395, %dma_start3A_396] : memref<1007616x16xf32, #tpu.memory_space<hbm>> -> memref<1007616x16xf32, #tpu.memory_space<hbm>>
      tpu.enqueue_indirect_dma source(%dma_start3A_397 : memref<1007616x16xf32, #tpu.memory_space<hbm>>) target(%dma_start3A_391 : memref<72x16xf32, #tpu.memory_space<vmem>>) offsets(%dma_start3A_394 : memref<72xi32, #tpu.memory_space<vmem>>) semaphore(%arg14 : memref<!tpu.dma_semaphore, #tpu.memory_space<semaphore_mem>>)
      %dma_start3A_398 = arith.constant 1 : i32
      %dma_start3A_399 = arith.constant 200 : i32
      %dma_start3A_400 = arith.constant 0 : i32
      %dma_start3A_401 = tpu.memref_slice %arg11[%dma_start3A_399, %dma_start3A_400] : memref<3200x16xf32, #tpu.memory_space<vmem>> -> memref<128x16xf32, #tpu.memory_space<vmem>>
      %dma_start3A_402 = arith.constant 0 : i32
      %dma_start3A_403 = tpu.memref_slice %arg8[%dma_start3A_398, %dma_start3A_402] : memref<16x128xi32, #tpu.memory_space<vmem>> -> memref<1x128xi32, #tpu.memory_space<vmem>>
      %dma_start3A_404 = tpu.memref_squeeze %dma_start3A_403 : memref<1x128xi32, #tpu.memory_space<vmem>> -> memref<128xi32, #tpu.memory_space<vmem>>
      %dma_start3A_405 = arith.constant 0 : i32
      %dma_start3A_406 = arith.constant 0 : i32
      %dma_start3A_407 = tpu.memref_slice %arg4[%dma_start3A_405, %dma_start3A_406] : memref<1007616x16xf32, #tpu.memory_space<hbm>> -> memref<1007616x16xf32, #tpu.memory_space<hbm>>
      tpu.enqueue_indirect_dma source(%dma_start3A_407 : memref<1007616x16xf32, #tpu.memory_space<hbm>>) target(%dma_start3A_401 : memref<128x16xf32, #tpu.memory_space<vmem>>) offsets(%dma_start3A_404 : memref<128xi32, #tpu.memory_space<vmem>>) semaphore(%arg14 : memref<!tpu.dma_semaphore, #tpu.memory_space<semaphore_mem>>)
      %dma_start3A_408 = arith.constant 1 : i32
      %dma_start3A_409 = arith.constant 328 : i32
      %dma_start3A_410 = arith.constant 0 : i32
      %dma_start3A_411 = tpu.memref_slice %arg11[%dma_start3A_409, %dma_start3A_410] : memref<3200x16xf32, #tpu.memory_space<vmem>> -> memref<72x16xf32, #tpu.memory_space<vmem>>
      %dma_start3A_412 = arith.constant 0 : i32
      %dma_start3A_413 = tpu.memref_slice %arg9[%dma_start3A_408, %dma_start3A_412] : memref<16x128xi32, #tpu.memory_space<vmem>> -> memref<1x72xi32, #tpu.memory_space<vmem>>
      %dma_start3A_414 = tpu.memref_squeeze %dma_start3A_413 : memref<1x72xi32, #tpu.memory_space<vmem>> -> memref<72xi32, #tpu.memory_space<vmem>>
      %dma_start3A_415 = arith.constant 0 : i32
      %dma_start3A_416 = arith.constant 0 : i32
      %dma_start3A_417 = tpu.memref_slice %arg4[%dma_start3A_415, %dma_start3A_416] : memref<1007616x16xf32, #tpu.memory_space<hbm>> -> memref<1007616x16xf32, #tpu.memory_space<hbm>>
      tpu.enqueue_indirect_dma source(%dma_start3A_417 : memref<1007616x16xf32, #tpu.memory_space<hbm>>) target(%dma_start3A_411 : memref<72x16xf32, #tpu.memory_space<vmem>>) offsets(%dma_start3A_414 : memref<72xi32, #tpu.memory_space<vmem>>) semaphore(%arg14 : memref<!tpu.dma_semaphore, #tpu.memory_space<semaphore_mem>>)
      %dma_start3A_418 = arith.constant 2 : i32
      %dma_start3A_419 = arith.constant 400 : i32
      %dma_start3A_420 = arith.constant 0 : i32
      %dma_start3A_421 = tpu.memref_slice %arg11[%dma_start3A_419, %dma_start3A_420] : memref<3200x16xf32, #tpu.memory_space<vmem>> -> memref<128x16xf32, #tpu.memory_space<vmem>>
      %dma_start3A_422 = arith.constant 0 : i32
      %dma_start3A_423 = tpu.memref_slice %arg8[%dma_start3A_418, %dma_start3A_422] : memref<16x128xi32, #tpu.memory_space<vmem>> -> memref<1x128xi32, #tpu.memory_space<vmem>>
      %dma_start3A_424 = tpu.memref_squeeze %dma_start3A_423 : memref<1x128xi32, #tpu.memory_space<vmem>> -> memref<128xi32, #tpu.memory_space<vmem>>
      %dma_start3A_425 = arith.constant 0 : i32
      %dma_start3A_426 = arith.constant 0 : i32
      %dma_start3A_427 = tpu.memref_slice %arg4[%dma_start3A_425, %dma_start3A_426] : memref<1007616x16xf32, #tpu.memory_space<hbm>> -> memref<1007616x16xf32, #tpu.memory_space<hbm>>
      tpu.enqueue_indirect_dma source(%dma_start3A_427 : memref<1007616x16xf32, #tpu.memory_space<hbm>>) target(%dma_start3A_421 : memref<128x16xf32, #tpu.memory_space<vmem>>) offsets(%dma_start3A_424 : memref<128xi32, #tpu.memory_space<vmem>>) semaphore(%arg14 : memref<!tpu.dma_semaphore, #tpu.memory_space<semaphore_mem>>)
      %dma_start3A_428 = arith.constant 2 : i32
      %dma_start3A_429 = arith.constant 528 : i32
      %dma_start3A_430 = arith.constant 0 : i32
      %dma_start3A_431 = tpu.memref_slice %arg11[%dma_start3A_429, %dma_start3A_430] : memref<3200x16xf32, #tpu.memory_space<vmem>> -> memref<72x16xf32, #tpu.memory_space<vmem>>
      %dma_start3A_432 = arith.constant 0 : i32
      %dma_start3A_433 = tpu.memref_slice %arg9[%dma_start3A_428, %dma_start3A_432] : memref<16x128xi32, #tpu.memory_space<vmem>> -> memref<1x72xi32, #tpu.memory_space<vmem>>
      %dma_start3A_434 = tpu.memref_squeeze %dma_start3A_433 : memref<1x72xi32, #tpu.memory_space<vmem>> -> memref<72xi32, #tpu.memory_space<vmem>>
      %dma_start3A_435 = arith.constant 0 : i32
      %dma_start3A_436 = arith.constant 0 : i32
      %dma_start3A_437 = tpu.memref_slice %arg4[%dma_start3A_435, %dma_start3A_436] : memref<1007616x16xf32, #tpu.memory_space<hbm>> -> memref<1007616x16xf32, #tpu.memory_space<hbm>>
      tpu.enqueue_indirect_dma source(%dma_start3A_437 : memref<1007616x16xf32, #tpu.memory_space<hbm>>) target(%dma_start3A_431 : memref<72x16xf32, #tpu.memory_space<vmem>>) offsets(%dma_start3A_434 : memref<72xi32, #tpu.memory_space<vmem>>) semaphore(%arg14 : memref<!tpu.dma_semaphore, #tpu.memory_space<semaphore_mem>>)
      %dma_start3A_438 = arith.constant 3 : i32
      %dma_start3A_439 = arith.constant 600 : i32
      %dma_start3A_440 = arith.constant 0 : i32
      %dma_start3A_441 = tpu.memref_slice %arg11[%dma_start3A_439, %dma_start3A_440] : memref<3200x16xf32, #tpu.memory_space<vmem>> -> memref<128x16xf32, #tpu.memory_space<vmem>>
      %dma_start3A_442 = arith.constant 0 : i32
      %dma_start3A_443 = tpu.memref_slice %arg8[%dma_start3A_438, %dma_start3A_442] : memref<16x128xi32, #tpu.memory_space<vmem>> -> memref<1x128xi32, #tpu.memory_space<vmem>>
      %dma_start3A_444 = tpu.memref_squeeze %dma_start3A_443 : memref<1x128xi32, #tpu.memory_space<vmem>> -> memref<128xi32, #tpu.memory_space<vmem>>
      %dma_start3A_445 = arith.constant 0 : i32
      %dma_start3A_446 = arith.constant 0 : i32
      %dma_start3A_447 = tpu.memref_slice %arg4[%dma_start3A_445, %dma_start3A_446] : memref<1007616x16xf32, #tpu.memory_space<hbm>> -> memref<1007616x16xf32, #tpu.memory_space<hbm>>
      tpu.enqueue_indirect_dma source(%dma_start3A_447 : memref<1007616x16xf32, #tpu.memory_space<hbm>>) target(%dma_start3A_441 : memref<128x16xf32, #tpu.memory_space<vmem>>) offsets(%dma_start3A_444 : memref<128xi32, #tpu.memory_space<vmem>>) semaphore(%arg14 : memref<!tpu.dma_semaphore, #tpu.memory_space<semaphore_mem>>)
      %dma_start3A_448 = arith.constant 3 : i32
      %dma_start3A_449 = arith.constant 728 : i32
      %dma_start3A_450 = arith.constant 0 : i32
      %dma_start3A_451 = tpu.memref_slice %arg11[%dma_start3A_449, %dma_start3A_450] : memref<3200x16xf32, #tpu.memory_space<vmem>> -> memref<72x16xf32, #tpu.memory_space<vmem>>
      %dma_start3A_452 = arith.constant 0 : i32
      %dma_start3A_453 = tpu.memref_slice %arg9[%dma_start3A_448, %dma_start3A_452] : memref<16x128xi32, #tpu.memory_space<vmem>> -> memref<1x72xi32, #tpu.memory_space<vmem>>
      %dma_start3A_454 = tpu.memref_squeeze %dma_start3A_453 : memref<1x72xi32, #tpu.memory_space<vmem>> -> memref<72xi32, #tpu.memory_space<vmem>>
      %dma_start3A_455 = arith.constant 0 : i32
      %dma_start3A_456 = arith.constant 0 : i32
      %dma_start3A_457 = tpu.memref_slice %arg4[%dma_start3A_455, %dma_start3A_456] : memref<1007616x16xf32, #tpu.memory_space<hbm>> -> memref<1007616x16xf32, #tpu.memory_space<hbm>>
      tpu.enqueue_indirect_dma source(%dma_start3A_457 : memref<1007616x16xf32, #tpu.memory_space<hbm>>) target(%dma_start3A_451 : memref<72x16xf32, #tpu.memory_space<vmem>>) offsets(%dma_start3A_454 : memref<72xi32, #tpu.memory_space<vmem>>) semaphore(%arg14 : memref<!tpu.dma_semaphore, #tpu.memory_space<semaphore_mem>>)
      %dma_start3A_458 = arith.constant 4 : i32
      %dma_start3A_459 = arith.constant 800 : i32
      %dma_start3A_460 = arith.constant 0 : i32
      %dma_start3A_461 = tpu.memref_slice %arg11[%dma_start3A_459, %dma_start3A_460] : memref<3200x16xf32, #tpu.memory_space<vmem>> -> memref<128x16xf32, #tpu.memory_space<vmem>>
      %dma_start3A_462 = arith.constant 0 : i32
      %dma_start3A_463 = tpu.memref_slice %arg8[%dma_start3A_458, %dma_start3A_462] : memref<16x128xi32, #tpu.memory_space<vmem>> -> memref<1x128xi32, #tpu.memory_space<vmem>>
      %dma_start3A_464 = tpu.memref_squeeze %dma_start3A_463 : memref<1x128xi32, #tpu.memory_space<vmem>> -> memref<128xi32, #tpu.memory_space<vmem>>
      %dma_start3A_465 = arith.constant 0 : i32
      %dma_start3A_466 = arith.constant 0 : i32
      %dma_start3A_467 = tpu.memref_slice %arg4[%dma_start3A_465, %dma_start3A_466] : memref<1007616x16xf32, #tpu.memory_space<hbm>> -> memref<1007616x16xf32, #tpu.memory_space<hbm>>
      tpu.enqueue_indirect_dma source(%dma_start3A_467 : memref<1007616x16xf32, #tpu.memory_space<hbm>>) target(%dma_start3A_461 : memref<128x16xf32, #tpu.memory_space<vmem>>) offsets(%dma_start3A_464 : memref<128xi32, #tpu.memory_space<vmem>>) semaphore(%arg14 : memref<!tpu.dma_semaphore, #tpu.memory_space<semaphore_mem>>)
      %dma_start3A_468 = arith.constant 4 : i32
      %dma_start3A_469 = arith.constant 928 : i32
      %dma_start3A_470 = arith.constant 0 : i32
      %dma_start3A_471 = tpu.memref_slice %arg11[%dma_start3A_469, %dma_start3A_470] : memref<3200x16xf32, #tpu.memory_space<vmem>> -> memref<72x16xf32, #tpu.memory_space<vmem>>
      %dma_start3A_472 = arith.constant 0 : i32
      %dma_start3A_473 = tpu.memref_slice %arg9[%dma_start3A_468, %dma_start3A_472] : memref<16x128xi32, #tpu.memory_space<vmem>> -> memref<1x72xi32, #tpu.memory_space<vmem>>
      %dma_start3A_474 = tpu.memref_squeeze %dma_start3A_473 : memref<1x72xi32, #tpu.memory_space<vmem>> -> memref<72xi32, #tpu.memory_space<vmem>>
      %dma_start3A_475 = arith.constant 0 : i32
      %dma_start3A_476 = arith.constant 0 : i32
      %dma_start3A_477 = tpu.memref_slice %arg4[%dma_start3A_475, %dma_start3A_476] : memref<1007616x16xf32, #tpu.memory_space<hbm>> -> memref<1007616x16xf32, #tpu.memory_space<hbm>>
      tpu.enqueue_indirect_dma source(%dma_start3A_477 : memref<1007616x16xf32, #tpu.memory_space<hbm>>) target(%dma_start3A_471 : memref<72x16xf32, #tpu.memory_space<vmem>>) offsets(%dma_start3A_474 : memref<72xi32, #tpu.memory_space<vmem>>) semaphore(%arg14 : memref<!tpu.dma_semaphore, #tpu.memory_space<semaphore_mem>>)
      %dma_start3A_478 = arith.constant 5 : i32
      %dma_start3A_479 = arith.constant 1000 : i32
      %dma_start3A_480 = arith.constant 0 : i32
      %dma_start3A_481 = tpu.memref_slice %arg11[%dma_start3A_479, %dma_start3A_480] : memref<3200x16xf32, #tpu.memory_space<vmem>> -> memref<128x16xf32, #tpu.memory_space<vmem>>
      %dma_start3A_482 = arith.constant 0 : i32
      %dma_start3A_483 = tpu.memref_slice %arg8[%dma_start3A_478, %dma_start3A_482] : memref<16x128xi32, #tpu.memory_space<vmem>> -> memref<1x128xi32, #tpu.memory_space<vmem>>
      %dma_start3A_484 = tpu.memref_squeeze %dma_start3A_483 : memref<1x128xi32, #tpu.memory_space<vmem>> -> memref<128xi32, #tpu.memory_space<vmem>>
      %dma_start3A_485 = arith.constant 0 : i32
      %dma_start3A_486 = arith.constant 0 : i32
      %dma_start3A_487 = tpu.memref_slice %arg4[%dma_start3A_485, %dma_start3A_486] : memref<1007616x16xf32, #tpu.memory_space<hbm>> -> memref<1007616x16xf32, #tpu.memory_space<hbm>>
      tpu.enqueue_indirect_dma source(%dma_start3A_487 : memref<1007616x16xf32, #tpu.memory_space<hbm>>) target(%dma_start3A_481 : memref<128x16xf32, #tpu.memory_space<vmem>>) offsets(%dma_start3A_484 : memref<128xi32, #tpu.memory_space<vmem>>) semaphore(%arg14 : memref<!tpu.dma_semaphore, #tpu.memory_space<semaphore_mem>>)
      %dma_start3A_488 = arith.constant 5 : i32
      %dma_start3A_489 = arith.constant 1128 : i32
      %dma_start3A_490 = arith.constant 0 : i32
      %dma_start3A_491 = tpu.memref_slice %arg11[%dma_start3A_489, %dma_start3A_490] : memref<3200x16xf32, #tpu.memory_space<vmem>> -> memref<72x16xf32, #tpu.memory_space<vmem>>
      %dma_start3A_492 = arith.constant 0 : i32
      %dma_start3A_493 = tpu.memref_slice %arg9[%dma_start3A_488, %dma_start3A_492] : memref<16x128xi32, #tpu.memory_space<vmem>> -> memref<1x72xi32, #tpu.memory_space<vmem>>
      %dma_start3A_494 = tpu.memref_squeeze %dma_start3A_493 : memref<1x72xi32, #tpu.memory_space<vmem>> -> memref<72xi32, #tpu.memory_space<vmem>>
      %dma_start3A_495 = arith.constant 0 : i32
      %dma_start3A_496 = arith.constant 0 : i32
      %dma_start3A_497 = tpu.memref_slice %arg4[%dma_start3A_495, %dma_start3A_496] : memref<1007616x16xf32, #tpu.memory_space<hbm>> -> memref<1007616x16xf32, #tpu.memory_space<hbm>>
      tpu.enqueue_indirect_dma source(%dma_start3A_497 : memref<1007616x16xf32, #tpu.memory_space<hbm>>) target(%dma_start3A_491 : memref<72x16xf32, #tpu.memory_space<vmem>>) offsets(%dma_start3A_494 : memref<72xi32, #tpu.memory_space<vmem>>) semaphore(%arg14 : memref<!tpu.dma_semaphore, #tpu.memory_space<semaphore_mem>>)
      %dma_start3A_498 = arith.constant 6 : i32
      %dma_start3A_499 = arith.constant 1200 : i32
      %dma_start3A_500 = arith.constant 0 : i32
      %dma_start3A_501 = tpu.memref_slice %arg11[%dma_start3A_499, %dma_start3A_500] : memref<3200x16xf32, #tpu.memory_space<vmem>> -> memref<128x16xf32, #tpu.memory_space<vmem>>
      %dma_start3A_502 = arith.constant 0 : i32
      %dma_start3A_503 = tpu.memref_slice %arg8[%dma_start3A_498, %dma_start3A_502] : memref<16x128xi32, #tpu.memory_space<vmem>> -> memref<1x128xi32, #tpu.memory_space<vmem>>
      %dma_start3A_504 = tpu.memref_squeeze %dma_start3A_503 : memref<1x128xi32, #tpu.memory_space<vmem>> -> memref<128xi32, #tpu.memory_space<vmem>>
      %dma_start3A_505 = arith.constant 0 : i32
      %dma_start3A_506 = arith.constant 0 : i32
      %dma_start3A_507 = tpu.memref_slice %arg4[%dma_start3A_505, %dma_start3A_506] : memref<1007616x16xf32, #tpu.memory_space<hbm>> -> memref<1007616x16xf32, #tpu.memory_space<hbm>>
      tpu.enqueue_indirect_dma source(%dma_start3A_507 : memref<1007616x16xf32, #tpu.memory_space<hbm>>) target(%dma_start3A_501 : memref<128x16xf32, #tpu.memory_space<vmem>>) offsets(%dma_start3A_504 : memref<128xi32, #tpu.memory_space<vmem>>) semaphore(%arg14 : memref<!tpu.dma_semaphore, #tpu.memory_space<semaphore_mem>>)
      %dma_start3A_508 = arith.constant 6 : i32
      %dma_start3A_509 = arith.constant 1328 : i32
      %dma_start3A_510 = arith.constant 0 : i32
      %dma_start3A_511 = tpu.memref_slice %arg11[%dma_start3A_509, %dma_start3A_510] : memref<3200x16xf32, #tpu.memory_space<vmem>> -> memref<72x16xf32, #tpu.memory_space<vmem>>
      %dma_start3A_512 = arith.constant 0 : i32
      %dma_start3A_513 = tpu.memref_slice %arg9[%dma_start3A_508, %dma_start3A_512] : memref<16x128xi32, #tpu.memory_space<vmem>> -> memref<1x72xi32, #tpu.memory_space<vmem>>
      %dma_start3A_514 = tpu.memref_squeeze %dma_start3A_513 : memref<1x72xi32, #tpu.memory_space<vmem>> -> memref<72xi32, #tpu.memory_space<vmem>>
      %dma_start3A_515 = arith.constant 0 : i32
      %dma_start3A_516 = arith.constant 0 : i32
      %dma_start3A_517 = tpu.memref_slice %arg4[%dma_start3A_515, %dma_start3A_516] : memref<1007616x16xf32, #tpu.memory_space<hbm>> -> memref<1007616x16xf32, #tpu.memory_space<hbm>>
      tpu.enqueue_indirect_dma source(%dma_start3A_517 : memref<1007616x16xf32, #tpu.memory_space<hbm>>) target(%dma_start3A_511 : memref<72x16xf32, #tpu.memory_space<vmem>>) offsets(%dma_start3A_514 : memref<72xi32, #tpu.memory_space<vmem>>) semaphore(%arg14 : memref<!tpu.dma_semaphore, #tpu.memory_space<semaphore_mem>>)
      %dma_start3A_518 = arith.constant 7 : i32
      %dma_start3A_519 = arith.constant 1400 : i32
      %dma_start3A_520 = arith.constant 0 : i32
      %dma_start3A_521 = tpu.memref_slice %arg11[%dma_start3A_519, %dma_start3A_520] : memref<3200x16xf32, #tpu.memory_space<vmem>> -> memref<128x16xf32, #tpu.memory_space<vmem>>
      %dma_start3A_522 = arith.constant 0 : i32
      %dma_start3A_523 = tpu.memref_slice %arg8[%dma_start3A_518, %dma_start3A_522] : memref<16x128xi32, #tpu.memory_space<vmem>> -> memref<1x128xi32, #tpu.memory_space<vmem>>
      %dma_start3A_524 = tpu.memref_squeeze %dma_start3A_523 : memref<1x128xi32, #tpu.memory_space<vmem>> -> memref<128xi32, #tpu.memory_space<vmem>>
      %dma_start3A_525 = arith.constant 0 : i32
      %dma_start3A_526 = arith.constant 0 : i32
      %dma_start3A_527 = tpu.memref_slice %arg4[%dma_start3A_525, %dma_start3A_526] : memref<1007616x16xf32, #tpu.memory_space<hbm>> -> memref<1007616x16xf32, #tpu.memory_space<hbm>>
      tpu.enqueue_indirect_dma source(%dma_start3A_527 : memref<1007616x16xf32, #tpu.memory_space<hbm>>) target(%dma_start3A_521 : memref<128x16xf32, #tpu.memory_space<vmem>>) offsets(%dma_start3A_524 : memref<128xi32, #tpu.memory_space<vmem>>) semaphore(%arg14 : memref<!tpu.dma_semaphore, #tpu.memory_space<semaphore_mem>>)
      %dma_start3A_528 = arith.constant 7 : i32
      %dma_start3A_529 = arith.constant 1528 : i32
      %dma_start3A_530 = arith.constant 0 : i32
      %dma_start3A_531 = tpu.memref_slice %arg11[%dma_start3A_529, %dma_start3A_530] : memref<3200x16xf32, #tpu.memory_space<vmem>> -> memref<72x16xf32, #tpu.memory_space<vmem>>
      %dma_start3A_532 = arith.constant 0 : i32
      %dma_start3A_533 = tpu.memref_slice %arg9[%dma_start3A_528, %dma_start3A_532] : memref<16x128xi32, #tpu.memory_space<vmem>> -> memref<1x72xi32, #tpu.memory_space<vmem>>
      %dma_start3A_534 = tpu.memref_squeeze %dma_start3A_533 : memref<1x72xi32, #tpu.memory_space<vmem>> -> memref<72xi32, #tpu.memory_space<vmem>>
      %dma_start3A_535 = arith.constant 0 : i32
      %dma_start3A_536 = arith.constant 0 : i32
      %dma_start3A_537 = tpu.memref_slice %arg4[%dma_start3A_535, %dma_start3A_536] : memref<1007616x16xf32, #tpu.memory_space<hbm>> -> memref<1007616x16xf32, #tpu.memory_space<hbm>>
      tpu.enqueue_indirect_dma source(%dma_start3A_537 : memref<1007616x16xf32, #tpu.memory_space<hbm>>) target(%dma_start3A_531 : memref<72x16xf32, #tpu.memory_space<vmem>>) offsets(%dma_start3A_534 : memref<72xi32, #tpu.memory_space<vmem>>) semaphore(%arg14 : memref<!tpu.dma_semaphore, #tpu.memory_space<semaphore_mem>>)
      %dma_start3A_538 = arith.constant 8 : i32
      %dma_start3A_539 = arith.constant 1600 : i32
      %dma_start3A_540 = arith.constant 0 : i32
      %dma_start3A_541 = tpu.memref_slice %arg11[%dma_start3A_539, %dma_start3A_540] : memref<3200x16xf32, #tpu.memory_space<vmem>> -> memref<128x16xf32, #tpu.memory_space<vmem>>
      %dma_start3A_542 = arith.constant 0 : i32
      %dma_start3A_543 = tpu.memref_slice %arg8[%dma_start3A_538, %dma_start3A_542] : memref<16x128xi32, #tpu.memory_space<vmem>> -> memref<1x128xi32, #tpu.memory_space<vmem>>
      %dma_start3A_544 = tpu.memref_squeeze %dma_start3A_543 : memref<1x128xi32, #tpu.memory_space<vmem>> -> memref<128xi32, #tpu.memory_space<vmem>>
      %dma_start3A_545 = arith.constant 0 : i32
      %dma_start3A_546 = arith.constant 0 : i32
      %dma_start3A_547 = tpu.memref_slice %arg4[%dma_start3A_545, %dma_start3A_546] : memref<1007616x16xf32, #tpu.memory_space<hbm>> -> memref<1007616x16xf32, #tpu.memory_space<hbm>>
      tpu.enqueue_indirect_dma source(%dma_start3A_547 : memref<1007616x16xf32, #tpu.memory_space<hbm>>) target(%dma_start3A_541 : memref<128x16xf32, #tpu.memory_space<vmem>>) offsets(%dma_start3A_544 : memref<128xi32, #tpu.memory_space<vmem>>) semaphore(%arg14 : memref<!tpu.dma_semaphore, #tpu.memory_space<semaphore_mem>>)
      %dma_start3A_548 = arith.constant 8 : i32
      %dma_start3A_549 = arith.constant 1728 : i32
      %dma_start3A_550 = arith.constant 0 : i32
      %dma_start3A_551 = tpu.memref_slice %arg11[%dma_start3A_549, %dma_start3A_550] : memref<3200x16xf32, #tpu.memory_space<vmem>> -> memref<72x16xf32, #tpu.memory_space<vmem>>
      %dma_start3A_552 = arith.constant 0 : i32
      %dma_start3A_553 = tpu.memref_slice %arg9[%dma_start3A_548, %dma_start3A_552] : memref<16x128xi32, #tpu.memory_space<vmem>> -> memref<1x72xi32, #tpu.memory_space<vmem>>
      %dma_start3A_554 = tpu.memref_squeeze %dma_start3A_553 : memref<1x72xi32, #tpu.memory_space<vmem>> -> memref<72xi32, #tpu.memory_space<vmem>>
      %dma_start3A_555 = arith.constant 0 : i32
      %dma_start3A_556 = arith.constant 0 : i32
      %dma_start3A_557 = tpu.memref_slice %arg4[%dma_start3A_555, %dma_start3A_556] : memref<1007616x16xf32, #tpu.memory_space<hbm>> -> memref<1007616x16xf32, #tpu.memory_space<hbm>>
      tpu.enqueue_indirect_dma source(%dma_start3A_557 : memref<1007616x16xf32, #tpu.memory_space<hbm>>) target(%dma_start3A_551 : memref<72x16xf32, #tpu.memory_space<vmem>>) offsets(%dma_start3A_554 : memref<72xi32, #tpu.memory_space<vmem>>) semaphore(%arg14 : memref<!tpu.dma_semaphore, #tpu.memory_space<semaphore_mem>>)
      %dma_start3A_558 = arith.constant 9 : i32
      %dma_start3A_559 = arith.constant 1800 : i32
      %dma_start3A_560 = arith.constant 0 : i32
      %dma_start3A_561 = tpu.memref_slice %arg11[%dma_start3A_559, %dma_start3A_560] : memref<3200x16xf32, #tpu.memory_space<vmem>> -> memref<128x16xf32, #tpu.memory_space<vmem>>
      %dma_start3A_562 = arith.constant 0 : i32
      %dma_start3A_563 = tpu.memref_slice %arg8[%dma_start3A_558, %dma_start3A_562] : memref<16x128xi32, #tpu.memory_space<vmem>> -> memref<1x128xi32, #tpu.memory_space<vmem>>
      %dma_start3A_564 = tpu.memref_squeeze %dma_start3A_563 : memref<1x128xi32, #tpu.memory_space<vmem>> -> memref<128xi32, #tpu.memory_space<vmem>>
      %dma_start3A_565 = arith.constant 0 : i32
      %dma_start3A_566 = arith.constant 0 : i32
      %dma_start3A_567 = tpu.memref_slice %arg4[%dma_start3A_565, %dma_start3A_566] : memref<1007616x16xf32, #tpu.memory_space<hbm>> -> memref<1007616x16xf32, #tpu.memory_space<hbm>>
      tpu.enqueue_indirect_dma source(%dma_start3A_567 : memref<1007616x16xf32, #tpu.memory_space<hbm>>) target(%dma_start3A_561 : memref<128x16xf32, #tpu.memory_space<vmem>>) offsets(%dma_start3A_564 : memref<128xi32, #tpu.memory_space<vmem>>) semaphore(%arg14 : memref<!tpu.dma_semaphore, #tpu.memory_space<semaphore_mem>>)
      %dma_start3A_568 = arith.constant 9 : i32
      %dma_start3A_569 = arith.constant 1928 : i32
      %dma_start3A_570 = arith.constant 0 : i32
      %dma_start3A_571 = tpu.memref_slice %arg11[%dma_start3A_569, %dma_start3A_570] : memref<3200x16xf32, #tpu.memory_space<vmem>> -> memref<72x16xf32, #tpu.memory_space<vmem>>
      %dma_start3A_572 = arith.constant 0 : i32
      %dma_start3A_573 = tpu.memref_slice %arg9[%dma_start3A_568, %dma_start3A_572] : memref<16x128xi32, #tpu.memory_space<vmem>> -> memref<1x72xi32, #tpu.memory_space<vmem>>
      %dma_start3A_574 = tpu.memref_squeeze %dma_start3A_573 : memref<1x72xi32, #tpu.memory_space<vmem>> -> memref<72xi32, #tpu.memory_space<vmem>>
      %dma_start3A_575 = arith.constant 0 : i32
      %dma_start3A_576 = arith.constant 0 : i32
      %dma_start3A_577 = tpu.memref_slice %arg4[%dma_start3A_575, %dma_start3A_576] : memref<1007616x16xf32, #tpu.memory_space<hbm>> -> memref<1007616x16xf32, #tpu.memory_space<hbm>>
      tpu.enqueue_indirect_dma source(%dma_start3A_577 : memref<1007616x16xf32, #tpu.memory_space<hbm>>) target(%dma_start3A_571 : memref<72x16xf32, #tpu.memory_space<vmem>>) offsets(%dma_start3A_574 : memref<72xi32, #tpu.memory_space<vmem>>) semaphore(%arg14 : memref<!tpu.dma_semaphore, #tpu.memory_space<semaphore_mem>>)
      %dma_start3A_578 = arith.constant 10 : i32
      %dma_start3A_579 = arith.constant 2000 : i32
      %dma_start3A_580 = arith.constant 0 : i32
      %dma_start3A_581 = tpu.memref_slice %arg11[%dma_start3A_579, %dma_start3A_580] : memref<3200x16xf32, #tpu.memory_space<vmem>> -> memref<128x16xf32, #tpu.memory_space<vmem>>
      %dma_start3A_582 = arith.constant 0 : i32
      %dma_start3A_583 = tpu.memref_slice %arg8[%dma_start3A_578, %dma_start3A_582] : memref<16x128xi32, #tpu.memory_space<vmem>> -> memref<1x128xi32, #tpu.memory_space<vmem>>
      %dma_start3A_584 = tpu.memref_squeeze %dma_start3A_583 : memref<1x128xi32, #tpu.memory_space<vmem>> -> memref<128xi32, #tpu.memory_space<vmem>>
      %dma_start3A_585 = arith.constant 0 : i32
      %dma_start3A_586 = arith.constant 0 : i32
      %dma_start3A_587 = tpu.memref_slice %arg4[%dma_start3A_585, %dma_start3A_586] : memref<1007616x16xf32, #tpu.memory_space<hbm>> -> memref<1007616x16xf32, #tpu.memory_space<hbm>>
      tpu.enqueue_indirect_dma source(%dma_start3A_587 : memref<1007616x16xf32, #tpu.memory_space<hbm>>) target(%dma_start3A_581 : memref<128x16xf32, #tpu.memory_space<vmem>>) offsets(%dma_start3A_584 : memref<128xi32, #tpu.memory_space<vmem>>) semaphore(%arg14 : memref<!tpu.dma_semaphore, #tpu.memory_space<semaphore_mem>>)
      %dma_start3A_588 = arith.constant 10 : i32
      %dma_start3A_589 = arith.constant 2128 : i32
      %dma_start3A_590 = arith.constant 0 : i32
      %dma_start3A_591 = tpu.memref_slice %arg11[%dma_start3A_589, %dma_start3A_590] : memref<3200x16xf32, #tpu.memory_space<vmem>> -> memref<72x16xf32, #tpu.memory_space<vmem>>
      %dma_start3A_592 = arith.constant 0 : i32
      %dma_start3A_593 = tpu.memref_slice %arg9[%dma_start3A_588, %dma_start3A_592] : memref<16x128xi32, #tpu.memory_space<vmem>> -> memref<1x72xi32, #tpu.memory_space<vmem>>
      %dma_start3A_594 = tpu.memref_squeeze %dma_start3A_593 : memref<1x72xi32, #tpu.memory_space<vmem>> -> memref<72xi32, #tpu.memory_space<vmem>>
      %dma_start3A_595 = arith.constant 0 : i32
      %dma_start3A_596 = arith.constant 0 : i32
      %dma_start3A_597 = tpu.memref_slice %arg4[%dma_start3A_595, %dma_start3A_596] : memref<1007616x16xf32, #tpu.memory_space<hbm>> -> memref<1007616x16xf32, #tpu.memory_space<hbm>>
      tpu.enqueue_indirect_dma source(%dma_start3A_597 : memref<1007616x16xf32, #tpu.memory_space<hbm>>) target(%dma_start3A_591 : memref<72x16xf32, #tpu.memory_space<vmem>>) offsets(%dma_start3A_594 : memref<72xi32, #tpu.memory_space<vmem>>) semaphore(%arg14 : memref<!tpu.dma_semaphore, #tpu.memory_space<semaphore_mem>>)
      %dma_start3A_598 = arith.constant 11 : i32
      %dma_start3A_599 = arith.constant 2200 : i32
      %dma_start3A_600 = arith.constant 0 : i32
      %dma_start3A_601 = tpu.memref_slice %arg11[%dma_start3A_599, %dma_start3A_600] : memref<3200x16xf32, #tpu.memory_space<vmem>> -> memref<128x16xf32, #tpu.memory_space<vmem>>
      %dma_start3A_602 = arith.constant 0 : i32
      %dma_start3A_603 = tpu.memref_slice %arg8[%dma_start3A_598, %dma_start3A_602] : memref<16x128xi32, #tpu.memory_space<vmem>> -> memref<1x128xi32, #tpu.memory_space<vmem>>
      %dma_start3A_604 = tpu.memref_squeeze %dma_start3A_603 : memref<1x128xi32, #tpu.memory_space<vmem>> -> memref<128xi32, #tpu.memory_space<vmem>>
      %dma_start3A_605 = arith.constant 0 : i32
      %dma_start3A_606 = arith.constant 0 : i32
      %dma_start3A_607 = tpu.memref_slice %arg4[%dma_start3A_605, %dma_start3A_606] : memref<1007616x16xf32, #tpu.memory_space<hbm>> -> memref<1007616x16xf32, #tpu.memory_space<hbm>>
      tpu.enqueue_indirect_dma source(%dma_start3A_607 : memref<1007616x16xf32, #tpu.memory_space<hbm>>) target(%dma_start3A_601 : memref<128x16xf32, #tpu.memory_space<vmem>>) offsets(%dma_start3A_604 : memref<128xi32, #tpu.memory_space<vmem>>) semaphore(%arg14 : memref<!tpu.dma_semaphore, #tpu.memory_space<semaphore_mem>>)
      %dma_start3A_608 = arith.constant 11 : i32
      %dma_start3A_609 = arith.constant 2328 : i32
      %dma_start3A_610 = arith.constant 0 : i32
      %dma_start3A_611 = tpu.memref_slice %arg11[%dma_start3A_609, %dma_start3A_610] : memref<3200x16xf32, #tpu.memory_space<vmem>> -> memref<72x16xf32, #tpu.memory_space<vmem>>
      %dma_start3A_612 = arith.constant 0 : i32
      %dma_start3A_613 = tpu.memref_slice %arg9[%dma_start3A_608, %dma_start3A_612] : memref<16x128xi32, #tpu.memory_space<vmem>> -> memref<1x72xi32, #tpu.memory_space<vmem>>
      %dma_start3A_614 = tpu.memref_squeeze %dma_start3A_613 : memref<1x72xi32, #tpu.memory_space<vmem>> -> memref<72xi32, #tpu.memory_space<vmem>>
      %dma_start3A_615 = arith.constant 0 : i32
      %dma_start3A_616 = arith.constant 0 : i32
      %dma_start3A_617 = tpu.memref_slice %arg4[%dma_start3A_615, %dma_start3A_616] : memref<1007616x16xf32, #tpu.memory_space<hbm>> -> memref<1007616x16xf32, #tpu.memory_space<hbm>>
      tpu.enqueue_indirect_dma source(%dma_start3A_617 : memref<1007616x16xf32, #tpu.memory_space<hbm>>) target(%dma_start3A_611 : memref<72x16xf32, #tpu.memory_space<vmem>>) offsets(%dma_start3A_614 : memref<72xi32, #tpu.memory_space<vmem>>) semaphore(%arg14 : memref<!tpu.dma_semaphore, #tpu.memory_space<semaphore_mem>>)
      %dma_start3A_618 = arith.constant 12 : i32
      %dma_start3A_619 = arith.constant 2400 : i32
      %dma_start3A_620 = arith.constant 0 : i32
      %dma_start3A_621 = tpu.memref_slice %arg11[%dma_start3A_619, %dma_start3A_620] : memref<3200x16xf32, #tpu.memory_space<vmem>> -> memref<128x16xf32, #tpu.memory_space<vmem>>
      %dma_start3A_622 = arith.constant 0 : i32
      %dma_start3A_623 = tpu.memref_slice %arg8[%dma_start3A_618, %dma_start3A_622] : memref<16x128xi32, #tpu.memory_space<vmem>> -> memref<1x128xi32, #tpu.memory_space<vmem>>
      %dma_start3A_624 = tpu.memref_squeeze %dma_start3A_623 : memref<1x128xi32, #tpu.memory_space<vmem>> -> memref<128xi32, #tpu.memory_space<vmem>>
      %dma_start3A_625 = arith.constant 0 : i32
      %dma_start3A_626 = arith.constant 0 : i32
      %dma_start3A_627 = tpu.memref_slice %arg4[%dma_start3A_625, %dma_start3A_626] : memref<1007616x16xf32, #tpu.memory_space<hbm>> -> memref<1007616x16xf32, #tpu.memory_space<hbm>>
      tpu.enqueue_indirect_dma source(%dma_start3A_627 : memref<1007616x16xf32, #tpu.memory_space<hbm>>) target(%dma_start3A_621 : memref<128x16xf32, #tpu.memory_space<vmem>>) offsets(%dma_start3A_624 : memref<128xi32, #tpu.memory_space<vmem>>) semaphore(%arg14 : memref<!tpu.dma_semaphore, #tpu.memory_space<semaphore_mem>>)
      %dma_start3A_628 = arith.constant 12 : i32
      %dma_start3A_629 = arith.constant 2528 : i32
      %dma_start3A_630 = arith.constant 0 : i32
      %dma_start3A_631 = tpu.memref_slice %arg11[%dma_start3A_629, %dma_start3A_630] : memref<3200x16xf32, #tpu.memory_space<vmem>> -> memref<72x16xf32, #tpu.memory_space<vmem>>
      %dma_start3A_632 = arith.constant 0 : i32
      %dma_start3A_633 = tpu.memref_slice %arg9[%dma_start3A_628, %dma_start3A_632] : memref<16x128xi32, #tpu.memory_space<vmem>> -> memref<1x72xi32, #tpu.memory_space<vmem>>
      %dma_start3A_634 = tpu.memref_squeeze %dma_start3A_633 : memref<1x72xi32, #tpu.memory_space<vmem>> -> memref<72xi32, #tpu.memory_space<vmem>>
      %dma_start3A_635 = arith.constant 0 : i32
      %dma_start3A_636 = arith.constant 0 : i32
      %dma_start3A_637 = tpu.memref_slice %arg4[%dma_start3A_635, %dma_start3A_636] : memref<1007616x16xf32, #tpu.memory_space<hbm>> -> memref<1007616x16xf32, #tpu.memory_space<hbm>>
      tpu.enqueue_indirect_dma source(%dma_start3A_637 : memref<1007616x16xf32, #tpu.memory_space<hbm>>) target(%dma_start3A_631 : memref<72x16xf32, #tpu.memory_space<vmem>>) offsets(%dma_start3A_634 : memref<72xi32, #tpu.memory_space<vmem>>) semaphore(%arg14 : memref<!tpu.dma_semaphore, #tpu.memory_space<semaphore_mem>>)
      %dma_start3A_638 = arith.constant 13 : i32
      %dma_start3A_639 = arith.constant 2600 : i32
      %dma_start3A_640 = arith.constant 0 : i32
      %dma_start3A_641 = tpu.memref_slice %arg11[%dma_start3A_639, %dma_start3A_640] : memref<3200x16xf32, #tpu.memory_space<vmem>> -> memref<128x16xf32, #tpu.memory_space<vmem>>
      %dma_start3A_642 = arith.constant 0 : i32
      %dma_start3A_643 = tpu.memref_slice %arg8[%dma_start3A_638, %dma_start3A_642] : memref<16x128xi32, #tpu.memory_space<vmem>> -> memref<1x128xi32, #tpu.memory_space<vmem>>
      %dma_start3A_644 = tpu.memref_squeeze %dma_start3A_643 : memref<1x128xi32, #tpu.memory_space<vmem>> -> memref<128xi32, #tpu.memory_space<vmem>>
      %dma_start3A_645 = arith.constant 0 : i32
      %dma_start3A_646 = arith.constant 0 : i32
      %dma_start3A_647 = tpu.memref_slice %arg4[%dma_start3A_645, %dma_start3A_646] : memref<1007616x16xf32, #tpu.memory_space<hbm>> -> memref<1007616x16xf32, #tpu.memory_space<hbm>>
      tpu.enqueue_indirect_dma source(%dma_start3A_647 : memref<1007616x16xf32, #tpu.memory_space<hbm>>) target(%dma_start3A_641 : memref<128x16xf32, #tpu.memory_space<vmem>>) offsets(%dma_start3A_644 : memref<128xi32, #tpu.memory_space<vmem>>) semaphore(%arg14 : memref<!tpu.dma_semaphore, #tpu.memory_space<semaphore_mem>>)
      %dma_start3A_648 = arith.constant 13 : i32
      %dma_start3A_649 = arith.constant 2728 : i32
      %dma_start3A_650 = arith.constant 0 : i32
      %dma_start3A_651 = tpu.memref_slice %arg11[%dma_start3A_649, %dma_start3A_650] : memref<3200x16xf32, #tpu.memory_space<vmem>> -> memref<72x16xf32, #tpu.memory_space<vmem>>
      %dma_start3A_652 = arith.constant 0 : i32
      %dma_start3A_653 = tpu.memref_slice %arg9[%dma_start3A_648, %dma_start3A_652] : memref<16x128xi32, #tpu.memory_space<vmem>> -> memref<1x72xi32, #tpu.memory_space<vmem>>
      %dma_start3A_654 = tpu.memref_squeeze %dma_start3A_653 : memref<1x72xi32, #tpu.memory_space<vmem>> -> memref<72xi32, #tpu.memory_space<vmem>>
      %dma_start3A_655 = arith.constant 0 : i32
      %dma_start3A_656 = arith.constant 0 : i32
      %dma_start3A_657 = tpu.memref_slice %arg4[%dma_start3A_655, %dma_start3A_656] : memref<1007616x16xf32, #tpu.memory_space<hbm>> -> memref<1007616x16xf32, #tpu.memory_space<hbm>>
      tpu.enqueue_indirect_dma source(%dma_start3A_657 : memref<1007616x16xf32, #tpu.memory_space<hbm>>) target(%dma_start3A_651 : memref<72x16xf32, #tpu.memory_space<vmem>>) offsets(%dma_start3A_654 : memref<72xi32, #tpu.memory_space<vmem>>) semaphore(%arg14 : memref<!tpu.dma_semaphore, #tpu.memory_space<semaphore_mem>>)
      %dma_start3A_658 = arith.constant 14 : i32
      %dma_start3A_659 = arith.constant 2800 : i32
      %dma_start3A_660 = arith.constant 0 : i32
      %dma_start3A_661 = tpu.memref_slice %arg11[%dma_start3A_659, %dma_start3A_660] : memref<3200x16xf32, #tpu.memory_space<vmem>> -> memref<128x16xf32, #tpu.memory_space<vmem>>
      %dma_start3A_662 = arith.constant 0 : i32
      %dma_start3A_663 = tpu.memref_slice %arg8[%dma_start3A_658, %dma_start3A_662] : memref<16x128xi32, #tpu.memory_space<vmem>> -> memref<1x128xi32, #tpu.memory_space<vmem>>
      %dma_start3A_664 = tpu.memref_squeeze %dma_start3A_663 : memref<1x128xi32, #tpu.memory_space<vmem>> -> memref<128xi32, #tpu.memory_space<vmem>>
      %dma_start3A_665 = arith.constant 0 : i32
      %dma_start3A_666 = arith.constant 0 : i32
      %dma_start3A_667 = tpu.memref_slice %arg4[%dma_start3A_665, %dma_start3A_666] : memref<1007616x16xf32, #tpu.memory_space<hbm>> -> memref<1007616x16xf32, #tpu.memory_space<hbm>>
      tpu.enqueue_indirect_dma source(%dma_start3A_667 : memref<1007616x16xf32, #tpu.memory_space<hbm>>) target(%dma_start3A_661 : memref<128x16xf32, #tpu.memory_space<vmem>>) offsets(%dma_start3A_664 : memref<128xi32, #tpu.memory_space<vmem>>) semaphore(%arg14 : memref<!tpu.dma_semaphore, #tpu.memory_space<semaphore_mem>>)
      %dma_start3A_668 = arith.constant 14 : i32
      %dma_start3A_669 = arith.constant 2928 : i32
      %dma_start3A_670 = arith.constant 0 : i32
      %dma_start3A_671 = tpu.memref_slice %arg11[%dma_start3A_669, %dma_start3A_670] : memref<3200x16xf32, #tpu.memory_space<vmem>> -> memref<72x16xf32, #tpu.memory_space<vmem>>
      %dma_start3A_672 = arith.constant 0 : i32
      %dma_start3A_673 = tpu.memref_slice %arg9[%dma_start3A_668, %dma_start3A_672] : memref<16x128xi32, #tpu.memory_space<vmem>> -> memref<1x72xi32, #tpu.memory_space<vmem>>
      %dma_start3A_674 = tpu.memref_squeeze %dma_start3A_673 : memref<1x72xi32, #tpu.memory_space<vmem>> -> memref<72xi32, #tpu.memory_space<vmem>>
      %dma_start3A_675 = arith.constant 0 : i32
      %dma_start3A_676 = arith.constant 0 : i32
      %dma_start3A_677 = tpu.memref_slice %arg4[%dma_start3A_675, %dma_start3A_676] : memref<1007616x16xf32, #tpu.memory_space<hbm>> -> memref<1007616x16xf32, #tpu.memory_space<hbm>>
      tpu.enqueue_indirect_dma source(%dma_start3A_677 : memref<1007616x16xf32, #tpu.memory_space<hbm>>) target(%dma_start3A_671 : memref<72x16xf32, #tpu.memory_space<vmem>>) offsets(%dma_start3A_674 : memref<72xi32, #tpu.memory_space<vmem>>) semaphore(%arg14 : memref<!tpu.dma_semaphore, #tpu.memory_space<semaphore_mem>>)
      %dma_start3A_678 = arith.constant 15 : i32
      %dma_start3A_679 = arith.constant 3000 : i32
      %dma_start3A_680 = arith.constant 0 : i32
      %dma_start3A_681 = tpu.memref_slice %arg11[%dma_start3A_679, %dma_start3A_680] : memref<3200x16xf32, #tpu.memory_space<vmem>> -> memref<128x16xf32, #tpu.memory_space<vmem>>
      %dma_start3A_682 = arith.constant 0 : i32
      %dma_start3A_683 = tpu.memref_slice %arg8[%dma_start3A_678, %dma_start3A_682] : memref<16x128xi32, #tpu.memory_space<vmem>> -> memref<1x128xi32, #tpu.memory_space<vmem>>
      %dma_start3A_684 = tpu.memref_squeeze %dma_start3A_683 : memref<1x128xi32, #tpu.memory_space<vmem>> -> memref<128xi32, #tpu.memory_space<vmem>>
      %dma_start3A_685 = arith.constant 0 : i32
      %dma_start3A_686 = arith.constant 0 : i32
      %dma_start3A_687 = tpu.memref_slice %arg4[%dma_start3A_685, %dma_start3A_686] : memref<1007616x16xf32, #tpu.memory_space<hbm>> -> memref<1007616x16xf32, #tpu.memory_space<hbm>>
      tpu.enqueue_indirect_dma source(%dma_start3A_687 : memref<1007616x16xf32, #tpu.memory_space<hbm>>) target(%dma_start3A_681 : memref<128x16xf32, #tpu.memory_space<vmem>>) offsets(%dma_start3A_684 : memref<128xi32, #tpu.memory_space<vmem>>) semaphore(%arg14 : memref<!tpu.dma_semaphore, #tpu.memory_space<semaphore_mem>>)
      %dma_start3A_688 = arith.constant 15 : i32
      %dma_start3A_689 = arith.constant 3128 : i32
      %dma_start3A_690 = arith.constant 0 : i32
      %dma_start3A_691 = tpu.memref_slice %arg11[%dma_start3A_689, %dma_start3A_690] : memref<3200x16xf32, #tpu.memory_space<vmem>> -> memref<72x16xf32, #tpu.memory_space<vmem>>
      %dma_start3A_692 = arith.constant 0 : i32
      %dma_start3A_693 = tpu.memref_slice %arg9[%dma_start3A_688, %dma_start3A_692] : memref<16x128xi32, #tpu.memory_space<vmem>> -> memref<1x72xi32, #tpu.memory_space<vmem>>
      %dma_start3A_694 = tpu.memref_squeeze %dma_start3A_693 : memref<1x72xi32, #tpu.memory_space<vmem>> -> memref<72xi32, #tpu.memory_space<vmem>>
      %dma_start3A_695 = arith.constant 0 : i32
      %dma_start3A_696 = arith.constant 0 : i32
      %dma_start3A_697 = tpu.memref_slice %arg4[%dma_start3A_695, %dma_start3A_696] : memref<1007616x16xf32, #tpu.memory_space<hbm>> -> memref<1007616x16xf32, #tpu.memory_space<hbm>>
      tpu.enqueue_indirect_dma source(%dma_start3A_697 : memref<1007616x16xf32, #tpu.memory_space<hbm>>) target(%dma_start3A_691 : memref<72x16xf32, #tpu.memory_space<vmem>>) offsets(%dma_start3A_694 : memref<72xi32, #tpu.memory_space<vmem>>) semaphore(%arg14 : memref<!tpu.dma_semaphore, #tpu.memory_space<semaphore_mem>>)
      %dma_wait3A_698 = arith.constant 0 : i32
      %dma_wait3A_699 = arith.constant 0 : i32
      %dma_wait3A_700 = arith.constant 0 : i32
      %dma_wait3A_701 = tpu.memref_slice %arg10[%dma_wait3A_699, %dma_wait3A_700] : memref<3200x16xf32, #tpu.memory_space<vmem>> -> memref<128x16xf32, #tpu.memory_space<vmem>>
      %dma_wait3A_702 = arith.constant 0 : i32
      %dma_wait3A_703 = tpu.memref_slice %arg6[%dma_wait3A_698, %dma_wait3A_702] : memref<16x128xi32, #tpu.memory_space<vmem>> -> memref<1x128xi32, #tpu.memory_space<vmem>>
      %dma_wait3A_704 = tpu.memref_squeeze %dma_wait3A_703 : memref<1x128xi32, #tpu.memory_space<vmem>> -> memref<128xi32, #tpu.memory_space<vmem>>
      %dma_wait3A_705 = arith.constant 0 : i32
      %dma_wait3A_706 = arith.constant 0 : i32
      %dma_wait3A_707 = tpu.memref_slice %arg4[%dma_wait3A_705, %dma_wait3A_706] : memref<1007616x16xf32, #tpu.memory_space<hbm>> -> memref<1007616x16xf32, #tpu.memory_space<hbm>>
      tpu.wait_indirect_dma semaphore(%arg13 : memref<!tpu.dma_semaphore, #tpu.memory_space<semaphore_mem>>) src(%dma_wait3A_707 : memref<1007616x16xf32, #tpu.memory_space<hbm>>) dst(%dma_wait3A_701 : memref<128x16xf32, #tpu.memory_space<vmem>>)
      %dma_wait3A_708 = arith.constant 0 : i32
      %dma_wait3A_709 = arith.constant 128 : i32
      %dma_wait3A_710 = arith.constant 0 : i32
      %dma_wait3A_711 = tpu.memref_slice %arg10[%dma_wait3A_709, %dma_wait3A_710] : memref<3200x16xf32, #tpu.memory_space<vmem>> -> memref<72x16xf32, #tpu.memory_space<vmem>>
      %dma_wait3A_712 = arith.constant 0 : i32
      %dma_wait3A_713 = tpu.memref_slice %arg7[%dma_wait3A_708, %dma_wait3A_712] : memref<16x128xi32, #tpu.memory_space<vmem>> -> memref<1x72xi32, #tpu.memory_space<vmem>>
      %dma_wait3A_714 = tpu.memref_squeeze %dma_wait3A_713 : memref<1x72xi32, #tpu.memory_space<vmem>> -> memref<72xi32, #tpu.memory_space<vmem>>
      %dma_wait3A_715 = arith.constant 0 : i32
      %dma_wait3A_716 = arith.constant 0 : i32
      %dma_wait3A_717 = tpu.memref_slice %arg4[%dma_wait3A_715, %dma_wait3A_716] : memref<1007616x16xf32, #tpu.memory_space<hbm>> -> memref<1007616x16xf32, #tpu.memory_space<hbm>>
      tpu.wait_indirect_dma semaphore(%arg13 : memref<!tpu.dma_semaphore, #tpu.memory_space<semaphore_mem>>) src(%dma_wait3A_717 : memref<1007616x16xf32, #tpu.memory_space<hbm>>) dst(%dma_wait3A_711 : memref<72x16xf32, #tpu.memory_space<vmem>>)
      %dma_wait3A_718 = arith.constant 1 : i32
      %dma_wait3A_719 = arith.constant 200 : i32
      %dma_wait3A_720 = arith.constant 0 : i32
      %dma_wait3A_721 = tpu.memref_slice %arg10[%dma_wait3A_719, %dma_wait3A_720] : memref<3200x16xf32, #tpu.memory_space<vmem>> -> memref<128x16xf32, #tpu.memory_space<vmem>>
      %dma_wait3A_722 = arith.constant 0 : i32
      %dma_wait3A_723 = tpu.memref_slice %arg6[%dma_wait3A_718, %dma_wait3A_722] : memref<16x128xi32, #tpu.memory_space<vmem>> -> memref<1x128xi32, #tpu.memory_space<vmem>>
      %dma_wait3A_724 = tpu.memref_squeeze %dma_wait3A_723 : memref<1x128xi32, #tpu.memory_space<vmem>> -> memref<128xi32, #tpu.memory_space<vmem>>
      %dma_wait3A_725 = arith.constant 0 : i32
      %dma_wait3A_726 = arith.constant 0 : i32
      %dma_wait3A_727 = tpu.memref_slice %arg4[%dma_wait3A_725, %dma_wait3A_726] : memref<1007616x16xf32, #tpu.memory_space<hbm>> -> memref<1007616x16xf32, #tpu.memory_space<hbm>>
      tpu.wait_indirect_dma semaphore(%arg13 : memref<!tpu.dma_semaphore, #tpu.memory_space<semaphore_mem>>) src(%dma_wait3A_727 : memref<1007616x16xf32, #tpu.memory_space<hbm>>) dst(%dma_wait3A_721 : memref<128x16xf32, #tpu.memory_space<vmem>>)
      %dma_wait3A_728 = arith.constant 1 : i32
      %dma_wait3A_729 = arith.constant 328 : i32
      %dma_wait3A_730 = arith.constant 0 : i32
      %dma_wait3A_731 = tpu.memref_slice %arg10[%dma_wait3A_729, %dma_wait3A_730] : memref<3200x16xf32, #tpu.memory_space<vmem>> -> memref<72x16xf32, #tpu.memory_space<vmem>>
      %dma_wait3A_732 = arith.constant 0 : i32
      %dma_wait3A_733 = tpu.memref_slice %arg7[%dma_wait3A_728, %dma_wait3A_732] : memref<16x128xi32, #tpu.memory_space<vmem>> -> memref<1x72xi32, #tpu.memory_space<vmem>>
      %dma_wait3A_734 = tpu.memref_squeeze %dma_wait3A_733 : memref<1x72xi32, #tpu.memory_space<vmem>> -> memref<72xi32, #tpu.memory_space<vmem>>
      %dma_wait3A_735 = arith.constant 0 : i32
      %dma_wait3A_736 = arith.constant 0 : i32
      %dma_wait3A_737 = tpu.memref_slice %arg4[%dma_wait3A_735, %dma_wait3A_736] : memref<1007616x16xf32, #tpu.memory_space<hbm>> -> memref<1007616x16xf32, #tpu.memory_space<hbm>>
      tpu.wait_indirect_dma semaphore(%arg13 : memref<!tpu.dma_semaphore, #tpu.memory_space<semaphore_mem>>) src(%dma_wait3A_737 : memref<1007616x16xf32, #tpu.memory_space<hbm>>) dst(%dma_wait3A_731 : memref<72x16xf32, #tpu.memory_space<vmem>>)
      %dma_wait3A_738 = arith.constant 2 : i32
      %dma_wait3A_739 = arith.constant 400 : i32
      %dma_wait3A_740 = arith.constant 0 : i32
      %dma_wait3A_741 = tpu.memref_slice %arg10[%dma_wait3A_739, %dma_wait3A_740] : memref<3200x16xf32, #tpu.memory_space<vmem>> -> memref<128x16xf32, #tpu.memory_space<vmem>>
      %dma_wait3A_742 = arith.constant 0 : i32
      %dma_wait3A_743 = tpu.memref_slice %arg6[%dma_wait3A_738, %dma_wait3A_742] : memref<16x128xi32, #tpu.memory_space<vmem>> -> memref<1x128xi32, #tpu.memory_space<vmem>>
      %dma_wait3A_744 = tpu.memref_squeeze %dma_wait3A_743 : memref<1x128xi32, #tpu.memory_space<vmem>> -> memref<128xi32, #tpu.memory_space<vmem>>
      %dma_wait3A_745 = arith.constant 0 : i32
      %dma_wait3A_746 = arith.constant 0 : i32
      %dma_wait3A_747 = tpu.memref_slice %arg4[%dma_wait3A_745, %dma_wait3A_746] : memref<1007616x16xf32, #tpu.memory_space<hbm>> -> memref<1007616x16xf32, #tpu.memory_space<hbm>>
      tpu.wait_indirect_dma semaphore(%arg13 : memref<!tpu.dma_semaphore, #tpu.memory_space<semaphore_mem>>) src(%dma_wait3A_747 : memref<1007616x16xf32, #tpu.memory_space<hbm>>) dst(%dma_wait3A_741 : memref<128x16xf32, #tpu.memory_space<vmem>>)
      %dma_wait3A_748 = arith.constant 2 : i32
      %dma_wait3A_749 = arith.constant 528 : i32
      %dma_wait3A_750 = arith.constant 0 : i32
      %dma_wait3A_751 = tpu.memref_slice %arg10[%dma_wait3A_749, %dma_wait3A_750] : memref<3200x16xf32, #tpu.memory_space<vmem>> -> memref<72x16xf32, #tpu.memory_space<vmem>>
      %dma_wait3A_752 = arith.constant 0 : i32
      %dma_wait3A_753 = tpu.memref_slice %arg7[%dma_wait3A_748, %dma_wait3A_752] : memref<16x128xi32, #tpu.memory_space<vmem>> -> memref<1x72xi32, #tpu.memory_space<vmem>>
      %dma_wait3A_754 = tpu.memref_squeeze %dma_wait3A_753 : memref<1x72xi32, #tpu.memory_space<vmem>> -> memref<72xi32, #tpu.memory_space<vmem>>
      %dma_wait3A_755 = arith.constant 0 : i32
      %dma_wait3A_756 = arith.constant 0 : i32
      %dma_wait3A_757 = tpu.memref_slice %arg4[%dma_wait3A_755, %dma_wait3A_756] : memref<1007616x16xf32, #tpu.memory_space<hbm>> -> memref<1007616x16xf32, #tpu.memory_space<hbm>>
      tpu.wait_indirect_dma semaphore(%arg13 : memref<!tpu.dma_semaphore, #tpu.memory_space<semaphore_mem>>) src(%dma_wait3A_757 : memref<1007616x16xf32, #tpu.memory_space<hbm>>) dst(%dma_wait3A_751 : memref<72x16xf32, #tpu.memory_space<vmem>>)
      %dma_wait3A_758 = arith.constant 3 : i32
      %dma_wait3A_759 = arith.constant 600 : i32
      %dma_wait3A_760 = arith.constant 0 : i32
      %dma_wait3A_761 = tpu.memref_slice %arg10[%dma_wait3A_759, %dma_wait3A_760] : memref<3200x16xf32, #tpu.memory_space<vmem>> -> memref<128x16xf32, #tpu.memory_space<vmem>>
      %dma_wait3A_762 = arith.constant 0 : i32
      %dma_wait3A_763 = tpu.memref_slice %arg6[%dma_wait3A_758, %dma_wait3A_762] : memref<16x128xi32, #tpu.memory_space<vmem>> -> memref<1x128xi32, #tpu.memory_space<vmem>>
      %dma_wait3A_764 = tpu.memref_squeeze %dma_wait3A_763 : memref<1x128xi32, #tpu.memory_space<vmem>> -> memref<128xi32, #tpu.memory_space<vmem>>
      %dma_wait3A_765 = arith.constant 0 : i32
      %dma_wait3A_766 = arith.constant 0 : i32
      %dma_wait3A_767 = tpu.memref_slice %arg4[%dma_wait3A_765, %dma_wait3A_766] : memref<1007616x16xf32, #tpu.memory_space<hbm>> -> memref<1007616x16xf32, #tpu.memory_space<hbm>>
      tpu.wait_indirect_dma semaphore(%arg13 : memref<!tpu.dma_semaphore, #tpu.memory_space<semaphore_mem>>) src(%dma_wait3A_767 : memref<1007616x16xf32, #tpu.memory_space<hbm>>) dst(%dma_wait3A_761 : memref<128x16xf32, #tpu.memory_space<vmem>>)
      %dma_wait3A_768 = arith.constant 3 : i32
      %dma_wait3A_769 = arith.constant 728 : i32
      %dma_wait3A_770 = arith.constant 0 : i32
      %dma_wait3A_771 = tpu.memref_slice %arg10[%dma_wait3A_769, %dma_wait3A_770] : memref<3200x16xf32, #tpu.memory_space<vmem>> -> memref<72x16xf32, #tpu.memory_space<vmem>>
      %dma_wait3A_772 = arith.constant 0 : i32
      %dma_wait3A_773 = tpu.memref_slice %arg7[%dma_wait3A_768, %dma_wait3A_772] : memref<16x128xi32, #tpu.memory_space<vmem>> -> memref<1x72xi32, #tpu.memory_space<vmem>>
      %dma_wait3A_774 = tpu.memref_squeeze %dma_wait3A_773 : memref<1x72xi32, #tpu.memory_space<vmem>> -> memref<72xi32, #tpu.memory_space<vmem>>
      %dma_wait3A_775 = arith.constant 0 : i32
      %dma_wait3A_776 = arith.constant 0 : i32
      %dma_wait3A_777 = tpu.memref_slice %arg4[%dma_wait3A_775, %dma_wait3A_776] : memref<1007616x16xf32, #tpu.memory_space<hbm>> -> memref<1007616x16xf32, #tpu.memory_space<hbm>>
      tpu.wait_indirect_dma semaphore(%arg13 : memref<!tpu.dma_semaphore, #tpu.memory_space<semaphore_mem>>) src(%dma_wait3A_777 : memref<1007616x16xf32, #tpu.memory_space<hbm>>) dst(%dma_wait3A_771 : memref<72x16xf32, #tpu.memory_space<vmem>>)
      %dma_wait3A_778 = arith.constant 4 : i32
      %dma_wait3A_779 = arith.constant 800 : i32
      %dma_wait3A_780 = arith.constant 0 : i32
      %dma_wait3A_781 = tpu.memref_slice %arg10[%dma_wait3A_779, %dma_wait3A_780] : memref<3200x16xf32, #tpu.memory_space<vmem>> -> memref<128x16xf32, #tpu.memory_space<vmem>>
      %dma_wait3A_782 = arith.constant 0 : i32
      %dma_wait3A_783 = tpu.memref_slice %arg6[%dma_wait3A_778, %dma_wait3A_782] : memref<16x128xi32, #tpu.memory_space<vmem>> -> memref<1x128xi32, #tpu.memory_space<vmem>>
      %dma_wait3A_784 = tpu.memref_squeeze %dma_wait3A_783 : memref<1x128xi32, #tpu.memory_space<vmem>> -> memref<128xi32, #tpu.memory_space<vmem>>
      %dma_wait3A_785 = arith.constant 0 : i32
      %dma_wait3A_786 = arith.constant 0 : i32
      %dma_wait3A_787 = tpu.memref_slice %arg4[%dma_wait3A_785, %dma_wait3A_786] : memref<1007616x16xf32, #tpu.memory_space<hbm>> -> memref<1007616x16xf32, #tpu.memory_space<hbm>>
      tpu.wait_indirect_dma semaphore(%arg13 : memref<!tpu.dma_semaphore, #tpu.memory_space<semaphore_mem>>) src(%dma_wait3A_787 : memref<1007616x16xf32, #tpu.memory_space<hbm>>) dst(%dma_wait3A_781 : memref<128x16xf32, #tpu.memory_space<vmem>>)
      %dma_wait3A_788 = arith.constant 4 : i32
      %dma_wait3A_789 = arith.constant 928 : i32
      %dma_wait3A_790 = arith.constant 0 : i32
      %dma_wait3A_791 = tpu.memref_slice %arg10[%dma_wait3A_789, %dma_wait3A_790] : memref<3200x16xf32, #tpu.memory_space<vmem>> -> memref<72x16xf32, #tpu.memory_space<vmem>>
      %dma_wait3A_792 = arith.constant 0 : i32
      %dma_wait3A_793 = tpu.memref_slice %arg7[%dma_wait3A_788, %dma_wait3A_792] : memref<16x128xi32, #tpu.memory_space<vmem>> -> memref<1x72xi32, #tpu.memory_space<vmem>>
      %dma_wait3A_794 = tpu.memref_squeeze %dma_wait3A_793 : memref<1x72xi32, #tpu.memory_space<vmem>> -> memref<72xi32, #tpu.memory_space<vmem>>
      %dma_wait3A_795 = arith.constant 0 : i32
      %dma_wait3A_796 = arith.constant 0 : i32
      %dma_wait3A_797 = tpu.memref_slice %arg4[%dma_wait3A_795, %dma_wait3A_796] : memref<1007616x16xf32, #tpu.memory_space<hbm>> -> memref<1007616x16xf32, #tpu.memory_space<hbm>>
      tpu.wait_indirect_dma semaphore(%arg13 : memref<!tpu.dma_semaphore, #tpu.memory_space<semaphore_mem>>) src(%dma_wait3A_797 : memref<1007616x16xf32, #tpu.memory_space<hbm>>) dst(%dma_wait3A_791 : memref<72x16xf32, #tpu.memory_space<vmem>>)
      %dma_wait3A_798 = arith.constant 5 : i32
      %dma_wait3A_799 = arith.constant 1000 : i32
      %dma_wait3A_800 = arith.constant 0 : i32
      %dma_wait3A_801 = tpu.memref_slice %arg10[%dma_wait3A_799, %dma_wait3A_800] : memref<3200x16xf32, #tpu.memory_space<vmem>> -> memref<128x16xf32, #tpu.memory_space<vmem>>
      %dma_wait3A_802 = arith.constant 0 : i32
      %dma_wait3A_803 = tpu.memref_slice %arg6[%dma_wait3A_798, %dma_wait3A_802] : memref<16x128xi32, #tpu.memory_space<vmem>> -> memref<1x128xi32, #tpu.memory_space<vmem>>
      %dma_wait3A_804 = tpu.memref_squeeze %dma_wait3A_803 : memref<1x128xi32, #tpu.memory_space<vmem>> -> memref<128xi32, #tpu.memory_space<vmem>>
      %dma_wait3A_805 = arith.constant 0 : i32
      %dma_wait3A_806 = arith.constant 0 : i32
      %dma_wait3A_807 = tpu.memref_slice %arg4[%dma_wait3A_805, %dma_wait3A_806] : memref<1007616x16xf32, #tpu.memory_space<hbm>> -> memref<1007616x16xf32, #tpu.memory_space<hbm>>
      tpu.wait_indirect_dma semaphore(%arg13 : memref<!tpu.dma_semaphore, #tpu.memory_space<semaphore_mem>>) src(%dma_wait3A_807 : memref<1007616x16xf32, #tpu.memory_space<hbm>>) dst(%dma_wait3A_801 : memref<128x16xf32, #tpu.memory_space<vmem>>)
      %dma_wait3A_808 = arith.constant 5 : i32
      %dma_wait3A_809 = arith.constant 1128 : i32
      %dma_wait3A_810 = arith.constant 0 : i32
      %dma_wait3A_811 = tpu.memref_slice %arg10[%dma_wait3A_809, %dma_wait3A_810] : memref<3200x16xf32, #tpu.memory_space<vmem>> -> memref<72x16xf32, #tpu.memory_space<vmem>>
      %dma_wait3A_812 = arith.constant 0 : i32
      %dma_wait3A_813 = tpu.memref_slice %arg7[%dma_wait3A_808, %dma_wait3A_812] : memref<16x128xi32, #tpu.memory_space<vmem>> -> memref<1x72xi32, #tpu.memory_space<vmem>>
      %dma_wait3A_814 = tpu.memref_squeeze %dma_wait3A_813 : memref<1x72xi32, #tpu.memory_space<vmem>> -> memref<72xi32, #tpu.memory_space<vmem>>
      %dma_wait3A_815 = arith.constant 0 : i32
      %dma_wait3A_816 = arith.constant 0 : i32
      %dma_wait3A_817 = tpu.memref_slice %arg4[%dma_wait3A_815, %dma_wait3A_816] : memref<1007616x16xf32, #tpu.memory_space<hbm>> -> memref<1007616x16xf32, #tpu.memory_space<hbm>>
      tpu.wait_indirect_dma semaphore(%arg13 : memref<!tpu.dma_semaphore, #tpu.memory_space<semaphore_mem>>) src(%dma_wait3A_817 : memref<1007616x16xf32, #tpu.memory_space<hbm>>) dst(%dma_wait3A_811 : memref<72x16xf32, #tpu.memory_space<vmem>>)
      %dma_wait3A_818 = arith.constant 6 : i32
      %dma_wait3A_819 = arith.constant 1200 : i32
      %dma_wait3A_820 = arith.constant 0 : i32
      %dma_wait3A_821 = tpu.memref_slice %arg10[%dma_wait3A_819, %dma_wait3A_820] : memref<3200x16xf32, #tpu.memory_space<vmem>> -> memref<128x16xf32, #tpu.memory_space<vmem>>
      %dma_wait3A_822 = arith.constant 0 : i32
      %dma_wait3A_823 = tpu.memref_slice %arg6[%dma_wait3A_818, %dma_wait3A_822] : memref<16x128xi32, #tpu.memory_space<vmem>> -> memref<1x128xi32, #tpu.memory_space<vmem>>
      %dma_wait3A_824 = tpu.memref_squeeze %dma_wait3A_823 : memref<1x128xi32, #tpu.memory_space<vmem>> -> memref<128xi32, #tpu.memory_space<vmem>>
      %dma_wait3A_825 = arith.constant 0 : i32
      %dma_wait3A_826 = arith.constant 0 : i32
      %dma_wait3A_827 = tpu.memref_slice %arg4[%dma_wait3A_825, %dma_wait3A_826] : memref<1007616x16xf32, #tpu.memory_space<hbm>> -> memref<1007616x16xf32, #tpu.memory_space<hbm>>
      tpu.wait_indirect_dma semaphore(%arg13 : memref<!tpu.dma_semaphore, #tpu.memory_space<semaphore_mem>>) src(%dma_wait3A_827 : memref<1007616x16xf32, #tpu.memory_space<hbm>>) dst(%dma_wait3A_821 : memref<128x16xf32, #tpu.memory_space<vmem>>)
      %dma_wait3A_828 = arith.constant 6 : i32
      %dma_wait3A_829 = arith.constant 1328 : i32
      %dma_wait3A_830 = arith.constant 0 : i32
      %dma_wait3A_831 = tpu.memref_slice %arg10[%dma_wait3A_829, %dma_wait3A_830] : memref<3200x16xf32, #tpu.memory_space<vmem>> -> memref<72x16xf32, #tpu.memory_space<vmem>>
      %dma_wait3A_832 = arith.constant 0 : i32
      %dma_wait3A_833 = tpu.memref_slice %arg7[%dma_wait3A_828, %dma_wait3A_832] : memref<16x128xi32, #tpu.memory_space<vmem>> -> memref<1x72xi32, #tpu.memory_space<vmem>>
      %dma_wait3A_834 = tpu.memref_squeeze %dma_wait3A_833 : memref<1x72xi32, #tpu.memory_space<vmem>> -> memref<72xi32, #tpu.memory_space<vmem>>
      %dma_wait3A_835 = arith.constant 0 : i32
      %dma_wait3A_836 = arith.constant 0 : i32
      %dma_wait3A_837 = tpu.memref_slice %arg4[%dma_wait3A_835, %dma_wait3A_836] : memref<1007616x16xf32, #tpu.memory_space<hbm>> -> memref<1007616x16xf32, #tpu.memory_space<hbm>>
      tpu.wait_indirect_dma semaphore(%arg13 : memref<!tpu.dma_semaphore, #tpu.memory_space<semaphore_mem>>) src(%dma_wait3A_837 : memref<1007616x16xf32, #tpu.memory_space<hbm>>) dst(%dma_wait3A_831 : memref<72x16xf32, #tpu.memory_space<vmem>>)
      %dma_wait3A_838 = arith.constant 7 : i32
      %dma_wait3A_839 = arith.constant 1400 : i32
      %dma_wait3A_840 = arith.constant 0 : i32
      %dma_wait3A_841 = tpu.memref_slice %arg10[%dma_wait3A_839, %dma_wait3A_840] : memref<3200x16xf32, #tpu.memory_space<vmem>> -> memref<128x16xf32, #tpu.memory_space<vmem>>
      %dma_wait3A_842 = arith.constant 0 : i32
      %dma_wait3A_843 = tpu.memref_slice %arg6[%dma_wait3A_838, %dma_wait3A_842] : memref<16x128xi32, #tpu.memory_space<vmem>> -> memref<1x128xi32, #tpu.memory_space<vmem>>
      %dma_wait3A_844 = tpu.memref_squeeze %dma_wait3A_843 : memref<1x128xi32, #tpu.memory_space<vmem>> -> memref<128xi32, #tpu.memory_space<vmem>>
      %dma_wait3A_845 = arith.constant 0 : i32
      %dma_wait3A_846 = arith.constant 0 : i32
      %dma_wait3A_847 = tpu.memref_slice %arg4[%dma_wait3A_845, %dma_wait3A_846] : memref<1007616x16xf32, #tpu.memory_space<hbm>> -> memref<1007616x16xf32, #tpu.memory_space<hbm>>
      tpu.wait_indirect_dma semaphore(%arg13 : memref<!tpu.dma_semaphore, #tpu.memory_space<semaphore_mem>>) src(%dma_wait3A_847 : memref<1007616x16xf32, #tpu.memory_space<hbm>>) dst(%dma_wait3A_841 : memref<128x16xf32, #tpu.memory_space<vmem>>)
      %dma_wait3A_848 = arith.constant 7 : i32
      %dma_wait3A_849 = arith.constant 1528 : i32
      %dma_wait3A_850 = arith.constant 0 : i32
      %dma_wait3A_851 = tpu.memref_slice %arg10[%dma_wait3A_849, %dma_wait3A_850] : memref<3200x16xf32, #tpu.memory_space<vmem>> -> memref<72x16xf32, #tpu.memory_space<vmem>>
      %dma_wait3A_852 = arith.constant 0 : i32
      %dma_wait3A_853 = tpu.memref_slice %arg7[%dma_wait3A_848, %dma_wait3A_852] : memref<16x128xi32, #tpu.memory_space<vmem>> -> memref<1x72xi32, #tpu.memory_space<vmem>>
      %dma_wait3A_854 = tpu.memref_squeeze %dma_wait3A_853 : memref<1x72xi32, #tpu.memory_space<vmem>> -> memref<72xi32, #tpu.memory_space<vmem>>
      %dma_wait3A_855 = arith.constant 0 : i32
      %dma_wait3A_856 = arith.constant 0 : i32
      %dma_wait3A_857 = tpu.memref_slice %arg4[%dma_wait3A_855, %dma_wait3A_856] : memref<1007616x16xf32, #tpu.memory_space<hbm>> -> memref<1007616x16xf32, #tpu.memory_space<hbm>>
      tpu.wait_indirect_dma semaphore(%arg13 : memref<!tpu.dma_semaphore, #tpu.memory_space<semaphore_mem>>) src(%dma_wait3A_857 : memref<1007616x16xf32, #tpu.memory_space<hbm>>) dst(%dma_wait3A_851 : memref<72x16xf32, #tpu.memory_space<vmem>>)
      %dma_wait3A_858 = arith.constant 8 : i32
      %dma_wait3A_859 = arith.constant 1600 : i32
      %dma_wait3A_860 = arith.constant 0 : i32
      %dma_wait3A_861 = tpu.memref_slice %arg10[%dma_wait3A_859, %dma_wait3A_860] : memref<3200x16xf32, #tpu.memory_space<vmem>> -> memref<128x16xf32, #tpu.memory_space<vmem>>
      %dma_wait3A_862 = arith.constant 0 : i32
      %dma_wait3A_863 = tpu.memref_slice %arg6[%dma_wait3A_858, %dma_wait3A_862] : memref<16x128xi32, #tpu.memory_space<vmem>> -> memref<1x128xi32, #tpu.memory_space<vmem>>
      %dma_wait3A_864 = tpu.memref_squeeze %dma_wait3A_863 : memref<1x128xi32, #tpu.memory_space<vmem>> -> memref<128xi32, #tpu.memory_space<vmem>>
      %dma_wait3A_865 = arith.constant 0 : i32
      %dma_wait3A_866 = arith.constant 0 : i32
      %dma_wait3A_867 = tpu.memref_slice %arg4[%dma_wait3A_865, %dma_wait3A_866] : memref<1007616x16xf32, #tpu.memory_space<hbm>> -> memref<1007616x16xf32, #tpu.memory_space<hbm>>
      tpu.wait_indirect_dma semaphore(%arg13 : memref<!tpu.dma_semaphore, #tpu.memory_space<semaphore_mem>>) src(%dma_wait3A_867 : memref<1007616x16xf32, #tpu.memory_space<hbm>>) dst(%dma_wait3A_861 : memref<128x16xf32, #tpu.memory_space<vmem>>)
      %dma_wait3A_868 = arith.constant 8 : i32
      %dma_wait3A_869 = arith.constant 1728 : i32
      %dma_wait3A_870 = arith.constant 0 : i32
      %dma_wait3A_871 = tpu.memref_slice %arg10[%dma_wait3A_869, %dma_wait3A_870] : memref<3200x16xf32, #tpu.memory_space<vmem>> -> memref<72x16xf32, #tpu.memory_space<vmem>>
      %dma_wait3A_872 = arith.constant 0 : i32
      %dma_wait3A_873 = tpu.memref_slice %arg7[%dma_wait3A_868, %dma_wait3A_872] : memref<16x128xi32, #tpu.memory_space<vmem>> -> memref<1x72xi32, #tpu.memory_space<vmem>>
      %dma_wait3A_874 = tpu.memref_squeeze %dma_wait3A_873 : memref<1x72xi32, #tpu.memory_space<vmem>> -> memref<72xi32, #tpu.memory_space<vmem>>
      %dma_wait3A_875 = arith.constant 0 : i32
      %dma_wait3A_876 = arith.constant 0 : i32
      %dma_wait3A_877 = tpu.memref_slice %arg4[%dma_wait3A_875, %dma_wait3A_876] : memref<1007616x16xf32, #tpu.memory_space<hbm>> -> memref<1007616x16xf32, #tpu.memory_space<hbm>>
      tpu.wait_indirect_dma semaphore(%arg13 : memref<!tpu.dma_semaphore, #tpu.memory_space<semaphore_mem>>) src(%dma_wait3A_877 : memref<1007616x16xf32, #tpu.memory_space<hbm>>) dst(%dma_wait3A_871 : memref<72x16xf32, #tpu.memory_space<vmem>>)
      %dma_wait3A_878 = arith.constant 9 : i32
      %dma_wait3A_879 = arith.constant 1800 : i32
      %dma_wait3A_880 = arith.constant 0 : i32
      %dma_wait3A_881 = tpu.memref_slice %arg10[%dma_wait3A_879, %dma_wait3A_880] : memref<3200x16xf32, #tpu.memory_space<vmem>> -> memref<128x16xf32, #tpu.memory_space<vmem>>
      %dma_wait3A_882 = arith.constant 0 : i32
      %dma_wait3A_883 = tpu.memref_slice %arg6[%dma_wait3A_878, %dma_wait3A_882] : memref<16x128xi32, #tpu.memory_space<vmem>> -> memref<1x128xi32, #tpu.memory_space<vmem>>
      %dma_wait3A_884 = tpu.memref_squeeze %dma_wait3A_883 : memref<1x128xi32, #tpu.memory_space<vmem>> -> memref<128xi32, #tpu.memory_space<vmem>>
      %dma_wait3A_885 = arith.constant 0 : i32
      %dma_wait3A_886 = arith.constant 0 : i32
      %dma_wait3A_887 = tpu.memref_slice %arg4[%dma_wait3A_885, %dma_wait3A_886] : memref<1007616x16xf32, #tpu.memory_space<hbm>> -> memref<1007616x16xf32, #tpu.memory_space<hbm>>
      tpu.wait_indirect_dma semaphore(%arg13 : memref<!tpu.dma_semaphore, #tpu.memory_space<semaphore_mem>>) src(%dma_wait3A_887 : memref<1007616x16xf32, #tpu.memory_space<hbm>>) dst(%dma_wait3A_881 : memref<128x16xf32, #tpu.memory_space<vmem>>)
      %dma_wait3A_888 = arith.constant 9 : i32
      %dma_wait3A_889 = arith.constant 1928 : i32
      %dma_wait3A_890 = arith.constant 0 : i32
      %dma_wait3A_891 = tpu.memref_slice %arg10[%dma_wait3A_889, %dma_wait3A_890] : memref<3200x16xf32, #tpu.memory_space<vmem>> -> memref<72x16xf32, #tpu.memory_space<vmem>>
      %dma_wait3A_892 = arith.constant 0 : i32
      %dma_wait3A_893 = tpu.memref_slice %arg7[%dma_wait3A_888, %dma_wait3A_892] : memref<16x128xi32, #tpu.memory_space<vmem>> -> memref<1x72xi32, #tpu.memory_space<vmem>>
      %dma_wait3A_894 = tpu.memref_squeeze %dma_wait3A_893 : memref<1x72xi32, #tpu.memory_space<vmem>> -> memref<72xi32, #tpu.memory_space<vmem>>
      %dma_wait3A_895 = arith.constant 0 : i32
      %dma_wait3A_896 = arith.constant 0 : i32
      %dma_wait3A_897 = tpu.memref_slice %arg4[%dma_wait3A_895, %dma_wait3A_896] : memref<1007616x16xf32, #tpu.memory_space<hbm>> -> memref<1007616x16xf32, #tpu.memory_space<hbm>>
      tpu.wait_indirect_dma semaphore(%arg13 : memref<!tpu.dma_semaphore, #tpu.memory_space<semaphore_mem>>) src(%dma_wait3A_897 : memref<1007616x16xf32, #tpu.memory_space<hbm>>) dst(%dma_wait3A_891 : memref<72x16xf32, #tpu.memory_space<vmem>>)
      %dma_wait3A_898 = arith.constant 10 : i32
      %dma_wait3A_899 = arith.constant 2000 : i32
      %dma_wait3A_900 = arith.constant 0 : i32
      %dma_wait3A_901 = tpu.memref_slice %arg10[%dma_wait3A_899, %dma_wait3A_900] : memref<3200x16xf32, #tpu.memory_space<vmem>> -> memref<128x16xf32, #tpu.memory_space<vmem>>
      %dma_wait3A_902 = arith.constant 0 : i32
      %dma_wait3A_903 = tpu.memref_slice %arg6[%dma_wait3A_898, %dma_wait3A_902] : memref<16x128xi32, #tpu.memory_space<vmem>> -> memref<1x128xi32, #tpu.memory_space<vmem>>
      %dma_wait3A_904 = tpu.memref_squeeze %dma_wait3A_903 : memref<1x128xi32, #tpu.memory_space<vmem>> -> memref<128xi32, #tpu.memory_space<vmem>>
      %dma_wait3A_905 = arith.constant 0 : i32
      %dma_wait3A_906 = arith.constant 0 : i32
      %dma_wait3A_907 = tpu.memref_slice %arg4[%dma_wait3A_905, %dma_wait3A_906] : memref<1007616x16xf32, #tpu.memory_space<hbm>> -> memref<1007616x16xf32, #tpu.memory_space<hbm>>
      tpu.wait_indirect_dma semaphore(%arg13 : memref<!tpu.dma_semaphore, #tpu.memory_space<semaphore_mem>>) src(%dma_wait3A_907 : memref<1007616x16xf32, #tpu.memory_space<hbm>>) dst(%dma_wait3A_901 : memref<128x16xf32, #tpu.memory_space<vmem>>)
      %dma_wait3A_908 = arith.constant 10 : i32
      %dma_wait3A_909 = arith.constant 2128 : i32
      %dma_wait3A_910 = arith.constant 0 : i32
      %dma_wait3A_911 = tpu.memref_slice %arg10[%dma_wait3A_909, %dma_wait3A_910] : memref<3200x16xf32, #tpu.memory_space<vmem>> -> memref<72x16xf32, #tpu.memory_space<vmem>>
      %dma_wait3A_912 = arith.constant 0 : i32
      %dma_wait3A_913 = tpu.memref_slice %arg7[%dma_wait3A_908, %dma_wait3A_912] : memref<16x128xi32, #tpu.memory_space<vmem>> -> memref<1x72xi32, #tpu.memory_space<vmem>>
      %dma_wait3A_914 = tpu.memref_squeeze %dma_wait3A_913 : memref<1x72xi32, #tpu.memory_space<vmem>> -> memref<72xi32, #tpu.memory_space<vmem>>
      %dma_wait3A_915 = arith.constant 0 : i32
      %dma_wait3A_916 = arith.constant 0 : i32
      %dma_wait3A_917 = tpu.memref_slice %arg4[%dma_wait3A_915, %dma_wait3A_916] : memref<1007616x16xf32, #tpu.memory_space<hbm>> -> memref<1007616x16xf32, #tpu.memory_space<hbm>>
      tpu.wait_indirect_dma semaphore(%arg13 : memref<!tpu.dma_semaphore, #tpu.memory_space<semaphore_mem>>) src(%dma_wait3A_917 : memref<1007616x16xf32, #tpu.memory_space<hbm>>) dst(%dma_wait3A_911 : memref<72x16xf32, #tpu.memory_space<vmem>>)
      %dma_wait3A_918 = arith.constant 11 : i32
      %dma_wait3A_919 = arith.constant 2200 : i32
      %dma_wait3A_920 = arith.constant 0 : i32
      %dma_wait3A_921 = tpu.memref_slice %arg10[%dma_wait3A_919, %dma_wait3A_920] : memref<3200x16xf32, #tpu.memory_space<vmem>> -> memref<128x16xf32, #tpu.memory_space<vmem>>
      %dma_wait3A_922 = arith.constant 0 : i32
      %dma_wait3A_923 = tpu.memref_slice %arg6[%dma_wait3A_918, %dma_wait3A_922] : memref<16x128xi32, #tpu.memory_space<vmem>> -> memref<1x128xi32, #tpu.memory_space<vmem>>
      %dma_wait3A_924 = tpu.memref_squeeze %dma_wait3A_923 : memref<1x128xi32, #tpu.memory_space<vmem>> -> memref<128xi32, #tpu.memory_space<vmem>>
      %dma_wait3A_925 = arith.constant 0 : i32
      %dma_wait3A_926 = arith.constant 0 : i32
      %dma_wait3A_927 = tpu.memref_slice %arg4[%dma_wait3A_925, %dma_wait3A_926] : memref<1007616x16xf32, #tpu.memory_space<hbm>> -> memref<1007616x16xf32, #tpu.memory_space<hbm>>
      tpu.wait_indirect_dma semaphore(%arg13 : memref<!tpu.dma_semaphore, #tpu.memory_space<semaphore_mem>>) src(%dma_wait3A_927 : memref<1007616x16xf32, #tpu.memory_space<hbm>>) dst(%dma_wait3A_921 : memref<128x16xf32, #tpu.memory_space<vmem>>)
      %dma_wait3A_928 = arith.constant 11 : i32
      %dma_wait3A_929 = arith.constant 2328 : i32
      %dma_wait3A_930 = arith.constant 0 : i32
      %dma_wait3A_931 = tpu.memref_slice %arg10[%dma_wait3A_929, %dma_wait3A_930] : memref<3200x16xf32, #tpu.memory_space<vmem>> -> memref<72x16xf32, #tpu.memory_space<vmem>>
      %dma_wait3A_932 = arith.constant 0 : i32
      %dma_wait3A_933 = tpu.memref_slice %arg7[%dma_wait3A_928, %dma_wait3A_932] : memref<16x128xi32, #tpu.memory_space<vmem>> -> memref<1x72xi32, #tpu.memory_space<vmem>>
      %dma_wait3A_934 = tpu.memref_squeeze %dma_wait3A_933 : memref<1x72xi32, #tpu.memory_space<vmem>> -> memref<72xi32, #tpu.memory_space<vmem>>
      %dma_wait3A_935 = arith.constant 0 : i32
      %dma_wait3A_936 = arith.constant 0 : i32
      %dma_wait3A_937 = tpu.memref_slice %arg4[%dma_wait3A_935, %dma_wait3A_936] : memref<1007616x16xf32, #tpu.memory_space<hbm>> -> memref<1007616x16xf32, #tpu.memory_space<hbm>>
      tpu.wait_indirect_dma semaphore(%arg13 : memref<!tpu.dma_semaphore, #tpu.memory_space<semaphore_mem>>) src(%dma_wait3A_937 : memref<1007616x16xf32, #tpu.memory_space<hbm>>) dst(%dma_wait3A_931 : memref<72x16xf32, #tpu.memory_space<vmem>>)
      %dma_wait3A_938 = arith.constant 12 : i32
      %dma_wait3A_939 = arith.constant 2400 : i32
      %dma_wait3A_940 = arith.constant 0 : i32
      %dma_wait3A_941 = tpu.memref_slice %arg10[%dma_wait3A_939, %dma_wait3A_940] : memref<3200x16xf32, #tpu.memory_space<vmem>> -> memref<128x16xf32, #tpu.memory_space<vmem>>
      %dma_wait3A_942 = arith.constant 0 : i32
      %dma_wait3A_943 = tpu.memref_slice %arg6[%dma_wait3A_938, %dma_wait3A_942] : memref<16x128xi32, #tpu.memory_space<vmem>> -> memref<1x128xi32, #tpu.memory_space<vmem>>
      %dma_wait3A_944 = tpu.memref_squeeze %dma_wait3A_943 : memref<1x128xi32, #tpu.memory_space<vmem>> -> memref<128xi32, #tpu.memory_space<vmem>>
      %dma_wait3A_945 = arith.constant 0 : i32
      %dma_wait3A_946 = arith.constant 0 : i32
      %dma_wait3A_947 = tpu.memref_slice %arg4[%dma_wait3A_945, %dma_wait3A_946] : memref<1007616x16xf32, #tpu.memory_space<hbm>> -> memref<1007616x16xf32, #tpu.memory_space<hbm>>
      tpu.wait_indirect_dma semaphore(%arg13 : memref<!tpu.dma_semaphore, #tpu.memory_space<semaphore_mem>>) src(%dma_wait3A_947 : memref<1007616x16xf32, #tpu.memory_space<hbm>>) dst(%dma_wait3A_941 : memref<128x16xf32, #tpu.memory_space<vmem>>)
      %dma_wait3A_948 = arith.constant 12 : i32
      %dma_wait3A_949 = arith.constant 2528 : i32
      %dma_wait3A_950 = arith.constant 0 : i32
      %dma_wait3A_951 = tpu.memref_slice %arg10[%dma_wait3A_949, %dma_wait3A_950] : memref<3200x16xf32, #tpu.memory_space<vmem>> -> memref<72x16xf32, #tpu.memory_space<vmem>>
      %dma_wait3A_952 = arith.constant 0 : i32
      %dma_wait3A_953 = tpu.memref_slice %arg7[%dma_wait3A_948, %dma_wait3A_952] : memref<16x128xi32, #tpu.memory_space<vmem>> -> memref<1x72xi32, #tpu.memory_space<vmem>>
      %dma_wait3A_954 = tpu.memref_squeeze %dma_wait3A_953 : memref<1x72xi32, #tpu.memory_space<vmem>> -> memref<72xi32, #tpu.memory_space<vmem>>
      %dma_wait3A_955 = arith.constant 0 : i32
      %dma_wait3A_956 = arith.constant 0 : i32
      %dma_wait3A_957 = tpu.memref_slice %arg4[%dma_wait3A_955, %dma_wait3A_956] : memref<1007616x16xf32, #tpu.memory_space<hbm>> -> memref<1007616x16xf32, #tpu.memory_space<hbm>>
      tpu.wait_indirect_dma semaphore(%arg13 : memref<!tpu.dma_semaphore, #tpu.memory_space<semaphore_mem>>) src(%dma_wait3A_957 : memref<1007616x16xf32, #tpu.memory_space<hbm>>) dst(%dma_wait3A_951 : memref<72x16xf32, #tpu.memory_space<vmem>>)
      %dma_wait3A_958 = arith.constant 13 : i32
      %dma_wait3A_959 = arith.constant 2600 : i32
      %dma_wait3A_960 = arith.constant 0 : i32
      %dma_wait3A_961 = tpu.memref_slice %arg10[%dma_wait3A_959, %dma_wait3A_960] : memref<3200x16xf32, #tpu.memory_space<vmem>> -> memref<128x16xf32, #tpu.memory_space<vmem>>
      %dma_wait3A_962 = arith.constant 0 : i32
      %dma_wait3A_963 = tpu.memref_slice %arg6[%dma_wait3A_958, %dma_wait3A_962] : memref<16x128xi32, #tpu.memory_space<vmem>> -> memref<1x128xi32, #tpu.memory_space<vmem>>
      %dma_wait3A_964 = tpu.memref_squeeze %dma_wait3A_963 : memref<1x128xi32, #tpu.memory_space<vmem>> -> memref<128xi32, #tpu.memory_space<vmem>>
      %dma_wait3A_965 = arith.constant 0 : i32
      %dma_wait3A_966 = arith.constant 0 : i32
      %dma_wait3A_967 = tpu.memref_slice %arg4[%dma_wait3A_965, %dma_wait3A_966] : memref<1007616x16xf32, #tpu.memory_space<hbm>> -> memref<1007616x16xf32, #tpu.memory_space<hbm>>
      tpu.wait_indirect_dma semaphore(%arg13 : memref<!tpu.dma_semaphore, #tpu.memory_space<semaphore_mem>>) src(%dma_wait3A_967 : memref<1007616x16xf32, #tpu.memory_space<hbm>>) dst(%dma_wait3A_961 : memref<128x16xf32, #tpu.memory_space<vmem>>)
      %dma_wait3A_968 = arith.constant 13 : i32
      %dma_wait3A_969 = arith.constant 2728 : i32
      %dma_wait3A_970 = arith.constant 0 : i32
      %dma_wait3A_971 = tpu.memref_slice %arg10[%dma_wait3A_969, %dma_wait3A_970] : memref<3200x16xf32, #tpu.memory_space<vmem>> -> memref<72x16xf32, #tpu.memory_space<vmem>>
      %dma_wait3A_972 = arith.constant 0 : i32
      %dma_wait3A_973 = tpu.memref_slice %arg7[%dma_wait3A_968, %dma_wait3A_972] : memref<16x128xi32, #tpu.memory_space<vmem>> -> memref<1x72xi32, #tpu.memory_space<vmem>>
      %dma_wait3A_974 = tpu.memref_squeeze %dma_wait3A_973 : memref<1x72xi32, #tpu.memory_space<vmem>> -> memref<72xi32, #tpu.memory_space<vmem>>
      %dma_wait3A_975 = arith.constant 0 : i32
      %dma_wait3A_976 = arith.constant 0 : i32
      %dma_wait3A_977 = tpu.memref_slice %arg4[%dma_wait3A_975, %dma_wait3A_976] : memref<1007616x16xf32, #tpu.memory_space<hbm>> -> memref<1007616x16xf32, #tpu.memory_space<hbm>>
      tpu.wait_indirect_dma semaphore(%arg13 : memref<!tpu.dma_semaphore, #tpu.memory_space<semaphore_mem>>) src(%dma_wait3A_977 : memref<1007616x16xf32, #tpu.memory_space<hbm>>) dst(%dma_wait3A_971 : memref<72x16xf32, #tpu.memory_space<vmem>>)
      %dma_wait3A_978 = arith.constant 14 : i32
      %dma_wait3A_979 = arith.constant 2800 : i32
      %dma_wait3A_980 = arith.constant 0 : i32
      %dma_wait3A_981 = tpu.memref_slice %arg10[%dma_wait3A_979, %dma_wait3A_980] : memref<3200x16xf32, #tpu.memory_space<vmem>> -> memref<128x16xf32, #tpu.memory_space<vmem>>
      %dma_wait3A_982 = arith.constant 0 : i32
      %dma_wait3A_983 = tpu.memref_slice %arg6[%dma_wait3A_978, %dma_wait3A_982] : memref<16x128xi32, #tpu.memory_space<vmem>> -> memref<1x128xi32, #tpu.memory_space<vmem>>
      %dma_wait3A_984 = tpu.memref_squeeze %dma_wait3A_983 : memref<1x128xi32, #tpu.memory_space<vmem>> -> memref<128xi32, #tpu.memory_space<vmem>>
      %dma_wait3A_985 = arith.constant 0 : i32
      %dma_wait3A_986 = arith.constant 0 : i32
      %dma_wait3A_987 = tpu.memref_slice %arg4[%dma_wait3A_985, %dma_wait3A_986] : memref<1007616x16xf32, #tpu.memory_space<hbm>> -> memref<1007616x16xf32, #tpu.memory_space<hbm>>
      tpu.wait_indirect_dma semaphore(%arg13 : memref<!tpu.dma_semaphore, #tpu.memory_space<semaphore_mem>>) src(%dma_wait3A_987 : memref<1007616x16xf32, #tpu.memory_space<hbm>>) dst(%dma_wait3A_981 : memref<128x16xf32, #tpu.memory_space<vmem>>)
      %dma_wait3A_988 = arith.constant 14 : i32
      %dma_wait3A_989 = arith.constant 2928 : i32
      %dma_wait3A_990 = arith.constant 0 : i32
      %dma_wait3A_991 = tpu.memref_slice %arg10[%dma_wait3A_989, %dma_wait3A_990] : memref<3200x16xf32, #tpu.memory_space<vmem>> -> memref<72x16xf32, #tpu.memory_space<vmem>>
      %dma_wait3A_992 = arith.constant 0 : i32
      %dma_wait3A_993 = tpu.memref_slice %arg7[%dma_wait3A_988, %dma_wait3A_992] : memref<16x128xi32, #tpu.memory_space<vmem>> -> memref<1x72xi32, #tpu.memory_space<vmem>>
      %dma_wait3A_994 = tpu.memref_squeeze %dma_wait3A_993 : memref<1x72xi32, #tpu.memory_space<vmem>> -> memref<72xi32, #tpu.memory_space<vmem>>
      %dma_wait3A_995 = arith.constant 0 : i32
      %dma_wait3A_996 = arith.constant 0 : i32
      %dma_wait3A_997 = tpu.memref_slice %arg4[%dma_wait3A_995, %dma_wait3A_996] : memref<1007616x16xf32, #tpu.memory_space<hbm>> -> memref<1007616x16xf32, #tpu.memory_space<hbm>>
      tpu.wait_indirect_dma semaphore(%arg13 : memref<!tpu.dma_semaphore, #tpu.memory_space<semaphore_mem>>) src(%dma_wait3A_997 : memref<1007616x16xf32, #tpu.memory_space<hbm>>) dst(%dma_wait3A_991 : memref<72x16xf32, #tpu.memory_space<vmem>>)
      %dma_wait3A_998 = arith.constant 15 : i32
      %dma_wait3A_999 = arith.constant 3000 : i32
      %dma_wait3A_1000 = arith.constant 0 : i32
      %dma_wait3A_1001 = tpu.memref_slice %arg10[%dma_wait3A_999, %dma_wait3A_1000] : memref<3200x16xf32, #tpu.memory_space<vmem>> -> memref<128x16xf32, #tpu.memory_space<vmem>>
      %dma_wait3A_1002 = arith.constant 0 : i32
      %dma_wait3A_1003 = tpu.memref_slice %arg6[%dma_wait3A_998, %dma_wait3A_1002] : memref<16x128xi32, #tpu.memory_space<vmem>> -> memref<1x128xi32, #tpu.memory_space<vmem>>
      %dma_wait3A_1004 = tpu.memref_squeeze %dma_wait3A_1003 : memref<1x128xi32, #tpu.memory_space<vmem>> -> memref<128xi32, #tpu.memory_space<vmem>>
      %dma_wait3A_1005 = arith.constant 0 : i32
      %dma_wait3A_1006 = arith.constant 0 : i32
      %dma_wait3A_1007 = tpu.memref_slice %arg4[%dma_wait3A_1005, %dma_wait3A_1006] : memref<1007616x16xf32, #tpu.memory_space<hbm>> -> memref<1007616x16xf32, #tpu.memory_space<hbm>>
      tpu.wait_indirect_dma semaphore(%arg13 : memref<!tpu.dma_semaphore, #tpu.memory_space<semaphore_mem>>) src(%dma_wait3A_1007 : memref<1007616x16xf32, #tpu.memory_space<hbm>>) dst(%dma_wait3A_1001 : memref<128x16xf32, #tpu.memory_space<vmem>>)
      %dma_wait3A_1008 = arith.constant 15 : i32
      %dma_wait3A_1009 = arith.constant 3128 : i32
      %dma_wait3A_1010 = arith.constant 0 : i32
      %dma_wait3A_1011 = tpu.memref_slice %arg10[%dma_wait3A_1009, %dma_wait3A_1010] : memref<3200x16xf32, #tpu.memory_space<vmem>> -> memref<72x16xf32, #tpu.memory_space<vmem>>
      %dma_wait3A_1012 = arith.constant 0 : i32
      %dma_wait3A_1013 = tpu.memref_slice %arg7[%dma_wait3A_1008, %dma_wait3A_1012] : memref<16x128xi32, #tpu.memory_space<vmem>> -> memref<1x72xi32, #tpu.memory_space<vmem>>
      %dma_wait3A_1014 = tpu.memref_squeeze %dma_wait3A_1013 : memref<1x72xi32, #tpu.memory_space<vmem>> -> memref<72xi32, #tpu.memory_space<vmem>>
      %dma_wait3A_1015 = arith.constant 0 : i32
      %dma_wait3A_1016 = arith.constant 0 : i32
      %dma_wait3A_1017 = tpu.memref_slice %arg4[%dma_wait3A_1015, %dma_wait3A_1016] : memref<1007616x16xf32, #tpu.memory_space<hbm>> -> memref<1007616x16xf32, #tpu.memory_space<hbm>>
      tpu.wait_indirect_dma semaphore(%arg13 : memref<!tpu.dma_semaphore, #tpu.memory_space<semaphore_mem>>) src(%dma_wait3A_1017 : memref<1007616x16xf32, #tpu.memory_space<hbm>>) dst(%dma_wait3A_1011 : memref<72x16xf32, #tpu.memory_space<vmem>>)
      %add3A_1018 = arith.constant 2 : i32
      %add3A_1019 = arith.addi %mul3A_362, %add3A_1018 : i32
      %lt3A = arith.constant 32 : i32
      %lt3A_1020 = arith.cmpi slt, %add3A_1019, %lt3A : i32
      %convert_element_type3A = arith.extui %lt3A_1020 : i1 to i32
      %cond3A = arith.constant 0 : i32
      %cond3A_1021 = arith.cmpi ne, %convert_element_type3A, %cond3A : i32
      scf.if %cond3A_1021 {
        %add3A_1572 = arith.constant 2 : i32
        %add3A_1573 = arith.addi %mul3A_362, %add3A_1572 : i32
        %mul3A_1574 = arith.constant 512 : i32
        %mul3A_1575 = arith.muli %add3A, %mul3A_1574 : i32
        %mul3A_1576 = arith.constant 16 : i32
        %mul3A_1577 = arith.muli %add3A_1573, %mul3A_1576 : i32
        %add3A_1578 = arith.addi %mul3A_1575, %mul3A_1577 : i32
        %dma_start3A_1579 = arith.constant 0 : i32
        %dma_start3A_1580 = tpu.memref_slice %arg2[%add3A_1578, %dma_start3A_1579] : memref<16384x128xi32, #tpu.memory_space<hbm>> -> memref<16x128xi32, #tpu.memory_space<hbm>>
        %dma_start3A_1581 = arith.constant 0 : i32
        %dma_start3A_1582 = tpu.memref_slice %arg2[%add3A_1578, %dma_start3A_1581] : memref<16384x128xi32, #tpu.memory_space<hbm>> -> memref<16x128xi32, #tpu.memory_space<hbm>>
        tpu.enqueue_dma source(%dma_start3A_1582 : memref<16x128xi32, #tpu.memory_space<hbm>>) target(%arg6 : memref<16x128xi32, #tpu.memory_space<vmem>>) target_semaphore(%arg15 : memref<!tpu.dma_semaphore, #tpu.memory_space<semaphore_mem>>)
        %dma_start3A_1583 = arith.constant 0 : i32
        %dma_start3A_1584 = tpu.memref_slice %arg3[%add3A_1578, %dma_start3A_1583] : memref<16384x128xi32, #tpu.memory_space<hbm>> -> memref<16x128xi32, #tpu.memory_space<hbm>>
        %dma_start3A_1585 = arith.constant 0 : i32
        %dma_start3A_1586 = tpu.memref_slice %arg3[%add3A_1578, %dma_start3A_1585] : memref<16384x128xi32, #tpu.memory_space<hbm>> -> memref<16x128xi32, #tpu.memory_space<hbm>>
        tpu.enqueue_dma source(%dma_start3A_1586 : memref<16x128xi32, #tpu.memory_space<hbm>>) target(%arg7 : memref<16x128xi32, #tpu.memory_space<vmem>>) target_semaphore(%arg15 : memref<!tpu.dma_semaphore, #tpu.memory_space<semaphore_mem>>)
      } else {
      }
      %broadcast_in_dim3A = arith.constant 0.000000e+00 : f32
      %broadcast_in_dim3A_1022 = vector.broadcast %broadcast_in_dim3A : f32 to vector<16xf32>
      %scan3A_1023 = arith.constant 0 : i32
      %scan3A_1024 = arith.constant 200 : i32
      %scan3A_1025 = arith.addi %scan3A_1023, %scan3A_1024 : i32
      %scan3A_1026 = arith.constant 1 : i32
      %scan3A_1027:16 = scf.for %scan3A_1572 = %scan3A_1023 to %scan3A_1025 step %scan3A_1026 iter_args(%scan3A_1573 = %broadcast_in_dim3A_1022, %scan3A_1574 = %broadcast_in_dim3A_1022, %scan3A_1575 = %broadcast_in_dim3A_1022, %scan3A_1576 = %broadcast_in_dim3A_1022, %scan3A_1577 = %broadcast_in_dim3A_1022, %scan3A_1578 = %broadcast_in_dim3A_1022, %scan3A_1579 = %broadcast_in_dim3A_1022, %scan3A_1580 = %broadcast_in_dim3A_1022, %scan3A_1581 = %broadcast_in_dim3A_1022, %scan3A_1582 = %broadcast_in_dim3A_1022, %scan3A_1583 = %broadcast_in_dim3A_1022, %scan3A_1584 = %broadcast_in_dim3A_1022, %scan3A_1585 = %broadcast_in_dim3A_1022, %scan3A_1586 = %broadcast_in_dim3A_1022, %scan3A_1587 = %broadcast_in_dim3A_1022, %scan3A_1588 = %broadcast_in_dim3A_1022) -> (vector<16xf32>, vector<16xf32>, vector<16xf32>, vector<16xf32>, vector<16xf32>, vector<16xf32>, vector<16xf32>, vector<16xf32>, vector<16xf32>, vector<16xf32>, vector<16xf32>, vector<16xf32>, vector<16xf32>, vector<16xf32>, vector<16xf32>, vector<16xf32>)  : i32 {
        %add3A_1589 = arith.constant 0 : i32
        %add3A_1590 = arith.addi %add3A_1589, %scan3A_1572 : i32
        %get3A = arith.index_cast %add3A_1590 : i32 to index
        %get3A_1591 = arith.constant 0 : index
        %get3A_1592 = tpu.vector_load %arg10[%get3A, %get3A_1591] {strides = array<i32>} : memref<3200x16xf32, #tpu.memory_space<vmem>>, vector<1x16xf32>,
        %get3A_1593 = vector.shape_cast %get3A_1592 : vector<1x16xf32> to vector<16xf32>
        %add3A_1594 = arith.addf %scan3A_1573, %get3A_1593 : vector<16xf32>
        %add3A_1595 = arith.constant 200 : i32
        %add3A_1596 = arith.addi %add3A_1595, %scan3A_1572 : i32
        %get3A_1597 = arith.index_cast %add3A_1596 : i32 to index
        %get3A_1598 = arith.constant 0 : index
        %get3A_1599 = tpu.vector_load %arg10[%get3A_1597, %get3A_1598] {strides = array<i32>} : memref<3200x16xf32, #tpu.memory_space<vmem>>, vector<1x16xf32>,
        %get3A_1600 = vector.shape_cast %get3A_1599 : vector<1x16xf32> to vector<16xf32>
        %add3A_1601 = arith.addf %scan3A_1574, %get3A_1600 : vector<16xf32>
        %add3A_1602 = arith.constant 400 : i32
        %add3A_1603 = arith.addi %add3A_1602, %scan3A_1572 : i32
        %get3A_1604 = arith.index_cast %add3A_1603 : i32 to index
        %get3A_1605 = arith.constant 0 : index
        %get3A_1606 = tpu.vector_load %arg10[%get3A_1604, %get3A_1605] {strides = array<i32>} : memref<3200x16xf32, #tpu.memory_space<vmem>>, vector<1x16xf32>,
        %get3A_1607 = vector.shape_cast %get3A_1606 : vector<1x16xf32> to vector<16xf32>
        %add3A_1608 = arith.addf %scan3A_1575, %get3A_1607 : vector<16xf32>
        %add3A_1609 = arith.constant 600 : i32
        %add3A_1610 = arith.addi %add3A_1609, %scan3A_1572 : i32
        %get3A_1611 = arith.index_cast %add3A_1610 : i32 to index
        %get3A_1612 = arith.constant 0 : index
        %get3A_1613 = tpu.vector_load %arg10[%get3A_1611, %get3A_1612] {strides = array<i32>} : memref<3200x16xf32, #tpu.memory_space<vmem>>, vector<1x16xf32>,
        %get3A_1614 = vector.shape_cast %get3A_1613 : vector<1x16xf32> to vector<16xf32>
        %add3A_1615 = arith.addf %scan3A_1576, %get3A_1614 : vector<16xf32>
        %add3A_1616 = arith.constant 800 : i32
        %add3A_1617 = arith.addi %add3A_1616, %scan3A_1572 : i32
        %get3A_1618 = arith.index_cast %add3A_1617 : i32 to index
        %get3A_1619 = arith.constant 0 : index
        %get3A_1620 = tpu.vector_load %arg10[%get3A_1618, %get3A_1619] {strides = array<i32>} : memref<3200x16xf32, #tpu.memory_space<vmem>>, vector<1x16xf32>,
        %get3A_1621 = vector.shape_cast %get3A_1620 : vector<1x16xf32> to vector<16xf32>
        %add3A_1622 = arith.addf %scan3A_1577, %get3A_1621 : vector<16xf32>
        %add3A_1623 = arith.constant 1000 : i32
        %add3A_1624 = arith.addi %add3A_1623, %scan3A_1572 : i32
        %get3A_1625 = arith.index_cast %add3A_1624 : i32 to index
        %get3A_1626 = arith.constant 0 : index
        %get3A_1627 = tpu.vector_load %arg10[%get3A_1625, %get3A_1626] {strides = array<i32>} : memref<3200x16xf32, #tpu.memory_space<vmem>>, vector<1x16xf32>,
        %get3A_1628 = vector.shape_cast %get3A_1627 : vector<1x16xf32> to vector<16xf32>
        %add3A_1629 = arith.addf %scan3A_1578, %get3A_1628 : vector<16xf32>
        %add3A_1630 = arith.constant 1200 : i32
        %add3A_1631 = arith.addi %add3A_1630, %scan3A_1572 : i32
        %get3A_1632 = arith.index_cast %add3A_1631 : i32 to index
        %get3A_1633 = arith.constant 0 : index
        %get3A_1634 = tpu.vector_load %arg10[%get3A_1632, %get3A_1633] {strides = array<i32>} : memref<3200x16xf32, #tpu.memory_space<vmem>>, vector<1x16xf32>,
        %get3A_1635 = vector.shape_cast %get3A_1634 : vector<1x16xf32> to vector<16xf32>
        %add3A_1636 = arith.addf %scan3A_1579, %get3A_1635 : vector<16xf32>
        %add3A_1637 = arith.constant 1400 : i32
        %add3A_1638 = arith.addi %add3A_1637, %scan3A_1572 : i32
        %get3A_1639 = arith.index_cast %add3A_1638 : i32 to index
        %get3A_1640 = arith.constant 0 : index
        %get3A_1641 = tpu.vector_load %arg10[%get3A_1639, %get3A_1640] {strides = array<i32>} : memref<3200x16xf32, #tpu.memory_space<vmem>>, vector<1x16xf32>,
        %get3A_1642 = vector.shape_cast %get3A_1641 : vector<1x16xf32> to vector<16xf32>
        %add3A_1643 = arith.addf %scan3A_1580, %get3A_1642 : vector<16xf32>
        %add3A_1644 = arith.constant 1600 : i32
        %add3A_1645 = arith.addi %add3A_1644, %scan3A_1572 : i32
        %get3A_1646 = arith.index_cast %add3A_1645 : i32 to index
        %get3A_1647 = arith.constant 0 : index
        %get3A_1648 = tpu.vector_load %arg10[%get3A_1646, %get3A_1647] {strides = array<i32>} : memref<3200x16xf32, #tpu.memory_space<vmem>>, vector<1x16xf32>,
        %get3A_1649 = vector.shape_cast %get3A_1648 : vector<1x16xf32> to vector<16xf32>
        %add3A_1650 = arith.addf %scan3A_1581, %get3A_1649 : vector<16xf32>
        %add3A_1651 = arith.constant 1800 : i32
        %add3A_1652 = arith.addi %add3A_1651, %scan3A_1572 : i32
        %get3A_1653 = arith.index_cast %add3A_1652 : i32 to index
        %get3A_1654 = arith.constant 0 : index
        %get3A_1655 = tpu.vector_load %arg10[%get3A_1653, %get3A_1654] {strides = array<i32>} : memref<3200x16xf32, #tpu.memory_space<vmem>>, vector<1x16xf32>,
        %get3A_1656 = vector.shape_cast %get3A_1655 : vector<1x16xf32> to vector<16xf32>
        %add3A_1657 = arith.addf %scan3A_1582, %get3A_1656 : vector<16xf32>
        %add3A_1658 = arith.constant 2000 : i32
        %add3A_1659 = arith.addi %add3A_1658, %scan3A_1572 : i32
        %get3A_1660 = arith.index_cast %add3A_1659 : i32 to index
        %get3A_1661 = arith.constant 0 : index
        %get3A_1662 = tpu.vector_load %arg10[%get3A_1660, %get3A_1661] {strides = array<i32>} : memref<3200x16xf32, #tpu.memory_space<vmem>>, vector<1x16xf32>,
        %get3A_1663 = vector.shape_cast %get3A_1662 : vector<1x16xf32> to vector<16xf32>
        %add3A_1664 = arith.addf %scan3A_1583, %get3A_1663 : vector<16xf32>
        %add3A_1665 = arith.constant 2200 : i32
        %add3A_1666 = arith.addi %add3A_1665, %scan3A_1572 : i32
        %get3A_1667 = arith.index_cast %add3A_1666 : i32 to index
        %get3A_1668 = arith.constant 0 : index
        %get3A_1669 = tpu.vector_load %arg10[%get3A_1667, %get3A_1668] {strides = array<i32>} : memref<3200x16xf32, #tpu.memory_space<vmem>>, vector<1x16xf32>,
        %get3A_1670 = vector.shape_cast %get3A_1669 : vector<1x16xf32> to vector<16xf32>
        %add3A_1671 = arith.addf %scan3A_1584, %get3A_1670 : vector<16xf32>
        %add3A_1672 = arith.constant 2400 : i32
        %add3A_1673 = arith.addi %add3A_1672, %scan3A_1572 : i32
        %get3A_1674 = arith.index_cast %add3A_1673 : i32 to index
        %get3A_1675 = arith.constant 0 : index
        %get3A_1676 = tpu.vector_load %arg10[%get3A_1674, %get3A_1675] {strides = array<i32>} : memref<3200x16xf32, #tpu.memory_space<vmem>>, vector<1x16xf32>,
        %get3A_1677 = vector.shape_cast %get3A_1676 : vector<1x16xf32> to vector<16xf32>
        %add3A_1678 = arith.addf %scan3A_1585, %get3A_1677 : vector<16xf32>
        %add3A_1679 = arith.constant 2600 : i32
        %add3A_1680 = arith.addi %add3A_1679, %scan3A_1572 : i32
        %get3A_1681 = arith.index_cast %add3A_1680 : i32 to index
        %get3A_1682 = arith.constant 0 : index
        %get3A_1683 = tpu.vector_load %arg10[%get3A_1681, %get3A_1682] {strides = array<i32>} : memref<3200x16xf32, #tpu.memory_space<vmem>>, vector<1x16xf32>,
        %get3A_1684 = vector.shape_cast %get3A_1683 : vector<1x16xf32> to vector<16xf32>
        %add3A_1685 = arith.addf %scan3A_1586, %get3A_1684 : vector<16xf32>
        %add3A_1686 = arith.constant 2800 : i32
        %add3A_1687 = arith.addi %add3A_1686, %scan3A_1572 : i32
        %get3A_1688 = arith.index_cast %add3A_1687 : i32 to index
        %get3A_1689 = arith.constant 0 : index
        %get3A_1690 = tpu.vector_load %arg10[%get3A_1688, %get3A_1689] {strides = array<i32>} : memref<3200x16xf32, #tpu.memory_space<vmem>>, vector<1x16xf32>,
        %get3A_1691 = vector.shape_cast %get3A_1690 : vector<1x16xf32> to vector<16xf32>
        %add3A_1692 = arith.addf %scan3A_1587, %get3A_1691 : vector<16xf32>
        %add3A_1693 = arith.constant 3000 : i32
        %add3A_1694 = arith.addi %add3A_1693, %scan3A_1572 : i32
        %get3A_1695 = arith.index_cast %add3A_1694 : i32 to index
        %get3A_1696 = arith.constant 0 : index
        %get3A_1697 = tpu.vector_load %arg10[%get3A_1695, %get3A_1696] {strides = array<i32>} : memref<3200x16xf32, #tpu.memory_space<vmem>>, vector<1x16xf32>,
        %get3A_1698 = vector.shape_cast %get3A_1697 : vector<1x16xf32> to vector<16xf32>
        %add3A_1699 = arith.addf %scan3A_1588, %get3A_1698 : vector<16xf32>
        scf.yield %add3A_1594, %add3A_1601, %add3A_1608, %add3A_1615, %add3A_1622, %add3A_1629, %add3A_1636, %add3A_1643, %add3A_1650, %add3A_1657, %add3A_1664, %add3A_1671, %add3A_1678, %add3A_1685, %add3A_1692, %add3A_1699 : vector<16xf32>, vector<16xf32>, vector<16xf32>, vector<16xf32>, vector<16xf32>, vector<16xf32>, vector<16xf32>, vector<16xf32>, vector<16xf32>, vector<16xf32>, vector<16xf32>, vector<16xf32>, vector<16xf32>, vector<16xf32>, vector<16xf32>, vector<16xf32>
      }
      %scan3A_1028 = arith.constant 200 : i32
      %swap3A = arith.constant 0 : i32
      %swap3A_1029 = arith.index_cast %swap3A : i32 to index
      %swap3A_1030 = arith.constant 0 : index
      %swap3A_1031 = tpu.vector_load %arg12[%swap3A_1029, %swap3A_1030] {strides = array<i32>} : memref<16x16xf32, #tpu.memory_space<vmem>>, vector<1x16xf32>,
      %swap3A_1032 = vector.shape_cast %swap3A_1031 : vector<1x16xf32> to vector<16xf32>
      %swap3A_1033 = vector.shape_cast %scan3A_1027#0 : vector<16xf32> to vector<1x16xf32>
      tpu.vector_store %arg12[%swap3A_1029, %swap3A_1030], %swap3A_1033 {strides = array<i32>} : memref<16x16xf32, #tpu.memory_space<vmem>>, vector<1x16xf32>,
      %swap3A_1034 = arith.constant 1 : i32
      %swap3A_1035 = arith.index_cast %swap3A_1034 : i32 to index
      %swap3A_1036 = arith.constant 0 : index
      %swap3A_1037 = tpu.vector_load %arg12[%swap3A_1035, %swap3A_1036] {strides = array<i32>} : memref<16x16xf32, #tpu.memory_space<vmem>>, vector<1x16xf32>,
      %swap3A_1038 = vector.shape_cast %swap3A_1037 : vector<1x16xf32> to vector<16xf32>
      %swap3A_1039 = vector.shape_cast %scan3A_1027#1 : vector<16xf32> to vector<1x16xf32>
      tpu.vector_store %arg12[%swap3A_1035, %swap3A_1036], %swap3A_1039 {strides = array<i32>} : memref<16x16xf32, #tpu.memory_space<vmem>>, vector<1x16xf32>,
      %swap3A_1040 = arith.constant 2 : i32
      %swap3A_1041 = arith.index_cast %swap3A_1040 : i32 to index
      %swap3A_1042 = arith.constant 0 : index
      %swap3A_1043 = tpu.vector_load %arg12[%swap3A_1041, %swap3A_1042] {strides = array<i32>} : memref<16x16xf32, #tpu.memory_space<vmem>>, vector<1x16xf32>,
      %swap3A_1044 = vector.shape_cast %swap3A_1043 : vector<1x16xf32> to vector<16xf32>
      %swap3A_1045 = vector.shape_cast %scan3A_1027#2 : vector<16xf32> to vector<1x16xf32>
      tpu.vector_store %arg12[%swap3A_1041, %swap3A_1042], %swap3A_1045 {strides = array<i32>} : memref<16x16xf32, #tpu.memory_space<vmem>>, vector<1x16xf32>,
      %swap3A_1046 = arith.constant 3 : i32
      %swap3A_1047 = arith.index_cast %swap3A_1046 : i32 to index
      %swap3A_1048 = arith.constant 0 : index
      %swap3A_1049 = tpu.vector_load %arg12[%swap3A_1047, %swap3A_1048] {strides = array<i32>} : memref<16x16xf32, #tpu.memory_space<vmem>>, vector<1x16xf32>,
      %swap3A_1050 = vector.shape_cast %swap3A_1049 : vector<1x16xf32> to vector<16xf32>
      %swap3A_1051 = vector.shape_cast %scan3A_1027#3 : vector<16xf32> to vector<1x16xf32>
      tpu.vector_store %arg12[%swap3A_1047, %swap3A_1048], %swap3A_1051 {strides = array<i32>} : memref<16x16xf32, #tpu.memory_space<vmem>>, vector<1x16xf32>,
      %swap3A_1052 = arith.constant 4 : i32
      %swap3A_1053 = arith.index_cast %swap3A_1052 : i32 to index
      %swap3A_1054 = arith.constant 0 : index
      %swap3A_1055 = tpu.vector_load %arg12[%swap3A_1053, %swap3A_1054] {strides = array<i32>} : memref<16x16xf32, #tpu.memory_space<vmem>>, vector<1x16xf32>,
      %swap3A_1056 = vector.shape_cast %swap3A_1055 : vector<1x16xf32> to vector<16xf32>
      %swap3A_1057 = vector.shape_cast %scan3A_1027#4 : vector<16xf32> to vector<1x16xf32>
      tpu.vector_store %arg12[%swap3A_1053, %swap3A_1054], %swap3A_1057 {strides = array<i32>} : memref<16x16xf32, #tpu.memory_space<vmem>>, vector<1x16xf32>,
      %swap3A_1058 = arith.constant 5 : i32
      %swap3A_1059 = arith.index_cast %swap3A_1058 : i32 to index
      %swap3A_1060 = arith.constant 0 : index
      %swap3A_1061 = tpu.vector_load %arg12[%swap3A_1059, %swap3A_1060] {strides = array<i32>} : memref<16x16xf32, #tpu.memory_space<vmem>>, vector<1x16xf32>,
      %swap3A_1062 = vector.shape_cast %swap3A_1061 : vector<1x16xf32> to vector<16xf32>
      %swap3A_1063 = vector.shape_cast %scan3A_1027#5 : vector<16xf32> to vector<1x16xf32>
      tpu.vector_store %arg12[%swap3A_1059, %swap3A_1060], %swap3A_1063 {strides = array<i32>} : memref<16x16xf32, #tpu.memory_space<vmem>>, vector<1x16xf32>,
      %swap3A_1064 = arith.constant 6 : i32
      %swap3A_1065 = arith.index_cast %swap3A_1064 : i32 to index
      %swap3A_1066 = arith.constant 0 : index
      %swap3A_1067 = tpu.vector_load %arg12[%swap3A_1065, %swap3A_1066] {strides = array<i32>} : memref<16x16xf32, #tpu.memory_space<vmem>>, vector<1x16xf32>,
      %swap3A_1068 = vector.shape_cast %swap3A_1067 : vector<1x16xf32> to vector<16xf32>
      %swap3A_1069 = vector.shape_cast %scan3A_1027#6 : vector<16xf32> to vector<1x16xf32>
      tpu.vector_store %arg12[%swap3A_1065, %swap3A_1066], %swap3A_1069 {strides = array<i32>} : memref<16x16xf32, #tpu.memory_space<vmem>>, vector<1x16xf32>,
      %swap3A_1070 = arith.constant 7 : i32
      %swap3A_1071 = arith.index_cast %swap3A_1070 : i32 to index
      %swap3A_1072 = arith.constant 0 : index
      %swap3A_1073 = tpu.vector_load %arg12[%swap3A_1071, %swap3A_1072] {strides = array<i32>} : memref<16x16xf32, #tpu.memory_space<vmem>>, vector<1x16xf32>,
      %swap3A_1074 = vector.shape_cast %swap3A_1073 : vector<1x16xf32> to vector<16xf32>
      %swap3A_1075 = vector.shape_cast %scan3A_1027#7 : vector<16xf32> to vector<1x16xf32>
      tpu.vector_store %arg12[%swap3A_1071, %swap3A_1072], %swap3A_1075 {strides = array<i32>} : memref<16x16xf32, #tpu.memory_space<vmem>>, vector<1x16xf32>,
      %swap3A_1076 = arith.constant 8 : i32
      %swap3A_1077 = arith.index_cast %swap3A_1076 : i32 to index
      %swap3A_1078 = arith.constant 0 : index
      %swap3A_1079 = tpu.vector_load %arg12[%swap3A_1077, %swap3A_1078] {strides = array<i32>} : memref<16x16xf32, #tpu.memory_space<vmem>>, vector<1x16xf32>,
      %swap3A_1080 = vector.shape_cast %swap3A_1079 : vector<1x16xf32> to vector<16xf32>
      %swap3A_1081 = vector.shape_cast %scan3A_1027#8 : vector<16xf32> to vector<1x16xf32>
      tpu.vector_store %arg12[%swap3A_1077, %swap3A_1078], %swap3A_1081 {strides = array<i32>} : memref<16x16xf32, #tpu.memory_space<vmem>>, vector<1x16xf32>,
      %swap3A_1082 = arith.constant 9 : i32
      %swap3A_1083 = arith.index_cast %swap3A_1082 : i32 to index
      %swap3A_1084 = arith.constant 0 : index
      %swap3A_1085 = tpu.vector_load %arg12[%swap3A_1083, %swap3A_1084] {strides = array<i32>} : memref<16x16xf32, #tpu.memory_space<vmem>>, vector<1x16xf32>,
      %swap3A_1086 = vector.shape_cast %swap3A_1085 : vector<1x16xf32> to vector<16xf32>
      %swap3A_1087 = vector.shape_cast %scan3A_1027#9 : vector<16xf32> to vector<1x16xf32>
      tpu.vector_store %arg12[%swap3A_1083, %swap3A_1084], %swap3A_1087 {strides = array<i32>} : memref<16x16xf32, #tpu.memory_space<vmem>>, vector<1x16xf32>,
      %swap3A_1088 = arith.constant 10 : i32
      %swap3A_1089 = arith.index_cast %swap3A_1088 : i32 to index
      %swap3A_1090 = arith.constant 0 : index
      %swap3A_1091 = tpu.vector_load %arg12[%swap3A_1089, %swap3A_1090] {strides = array<i32>} : memref<16x16xf32, #tpu.memory_space<vmem>>, vector<1x16xf32>,
      %swap3A_1092 = vector.shape_cast %swap3A_1091 : vector<1x16xf32> to vector<16xf32>
      %swap3A_1093 = vector.shape_cast %scan3A_1027#10 : vector<16xf32> to vector<1x16xf32>
      tpu.vector_store %arg12[%swap3A_1089, %swap3A_1090], %swap3A_1093 {strides = array<i32>} : memref<16x16xf32, #tpu.memory_space<vmem>>, vector<1x16xf32>,
      %swap3A_1094 = arith.constant 11 : i32
      %swap3A_1095 = arith.index_cast %swap3A_1094 : i32 to index
      %swap3A_1096 = arith.constant 0 : index
      %swap3A_1097 = tpu.vector_load %arg12[%swap3A_1095, %swap3A_1096] {strides = array<i32>} : memref<16x16xf32, #tpu.memory_space<vmem>>, vector<1x16xf32>,
      %swap3A_1098 = vector.shape_cast %swap3A_1097 : vector<1x16xf32> to vector<16xf32>
      %swap3A_1099 = vector.shape_cast %scan3A_1027#11 : vector<16xf32> to vector<1x16xf32>
      tpu.vector_store %arg12[%swap3A_1095, %swap3A_1096], %swap3A_1099 {strides = array<i32>} : memref<16x16xf32, #tpu.memory_space<vmem>>, vector<1x16xf32>,
      %swap3A_1100 = arith.constant 12 : i32
      %swap3A_1101 = arith.index_cast %swap3A_1100 : i32 to index
      %swap3A_1102 = arith.constant 0 : index
      %swap3A_1103 = tpu.vector_load %arg12[%swap3A_1101, %swap3A_1102] {strides = array<i32>} : memref<16x16xf32, #tpu.memory_space<vmem>>, vector<1x16xf32>,
      %swap3A_1104 = vector.shape_cast %swap3A_1103 : vector<1x16xf32> to vector<16xf32>
      %swap3A_1105 = vector.shape_cast %scan3A_1027#12 : vector<16xf32> to vector<1x16xf32>
      tpu.vector_store %arg12[%swap3A_1101, %swap3A_1102], %swap3A_1105 {strides = array<i32>} : memref<16x16xf32, #tpu.memory_space<vmem>>, vector<1x16xf32>,
      %swap3A_1106 = arith.constant 13 : i32
      %swap3A_1107 = arith.index_cast %swap3A_1106 : i32 to index
      %swap3A_1108 = arith.constant 0 : index
      %swap3A_1109 = tpu.vector_load %arg12[%swap3A_1107, %swap3A_1108] {strides = array<i32>} : memref<16x16xf32, #tpu.memory_space<vmem>>, vector<1x16xf32>,
      %swap3A_1110 = vector.shape_cast %swap3A_1109 : vector<1x16xf32> to vector<16xf32>
      %swap3A_1111 = vector.shape_cast %scan3A_1027#13 : vector<16xf32> to vector<1x16xf32>
      tpu.vector_store %arg12[%swap3A_1107, %swap3A_1108], %swap3A_1111 {strides = array<i32>} : memref<16x16xf32, #tpu.memory_space<vmem>>, vector<1x16xf32>,
      %swap3A_1112 = arith.constant 14 : i32
      %swap3A_1113 = arith.index_cast %swap3A_1112 : i32 to index
      %swap3A_1114 = arith.constant 0 : index
      %swap3A_1115 = tpu.vector_load %arg12[%swap3A_1113, %swap3A_1114] {strides = array<i32>} : memref<16x16xf32, #tpu.memory_space<vmem>>, vector<1x16xf32>,
      %swap3A_1116 = vector.shape_cast %swap3A_1115 : vector<1x16xf32> to vector<16xf32>
      %swap3A_1117 = vector.shape_cast %scan3A_1027#14 : vector<16xf32> to vector<1x16xf32>
      tpu.vector_store %arg12[%swap3A_1113, %swap3A_1114], %swap3A_1117 {strides = array<i32>} : memref<16x16xf32, #tpu.memory_space<vmem>>, vector<1x16xf32>,
      %swap3A_1118 = arith.constant 15 : i32
      %swap3A_1119 = arith.index_cast %swap3A_1118 : i32 to index
      %swap3A_1120 = arith.constant 0 : index
      %swap3A_1121 = tpu.vector_load %arg12[%swap3A_1119, %swap3A_1120] {strides = array<i32>} : memref<16x16xf32, #tpu.memory_space<vmem>>, vector<1x16xf32>,
      %swap3A_1122 = vector.shape_cast %swap3A_1121 : vector<1x16xf32> to vector<16xf32>
      %swap3A_1123 = vector.shape_cast %scan3A_1027#15 : vector<16xf32> to vector<1x16xf32>
      tpu.vector_store %arg12[%swap3A_1119, %swap3A_1120], %swap3A_1123 {strides = array<i32>} : memref<16x16xf32, #tpu.memory_space<vmem>>, vector<1x16xf32>,
      %mul3A_1124 = arith.constant 512 : i32
      %mul3A_1125 = arith.muli %add3A, %mul3A_1124 : i32
      %mul3A_1126 = arith.constant 16 : i32
      %mul3A_1127 = arith.muli %mul3A_362, %mul3A_1126 : i32
      %add3A_1128 = arith.addi %mul3A_1125, %mul3A_1127 : i32
      "tpu.region"() ({
        %run_scoped3A = tpu.sem_alloc : memref<!tpu.dma_semaphore, #tpu.memory_space<semaphore_mem>>
        %dma_start3A_1572 = arith.constant 0 : i32
        %dma_start3A_1573 = tpu.memref_slice %arg5[%add3A_1128, %dma_start3A_1572] : memref<16384x16xf32, #tpu.memory_space<hbm>> -> memref<16x16xf32, #tpu.memory_space<hbm>>
        %dma_start3A_1574 = arith.constant 0 : i32
        %dma_start3A_1575 = tpu.memref_slice %arg5[%add3A_1128, %dma_start3A_1574] : memref<16384x16xf32, #tpu.memory_space<hbm>> -> memref<16x16xf32, #tpu.memory_space<hbm>>
        tpu.enqueue_dma source(%arg12 : memref<16x16xf32, #tpu.memory_space<vmem>>) target(%dma_start3A_1575 : memref<16x16xf32, #tpu.memory_space<hbm>>) target_semaphore(%run_scoped3A : memref<!tpu.dma_semaphore, #tpu.memory_space<semaphore_mem>>)
        %dma_wait3A_1576 = arith.constant 0 : i32
        %dma_wait3A_1577 = tpu.memref_slice %arg5[%add3A_1128, %dma_wait3A_1576] : memref<16384x16xf32, #tpu.memory_space<hbm>> -> memref<16x16xf32, #tpu.memory_space<hbm>>
        %dma_wait3A_1578 = arith.constant 0 : i32
        %dma_wait3A_1579 = tpu.memref_slice %arg5[%add3A_1128, %dma_wait3A_1578] : memref<16384x16xf32, #tpu.memory_space<hbm>> -> memref<16x16xf32, #tpu.memory_space<hbm>>
        tpu.wait_dma2 semaphore(%run_scoped3A : memref<!tpu.dma_semaphore, #tpu.memory_space<semaphore_mem>>) src(%arg12 : memref<16x16xf32, #tpu.memory_space<vmem>>) dst(%dma_wait3A_1579 : memref<16x16xf32, #tpu.memory_space<hbm>>)
        tpu.yield
      }) : () -> ()
      %add3A_1129 = arith.constant 2 : i32
      %add3A_1130 = arith.addi %mul3A_362, %add3A_1129 : i32
      %lt3A_1131 = arith.constant 32 : i32
      %lt3A_1132 = arith.cmpi slt, %add3A_1130, %lt3A_1131 : i32
      %convert_element_type3A_1133 = arith.extui %lt3A_1132 : i1 to i32
      %cond3A_1134 = arith.constant 0 : i32
      %cond3A_1135 = arith.cmpi ne, %convert_element_type3A_1133, %cond3A_1134 : i32
      scf.if %cond3A_1135 {
        %add3A_1572 = arith.constant 2 : i32
        %add3A_1573 = arith.addi %mul3A_362, %add3A_1572 : i32
        %mul3A_1574 = arith.constant 512 : i32
        %mul3A_1575 = arith.muli %add3A, %mul3A_1574 : i32
        %mul3A_1576 = arith.constant 16 : i32
        %mul3A_1577 = arith.muli %add3A_1573, %mul3A_1576 : i32
        %add3A_1578 = arith.addi %mul3A_1575, %mul3A_1577 : i32
        %dma_wait3A_1579 = arith.constant 0 : i32
        %dma_wait3A_1580 = tpu.memref_slice %arg2[%add3A_1578, %dma_wait3A_1579] : memref<16384x128xi32, #tpu.memory_space<hbm>> -> memref<16x128xi32, #tpu.memory_space<hbm>>
        %dma_wait3A_1581 = arith.constant 0 : i32
        %dma_wait3A_1582 = tpu.memref_slice %arg2[%add3A_1578, %dma_wait3A_1581] : memref<16384x128xi32, #tpu.memory_space<hbm>> -> memref<16x128xi32, #tpu.memory_space<hbm>>
        tpu.wait_dma2 semaphore(%arg15 : memref<!tpu.dma_semaphore, #tpu.memory_space<semaphore_mem>>) src(%dma_wait3A_1582 : memref<16x128xi32, #tpu.memory_space<hbm>>) dst(%arg6 : memref<16x128xi32, #tpu.memory_space<vmem>>)
        %dma_wait3A_1583 = arith.constant 0 : i32
        %dma_wait3A_1584 = tpu.memref_slice %arg3[%add3A_1578, %dma_wait3A_1583] : memref<16384x128xi32, #tpu.memory_space<hbm>> -> memref<16x128xi32, #tpu.memory_space<hbm>>
        %dma_wait3A_1585 = arith.constant 0 : i32
        %dma_wait3A_1586 = tpu.memref_slice %arg3[%add3A_1578, %dma_wait3A_1585] : memref<16384x128xi32, #tpu.memory_space<hbm>> -> memref<16x128xi32, #tpu.memory_space<hbm>>
        tpu.wait_dma2 semaphore(%arg15 : memref<!tpu.dma_semaphore, #tpu.memory_space<semaphore_mem>>) src(%dma_wait3A_1586 : memref<16x128xi32, #tpu.memory_space<hbm>>) dst(%arg7 : memref<16x128xi32, #tpu.memory_space<vmem>>)
        %dma_start3A_1587 = arith.constant 0 : i32
        %dma_start3A_1588 = arith.constant 0 : i32
        %dma_start3A_1589 = arith.constant 0 : i32
        %dma_start3A_1590 = tpu.memref_slice %arg10[%dma_start3A_1588, %dma_start3A_1589] : memref<3200x16xf32, #tpu.memory_space<vmem>> -> memref<128x16xf32, #tpu.memory_space<vmem>>
        %dma_start3A_1591 = arith.constant 0 : i32
        %dma_start3A_1592 = tpu.memref_slice %arg6[%dma_start3A_1587, %dma_start3A_1591] : memref<16x128xi32, #tpu.memory_space<vmem>> -> memref<1x128xi32, #tpu.memory_space<vmem>>
        %dma_start3A_1593 = tpu.memref_squeeze %dma_start3A_1592 : memref<1x128xi32, #tpu.memory_space<vmem>> -> memref<128xi32, #tpu.memory_space<vmem>>
        %dma_start3A_1594 = arith.constant 0 : i32
        %dma_start3A_1595 = arith.constant 0 : i32
        %dma_start3A_1596 = tpu.memref_slice %arg4[%dma_start3A_1594, %dma_start3A_1595] : memref<1007616x16xf32, #tpu.memory_space<hbm>> -> memref<1007616x16xf32, #tpu.memory_space<hbm>>
        tpu.enqueue_indirect_dma source(%dma_start3A_1596 : memref<1007616x16xf32, #tpu.memory_space<hbm>>) target(%dma_start3A_1590 : memref<128x16xf32, #tpu.memory_space<vmem>>) offsets(%dma_start3A_1593 : memref<128xi32, #tpu.memory_space<vmem>>) semaphore(%arg13 : memref<!tpu.dma_semaphore, #tpu.memory_space<semaphore_mem>>)
        %dma_start3A_1597 = arith.constant 0 : i32
        %dma_start3A_1598 = arith.constant 128 : i32
        %dma_start3A_1599 = arith.constant 0 : i32
        %dma_start3A_1600 = tpu.memref_slice %arg10[%dma_start3A_1598, %dma_start3A_1599] : memref<3200x16xf32, #tpu.memory_space<vmem>> -> memref<72x16xf32, #tpu.memory_space<vmem>>
        %dma_start3A_1601 = arith.constant 0 : i32
        %dma_start3A_1602 = tpu.memref_slice %arg7[%dma_start3A_1597, %dma_start3A_1601] : memref<16x128xi32, #tpu.memory_space<vmem>> -> memref<1x72xi32, #tpu.memory_space<vmem>>
        %dma_start3A_1603 = tpu.memref_squeeze %dma_start3A_1602 : memref<1x72xi32, #tpu.memory_space<vmem>> -> memref<72xi32, #tpu.memory_space<vmem>>
        %dma_start3A_1604 = arith.constant 0 : i32
        %dma_start3A_1605 = arith.constant 0 : i32
        %dma_start3A_1606 = tpu.memref_slice %arg4[%dma_start3A_1604, %dma_start3A_1605] : memref<1007616x16xf32, #tpu.memory_space<hbm>> -> memref<1007616x16xf32, #tpu.memory_space<hbm>>
        tpu.enqueue_indirect_dma source(%dma_start3A_1606 : memref<1007616x16xf32, #tpu.memory_space<hbm>>) target(%dma_start3A_1600 : memref<72x16xf32, #tpu.memory_space<vmem>>) offsets(%dma_start3A_1603 : memref<72xi32, #tpu.memory_space<vmem>>) semaphore(%arg13 : memref<!tpu.dma_semaphore, #tpu.memory_space<semaphore_mem>>)
        %dma_start3A_1607 = arith.constant 1 : i32
        %dma_start3A_1608 = arith.constant 200 : i32
        %dma_start3A_1609 = arith.constant 0 : i32
        %dma_start3A_1610 = tpu.memref_slice %arg10[%dma_start3A_1608, %dma_start3A_1609] : memref<3200x16xf32, #tpu.memory_space<vmem>> -> memref<128x16xf32, #tpu.memory_space<vmem>>
        %dma_start3A_1611 = arith.constant 0 : i32
        %dma_start3A_1612 = tpu.memref_slice %arg6[%dma_start3A_1607, %dma_start3A_1611] : memref<16x128xi32, #tpu.memory_space<vmem>> -> memref<1x128xi32, #tpu.memory_space<vmem>>
        %dma_start3A_1613 = tpu.memref_squeeze %dma_start3A_1612 : memref<1x128xi32, #tpu.memory_space<vmem>> -> memref<128xi32, #tpu.memory_space<vmem>>
        %dma_start3A_1614 = arith.constant 0 : i32
        %dma_start3A_1615 = arith.constant 0 : i32
        %dma_start3A_1616 = tpu.memref_slice %arg4[%dma_start3A_1614, %dma_start3A_1615] : memref<1007616x16xf32, #tpu.memory_space<hbm>> -> memref<1007616x16xf32, #tpu.memory_space<hbm>>
        tpu.enqueue_indirect_dma source(%dma_start3A_1616 : memref<1007616x16xf32, #tpu.memory_space<hbm>>) target(%dma_start3A_1610 : memref<128x16xf32, #tpu.memory_space<vmem>>) offsets(%dma_start3A_1613 : memref<128xi32, #tpu.memory_space<vmem>>) semaphore(%arg13 : memref<!tpu.dma_semaphore, #tpu.memory_space<semaphore_mem>>)
        %dma_start3A_1617 = arith.constant 1 : i32
        %dma_start3A_1618 = arith.constant 328 : i32
        %dma_start3A_1619 = arith.constant 0 : i32
        %dma_start3A_1620 = tpu.memref_slice %arg10[%dma_start3A_1618, %dma_start3A_1619] : memref<3200x16xf32, #tpu.memory_space<vmem>> -> memref<72x16xf32, #tpu.memory_space<vmem>>
        %dma_start3A_1621 = arith.constant 0 : i32
        %dma_start3A_1622 = tpu.memref_slice %arg7[%dma_start3A_1617, %dma_start3A_1621] : memref<16x128xi32, #tpu.memory_space<vmem>> -> memref<1x72xi32, #tpu.memory_space<vmem>>
        %dma_start3A_1623 = tpu.memref_squeeze %dma_start3A_1622 : memref<1x72xi32, #tpu.memory_space<vmem>> -> memref<72xi32, #tpu.memory_space<vmem>>
        %dma_start3A_1624 = arith.constant 0 : i32
        %dma_start3A_1625 = arith.constant 0 : i32
        %dma_start3A_1626 = tpu.memref_slice %arg4[%dma_start3A_1624, %dma_start3A_1625] : memref<1007616x16xf32, #tpu.memory_space<hbm>> -> memref<1007616x16xf32, #tpu.memory_space<hbm>>
        tpu.enqueue_indirect_dma source(%dma_start3A_1626 : memref<1007616x16xf32, #tpu.memory_space<hbm>>) target(%dma_start3A_1620 : memref<72x16xf32, #tpu.memory_space<vmem>>) offsets(%dma_start3A_1623 : memref<72xi32, #tpu.memory_space<vmem>>) semaphore(%arg13 : memref<!tpu.dma_semaphore, #tpu.memory_space<semaphore_mem>>)
        %dma_start3A_1627 = arith.constant 2 : i32
        %dma_start3A_1628 = arith.constant 400 : i32
        %dma_start3A_1629 = arith.constant 0 : i32
        %dma_start3A_1630 = tpu.memref_slice %arg10[%dma_start3A_1628, %dma_start3A_1629] : memref<3200x16xf32, #tpu.memory_space<vmem>> -> memref<128x16xf32, #tpu.memory_space<vmem>>
        %dma_start3A_1631 = arith.constant 0 : i32
        %dma_start3A_1632 = tpu.memref_slice %arg6[%dma_start3A_1627, %dma_start3A_1631] : memref<16x128xi32, #tpu.memory_space<vmem>> -> memref<1x128xi32, #tpu.memory_space<vmem>>
        %dma_start3A_1633 = tpu.memref_squeeze %dma_start3A_1632 : memref<1x128xi32, #tpu.memory_space<vmem>> -> memref<128xi32, #tpu.memory_space<vmem>>
        %dma_start3A_1634 = arith.constant 0 : i32
        %dma_start3A_1635 = arith.constant 0 : i32
        %dma_start3A_1636 = tpu.memref_slice %arg4[%dma_start3A_1634, %dma_start3A_1635] : memref<1007616x16xf32, #tpu.memory_space<hbm>> -> memref<1007616x16xf32, #tpu.memory_space<hbm>>
        tpu.enqueue_indirect_dma source(%dma_start3A_1636 : memref<1007616x16xf32, #tpu.memory_space<hbm>>) target(%dma_start3A_1630 : memref<128x16xf32, #tpu.memory_space<vmem>>) offsets(%dma_start3A_1633 : memref<128xi32, #tpu.memory_space<vmem>>) semaphore(%arg13 : memref<!tpu.dma_semaphore, #tpu.memory_space<semaphore_mem>>)
        %dma_start3A_1637 = arith.constant 2 : i32
        %dma_start3A_1638 = arith.constant 528 : i32
        %dma_start3A_1639 = arith.constant 0 : i32
        %dma_start3A_1640 = tpu.memref_slice %arg10[%dma_start3A_1638, %dma_start3A_1639] : memref<3200x16xf32, #tpu.memory_space<vmem>> -> memref<72x16xf32, #tpu.memory_space<vmem>>
        %dma_start3A_1641 = arith.constant 0 : i32
        %dma_start3A_1642 = tpu.memref_slice %arg7[%dma_start3A_1637, %dma_start3A_1641] : memref<16x128xi32, #tpu.memory_space<vmem>> -> memref<1x72xi32, #tpu.memory_space<vmem>>
        %dma_start3A_1643 = tpu.memref_squeeze %dma_start3A_1642 : memref<1x72xi32, #tpu.memory_space<vmem>> -> memref<72xi32, #tpu.memory_space<vmem>>
        %dma_start3A_1644 = arith.constant 0 : i32
        %dma_start3A_1645 = arith.constant 0 : i32
        %dma_start3A_1646 = tpu.memref_slice %arg4[%dma_start3A_1644, %dma_start3A_1645] : memref<1007616x16xf32, #tpu.memory_space<hbm>> -> memref<1007616x16xf32, #tpu.memory_space<hbm>>
        tpu.enqueue_indirect_dma source(%dma_start3A_1646 : memref<1007616x16xf32, #tpu.memory_space<hbm>>) target(%dma_start3A_1640 : memref<72x16xf32, #tpu.memory_space<vmem>>) offsets(%dma_start3A_1643 : memref<72xi32, #tpu.memory_space<vmem>>) semaphore(%arg13 : memref<!tpu.dma_semaphore, #tpu.memory_space<semaphore_mem>>)
        %dma_start3A_1647 = arith.constant 3 : i32
        %dma_start3A_1648 = arith.constant 600 : i32
        %dma_start3A_1649 = arith.constant 0 : i32
        %dma_start3A_1650 = tpu.memref_slice %arg10[%dma_start3A_1648, %dma_start3A_1649] : memref<3200x16xf32, #tpu.memory_space<vmem>> -> memref<128x16xf32, #tpu.memory_space<vmem>>
        %dma_start3A_1651 = arith.constant 0 : i32
        %dma_start3A_1652 = tpu.memref_slice %arg6[%dma_start3A_1647, %dma_start3A_1651] : memref<16x128xi32, #tpu.memory_space<vmem>> -> memref<1x128xi32, #tpu.memory_space<vmem>>
        %dma_start3A_1653 = tpu.memref_squeeze %dma_start3A_1652 : memref<1x128xi32, #tpu.memory_space<vmem>> -> memref<128xi32, #tpu.memory_space<vmem>>
        %dma_start3A_1654 = arith.constant 0 : i32
        %dma_start3A_1655 = arith.constant 0 : i32
        %dma_start3A_1656 = tpu.memref_slice %arg4[%dma_start3A_1654, %dma_start3A_1655] : memref<1007616x16xf32, #tpu.memory_space<hbm>> -> memref<1007616x16xf32, #tpu.memory_space<hbm>>
        tpu.enqueue_indirect_dma source(%dma_start3A_1656 : memref<1007616x16xf32, #tpu.memory_space<hbm>>) target(%dma_start3A_1650 : memref<128x16xf32, #tpu.memory_space<vmem>>) offsets(%dma_start3A_1653 : memref<128xi32, #tpu.memory_space<vmem>>) semaphore(%arg13 : memref<!tpu.dma_semaphore, #tpu.memory_space<semaphore_mem>>)
        %dma_start3A_1657 = arith.constant 3 : i32
        %dma_start3A_1658 = arith.constant 728 : i32
        %dma_start3A_1659 = arith.constant 0 : i32
        %dma_start3A_1660 = tpu.memref_slice %arg10[%dma_start3A_1658, %dma_start3A_1659] : memref<3200x16xf32, #tpu.memory_space<vmem>> -> memref<72x16xf32, #tpu.memory_space<vmem>>
        %dma_start3A_1661 = arith.constant 0 : i32
        %dma_start3A_1662 = tpu.memref_slice %arg7[%dma_start3A_1657, %dma_start3A_1661] : memref<16x128xi32, #tpu.memory_space<vmem>> -> memref<1x72xi32, #tpu.memory_space<vmem>>
        %dma_start3A_1663 = tpu.memref_squeeze %dma_start3A_1662 : memref<1x72xi32, #tpu.memory_space<vmem>> -> memref<72xi32, #tpu.memory_space<vmem>>
        %dma_start3A_1664 = arith.constant 0 : i32
        %dma_start3A_1665 = arith.constant 0 : i32
        %dma_start3A_1666 = tpu.memref_slice %arg4[%dma_start3A_1664, %dma_start3A_1665] : memref<1007616x16xf32, #tpu.memory_space<hbm>> -> memref<1007616x16xf32, #tpu.memory_space<hbm>>
        tpu.enqueue_indirect_dma source(%dma_start3A_1666 : memref<1007616x16xf32, #tpu.memory_space<hbm>>) target(%dma_start3A_1660 : memref<72x16xf32, #tpu.memory_space<vmem>>) offsets(%dma_start3A_1663 : memref<72xi32, #tpu.memory_space<vmem>>) semaphore(%arg13 : memref<!tpu.dma_semaphore, #tpu.memory_space<semaphore_mem>>)
        %dma_start3A_1667 = arith.constant 4 : i32
        %dma_start3A_1668 = arith.constant 800 : i32
        %dma_start3A_1669 = arith.constant 0 : i32
        %dma_start3A_1670 = tpu.memref_slice %arg10[%dma_start3A_1668, %dma_start3A_1669] : memref<3200x16xf32, #tpu.memory_space<vmem>> -> memref<128x16xf32, #tpu.memory_space<vmem>>
        %dma_start3A_1671 = arith.constant 0 : i32
        %dma_start3A_1672 = tpu.memref_slice %arg6[%dma_start3A_1667, %dma_start3A_1671] : memref<16x128xi32, #tpu.memory_space<vmem>> -> memref<1x128xi32, #tpu.memory_space<vmem>>
        %dma_start3A_1673 = tpu.memref_squeeze %dma_start3A_1672 : memref<1x128xi32, #tpu.memory_space<vmem>> -> memref<128xi32, #tpu.memory_space<vmem>>
        %dma_start3A_1674 = arith.constant 0 : i32
        %dma_start3A_1675 = arith.constant 0 : i32
        %dma_start3A_1676 = tpu.memref_slice %arg4[%dma_start3A_1674, %dma_start3A_1675] : memref<1007616x16xf32, #tpu.memory_space<hbm>> -> memref<1007616x16xf32, #tpu.memory_space<hbm>>
        tpu.enqueue_indirect_dma source(%dma_start3A_1676 : memref<1007616x16xf32, #tpu.memory_space<hbm>>) target(%dma_start3A_1670 : memref<128x16xf32, #tpu.memory_space<vmem>>) offsets(%dma_start3A_1673 : memref<128xi32, #tpu.memory_space<vmem>>) semaphore(%arg13 : memref<!tpu.dma_semaphore, #tpu.memory_space<semaphore_mem>>)
        %dma_start3A_1677 = arith.constant 4 : i32
        %dma_start3A_1678 = arith.constant 928 : i32
        %dma_start3A_1679 = arith.constant 0 : i32
        %dma_start3A_1680 = tpu.memref_slice %arg10[%dma_start3A_1678, %dma_start3A_1679] : memref<3200x16xf32, #tpu.memory_space<vmem>> -> memref<72x16xf32, #tpu.memory_space<vmem>>
        %dma_start3A_1681 = arith.constant 0 : i32
        %dma_start3A_1682 = tpu.memref_slice %arg7[%dma_start3A_1677, %dma_start3A_1681] : memref<16x128xi32, #tpu.memory_space<vmem>> -> memref<1x72xi32, #tpu.memory_space<vmem>>
        %dma_start3A_1683 = tpu.memref_squeeze %dma_start3A_1682 : memref<1x72xi32, #tpu.memory_space<vmem>> -> memref<72xi32, #tpu.memory_space<vmem>>
        %dma_start3A_1684 = arith.constant 0 : i32
        %dma_start3A_1685 = arith.constant 0 : i32
        %dma_start3A_1686 = tpu.memref_slice %arg4[%dma_start3A_1684, %dma_start3A_1685] : memref<1007616x16xf32, #tpu.memory_space<hbm>> -> memref<1007616x16xf32, #tpu.memory_space<hbm>>
        tpu.enqueue_indirect_dma source(%dma_start3A_1686 : memref<1007616x16xf32, #tpu.memory_space<hbm>>) target(%dma_start3A_1680 : memref<72x16xf32, #tpu.memory_space<vmem>>) offsets(%dma_start3A_1683 : memref<72xi32, #tpu.memory_space<vmem>>) semaphore(%arg13 : memref<!tpu.dma_semaphore, #tpu.memory_space<semaphore_mem>>)
        %dma_start3A_1687 = arith.constant 5 : i32
        %dma_start3A_1688 = arith.constant 1000 : i32
        %dma_start3A_1689 = arith.constant 0 : i32
        %dma_start3A_1690 = tpu.memref_slice %arg10[%dma_start3A_1688, %dma_start3A_1689] : memref<3200x16xf32, #tpu.memory_space<vmem>> -> memref<128x16xf32, #tpu.memory_space<vmem>>
        %dma_start3A_1691 = arith.constant 0 : i32
        %dma_start3A_1692 = tpu.memref_slice %arg6[%dma_start3A_1687, %dma_start3A_1691] : memref<16x128xi32, #tpu.memory_space<vmem>> -> memref<1x128xi32, #tpu.memory_space<vmem>>
        %dma_start3A_1693 = tpu.memref_squeeze %dma_start3A_1692 : memref<1x128xi32, #tpu.memory_space<vmem>> -> memref<128xi32, #tpu.memory_space<vmem>>
        %dma_start3A_1694 = arith.constant 0 : i32
        %dma_start3A_1695 = arith.constant 0 : i32
        %dma_start3A_1696 = tpu.memref_slice %arg4[%dma_start3A_1694, %dma_start3A_1695] : memref<1007616x16xf32, #tpu.memory_space<hbm>> -> memref<1007616x16xf32, #tpu.memory_space<hbm>>
        tpu.enqueue_indirect_dma source(%dma_start3A_1696 : memref<1007616x16xf32, #tpu.memory_space<hbm>>) target(%dma_start3A_1690 : memref<128x16xf32, #tpu.memory_space<vmem>>) offsets(%dma_start3A_1693 : memref<128xi32, #tpu.memory_space<vmem>>) semaphore(%arg13 : memref<!tpu.dma_semaphore, #tpu.memory_space<semaphore_mem>>)
        %dma_start3A_1697 = arith.constant 5 : i32
        %dma_start3A_1698 = arith.constant 1128 : i32
        %dma_start3A_1699 = arith.constant 0 : i32
        %dma_start3A_1700 = tpu.memref_slice %arg10[%dma_start3A_1698, %dma_start3A_1699] : memref<3200x16xf32, #tpu.memory_space<vmem>> -> memref<72x16xf32, #tpu.memory_space<vmem>>
        %dma_start3A_1701 = arith.constant 0 : i32
        %dma_start3A_1702 = tpu.memref_slice %arg7[%dma_start3A_1697, %dma_start3A_1701] : memref<16x128xi32, #tpu.memory_space<vmem>> -> memref<1x72xi32, #tpu.memory_space<vmem>>
        %dma_start3A_1703 = tpu.memref_squeeze %dma_start3A_1702 : memref<1x72xi32, #tpu.memory_space<vmem>> -> memref<72xi32, #tpu.memory_space<vmem>>
        %dma_start3A_1704 = arith.constant 0 : i32
        %dma_start3A_1705 = arith.constant 0 : i32
        %dma_start3A_1706 = tpu.memref_slice %arg4[%dma_start3A_1704, %dma_start3A_1705] : memref<1007616x16xf32, #tpu.memory_space<hbm>> -> memref<1007616x16xf32, #tpu.memory_space<hbm>>
        tpu.enqueue_indirect_dma source(%dma_start3A_1706 : memref<1007616x16xf32, #tpu.memory_space<hbm>>) target(%dma_start3A_1700 : memref<72x16xf32, #tpu.memory_space<vmem>>) offsets(%dma_start3A_1703 : memref<72xi32, #tpu.memory_space<vmem>>) semaphore(%arg13 : memref<!tpu.dma_semaphore, #tpu.memory_space<semaphore_mem>>)
        %dma_start3A_1707 = arith.constant 6 : i32
        %dma_start3A_1708 = arith.constant 1200 : i32
        %dma_start3A_1709 = arith.constant 0 : i32
        %dma_start3A_1710 = tpu.memref_slice %arg10[%dma_start3A_1708, %dma_start3A_1709] : memref<3200x16xf32, #tpu.memory_space<vmem>> -> memref<128x16xf32, #tpu.memory_space<vmem>>
        %dma_start3A_1711 = arith.constant 0 : i32
        %dma_start3A_1712 = tpu.memref_slice %arg6[%dma_start3A_1707, %dma_start3A_1711] : memref<16x128xi32, #tpu.memory_space<vmem>> -> memref<1x128xi32, #tpu.memory_space<vmem>>
        %dma_start3A_1713 = tpu.memref_squeeze %dma_start3A_1712 : memref<1x128xi32, #tpu.memory_space<vmem>> -> memref<128xi32, #tpu.memory_space<vmem>>
        %dma_start3A_1714 = arith.constant 0 : i32
        %dma_start3A_1715 = arith.constant 0 : i32
        %dma_start3A_1716 = tpu.memref_slice %arg4[%dma_start3A_1714, %dma_start3A_1715] : memref<1007616x16xf32, #tpu.memory_space<hbm>> -> memref<1007616x16xf32, #tpu.memory_space<hbm>>
        tpu.enqueue_indirect_dma source(%dma_start3A_1716 : memref<1007616x16xf32, #tpu.memory_space<hbm>>) target(%dma_start3A_1710 : memref<128x16xf32, #tpu.memory_space<vmem>>) offsets(%dma_start3A_1713 : memref<128xi32, #tpu.memory_space<vmem>>) semaphore(%arg13 : memref<!tpu.dma_semaphore, #tpu.memory_space<semaphore_mem>>)
        %dma_start3A_1717 = arith.constant 6 : i32
        %dma_start3A_1718 = arith.constant 1328 : i32
        %dma_start3A_1719 = arith.constant 0 : i32
        %dma_start3A_1720 = tpu.memref_slice %arg10[%dma_start3A_1718, %dma_start3A_1719] : memref<3200x16xf32, #tpu.memory_space<vmem>> -> memref<72x16xf32, #tpu.memory_space<vmem>>
        %dma_start3A_1721 = arith.constant 0 : i32
        %dma_start3A_1722 = tpu.memref_slice %arg7[%dma_start3A_1717, %dma_start3A_1721] : memref<16x128xi32, #tpu.memory_space<vmem>> -> memref<1x72xi32, #tpu.memory_space<vmem>>
        %dma_start3A_1723 = tpu.memref_squeeze %dma_start3A_1722 : memref<1x72xi32, #tpu.memory_space<vmem>> -> memref<72xi32, #tpu.memory_space<vmem>>
        %dma_start3A_1724 = arith.constant 0 : i32
        %dma_start3A_1725 = arith.constant 0 : i32
        %dma_start3A_1726 = tpu.memref_slice %arg4[%dma_start3A_1724, %dma_start3A_1725] : memref<1007616x16xf32, #tpu.memory_space<hbm>> -> memref<1007616x16xf32, #tpu.memory_space<hbm>>
        tpu.enqueue_indirect_dma source(%dma_start3A_1726 : memref<1007616x16xf32, #tpu.memory_space<hbm>>) target(%dma_start3A_1720 : memref<72x16xf32, #tpu.memory_space<vmem>>) offsets(%dma_start3A_1723 : memref<72xi32, #tpu.memory_space<vmem>>) semaphore(%arg13 : memref<!tpu.dma_semaphore, #tpu.memory_space<semaphore_mem>>)
        %dma_start3A_1727 = arith.constant 7 : i32
        %dma_start3A_1728 = arith.constant 1400 : i32
        %dma_start3A_1729 = arith.constant 0 : i32
        %dma_start3A_1730 = tpu.memref_slice %arg10[%dma_start3A_1728, %dma_start3A_1729] : memref<3200x16xf32, #tpu.memory_space<vmem>> -> memref<128x16xf32, #tpu.memory_space<vmem>>
        %dma_start3A_1731 = arith.constant 0 : i32
        %dma_start3A_1732 = tpu.memref_slice %arg6[%dma_start3A_1727, %dma_start3A_1731] : memref<16x128xi32, #tpu.memory_space<vmem>> -> memref<1x128xi32, #tpu.memory_space<vmem>>
        %dma_start3A_1733 = tpu.memref_squeeze %dma_start3A_1732 : memref<1x128xi32, #tpu.memory_space<vmem>> -> memref<128xi32, #tpu.memory_space<vmem>>
        %dma_start3A_1734 = arith.constant 0 : i32
        %dma_start3A_1735 = arith.constant 0 : i32
        %dma_start3A_1736 = tpu.memref_slice %arg4[%dma_start3A_1734, %dma_start3A_1735] : memref<1007616x16xf32, #tpu.memory_space<hbm>> -> memref<1007616x16xf32, #tpu.memory_space<hbm>>
        tpu.enqueue_indirect_dma source(%dma_start3A_1736 : memref<1007616x16xf32, #tpu.memory_space<hbm>>) target(%dma_start3A_1730 : memref<128x16xf32, #tpu.memory_space<vmem>>) offsets(%dma_start3A_1733 : memref<128xi32, #tpu.memory_space<vmem>>) semaphore(%arg13 : memref<!tpu.dma_semaphore, #tpu.memory_space<semaphore_mem>>)
        %dma_start3A_1737 = arith.constant 7 : i32
        %dma_start3A_1738 = arith.constant 1528 : i32
        %dma_start3A_1739 = arith.constant 0 : i32
        %dma_start3A_1740 = tpu.memref_slice %arg10[%dma_start3A_1738, %dma_start3A_1739] : memref<3200x16xf32, #tpu.memory_space<vmem>> -> memref<72x16xf32, #tpu.memory_space<vmem>>
        %dma_start3A_1741 = arith.constant 0 : i32
        %dma_start3A_1742 = tpu.memref_slice %arg7[%dma_start3A_1737, %dma_start3A_1741] : memref<16x128xi32, #tpu.memory_space<vmem>> -> memref<1x72xi32, #tpu.memory_space<vmem>>
        %dma_start3A_1743 = tpu.memref_squeeze %dma_start3A_1742 : memref<1x72xi32, #tpu.memory_space<vmem>> -> memref<72xi32, #tpu.memory_space<vmem>>
        %dma_start3A_1744 = arith.constant 0 : i32
        %dma_start3A_1745 = arith.constant 0 : i32
        %dma_start3A_1746 = tpu.memref_slice %arg4[%dma_start3A_1744, %dma_start3A_1745] : memref<1007616x16xf32, #tpu.memory_space<hbm>> -> memref<1007616x16xf32, #tpu.memory_space<hbm>>
        tpu.enqueue_indirect_dma source(%dma_start3A_1746 : memref<1007616x16xf32, #tpu.memory_space<hbm>>) target(%dma_start3A_1740 : memref<72x16xf32, #tpu.memory_space<vmem>>) offsets(%dma_start3A_1743 : memref<72xi32, #tpu.memory_space<vmem>>) semaphore(%arg13 : memref<!tpu.dma_semaphore, #tpu.memory_space<semaphore_mem>>)
        %dma_start3A_1747 = arith.constant 8 : i32
        %dma_start3A_1748 = arith.constant 1600 : i32
        %dma_start3A_1749 = arith.constant 0 : i32
        %dma_start3A_1750 = tpu.memref_slice %arg10[%dma_start3A_1748, %dma_start3A_1749] : memref<3200x16xf32, #tpu.memory_space<vmem>> -> memref<128x16xf32, #tpu.memory_space<vmem>>
        %dma_start3A_1751 = arith.constant 0 : i32
        %dma_start3A_1752 = tpu.memref_slice %arg6[%dma_start3A_1747, %dma_start3A_1751] : memref<16x128xi32, #tpu.memory_space<vmem>> -> memref<1x128xi32, #tpu.memory_space<vmem>>
        %dma_start3A_1753 = tpu.memref_squeeze %dma_start3A_1752 : memref<1x128xi32, #tpu.memory_space<vmem>> -> memref<128xi32, #tpu.memory_space<vmem>>
        %dma_start3A_1754 = arith.constant 0 : i32
        %dma_start3A_1755 = arith.constant 0 : i32
        %dma_start3A_1756 = tpu.memref_slice %arg4[%dma_start3A_1754, %dma_start3A_1755] : memref<1007616x16xf32, #tpu.memory_space<hbm>> -> memref<1007616x16xf32, #tpu.memory_space<hbm>>
        tpu.enqueue_indirect_dma source(%dma_start3A_1756 : memref<1007616x16xf32, #tpu.memory_space<hbm>>) target(%dma_start3A_1750 : memref<128x16xf32, #tpu.memory_space<vmem>>) offsets(%dma_start3A_1753 : memref<128xi32, #tpu.memory_space<vmem>>) semaphore(%arg13 : memref<!tpu.dma_semaphore, #tpu.memory_space<semaphore_mem>>)
        %dma_start3A_1757 = arith.constant 8 : i32
        %dma_start3A_1758 = arith.constant 1728 : i32
        %dma_start3A_1759 = arith.constant 0 : i32
        %dma_start3A_1760 = tpu.memref_slice %arg10[%dma_start3A_1758, %dma_start3A_1759] : memref<3200x16xf32, #tpu.memory_space<vmem>> -> memref<72x16xf32, #tpu.memory_space<vmem>>
        %dma_start3A_1761 = arith.constant 0 : i32
        %dma_start3A_1762 = tpu.memref_slice %arg7[%dma_start3A_1757, %dma_start3A_1761] : memref<16x128xi32, #tpu.memory_space<vmem>> -> memref<1x72xi32, #tpu.memory_space<vmem>>
        %dma_start3A_1763 = tpu.memref_squeeze %dma_start3A_1762 : memref<1x72xi32, #tpu.memory_space<vmem>> -> memref<72xi32, #tpu.memory_space<vmem>>
        %dma_start3A_1764 = arith.constant 0 : i32
        %dma_start3A_1765 = arith.constant 0 : i32
        %dma_start3A_1766 = tpu.memref_slice %arg4[%dma_start3A_1764, %dma_start3A_1765] : memref<1007616x16xf32, #tpu.memory_space<hbm>> -> memref<1007616x16xf32, #tpu.memory_space<hbm>>
        tpu.enqueue_indirect_dma source(%dma_start3A_1766 : memref<1007616x16xf32, #tpu.memory_space<hbm>>) target(%dma_start3A_1760 : memref<72x16xf32, #tpu.memory_space<vmem>>) offsets(%dma_start3A_1763 : memref<72xi32, #tpu.memory_space<vmem>>) semaphore(%arg13 : memref<!tpu.dma_semaphore, #tpu.memory_space<semaphore_mem>>)
        %dma_start3A_1767 = arith.constant 9 : i32
        %dma_start3A_1768 = arith.constant 1800 : i32
        %dma_start3A_1769 = arith.constant 0 : i32
        %dma_start3A_1770 = tpu.memref_slice %arg10[%dma_start3A_1768, %dma_start3A_1769] : memref<3200x16xf32, #tpu.memory_space<vmem>> -> memref<128x16xf32, #tpu.memory_space<vmem>>
        %dma_start3A_1771 = arith.constant 0 : i32
        %dma_start3A_1772 = tpu.memref_slice %arg6[%dma_start3A_1767, %dma_start3A_1771] : memref<16x128xi32, #tpu.memory_space<vmem>> -> memref<1x128xi32, #tpu.memory_space<vmem>>
        %dma_start3A_1773 = tpu.memref_squeeze %dma_start3A_1772 : memref<1x128xi32, #tpu.memory_space<vmem>> -> memref<128xi32, #tpu.memory_space<vmem>>
        %dma_start3A_1774 = arith.constant 0 : i32
        %dma_start3A_1775 = arith.constant 0 : i32
        %dma_start3A_1776 = tpu.memref_slice %arg4[%dma_start3A_1774, %dma_start3A_1775] : memref<1007616x16xf32, #tpu.memory_space<hbm>> -> memref<1007616x16xf32, #tpu.memory_space<hbm>>
        tpu.enqueue_indirect_dma source(%dma_start3A_1776 : memref<1007616x16xf32, #tpu.memory_space<hbm>>) target(%dma_start3A_1770 : memref<128x16xf32, #tpu.memory_space<vmem>>) offsets(%dma_start3A_1773 : memref<128xi32, #tpu.memory_space<vmem>>) semaphore(%arg13 : memref<!tpu.dma_semaphore, #tpu.memory_space<semaphore_mem>>)
        %dma_start3A_1777 = arith.constant 9 : i32
        %dma_start3A_1778 = arith.constant 1928 : i32
        %dma_start3A_1779 = arith.constant 0 : i32
        %dma_start3A_1780 = tpu.memref_slice %arg10[%dma_start3A_1778, %dma_start3A_1779] : memref<3200x16xf32, #tpu.memory_space<vmem>> -> memref<72x16xf32, #tpu.memory_space<vmem>>
        %dma_start3A_1781 = arith.constant 0 : i32
        %dma_start3A_1782 = tpu.memref_slice %arg7[%dma_start3A_1777, %dma_start3A_1781] : memref<16x128xi32, #tpu.memory_space<vmem>> -> memref<1x72xi32, #tpu.memory_space<vmem>>
        %dma_start3A_1783 = tpu.memref_squeeze %dma_start3A_1782 : memref<1x72xi32, #tpu.memory_space<vmem>> -> memref<72xi32, #tpu.memory_space<vmem>>
        %dma_start3A_1784 = arith.constant 0 : i32
        %dma_start3A_1785 = arith.constant 0 : i32
        %dma_start3A_1786 = tpu.memref_slice %arg4[%dma_start3A_1784, %dma_start3A_1785] : memref<1007616x16xf32, #tpu.memory_space<hbm>> -> memref<1007616x16xf32, #tpu.memory_space<hbm>>
        tpu.enqueue_indirect_dma source(%dma_start3A_1786 : memref<1007616x16xf32, #tpu.memory_space<hbm>>) target(%dma_start3A_1780 : memref<72x16xf32, #tpu.memory_space<vmem>>) offsets(%dma_start3A_1783 : memref<72xi32, #tpu.memory_space<vmem>>) semaphore(%arg13 : memref<!tpu.dma_semaphore, #tpu.memory_space<semaphore_mem>>)
        %dma_start3A_1787 = arith.constant 10 : i32
        %dma_start3A_1788 = arith.constant 2000 : i32
        %dma_start3A_1789 = arith.constant 0 : i32
        %dma_start3A_1790 = tpu.memref_slice %arg10[%dma_start3A_1788, %dma_start3A_1789] : memref<3200x16xf32, #tpu.memory_space<vmem>> -> memref<128x16xf32, #tpu.memory_space<vmem>>
        %dma_start3A_1791 = arith.constant 0 : i32
        %dma_start3A_1792 = tpu.memref_slice %arg6[%dma_start3A_1787, %dma_start3A_1791] : memref<16x128xi32, #tpu.memory_space<vmem>> -> memref<1x128xi32, #tpu.memory_space<vmem>>
        %dma_start3A_1793 = tpu.memref_squeeze %dma_start3A_1792 : memref<1x128xi32, #tpu.memory_space<vmem>> -> memref<128xi32, #tpu.memory_space<vmem>>
        %dma_start3A_1794 = arith.constant 0 : i32
        %dma_start3A_1795 = arith.constant 0 : i32
        %dma_start3A_1796 = tpu.memref_slice %arg4[%dma_start3A_1794, %dma_start3A_1795] : memref<1007616x16xf32, #tpu.memory_space<hbm>> -> memref<1007616x16xf32, #tpu.memory_space<hbm>>
        tpu.enqueue_indirect_dma source(%dma_start3A_1796 : memref<1007616x16xf32, #tpu.memory_space<hbm>>) target(%dma_start3A_1790 : memref<128x16xf32, #tpu.memory_space<vmem>>) offsets(%dma_start3A_1793 : memref<128xi32, #tpu.memory_space<vmem>>) semaphore(%arg13 : memref<!tpu.dma_semaphore, #tpu.memory_space<semaphore_mem>>)
        %dma_start3A_1797 = arith.constant 10 : i32
        %dma_start3A_1798 = arith.constant 2128 : i32
        %dma_start3A_1799 = arith.constant 0 : i32
        %dma_start3A_1800 = tpu.memref_slice %arg10[%dma_start3A_1798, %dma_start3A_1799] : memref<3200x16xf32, #tpu.memory_space<vmem>> -> memref<72x16xf32, #tpu.memory_space<vmem>>
        %dma_start3A_1801 = arith.constant 0 : i32
        %dma_start3A_1802 = tpu.memref_slice %arg7[%dma_start3A_1797, %dma_start3A_1801] : memref<16x128xi32, #tpu.memory_space<vmem>> -> memref<1x72xi32, #tpu.memory_space<vmem>>
        %dma_start3A_1803 = tpu.memref_squeeze %dma_start3A_1802 : memref<1x72xi32, #tpu.memory_space<vmem>> -> memref<72xi32, #tpu.memory_space<vmem>>
        %dma_start3A_1804 = arith.constant 0 : i32
        %dma_start3A_1805 = arith.constant 0 : i32
        %dma_start3A_1806 = tpu.memref_slice %arg4[%dma_start3A_1804, %dma_start3A_1805] : memref<1007616x16xf32, #tpu.memory_space<hbm>> -> memref<1007616x16xf32, #tpu.memory_space<hbm>>
        tpu.enqueue_indirect_dma source(%dma_start3A_1806 : memref<1007616x16xf32, #tpu.memory_space<hbm>>) target(%dma_start3A_1800 : memref<72x16xf32, #tpu.memory_space<vmem>>) offsets(%dma_start3A_1803 : memref<72xi32, #tpu.memory_space<vmem>>) semaphore(%arg13 : memref<!tpu.dma_semaphore, #tpu.memory_space<semaphore_mem>>)
        %dma_start3A_1807 = arith.constant 11 : i32
        %dma_start3A_1808 = arith.constant 2200 : i32
        %dma_start3A_1809 = arith.constant 0 : i32
        %dma_start3A_1810 = tpu.memref_slice %arg10[%dma_start3A_1808, %dma_start3A_1809] : memref<3200x16xf32, #tpu.memory_space<vmem>> -> memref<128x16xf32, #tpu.memory_space<vmem>>
        %dma_start3A_1811 = arith.constant 0 : i32
        %dma_start3A_1812 = tpu.memref_slice %arg6[%dma_start3A_1807, %dma_start3A_1811] : memref<16x128xi32, #tpu.memory_space<vmem>> -> memref<1x128xi32, #tpu.memory_space<vmem>>
        %dma_start3A_1813 = tpu.memref_squeeze %dma_start3A_1812 : memref<1x128xi32, #tpu.memory_space<vmem>> -> memref<128xi32, #tpu.memory_space<vmem>>
        %dma_start3A_1814 = arith.constant 0 : i32
        %dma_start3A_1815 = arith.constant 0 : i32
        %dma_start3A_1816 = tpu.memref_slice %arg4[%dma_start3A_1814, %dma_start3A_1815] : memref<1007616x16xf32, #tpu.memory_space<hbm>> -> memref<1007616x16xf32, #tpu.memory_space<hbm>>
        tpu.enqueue_indirect_dma source(%dma_start3A_1816 : memref<1007616x16xf32, #tpu.memory_space<hbm>>) target(%dma_start3A_1810 : memref<128x16xf32, #tpu.memory_space<vmem>>) offsets(%dma_start3A_1813 : memref<128xi32, #tpu.memory_space<vmem>>) semaphore(%arg13 : memref<!tpu.dma_semaphore, #tpu.memory_space<semaphore_mem>>)
        %dma_start3A_1817 = arith.constant 11 : i32
        %dma_start3A_1818 = arith.constant 2328 : i32
        %dma_start3A_1819 = arith.constant 0 : i32
        %dma_start3A_1820 = tpu.memref_slice %arg10[%dma_start3A_1818, %dma_start3A_1819] : memref<3200x16xf32, #tpu.memory_space<vmem>> -> memref<72x16xf32, #tpu.memory_space<vmem>>
        %dma_start3A_1821 = arith.constant 0 : i32
        %dma_start3A_1822 = tpu.memref_slice %arg7[%dma_start3A_1817, %dma_start3A_1821] : memref<16x128xi32, #tpu.memory_space<vmem>> -> memref<1x72xi32, #tpu.memory_space<vmem>>
        %dma_start3A_1823 = tpu.memref_squeeze %dma_start3A_1822 : memref<1x72xi32, #tpu.memory_space<vmem>> -> memref<72xi32, #tpu.memory_space<vmem>>
        %dma_start3A_1824 = arith.constant 0 : i32
        %dma_start3A_1825 = arith.constant 0 : i32
        %dma_start3A_1826 = tpu.memref_slice %arg4[%dma_start3A_1824, %dma_start3A_1825] : memref<1007616x16xf32, #tpu.memory_space<hbm>> -> memref<1007616x16xf32, #tpu.memory_space<hbm>>
        tpu.enqueue_indirect_dma source(%dma_start3A_1826 : memref<1007616x16xf32, #tpu.memory_space<hbm>>) target(%dma_start3A_1820 : memref<72x16xf32, #tpu.memory_space<vmem>>) offsets(%dma_start3A_1823 : memref<72xi32, #tpu.memory_space<vmem>>) semaphore(%arg13 : memref<!tpu.dma_semaphore, #tpu.memory_space<semaphore_mem>>)
        %dma_start3A_1827 = arith.constant 12 : i32
        %dma_start3A_1828 = arith.constant 2400 : i32
        %dma_start3A_1829 = arith.constant 0 : i32
        %dma_start3A_1830 = tpu.memref_slice %arg10[%dma_start3A_1828, %dma_start3A_1829] : memref<3200x16xf32, #tpu.memory_space<vmem>> -> memref<128x16xf32, #tpu.memory_space<vmem>>
        %dma_start3A_1831 = arith.constant 0 : i32
        %dma_start3A_1832 = tpu.memref_slice %arg6[%dma_start3A_1827, %dma_start3A_1831] : memref<16x128xi32, #tpu.memory_space<vmem>> -> memref<1x128xi32, #tpu.memory_space<vmem>>
        %dma_start3A_1833 = tpu.memref_squeeze %dma_start3A_1832 : memref<1x128xi32, #tpu.memory_space<vmem>> -> memref<128xi32, #tpu.memory_space<vmem>>
        %dma_start3A_1834 = arith.constant 0 : i32
        %dma_start3A_1835 = arith.constant 0 : i32
        %dma_start3A_1836 = tpu.memref_slice %arg4[%dma_start3A_1834, %dma_start3A_1835] : memref<1007616x16xf32, #tpu.memory_space<hbm>> -> memref<1007616x16xf32, #tpu.memory_space<hbm>>
        tpu.enqueue_indirect_dma source(%dma_start3A_1836 : memref<1007616x16xf32, #tpu.memory_space<hbm>>) target(%dma_start3A_1830 : memref<128x16xf32, #tpu.memory_space<vmem>>) offsets(%dma_start3A_1833 : memref<128xi32, #tpu.memory_space<vmem>>) semaphore(%arg13 : memref<!tpu.dma_semaphore, #tpu.memory_space<semaphore_mem>>)
        %dma_start3A_1837 = arith.constant 12 : i32
        %dma_start3A_1838 = arith.constant 2528 : i32
        %dma_start3A_1839 = arith.constant 0 : i32
        %dma_start3A_1840 = tpu.memref_slice %arg10[%dma_start3A_1838, %dma_start3A_1839] : memref<3200x16xf32, #tpu.memory_space<vmem>> -> memref<72x16xf32, #tpu.memory_space<vmem>>
        %dma_start3A_1841 = arith.constant 0 : i32
        %dma_start3A_1842 = tpu.memref_slice %arg7[%dma_start3A_1837, %dma_start3A_1841] : memref<16x128xi32, #tpu.memory_space<vmem>> -> memref<1x72xi32, #tpu.memory_space<vmem>>
        %dma_start3A_1843 = tpu.memref_squeeze %dma_start3A_1842 : memref<1x72xi32, #tpu.memory_space<vmem>> -> memref<72xi32, #tpu.memory_space<vmem>>
        %dma_start3A_1844 = arith.constant 0 : i32
        %dma_start3A_1845 = arith.constant 0 : i32
        %dma_start3A_1846 = tpu.memref_slice %arg4[%dma_start3A_1844, %dma_start3A_1845] : memref<1007616x16xf32, #tpu.memory_space<hbm>> -> memref<1007616x16xf32, #tpu.memory_space<hbm>>
        tpu.enqueue_indirect_dma source(%dma_start3A_1846 : memref<1007616x16xf32, #tpu.memory_space<hbm>>) target(%dma_start3A_1840 : memref<72x16xf32, #tpu.memory_space<vmem>>) offsets(%dma_start3A_1843 : memref<72xi32, #tpu.memory_space<vmem>>) semaphore(%arg13 : memref<!tpu.dma_semaphore, #tpu.memory_space<semaphore_mem>>)
        %dma_start3A_1847 = arith.constant 13 : i32
        %dma_start3A_1848 = arith.constant 2600 : i32
        %dma_start3A_1849 = arith.constant 0 : i32
        %dma_start3A_1850 = tpu.memref_slice %arg10[%dma_start3A_1848, %dma_start3A_1849] : memref<3200x16xf32, #tpu.memory_space<vmem>> -> memref<128x16xf32, #tpu.memory_space<vmem>>
        %dma_start3A_1851 = arith.constant 0 : i32
        %dma_start3A_1852 = tpu.memref_slice %arg6[%dma_start3A_1847, %dma_start3A_1851] : memref<16x128xi32, #tpu.memory_space<vmem>> -> memref<1x128xi32, #tpu.memory_space<vmem>>
        %dma_start3A_1853 = tpu.memref_squeeze %dma_start3A_1852 : memref<1x128xi32, #tpu.memory_space<vmem>> -> memref<128xi32, #tpu.memory_space<vmem>>
        %dma_start3A_1854 = arith.constant 0 : i32
        %dma_start3A_1855 = arith.constant 0 : i32
        %dma_start3A_1856 = tpu.memref_slice %arg4[%dma_start3A_1854, %dma_start3A_1855] : memref<1007616x16xf32, #tpu.memory_space<hbm>> -> memref<1007616x16xf32, #tpu.memory_space<hbm>>
        tpu.enqueue_indirect_dma source(%dma_start3A_1856 : memref<1007616x16xf32, #tpu.memory_space<hbm>>) target(%dma_start3A_1850 : memref<128x16xf32, #tpu.memory_space<vmem>>) offsets(%dma_start3A_1853 : memref<128xi32, #tpu.memory_space<vmem>>) semaphore(%arg13 : memref<!tpu.dma_semaphore, #tpu.memory_space<semaphore_mem>>)
        %dma_start3A_1857 = arith.constant 13 : i32
        %dma_start3A_1858 = arith.constant 2728 : i32
        %dma_start3A_1859 = arith.constant 0 : i32
        %dma_start3A_1860 = tpu.memref_slice %arg10[%dma_start3A_1858, %dma_start3A_1859] : memref<3200x16xf32, #tpu.memory_space<vmem>> -> memref<72x16xf32, #tpu.memory_space<vmem>>
        %dma_start3A_1861 = arith.constant 0 : i32
        %dma_start3A_1862 = tpu.memref_slice %arg7[%dma_start3A_1857, %dma_start3A_1861] : memref<16x128xi32, #tpu.memory_space<vmem>> -> memref<1x72xi32, #tpu.memory_space<vmem>>
        %dma_start3A_1863 = tpu.memref_squeeze %dma_start3A_1862 : memref<1x72xi32, #tpu.memory_space<vmem>> -> memref<72xi32, #tpu.memory_space<vmem>>
        %dma_start3A_1864 = arith.constant 0 : i32
        %dma_start3A_1865 = arith.constant 0 : i32
        %dma_start3A_1866 = tpu.memref_slice %arg4[%dma_start3A_1864, %dma_start3A_1865] : memref<1007616x16xf32, #tpu.memory_space<hbm>> -> memref<1007616x16xf32, #tpu.memory_space<hbm>>
        tpu.enqueue_indirect_dma source(%dma_start3A_1866 : memref<1007616x16xf32, #tpu.memory_space<hbm>>) target(%dma_start3A_1860 : memref<72x16xf32, #tpu.memory_space<vmem>>) offsets(%dma_start3A_1863 : memref<72xi32, #tpu.memory_space<vmem>>) semaphore(%arg13 : memref<!tpu.dma_semaphore, #tpu.memory_space<semaphore_mem>>)
        %dma_start3A_1867 = arith.constant 14 : i32
        %dma_start3A_1868 = arith.constant 2800 : i32
        %dma_start3A_1869 = arith.constant 0 : i32
        %dma_start3A_1870 = tpu.memref_slice %arg10[%dma_start3A_1868, %dma_start3A_1869] : memref<3200x16xf32, #tpu.memory_space<vmem>> -> memref<128x16xf32, #tpu.memory_space<vmem>>
        %dma_start3A_1871 = arith.constant 0 : i32
        %dma_start3A_1872 = tpu.memref_slice %arg6[%dma_start3A_1867, %dma_start3A_1871] : memref<16x128xi32, #tpu.memory_space<vmem>> -> memref<1x128xi32, #tpu.memory_space<vmem>>
        %dma_start3A_1873 = tpu.memref_squeeze %dma_start3A_1872 : memref<1x128xi32, #tpu.memory_space<vmem>> -> memref<128xi32, #tpu.memory_space<vmem>>
        %dma_start3A_1874 = arith.constant 0 : i32
        %dma_start3A_1875 = arith.constant 0 : i32
        %dma_start3A_1876 = tpu.memref_slice %arg4[%dma_start3A_1874, %dma_start3A_1875] : memref<1007616x16xf32, #tpu.memory_space<hbm>> -> memref<1007616x16xf32, #tpu.memory_space<hbm>>
        tpu.enqueue_indirect_dma source(%dma_start3A_1876 : memref<1007616x16xf32, #tpu.memory_space<hbm>>) target(%dma_start3A_1870 : memref<128x16xf32, #tpu.memory_space<vmem>>) offsets(%dma_start3A_1873 : memref<128xi32, #tpu.memory_space<vmem>>) semaphore(%arg13 : memref<!tpu.dma_semaphore, #tpu.memory_space<semaphore_mem>>)
        %dma_start3A_1877 = arith.constant 14 : i32
        %dma_start3A_1878 = arith.constant 2928 : i32
        %dma_start3A_1879 = arith.constant 0 : i32
        %dma_start3A_1880 = tpu.memref_slice %arg10[%dma_start3A_1878, %dma_start3A_1879] : memref<3200x16xf32, #tpu.memory_space<vmem>> -> memref<72x16xf32, #tpu.memory_space<vmem>>
        %dma_start3A_1881 = arith.constant 0 : i32
        %dma_start3A_1882 = tpu.memref_slice %arg7[%dma_start3A_1877, %dma_start3A_1881] : memref<16x128xi32, #tpu.memory_space<vmem>> -> memref<1x72xi32, #tpu.memory_space<vmem>>
        %dma_start3A_1883 = tpu.memref_squeeze %dma_start3A_1882 : memref<1x72xi32, #tpu.memory_space<vmem>> -> memref<72xi32, #tpu.memory_space<vmem>>
        %dma_start3A_1884 = arith.constant 0 : i32
        %dma_start3A_1885 = arith.constant 0 : i32
        %dma_start3A_1886 = tpu.memref_slice %arg4[%dma_start3A_1884, %dma_start3A_1885] : memref<1007616x16xf32, #tpu.memory_space<hbm>> -> memref<1007616x16xf32, #tpu.memory_space<hbm>>
        tpu.enqueue_indirect_dma source(%dma_start3A_1886 : memref<1007616x16xf32, #tpu.memory_space<hbm>>) target(%dma_start3A_1880 : memref<72x16xf32, #tpu.memory_space<vmem>>) offsets(%dma_start3A_1883 : memref<72xi32, #tpu.memory_space<vmem>>) semaphore(%arg13 : memref<!tpu.dma_semaphore, #tpu.memory_space<semaphore_mem>>)
        %dma_start3A_1887 = arith.constant 15 : i32
        %dma_start3A_1888 = arith.constant 3000 : i32
        %dma_start3A_1889 = arith.constant 0 : i32
        %dma_start3A_1890 = tpu.memref_slice %arg10[%dma_start3A_1888, %dma_start3A_1889] : memref<3200x16xf32, #tpu.memory_space<vmem>> -> memref<128x16xf32, #tpu.memory_space<vmem>>
        %dma_start3A_1891 = arith.constant 0 : i32
        %dma_start3A_1892 = tpu.memref_slice %arg6[%dma_start3A_1887, %dma_start3A_1891] : memref<16x128xi32, #tpu.memory_space<vmem>> -> memref<1x128xi32, #tpu.memory_space<vmem>>
        %dma_start3A_1893 = tpu.memref_squeeze %dma_start3A_1892 : memref<1x128xi32, #tpu.memory_space<vmem>> -> memref<128xi32, #tpu.memory_space<vmem>>
        %dma_start3A_1894 = arith.constant 0 : i32
        %dma_start3A_1895 = arith.constant 0 : i32
        %dma_start3A_1896 = tpu.memref_slice %arg4[%dma_start3A_1894, %dma_start3A_1895] : memref<1007616x16xf32, #tpu.memory_space<hbm>> -> memref<1007616x16xf32, #tpu.memory_space<hbm>>
        tpu.enqueue_indirect_dma source(%dma_start3A_1896 : memref<1007616x16xf32, #tpu.memory_space<hbm>>) target(%dma_start3A_1890 : memref<128x16xf32, #tpu.memory_space<vmem>>) offsets(%dma_start3A_1893 : memref<128xi32, #tpu.memory_space<vmem>>) semaphore(%arg13 : memref<!tpu.dma_semaphore, #tpu.memory_space<semaphore_mem>>)
        %dma_start3A_1897 = arith.constant 15 : i32
        %dma_start3A_1898 = arith.constant 3128 : i32
        %dma_start3A_1899 = arith.constant 0 : i32
        %dma_start3A_1900 = tpu.memref_slice %arg10[%dma_start3A_1898, %dma_start3A_1899] : memref<3200x16xf32, #tpu.memory_space<vmem>> -> memref<72x16xf32, #tpu.memory_space<vmem>>
        %dma_start3A_1901 = arith.constant 0 : i32
        %dma_start3A_1902 = tpu.memref_slice %arg7[%dma_start3A_1897, %dma_start3A_1901] : memref<16x128xi32, #tpu.memory_space<vmem>> -> memref<1x72xi32, #tpu.memory_space<vmem>>
        %dma_start3A_1903 = tpu.memref_squeeze %dma_start3A_1902 : memref<1x72xi32, #tpu.memory_space<vmem>> -> memref<72xi32, #tpu.memory_space<vmem>>
        %dma_start3A_1904 = arith.constant 0 : i32
        %dma_start3A_1905 = arith.constant 0 : i32
        %dma_start3A_1906 = tpu.memref_slice %arg4[%dma_start3A_1904, %dma_start3A_1905] : memref<1007616x16xf32, #tpu.memory_space<hbm>> -> memref<1007616x16xf32, #tpu.memory_space<hbm>>
        tpu.enqueue_indirect_dma source(%dma_start3A_1906 : memref<1007616x16xf32, #tpu.memory_space<hbm>>) target(%dma_start3A_1900 : memref<72x16xf32, #tpu.memory_space<vmem>>) offsets(%dma_start3A_1903 : memref<72xi32, #tpu.memory_space<vmem>>) semaphore(%arg13 : memref<!tpu.dma_semaphore, #tpu.memory_space<semaphore_mem>>)
      } else {
      }
      %dma_wait3A_1136 = arith.constant 0 : i32
      %dma_wait3A_1137 = arith.constant 0 : i32
      %dma_wait3A_1138 = arith.constant 0 : i32
      %dma_wait3A_1139 = tpu.memref_slice %arg11[%dma_wait3A_1137, %dma_wait3A_1138] : memref<3200x16xf32, #tpu.memory_space<vmem>> -> memref<128x16xf32, #tpu.memory_space<vmem>>
      %dma_wait3A_1140 = arith.constant 0 : i32
      %dma_wait3A_1141 = tpu.memref_slice %arg8[%dma_wait3A_1136, %dma_wait3A_1140] : memref<16x128xi32, #tpu.memory_space<vmem>> -> memref<1x128xi32, #tpu.memory_space<vmem>>
      %dma_wait3A_1142 = tpu.memref_squeeze %dma_wait3A_1141 : memref<1x128xi32, #tpu.memory_space<vmem>> -> memref<128xi32, #tpu.memory_space<vmem>>
      %dma_wait3A_1143 = arith.constant 0 : i32
      %dma_wait3A_1144 = arith.constant 0 : i32
      %dma_wait3A_1145 = tpu.memref_slice %arg4[%dma_wait3A_1143, %dma_wait3A_1144] : memref<1007616x16xf32, #tpu.memory_space<hbm>> -> memref<1007616x16xf32, #tpu.memory_space<hbm>>
      tpu.wait_indirect_dma semaphore(%arg14 : memref<!tpu.dma_semaphore, #tpu.memory_space<semaphore_mem>>) src(%dma_wait3A_1145 : memref<1007616x16xf32, #tpu.memory_space<hbm>>) dst(%dma_wait3A_1139 : memref<128x16xf32, #tpu.memory_space<vmem>>)
      %dma_wait3A_1146 = arith.constant 0 : i32
      %dma_wait3A_1147 = arith.constant 128 : i32
      %dma_wait3A_1148 = arith.constant 0 : i32
      %dma_wait3A_1149 = tpu.memref_slice %arg11[%dma_wait3A_1147, %dma_wait3A_1148] : memref<3200x16xf32, #tpu.memory_space<vmem>> -> memref<72x16xf32, #tpu.memory_space<vmem>>
      %dma_wait3A_1150 = arith.constant 0 : i32
      %dma_wait3A_1151 = tpu.memref_slice %arg9[%dma_wait3A_1146, %dma_wait3A_1150] : memref<16x128xi32, #tpu.memory_space<vmem>> -> memref<1x72xi32, #tpu.memory_space<vmem>>
      %dma_wait3A_1152 = tpu.memref_squeeze %dma_wait3A_1151 : memref<1x72xi32, #tpu.memory_space<vmem>> -> memref<72xi32, #tpu.memory_space<vmem>>
      %dma_wait3A_1153 = arith.constant 0 : i32
      %dma_wait3A_1154 = arith.constant 0 : i32
      %dma_wait3A_1155 = tpu.memref_slice %arg4[%dma_wait3A_1153, %dma_wait3A_1154] : memref<1007616x16xf32, #tpu.memory_space<hbm>> -> memref<1007616x16xf32, #tpu.memory_space<hbm>>
      tpu.wait_indirect_dma semaphore(%arg14 : memref<!tpu.dma_semaphore, #tpu.memory_space<semaphore_mem>>) src(%dma_wait3A_1155 : memref<1007616x16xf32, #tpu.memory_space<hbm>>) dst(%dma_wait3A_1149 : memref<72x16xf32, #tpu.memory_space<vmem>>)
      %dma_wait3A_1156 = arith.constant 1 : i32
      %dma_wait3A_1157 = arith.constant 200 : i32
      %dma_wait3A_1158 = arith.constant 0 : i32
      %dma_wait3A_1159 = tpu.memref_slice %arg11[%dma_wait3A_1157, %dma_wait3A_1158] : memref<3200x16xf32, #tpu.memory_space<vmem>> -> memref<128x16xf32, #tpu.memory_space<vmem>>
      %dma_wait3A_1160 = arith.constant 0 : i32
      %dma_wait3A_1161 = tpu.memref_slice %arg8[%dma_wait3A_1156, %dma_wait3A_1160] : memref<16x128xi32, #tpu.memory_space<vmem>> -> memref<1x128xi32, #tpu.memory_space<vmem>>
      %dma_wait3A_1162 = tpu.memref_squeeze %dma_wait3A_1161 : memref<1x128xi32, #tpu.memory_space<vmem>> -> memref<128xi32, #tpu.memory_space<vmem>>
      %dma_wait3A_1163 = arith.constant 0 : i32
      %dma_wait3A_1164 = arith.constant 0 : i32
      %dma_wait3A_1165 = tpu.memref_slice %arg4[%dma_wait3A_1163, %dma_wait3A_1164] : memref<1007616x16xf32, #tpu.memory_space<hbm>> -> memref<1007616x16xf32, #tpu.memory_space<hbm>>
      tpu.wait_indirect_dma semaphore(%arg14 : memref<!tpu.dma_semaphore, #tpu.memory_space<semaphore_mem>>) src(%dma_wait3A_1165 : memref<1007616x16xf32, #tpu.memory_space<hbm>>) dst(%dma_wait3A_1159 : memref<128x16xf32, #tpu.memory_space<vmem>>)
      %dma_wait3A_1166 = arith.constant 1 : i32
      %dma_wait3A_1167 = arith.constant 328 : i32
      %dma_wait3A_1168 = arith.constant 0 : i32
      %dma_wait3A_1169 = tpu.memref_slice %arg11[%dma_wait3A_1167, %dma_wait3A_1168] : memref<3200x16xf32, #tpu.memory_space<vmem>> -> memref<72x16xf32, #tpu.memory_space<vmem>>
      %dma_wait3A_1170 = arith.constant 0 : i32
      %dma_wait3A_1171 = tpu.memref_slice %arg9[%dma_wait3A_1166, %dma_wait3A_1170] : memref<16x128xi32, #tpu.memory_space<vmem>> -> memref<1x72xi32, #tpu.memory_space<vmem>>
      %dma_wait3A_1172 = tpu.memref_squeeze %dma_wait3A_1171 : memref<1x72xi32, #tpu.memory_space<vmem>> -> memref<72xi32, #tpu.memory_space<vmem>>
      %dma_wait3A_1173 = arith.constant 0 : i32
      %dma_wait3A_1174 = arith.constant 0 : i32
      %dma_wait3A_1175 = tpu.memref_slice %arg4[%dma_wait3A_1173, %dma_wait3A_1174] : memref<1007616x16xf32, #tpu.memory_space<hbm>> -> memref<1007616x16xf32, #tpu.memory_space<hbm>>
      tpu.wait_indirect_dma semaphore(%arg14 : memref<!tpu.dma_semaphore, #tpu.memory_space<semaphore_mem>>) src(%dma_wait3A_1175 : memref<1007616x16xf32, #tpu.memory_space<hbm>>) dst(%dma_wait3A_1169 : memref<72x16xf32, #tpu.memory_space<vmem>>)
      %dma_wait3A_1176 = arith.constant 2 : i32
      %dma_wait3A_1177 = arith.constant 400 : i32
      %dma_wait3A_1178 = arith.constant 0 : i32
      %dma_wait3A_1179 = tpu.memref_slice %arg11[%dma_wait3A_1177, %dma_wait3A_1178] : memref<3200x16xf32, #tpu.memory_space<vmem>> -> memref<128x16xf32, #tpu.memory_space<vmem>>
      %dma_wait3A_1180 = arith.constant 0 : i32
      %dma_wait3A_1181 = tpu.memref_slice %arg8[%dma_wait3A_1176, %dma_wait3A_1180] : memref<16x128xi32, #tpu.memory_space<vmem>> -> memref<1x128xi32, #tpu.memory_space<vmem>>
      %dma_wait3A_1182 = tpu.memref_squeeze %dma_wait3A_1181 : memref<1x128xi32, #tpu.memory_space<vmem>> -> memref<128xi32, #tpu.memory_space<vmem>>
      %dma_wait3A_1183 = arith.constant 0 : i32
      %dma_wait3A_1184 = arith.constant 0 : i32
      %dma_wait3A_1185 = tpu.memref_slice %arg4[%dma_wait3A_1183, %dma_wait3A_1184] : memref<1007616x16xf32, #tpu.memory_space<hbm>> -> memref<1007616x16xf32, #tpu.memory_space<hbm>>
      tpu.wait_indirect_dma semaphore(%arg14 : memref<!tpu.dma_semaphore, #tpu.memory_space<semaphore_mem>>) src(%dma_wait3A_1185 : memref<1007616x16xf32, #tpu.memory_space<hbm>>) dst(%dma_wait3A_1179 : memref<128x16xf32, #tpu.memory_space<vmem>>)
      %dma_wait3A_1186 = arith.constant 2 : i32
      %dma_wait3A_1187 = arith.constant 528 : i32
      %dma_wait3A_1188 = arith.constant 0 : i32
      %dma_wait3A_1189 = tpu.memref_slice %arg11[%dma_wait3A_1187, %dma_wait3A_1188] : memref<3200x16xf32, #tpu.memory_space<vmem>> -> memref<72x16xf32, #tpu.memory_space<vmem>>
      %dma_wait3A_1190 = arith.constant 0 : i32
      %dma_wait3A_1191 = tpu.memref_slice %arg9[%dma_wait3A_1186, %dma_wait3A_1190] : memref<16x128xi32, #tpu.memory_space<vmem>> -> memref<1x72xi32, #tpu.memory_space<vmem>>
      %dma_wait3A_1192 = tpu.memref_squeeze %dma_wait3A_1191 : memref<1x72xi32, #tpu.memory_space<vmem>> -> memref<72xi32, #tpu.memory_space<vmem>>
      %dma_wait3A_1193 = arith.constant 0 : i32
      %dma_wait3A_1194 = arith.constant 0 : i32
      %dma_wait3A_1195 = tpu.memref_slice %arg4[%dma_wait3A_1193, %dma_wait3A_1194] : memref<1007616x16xf32, #tpu.memory_space<hbm>> -> memref<1007616x16xf32, #tpu.memory_space<hbm>>
      tpu.wait_indirect_dma semaphore(%arg14 : memref<!tpu.dma_semaphore, #tpu.memory_space<semaphore_mem>>) src(%dma_wait3A_1195 : memref<1007616x16xf32, #tpu.memory_space<hbm>>) dst(%dma_wait3A_1189 : memref<72x16xf32, #tpu.memory_space<vmem>>)
      %dma_wait3A_1196 = arith.constant 3 : i32
      %dma_wait3A_1197 = arith.constant 600 : i32
      %dma_wait3A_1198 = arith.constant 0 : i32
      %dma_wait3A_1199 = tpu.memref_slice %arg11[%dma_wait3A_1197, %dma_wait3A_1198] : memref<3200x16xf32, #tpu.memory_space<vmem>> -> memref<128x16xf32, #tpu.memory_space<vmem>>
      %dma_wait3A_1200 = arith.constant 0 : i32
      %dma_wait3A_1201 = tpu.memref_slice %arg8[%dma_wait3A_1196, %dma_wait3A_1200] : memref<16x128xi32, #tpu.memory_space<vmem>> -> memref<1x128xi32, #tpu.memory_space<vmem>>
      %dma_wait3A_1202 = tpu.memref_squeeze %dma_wait3A_1201 : memref<1x128xi32, #tpu.memory_space<vmem>> -> memref<128xi32, #tpu.memory_space<vmem>>
      %dma_wait3A_1203 = arith.constant 0 : i32
      %dma_wait3A_1204 = arith.constant 0 : i32
      %dma_wait3A_1205 = tpu.memref_slice %arg4[%dma_wait3A_1203, %dma_wait3A_1204] : memref<1007616x16xf32, #tpu.memory_space<hbm>> -> memref<1007616x16xf32, #tpu.memory_space<hbm>>
      tpu.wait_indirect_dma semaphore(%arg14 : memref<!tpu.dma_semaphore, #tpu.memory_space<semaphore_mem>>) src(%dma_wait3A_1205 : memref<1007616x16xf32, #tpu.memory_space<hbm>>) dst(%dma_wait3A_1199 : memref<128x16xf32, #tpu.memory_space<vmem>>)
      %dma_wait3A_1206 = arith.constant 3 : i32
      %dma_wait3A_1207 = arith.constant 728 : i32
      %dma_wait3A_1208 = arith.constant 0 : i32
      %dma_wait3A_1209 = tpu.memref_slice %arg11[%dma_wait3A_1207, %dma_wait3A_1208] : memref<3200x16xf32, #tpu.memory_space<vmem>> -> memref<72x16xf32, #tpu.memory_space<vmem>>
      %dma_wait3A_1210 = arith.constant 0 : i32
      %dma_wait3A_1211 = tpu.memref_slice %arg9[%dma_wait3A_1206, %dma_wait3A_1210] : memref<16x128xi32, #tpu.memory_space<vmem>> -> memref<1x72xi32, #tpu.memory_space<vmem>>
      %dma_wait3A_1212 = tpu.memref_squeeze %dma_wait3A_1211 : memref<1x72xi32, #tpu.memory_space<vmem>> -> memref<72xi32, #tpu.memory_space<vmem>>
      %dma_wait3A_1213 = arith.constant 0 : i32
      %dma_wait3A_1214 = arith.constant 0 : i32
      %dma_wait3A_1215 = tpu.memref_slice %arg4[%dma_wait3A_1213, %dma_wait3A_1214] : memref<1007616x16xf32, #tpu.memory_space<hbm>> -> memref<1007616x16xf32, #tpu.memory_space<hbm>>
      tpu.wait_indirect_dma semaphore(%arg14 : memref<!tpu.dma_semaphore, #tpu.memory_space<semaphore_mem>>) src(%dma_wait3A_1215 : memref<1007616x16xf32, #tpu.memory_space<hbm>>) dst(%dma_wait3A_1209 : memref<72x16xf32, #tpu.memory_space<vmem>>)
      %dma_wait3A_1216 = arith.constant 4 : i32
      %dma_wait3A_1217 = arith.constant 800 : i32
      %dma_wait3A_1218 = arith.constant 0 : i32
      %dma_wait3A_1219 = tpu.memref_slice %arg11[%dma_wait3A_1217, %dma_wait3A_1218] : memref<3200x16xf32, #tpu.memory_space<vmem>> -> memref<128x16xf32, #tpu.memory_space<vmem>>
      %dma_wait3A_1220 = arith.constant 0 : i32
      %dma_wait3A_1221 = tpu.memref_slice %arg8[%dma_wait3A_1216, %dma_wait3A_1220] : memref<16x128xi32, #tpu.memory_space<vmem>> -> memref<1x128xi32, #tpu.memory_space<vmem>>
      %dma_wait3A_1222 = tpu.memref_squeeze %dma_wait3A_1221 : memref<1x128xi32, #tpu.memory_space<vmem>> -> memref<128xi32, #tpu.memory_space<vmem>>
      %dma_wait3A_1223 = arith.constant 0 : i32
      %dma_wait3A_1224 = arith.constant 0 : i32
      %dma_wait3A_1225 = tpu.memref_slice %arg4[%dma_wait3A_1223, %dma_wait3A_1224] : memref<1007616x16xf32, #tpu.memory_space<hbm>> -> memref<1007616x16xf32, #tpu.memory_space<hbm>>
      tpu.wait_indirect_dma semaphore(%arg14 : memref<!tpu.dma_semaphore, #tpu.memory_space<semaphore_mem>>) src(%dma_wait3A_1225 : memref<1007616x16xf32, #tpu.memory_space<hbm>>) dst(%dma_wait3A_1219 : memref<128x16xf32, #tpu.memory_space<vmem>>)
      %dma_wait3A_1226 = arith.constant 4 : i32
      %dma_wait3A_1227 = arith.constant 928 : i32
      %dma_wait3A_1228 = arith.constant 0 : i32
      %dma_wait3A_1229 = tpu.memref_slice %arg11[%dma_wait3A_1227, %dma_wait3A_1228] : memref<3200x16xf32, #tpu.memory_space<vmem>> -> memref<72x16xf32, #tpu.memory_space<vmem>>
      %dma_wait3A_1230 = arith.constant 0 : i32
      %dma_wait3A_1231 = tpu.memref_slice %arg9[%dma_wait3A_1226, %dma_wait3A_1230] : memref<16x128xi32, #tpu.memory_space<vmem>> -> memref<1x72xi32, #tpu.memory_space<vmem>>
      %dma_wait3A_1232 = tpu.memref_squeeze %dma_wait3A_1231 : memref<1x72xi32, #tpu.memory_space<vmem>> -> memref<72xi32, #tpu.memory_space<vmem>>
      %dma_wait3A_1233 = arith.constant 0 : i32
      %dma_wait3A_1234 = arith.constant 0 : i32
      %dma_wait3A_1235 = tpu.memref_slice %arg4[%dma_wait3A_1233, %dma_wait3A_1234] : memref<1007616x16xf32, #tpu.memory_space<hbm>> -> memref<1007616x16xf32, #tpu.memory_space<hbm>>
      tpu.wait_indirect_dma semaphore(%arg14 : memref<!tpu.dma_semaphore, #tpu.memory_space<semaphore_mem>>) src(%dma_wait3A_1235 : memref<1007616x16xf32, #tpu.memory_space<hbm>>) dst(%dma_wait3A_1229 : memref<72x16xf32, #tpu.memory_space<vmem>>)
      %dma_wait3A_1236 = arith.constant 5 : i32
      %dma_wait3A_1237 = arith.constant 1000 : i32
      %dma_wait3A_1238 = arith.constant 0 : i32
      %dma_wait3A_1239 = tpu.memref_slice %arg11[%dma_wait3A_1237, %dma_wait3A_1238] : memref<3200x16xf32, #tpu.memory_space<vmem>> -> memref<128x16xf32, #tpu.memory_space<vmem>>
      %dma_wait3A_1240 = arith.constant 0 : i32
      %dma_wait3A_1241 = tpu.memref_slice %arg8[%dma_wait3A_1236, %dma_wait3A_1240] : memref<16x128xi32, #tpu.memory_space<vmem>> -> memref<1x128xi32, #tpu.memory_space<vmem>>
      %dma_wait3A_1242 = tpu.memref_squeeze %dma_wait3A_1241 : memref<1x128xi32, #tpu.memory_space<vmem>> -> memref<128xi32, #tpu.memory_space<vmem>>
      %dma_wait3A_1243 = arith.constant 0 : i32
      %dma_wait3A_1244 = arith.constant 0 : i32
      %dma_wait3A_1245 = tpu.memref_slice %arg4[%dma_wait3A_1243, %dma_wait3A_1244] : memref<1007616x16xf32, #tpu.memory_space<hbm>> -> memref<1007616x16xf32, #tpu.memory_space<hbm>>
      tpu.wait_indirect_dma semaphore(%arg14 : memref<!tpu.dma_semaphore, #tpu.memory_space<semaphore_mem>>) src(%dma_wait3A_1245 : memref<1007616x16xf32, #tpu.memory_space<hbm>>) dst(%dma_wait3A_1239 : memref<128x16xf32, #tpu.memory_space<vmem>>)
      %dma_wait3A_1246 = arith.constant 5 : i32
      %dma_wait3A_1247 = arith.constant 1128 : i32
      %dma_wait3A_1248 = arith.constant 0 : i32
      %dma_wait3A_1249 = tpu.memref_slice %arg11[%dma_wait3A_1247, %dma_wait3A_1248] : memref<3200x16xf32, #tpu.memory_space<vmem>> -> memref<72x16xf32, #tpu.memory_space<vmem>>
      %dma_wait3A_1250 = arith.constant 0 : i32
      %dma_wait3A_1251 = tpu.memref_slice %arg9[%dma_wait3A_1246, %dma_wait3A_1250] : memref<16x128xi32, #tpu.memory_space<vmem>> -> memref<1x72xi32, #tpu.memory_space<vmem>>
      %dma_wait3A_1252 = tpu.memref_squeeze %dma_wait3A_1251 : memref<1x72xi32, #tpu.memory_space<vmem>> -> memref<72xi32, #tpu.memory_space<vmem>>
      %dma_wait3A_1253 = arith.constant 0 : i32
      %dma_wait3A_1254 = arith.constant 0 : i32
      %dma_wait3A_1255 = tpu.memref_slice %arg4[%dma_wait3A_1253, %dma_wait3A_1254] : memref<1007616x16xf32, #tpu.memory_space<hbm>> -> memref<1007616x16xf32, #tpu.memory_space<hbm>>
      tpu.wait_indirect_dma semaphore(%arg14 : memref<!tpu.dma_semaphore, #tpu.memory_space<semaphore_mem>>) src(%dma_wait3A_1255 : memref<1007616x16xf32, #tpu.memory_space<hbm>>) dst(%dma_wait3A_1249 : memref<72x16xf32, #tpu.memory_space<vmem>>)
      %dma_wait3A_1256 = arith.constant 6 : i32
      %dma_wait3A_1257 = arith.constant 1200 : i32
      %dma_wait3A_1258 = arith.constant 0 : i32
      %dma_wait3A_1259 = tpu.memref_slice %arg11[%dma_wait3A_1257, %dma_wait3A_1258] : memref<3200x16xf32, #tpu.memory_space<vmem>> -> memref<128x16xf32, #tpu.memory_space<vmem>>
      %dma_wait3A_1260 = arith.constant 0 : i32
      %dma_wait3A_1261 = tpu.memref_slice %arg8[%dma_wait3A_1256, %dma_wait3A_1260] : memref<16x128xi32, #tpu.memory_space<vmem>> -> memref<1x128xi32, #tpu.memory_space<vmem>>
      %dma_wait3A_1262 = tpu.memref_squeeze %dma_wait3A_1261 : memref<1x128xi32, #tpu.memory_space<vmem>> -> memref<128xi32, #tpu.memory_space<vmem>>
      %dma_wait3A_1263 = arith.constant 0 : i32
      %dma_wait3A_1264 = arith.constant 0 : i32
      %dma_wait3A_1265 = tpu.memref_slice %arg4[%dma_wait3A_1263, %dma_wait3A_1264] : memref<1007616x16xf32, #tpu.memory_space<hbm>> -> memref<1007616x16xf32, #tpu.memory_space<hbm>>
      tpu.wait_indirect_dma semaphore(%arg14 : memref<!tpu.dma_semaphore, #tpu.memory_space<semaphore_mem>>) src(%dma_wait3A_1265 : memref<1007616x16xf32, #tpu.memory_space<hbm>>) dst(%dma_wait3A_1259 : memref<128x16xf32, #tpu.memory_space<vmem>>)
      %dma_wait3A_1266 = arith.constant 6 : i32
      %dma_wait3A_1267 = arith.constant 1328 : i32
      %dma_wait3A_1268 = arith.constant 0 : i32
      %dma_wait3A_1269 = tpu.memref_slice %arg11[%dma_wait3A_1267, %dma_wait3A_1268] : memref<3200x16xf32, #tpu.memory_space<vmem>> -> memref<72x16xf32, #tpu.memory_space<vmem>>
      %dma_wait3A_1270 = arith.constant 0 : i32
      %dma_wait3A_1271 = tpu.memref_slice %arg9[%dma_wait3A_1266, %dma_wait3A_1270] : memref<16x128xi32, #tpu.memory_space<vmem>> -> memref<1x72xi32, #tpu.memory_space<vmem>>
      %dma_wait3A_1272 = tpu.memref_squeeze %dma_wait3A_1271 : memref<1x72xi32, #tpu.memory_space<vmem>> -> memref<72xi32, #tpu.memory_space<vmem>>
      %dma_wait3A_1273 = arith.constant 0 : i32
      %dma_wait3A_1274 = arith.constant 0 : i32
      %dma_wait3A_1275 = tpu.memref_slice %arg4[%dma_wait3A_1273, %dma_wait3A_1274] : memref<1007616x16xf32, #tpu.memory_space<hbm>> -> memref<1007616x16xf32, #tpu.memory_space<hbm>>
      tpu.wait_indirect_dma semaphore(%arg14 : memref<!tpu.dma_semaphore, #tpu.memory_space<semaphore_mem>>) src(%dma_wait3A_1275 : memref<1007616x16xf32, #tpu.memory_space<hbm>>) dst(%dma_wait3A_1269 : memref<72x16xf32, #tpu.memory_space<vmem>>)
      %dma_wait3A_1276 = arith.constant 7 : i32
      %dma_wait3A_1277 = arith.constant 1400 : i32
      %dma_wait3A_1278 = arith.constant 0 : i32
      %dma_wait3A_1279 = tpu.memref_slice %arg11[%dma_wait3A_1277, %dma_wait3A_1278] : memref<3200x16xf32, #tpu.memory_space<vmem>> -> memref<128x16xf32, #tpu.memory_space<vmem>>
      %dma_wait3A_1280 = arith.constant 0 : i32
      %dma_wait3A_1281 = tpu.memref_slice %arg8[%dma_wait3A_1276, %dma_wait3A_1280] : memref<16x128xi32, #tpu.memory_space<vmem>> -> memref<1x128xi32, #tpu.memory_space<vmem>>
      %dma_wait3A_1282 = tpu.memref_squeeze %dma_wait3A_1281 : memref<1x128xi32, #tpu.memory_space<vmem>> -> memref<128xi32, #tpu.memory_space<vmem>>
      %dma_wait3A_1283 = arith.constant 0 : i32
      %dma_wait3A_1284 = arith.constant 0 : i32
      %dma_wait3A_1285 = tpu.memref_slice %arg4[%dma_wait3A_1283, %dma_wait3A_1284] : memref<1007616x16xf32, #tpu.memory_space<hbm>> -> memref<1007616x16xf32, #tpu.memory_space<hbm>>
      tpu.wait_indirect_dma semaphore(%arg14 : memref<!tpu.dma_semaphore, #tpu.memory_space<semaphore_mem>>) src(%dma_wait3A_1285 : memref<1007616x16xf32, #tpu.memory_space<hbm>>) dst(%dma_wait3A_1279 : memref<128x16xf32, #tpu.memory_space<vmem>>)
      %dma_wait3A_1286 = arith.constant 7 : i32
      %dma_wait3A_1287 = arith.constant 1528 : i32
      %dma_wait3A_1288 = arith.constant 0 : i32
      %dma_wait3A_1289 = tpu.memref_slice %arg11[%dma_wait3A_1287, %dma_wait3A_1288] : memref<3200x16xf32, #tpu.memory_space<vmem>> -> memref<72x16xf32, #tpu.memory_space<vmem>>
      %dma_wait3A_1290 = arith.constant 0 : i32
      %dma_wait3A_1291 = tpu.memref_slice %arg9[%dma_wait3A_1286, %dma_wait3A_1290] : memref<16x128xi32, #tpu.memory_space<vmem>> -> memref<1x72xi32, #tpu.memory_space<vmem>>
      %dma_wait3A_1292 = tpu.memref_squeeze %dma_wait3A_1291 : memref<1x72xi32, #tpu.memory_space<vmem>> -> memref<72xi32, #tpu.memory_space<vmem>>
      %dma_wait3A_1293 = arith.constant 0 : i32
      %dma_wait3A_1294 = arith.constant 0 : i32
      %dma_wait3A_1295 = tpu.memref_slice %arg4[%dma_wait3A_1293, %dma_wait3A_1294] : memref<1007616x16xf32, #tpu.memory_space<hbm>> -> memref<1007616x16xf32, #tpu.memory_space<hbm>>
      tpu.wait_indirect_dma semaphore(%arg14 : memref<!tpu.dma_semaphore, #tpu.memory_space<semaphore_mem>>) src(%dma_wait3A_1295 : memref<1007616x16xf32, #tpu.memory_space<hbm>>) dst(%dma_wait3A_1289 : memref<72x16xf32, #tpu.memory_space<vmem>>)
      %dma_wait3A_1296 = arith.constant 8 : i32
      %dma_wait3A_1297 = arith.constant 1600 : i32
      %dma_wait3A_1298 = arith.constant 0 : i32
      %dma_wait3A_1299 = tpu.memref_slice %arg11[%dma_wait3A_1297, %dma_wait3A_1298] : memref<3200x16xf32, #tpu.memory_space<vmem>> -> memref<128x16xf32, #tpu.memory_space<vmem>>
      %dma_wait3A_1300 = arith.constant 0 : i32
      %dma_wait3A_1301 = tpu.memref_slice %arg8[%dma_wait3A_1296, %dma_wait3A_1300] : memref<16x128xi32, #tpu.memory_space<vmem>> -> memref<1x128xi32, #tpu.memory_space<vmem>>
      %dma_wait3A_1302 = tpu.memref_squeeze %dma_wait3A_1301 : memref<1x128xi32, #tpu.memory_space<vmem>> -> memref<128xi32, #tpu.memory_space<vmem>>
      %dma_wait3A_1303 = arith.constant 0 : i32
      %dma_wait3A_1304 = arith.constant 0 : i32
      %dma_wait3A_1305 = tpu.memref_slice %arg4[%dma_wait3A_1303, %dma_wait3A_1304] : memref<1007616x16xf32, #tpu.memory_space<hbm>> -> memref<1007616x16xf32, #tpu.memory_space<hbm>>
      tpu.wait_indirect_dma semaphore(%arg14 : memref<!tpu.dma_semaphore, #tpu.memory_space<semaphore_mem>>) src(%dma_wait3A_1305 : memref<1007616x16xf32, #tpu.memory_space<hbm>>) dst(%dma_wait3A_1299 : memref<128x16xf32, #tpu.memory_space<vmem>>)
      %dma_wait3A_1306 = arith.constant 8 : i32
      %dma_wait3A_1307 = arith.constant 1728 : i32
      %dma_wait3A_1308 = arith.constant 0 : i32
      %dma_wait3A_1309 = tpu.memref_slice %arg11[%dma_wait3A_1307, %dma_wait3A_1308] : memref<3200x16xf32, #tpu.memory_space<vmem>> -> memref<72x16xf32, #tpu.memory_space<vmem>>
      %dma_wait3A_1310 = arith.constant 0 : i32
      %dma_wait3A_1311 = tpu.memref_slice %arg9[%dma_wait3A_1306, %dma_wait3A_1310] : memref<16x128xi32, #tpu.memory_space<vmem>> -> memref<1x72xi32, #tpu.memory_space<vmem>>
      %dma_wait3A_1312 = tpu.memref_squeeze %dma_wait3A_1311 : memref<1x72xi32, #tpu.memory_space<vmem>> -> memref<72xi32, #tpu.memory_space<vmem>>
      %dma_wait3A_1313 = arith.constant 0 : i32
      %dma_wait3A_1314 = arith.constant 0 : i32
      %dma_wait3A_1315 = tpu.memref_slice %arg4[%dma_wait3A_1313, %dma_wait3A_1314] : memref<1007616x16xf32, #tpu.memory_space<hbm>> -> memref<1007616x16xf32, #tpu.memory_space<hbm>>
      tpu.wait_indirect_dma semaphore(%arg14 : memref<!tpu.dma_semaphore, #tpu.memory_space<semaphore_mem>>) src(%dma_wait3A_1315 : memref<1007616x16xf32, #tpu.memory_space<hbm>>) dst(%dma_wait3A_1309 : memref<72x16xf32, #tpu.memory_space<vmem>>)
      %dma_wait3A_1316 = arith.constant 9 : i32
      %dma_wait3A_1317 = arith.constant 1800 : i32
      %dma_wait3A_1318 = arith.constant 0 : i32
      %dma_wait3A_1319 = tpu.memref_slice %arg11[%dma_wait3A_1317, %dma_wait3A_1318] : memref<3200x16xf32, #tpu.memory_space<vmem>> -> memref<128x16xf32, #tpu.memory_space<vmem>>
      %dma_wait3A_1320 = arith.constant 0 : i32
      %dma_wait3A_1321 = tpu.memref_slice %arg8[%dma_wait3A_1316, %dma_wait3A_1320] : memref<16x128xi32, #tpu.memory_space<vmem>> -> memref<1x128xi32, #tpu.memory_space<vmem>>
      %dma_wait3A_1322 = tpu.memref_squeeze %dma_wait3A_1321 : memref<1x128xi32, #tpu.memory_space<vmem>> -> memref<128xi32, #tpu.memory_space<vmem>>
      %dma_wait3A_1323 = arith.constant 0 : i32
      %dma_wait3A_1324 = arith.constant 0 : i32
      %dma_wait3A_1325 = tpu.memref_slice %arg4[%dma_wait3A_1323, %dma_wait3A_1324] : memref<1007616x16xf32, #tpu.memory_space<hbm>> -> memref<1007616x16xf32, #tpu.memory_space<hbm>>
      tpu.wait_indirect_dma semaphore(%arg14 : memref<!tpu.dma_semaphore, #tpu.memory_space<semaphore_mem>>) src(%dma_wait3A_1325 : memref<1007616x16xf32, #tpu.memory_space<hbm>>) dst(%dma_wait3A_1319 : memref<128x16xf32, #tpu.memory_space<vmem>>)
      %dma_wait3A_1326 = arith.constant 9 : i32
      %dma_wait3A_1327 = arith.constant 1928 : i32
      %dma_wait3A_1328 = arith.constant 0 : i32
      %dma_wait3A_1329 = tpu.memref_slice %arg11[%dma_wait3A_1327, %dma_wait3A_1328] : memref<3200x16xf32, #tpu.memory_space<vmem>> -> memref<72x16xf32, #tpu.memory_space<vmem>>
      %dma_wait3A_1330 = arith.constant 0 : i32
      %dma_wait3A_1331 = tpu.memref_slice %arg9[%dma_wait3A_1326, %dma_wait3A_1330] : memref<16x128xi32, #tpu.memory_space<vmem>> -> memref<1x72xi32, #tpu.memory_space<vmem>>
      %dma_wait3A_1332 = tpu.memref_squeeze %dma_wait3A_1331 : memref<1x72xi32, #tpu.memory_space<vmem>> -> memref<72xi32, #tpu.memory_space<vmem>>
      %dma_wait3A_1333 = arith.constant 0 : i32
      %dma_wait3A_1334 = arith.constant 0 : i32
      %dma_wait3A_1335 = tpu.memref_slice %arg4[%dma_wait3A_1333, %dma_wait3A_1334] : memref<1007616x16xf32, #tpu.memory_space<hbm>> -> memref<1007616x16xf32, #tpu.memory_space<hbm>>
      tpu.wait_indirect_dma semaphore(%arg14 : memref<!tpu.dma_semaphore, #tpu.memory_space<semaphore_mem>>) src(%dma_wait3A_1335 : memref<1007616x16xf32, #tpu.memory_space<hbm>>) dst(%dma_wait3A_1329 : memref<72x16xf32, #tpu.memory_space<vmem>>)
      %dma_wait3A_1336 = arith.constant 10 : i32
      %dma_wait3A_1337 = arith.constant 2000 : i32
      %dma_wait3A_1338 = arith.constant 0 : i32
      %dma_wait3A_1339 = tpu.memref_slice %arg11[%dma_wait3A_1337, %dma_wait3A_1338] : memref<3200x16xf32, #tpu.memory_space<vmem>> -> memref<128x16xf32, #tpu.memory_space<vmem>>
      %dma_wait3A_1340 = arith.constant 0 : i32
      %dma_wait3A_1341 = tpu.memref_slice %arg8[%dma_wait3A_1336, %dma_wait3A_1340] : memref<16x128xi32, #tpu.memory_space<vmem>> -> memref<1x128xi32, #tpu.memory_space<vmem>>
      %dma_wait3A_1342 = tpu.memref_squeeze %dma_wait3A_1341 : memref<1x128xi32, #tpu.memory_space<vmem>> -> memref<128xi32, #tpu.memory_space<vmem>>
      %dma_wait3A_1343 = arith.constant 0 : i32
      %dma_wait3A_1344 = arith.constant 0 : i32
      %dma_wait3A_1345 = tpu.memref_slice %arg4[%dma_wait3A_1343, %dma_wait3A_1344] : memref<1007616x16xf32, #tpu.memory_space<hbm>> -> memref<1007616x16xf32, #tpu.memory_space<hbm>>
      tpu.wait_indirect_dma semaphore(%arg14 : memref<!tpu.dma_semaphore, #tpu.memory_space<semaphore_mem>>) src(%dma_wait3A_1345 : memref<1007616x16xf32, #tpu.memory_space<hbm>>) dst(%dma_wait3A_1339 : memref<128x16xf32, #tpu.memory_space<vmem>>)
      %dma_wait3A_1346 = arith.constant 10 : i32
      %dma_wait3A_1347 = arith.constant 2128 : i32
      %dma_wait3A_1348 = arith.constant 0 : i32
      %dma_wait3A_1349 = tpu.memref_slice %arg11[%dma_wait3A_1347, %dma_wait3A_1348] : memref<3200x16xf32, #tpu.memory_space<vmem>> -> memref<72x16xf32, #tpu.memory_space<vmem>>
      %dma_wait3A_1350 = arith.constant 0 : i32
      %dma_wait3A_1351 = tpu.memref_slice %arg9[%dma_wait3A_1346, %dma_wait3A_1350] : memref<16x128xi32, #tpu.memory_space<vmem>> -> memref<1x72xi32, #tpu.memory_space<vmem>>
      %dma_wait3A_1352 = tpu.memref_squeeze %dma_wait3A_1351 : memref<1x72xi32, #tpu.memory_space<vmem>> -> memref<72xi32, #tpu.memory_space<vmem>>
      %dma_wait3A_1353 = arith.constant 0 : i32
      %dma_wait3A_1354 = arith.constant 0 : i32
      %dma_wait3A_1355 = tpu.memref_slice %arg4[%dma_wait3A_1353, %dma_wait3A_1354] : memref<1007616x16xf32, #tpu.memory_space<hbm>> -> memref<1007616x16xf32, #tpu.memory_space<hbm>>
      tpu.wait_indirect_dma semaphore(%arg14 : memref<!tpu.dma_semaphore, #tpu.memory_space<semaphore_mem>>) src(%dma_wait3A_1355 : memref<1007616x16xf32, #tpu.memory_space<hbm>>) dst(%dma_wait3A_1349 : memref<72x16xf32, #tpu.memory_space<vmem>>)
      %dma_wait3A_1356 = arith.constant 11 : i32
      %dma_wait3A_1357 = arith.constant 2200 : i32
      %dma_wait3A_1358 = arith.constant 0 : i32
      %dma_wait3A_1359 = tpu.memref_slice %arg11[%dma_wait3A_1357, %dma_wait3A_1358] : memref<3200x16xf32, #tpu.memory_space<vmem>> -> memref<128x16xf32, #tpu.memory_space<vmem>>
      %dma_wait3A_1360 = arith.constant 0 : i32
      %dma_wait3A_1361 = tpu.memref_slice %arg8[%dma_wait3A_1356, %dma_wait3A_1360] : memref<16x128xi32, #tpu.memory_space<vmem>> -> memref<1x128xi32, #tpu.memory_space<vmem>>
      %dma_wait3A_1362 = tpu.memref_squeeze %dma_wait3A_1361 : memref<1x128xi32, #tpu.memory_space<vmem>> -> memref<128xi32, #tpu.memory_space<vmem>>
      %dma_wait3A_1363 = arith.constant 0 : i32
      %dma_wait3A_1364 = arith.constant 0 : i32
      %dma_wait3A_1365 = tpu.memref_slice %arg4[%dma_wait3A_1363, %dma_wait3A_1364] : memref<1007616x16xf32, #tpu.memory_space<hbm>> -> memref<1007616x16xf32, #tpu.memory_space<hbm>>
      tpu.wait_indirect_dma semaphore(%arg14 : memref<!tpu.dma_semaphore, #tpu.memory_space<semaphore_mem>>) src(%dma_wait3A_1365 : memref<1007616x16xf32, #tpu.memory_space<hbm>>) dst(%dma_wait3A_1359 : memref<128x16xf32, #tpu.memory_space<vmem>>)
      %dma_wait3A_1366 = arith.constant 11 : i32
      %dma_wait3A_1367 = arith.constant 2328 : i32
      %dma_wait3A_1368 = arith.constant 0 : i32
      %dma_wait3A_1369 = tpu.memref_slice %arg11[%dma_wait3A_1367, %dma_wait3A_1368] : memref<3200x16xf32, #tpu.memory_space<vmem>> -> memref<72x16xf32, #tpu.memory_space<vmem>>
      %dma_wait3A_1370 = arith.constant 0 : i32
      %dma_wait3A_1371 = tpu.memref_slice %arg9[%dma_wait3A_1366, %dma_wait3A_1370] : memref<16x128xi32, #tpu.memory_space<vmem>> -> memref<1x72xi32, #tpu.memory_space<vmem>>
      %dma_wait3A_1372 = tpu.memref_squeeze %dma_wait3A_1371 : memref<1x72xi32, #tpu.memory_space<vmem>> -> memref<72xi32, #tpu.memory_space<vmem>>
      %dma_wait3A_1373 = arith.constant 0 : i32
      %dma_wait3A_1374 = arith.constant 0 : i32
      %dma_wait3A_1375 = tpu.memref_slice %arg4[%dma_wait3A_1373, %dma_wait3A_1374] : memref<1007616x16xf32, #tpu.memory_space<hbm>> -> memref<1007616x16xf32, #tpu.memory_space<hbm>>
      tpu.wait_indirect_dma semaphore(%arg14 : memref<!tpu.dma_semaphore, #tpu.memory_space<semaphore_mem>>) src(%dma_wait3A_1375 : memref<1007616x16xf32, #tpu.memory_space<hbm>>) dst(%dma_wait3A_1369 : memref<72x16xf32, #tpu.memory_space<vmem>>)
      %dma_wait3A_1376 = arith.constant 12 : i32
      %dma_wait3A_1377 = arith.constant 2400 : i32
      %dma_wait3A_1378 = arith.constant 0 : i32
      %dma_wait3A_1379 = tpu.memref_slice %arg11[%dma_wait3A_1377, %dma_wait3A_1378] : memref<3200x16xf32, #tpu.memory_space<vmem>> -> memref<128x16xf32, #tpu.memory_space<vmem>>
      %dma_wait3A_1380 = arith.constant 0 : i32
      %dma_wait3A_1381 = tpu.memref_slice %arg8[%dma_wait3A_1376, %dma_wait3A_1380] : memref<16x128xi32, #tpu.memory_space<vmem>> -> memref<1x128xi32, #tpu.memory_space<vmem>>
      %dma_wait3A_1382 = tpu.memref_squeeze %dma_wait3A_1381 : memref<1x128xi32, #tpu.memory_space<vmem>> -> memref<128xi32, #tpu.memory_space<vmem>>
      %dma_wait3A_1383 = arith.constant 0 : i32
      %dma_wait3A_1384 = arith.constant 0 : i32
      %dma_wait3A_1385 = tpu.memref_slice %arg4[%dma_wait3A_1383, %dma_wait3A_1384] : memref<1007616x16xf32, #tpu.memory_space<hbm>> -> memref<1007616x16xf32, #tpu.memory_space<hbm>>
      tpu.wait_indirect_dma semaphore(%arg14 : memref<!tpu.dma_semaphore, #tpu.memory_space<semaphore_mem>>) src(%dma_wait3A_1385 : memref<1007616x16xf32, #tpu.memory_space<hbm>>) dst(%dma_wait3A_1379 : memref<128x16xf32, #tpu.memory_space<vmem>>)
      %dma_wait3A_1386 = arith.constant 12 : i32
      %dma_wait3A_1387 = arith.constant 2528 : i32
      %dma_wait3A_1388 = arith.constant 0 : i32
      %dma_wait3A_1389 = tpu.memref_slice %arg11[%dma_wait3A_1387, %dma_wait3A_1388] : memref<3200x16xf32, #tpu.memory_space<vmem>> -> memref<72x16xf32, #tpu.memory_space<vmem>>
      %dma_wait3A_1390 = arith.constant 0 : i32
      %dma_wait3A_1391 = tpu.memref_slice %arg9[%dma_wait3A_1386, %dma_wait3A_1390] : memref<16x128xi32, #tpu.memory_space<vmem>> -> memref<1x72xi32, #tpu.memory_space<vmem>>
      %dma_wait3A_1392 = tpu.memref_squeeze %dma_wait3A_1391 : memref<1x72xi32, #tpu.memory_space<vmem>> -> memref<72xi32, #tpu.memory_space<vmem>>
      %dma_wait3A_1393 = arith.constant 0 : i32
      %dma_wait3A_1394 = arith.constant 0 : i32
      %dma_wait3A_1395 = tpu.memref_slice %arg4[%dma_wait3A_1393, %dma_wait3A_1394] : memref<1007616x16xf32, #tpu.memory_space<hbm>> -> memref<1007616x16xf32, #tpu.memory_space<hbm>>
      tpu.wait_indirect_dma semaphore(%arg14 : memref<!tpu.dma_semaphore, #tpu.memory_space<semaphore_mem>>) src(%dma_wait3A_1395 : memref<1007616x16xf32, #tpu.memory_space<hbm>>) dst(%dma_wait3A_1389 : memref<72x16xf32, #tpu.memory_space<vmem>>)
      %dma_wait3A_1396 = arith.constant 13 : i32
      %dma_wait3A_1397 = arith.constant 2600 : i32
      %dma_wait3A_1398 = arith.constant 0 : i32
      %dma_wait3A_1399 = tpu.memref_slice %arg11[%dma_wait3A_1397, %dma_wait3A_1398] : memref<3200x16xf32, #tpu.memory_space<vmem>> -> memref<128x16xf32, #tpu.memory_space<vmem>>
      %dma_wait3A_1400 = arith.constant 0 : i32
      %dma_wait3A_1401 = tpu.memref_slice %arg8[%dma_wait3A_1396, %dma_wait3A_1400] : memref<16x128xi32, #tpu.memory_space<vmem>> -> memref<1x128xi32, #tpu.memory_space<vmem>>
      %dma_wait3A_1402 = tpu.memref_squeeze %dma_wait3A_1401 : memref<1x128xi32, #tpu.memory_space<vmem>> -> memref<128xi32, #tpu.memory_space<vmem>>
      %dma_wait3A_1403 = arith.constant 0 : i32
      %dma_wait3A_1404 = arith.constant 0 : i32
      %dma_wait3A_1405 = tpu.memref_slice %arg4[%dma_wait3A_1403, %dma_wait3A_1404] : memref<1007616x16xf32, #tpu.memory_space<hbm>> -> memref<1007616x16xf32, #tpu.memory_space<hbm>>
      tpu.wait_indirect_dma semaphore(%arg14 : memref<!tpu.dma_semaphore, #tpu.memory_space<semaphore_mem>>) src(%dma_wait3A_1405 : memref<1007616x16xf32, #tpu.memory_space<hbm>>) dst(%dma_wait3A_1399 : memref<128x16xf32, #tpu.memory_space<vmem>>)
      %dma_wait3A_1406 = arith.constant 13 : i32
      %dma_wait3A_1407 = arith.constant 2728 : i32
      %dma_wait3A_1408 = arith.constant 0 : i32
      %dma_wait3A_1409 = tpu.memref_slice %arg11[%dma_wait3A_1407, %dma_wait3A_1408] : memref<3200x16xf32, #tpu.memory_space<vmem>> -> memref<72x16xf32, #tpu.memory_space<vmem>>
      %dma_wait3A_1410 = arith.constant 0 : i32
      %dma_wait3A_1411 = tpu.memref_slice %arg9[%dma_wait3A_1406, %dma_wait3A_1410] : memref<16x128xi32, #tpu.memory_space<vmem>> -> memref<1x72xi32, #tpu.memory_space<vmem>>
      %dma_wait3A_1412 = tpu.memref_squeeze %dma_wait3A_1411 : memref<1x72xi32, #tpu.memory_space<vmem>> -> memref<72xi32, #tpu.memory_space<vmem>>
      %dma_wait3A_1413 = arith.constant 0 : i32
      %dma_wait3A_1414 = arith.constant 0 : i32
      %dma_wait3A_1415 = tpu.memref_slice %arg4[%dma_wait3A_1413, %dma_wait3A_1414] : memref<1007616x16xf32, #tpu.memory_space<hbm>> -> memref<1007616x16xf32, #tpu.memory_space<hbm>>
      tpu.wait_indirect_dma semaphore(%arg14 : memref<!tpu.dma_semaphore, #tpu.memory_space<semaphore_mem>>) src(%dma_wait3A_1415 : memref<1007616x16xf32, #tpu.memory_space<hbm>>) dst(%dma_wait3A_1409 : memref<72x16xf32, #tpu.memory_space<vmem>>)
      %dma_wait3A_1416 = arith.constant 14 : i32
      %dma_wait3A_1417 = arith.constant 2800 : i32
      %dma_wait3A_1418 = arith.constant 0 : i32
      %dma_wait3A_1419 = tpu.memref_slice %arg11[%dma_wait3A_1417, %dma_wait3A_1418] : memref<3200x16xf32, #tpu.memory_space<vmem>> -> memref<128x16xf32, #tpu.memory_space<vmem>>
      %dma_wait3A_1420 = arith.constant 0 : i32
      %dma_wait3A_1421 = tpu.memref_slice %arg8[%dma_wait3A_1416, %dma_wait3A_1420] : memref<16x128xi32, #tpu.memory_space<vmem>> -> memref<1x128xi32, #tpu.memory_space<vmem>>
      %dma_wait3A_1422 = tpu.memref_squeeze %dma_wait3A_1421 : memref<1x128xi32, #tpu.memory_space<vmem>> -> memref<128xi32, #tpu.memory_space<vmem>>
      %dma_wait3A_1423 = arith.constant 0 : i32
      %dma_wait3A_1424 = arith.constant 0 : i32
      %dma_wait3A_1425 = tpu.memref_slice %arg4[%dma_wait3A_1423, %dma_wait3A_1424] : memref<1007616x16xf32, #tpu.memory_space<hbm>> -> memref<1007616x16xf32, #tpu.memory_space<hbm>>
      tpu.wait_indirect_dma semaphore(%arg14 : memref<!tpu.dma_semaphore, #tpu.memory_space<semaphore_mem>>) src(%dma_wait3A_1425 : memref<1007616x16xf32, #tpu.memory_space<hbm>>) dst(%dma_wait3A_1419 : memref<128x16xf32, #tpu.memory_space<vmem>>)
      %dma_wait3A_1426 = arith.constant 14 : i32
      %dma_wait3A_1427 = arith.constant 2928 : i32
      %dma_wait3A_1428 = arith.constant 0 : i32
      %dma_wait3A_1429 = tpu.memref_slice %arg11[%dma_wait3A_1427, %dma_wait3A_1428] : memref<3200x16xf32, #tpu.memory_space<vmem>> -> memref<72x16xf32, #tpu.memory_space<vmem>>
      %dma_wait3A_1430 = arith.constant 0 : i32
      %dma_wait3A_1431 = tpu.memref_slice %arg9[%dma_wait3A_1426, %dma_wait3A_1430] : memref<16x128xi32, #tpu.memory_space<vmem>> -> memref<1x72xi32, #tpu.memory_space<vmem>>
      %dma_wait3A_1432 = tpu.memref_squeeze %dma_wait3A_1431 : memref<1x72xi32, #tpu.memory_space<vmem>> -> memref<72xi32, #tpu.memory_space<vmem>>
      %dma_wait3A_1433 = arith.constant 0 : i32
      %dma_wait3A_1434 = arith.constant 0 : i32
      %dma_wait3A_1435 = tpu.memref_slice %arg4[%dma_wait3A_1433, %dma_wait3A_1434] : memref<1007616x16xf32, #tpu.memory_space<hbm>> -> memref<1007616x16xf32, #tpu.memory_space<hbm>>
      tpu.wait_indirect_dma semaphore(%arg14 : memref<!tpu.dma_semaphore, #tpu.memory_space<semaphore_mem>>) src(%dma_wait3A_1435 : memref<1007616x16xf32, #tpu.memory_space<hbm>>) dst(%dma_wait3A_1429 : memref<72x16xf32, #tpu.memory_space<vmem>>)
      %dma_wait3A_1436 = arith.constant 15 : i32
      %dma_wait3A_1437 = arith.constant 3000 : i32
      %dma_wait3A_1438 = arith.constant 0 : i32
      %dma_wait3A_1439 = tpu.memref_slice %arg11[%dma_wait3A_1437, %dma_wait3A_1438] : memref<3200x16xf32, #tpu.memory_space<vmem>> -> memref<128x16xf32, #tpu.memory_space<vmem>>
      %dma_wait3A_1440 = arith.constant 0 : i32
      %dma_wait3A_1441 = tpu.memref_slice %arg8[%dma_wait3A_1436, %dma_wait3A_1440] : memref<16x128xi32, #tpu.memory_space<vmem>> -> memref<1x128xi32, #tpu.memory_space<vmem>>
      %dma_wait3A_1442 = tpu.memref_squeeze %dma_wait3A_1441 : memref<1x128xi32, #tpu.memory_space<vmem>> -> memref<128xi32, #tpu.memory_space<vmem>>
      %dma_wait3A_1443 = arith.constant 0 : i32
      %dma_wait3A_1444 = arith.constant 0 : i32
      %dma_wait3A_1445 = tpu.memref_slice %arg4[%dma_wait3A_1443, %dma_wait3A_1444] : memref<1007616x16xf32, #tpu.memory_space<hbm>> -> memref<1007616x16xf32, #tpu.memory_space<hbm>>
      tpu.wait_indirect_dma semaphore(%arg14 : memref<!tpu.dma_semaphore, #tpu.memory_space<semaphore_mem>>) src(%dma_wait3A_1445 : memref<1007616x16xf32, #tpu.memory_space<hbm>>) dst(%dma_wait3A_1439 : memref<128x16xf32, #tpu.memory_space<vmem>>)
      %dma_wait3A_1446 = arith.constant 15 : i32
      %dma_wait3A_1447 = arith.constant 3128 : i32
      %dma_wait3A_1448 = arith.constant 0 : i32
      %dma_wait3A_1449 = tpu.memref_slice %arg11[%dma_wait3A_1447, %dma_wait3A_1448] : memref<3200x16xf32, #tpu.memory_space<vmem>> -> memref<72x16xf32, #tpu.memory_space<vmem>>
      %dma_wait3A_1450 = arith.constant 0 : i32
      %dma_wait3A_1451 = tpu.memref_slice %arg9[%dma_wait3A_1446, %dma_wait3A_1450] : memref<16x128xi32, #tpu.memory_space<vmem>> -> memref<1x72xi32, #tpu.memory_space<vmem>>
      %dma_wait3A_1452 = tpu.memref_squeeze %dma_wait3A_1451 : memref<1x72xi32, #tpu.memory_space<vmem>> -> memref<72xi32, #tpu.memory_space<vmem>>
      %dma_wait3A_1453 = arith.constant 0 : i32
      %dma_wait3A_1454 = arith.constant 0 : i32
      %dma_wait3A_1455 = tpu.memref_slice %arg4[%dma_wait3A_1453, %dma_wait3A_1454] : memref<1007616x16xf32, #tpu.memory_space<hbm>> -> memref<1007616x16xf32, #tpu.memory_space<hbm>>
      tpu.wait_indirect_dma semaphore(%arg14 : memref<!tpu.dma_semaphore, #tpu.memory_space<semaphore_mem>>) src(%dma_wait3A_1455 : memref<1007616x16xf32, #tpu.memory_space<hbm>>) dst(%dma_wait3A_1449 : memref<72x16xf32, #tpu.memory_space<vmem>>)
      %add3A_1456 = arith.constant 2 : i32
      %add3A_1457 = arith.addi %add3A_364, %add3A_1456 : i32
      %lt3A_1458 = arith.constant 32 : i32
      %lt3A_1459 = arith.cmpi slt, %add3A_1457, %lt3A_1458 : i32
      %convert_element_type3A_1460 = arith.extui %lt3A_1459 : i1 to i32
      %cond3A_1461 = arith.constant 0 : i32
      %cond3A_1462 = arith.cmpi ne, %convert_element_type3A_1460, %cond3A_1461 : i32
      scf.if %cond3A_1462 {
        %add3A_1572 = arith.constant 2 : i32
        %add3A_1573 = arith.addi %add3A_364, %add3A_1572 : i32
        %mul3A_1574 = arith.constant 512 : i32
        %mul3A_1575 = arith.muli %add3A, %mul3A_1574 : i32
        %mul3A_1576 = arith.constant 16 : i32
        %mul3A_1577 = arith.muli %add3A_1573, %mul3A_1576 : i32
        %add3A_1578 = arith.addi %mul3A_1575, %mul3A_1577 : i32
        %dma_start3A_1579 = arith.constant 0 : i32
        %dma_start3A_1580 = tpu.memref_slice %arg2[%add3A_1578, %dma_start3A_1579] : memref<16384x128xi32, #tpu.memory_space<hbm>> -> memref<16x128xi32, #tpu.memory_space<hbm>>
        %dma_start3A_1581 = arith.constant 0 : i32
        %dma_start3A_1582 = tpu.memref_slice %arg2[%add3A_1578, %dma_start3A_1581] : memref<16384x128xi32, #tpu.memory_space<hbm>> -> memref<16x128xi32, #tpu.memory_space<hbm>>
        tpu.enqueue_dma source(%dma_start3A_1582 : memref<16x128xi32, #tpu.memory_space<hbm>>) target(%arg8 : memref<16x128xi32, #tpu.memory_space<vmem>>) target_semaphore(%arg16 : memref<!tpu.dma_semaphore, #tpu.memory_space<semaphore_mem>>)
        %dma_start3A_1583 = arith.constant 0 : i32
        %dma_start3A_1584 = tpu.memref_slice %arg3[%add3A_1578, %dma_start3A_1583] : memref<16384x128xi32, #tpu.memory_space<hbm>> -> memref<16x128xi32, #tpu.memory_space<hbm>>
        %dma_start3A_1585 = arith.constant 0 : i32
        %dma_start3A_1586 = tpu.memref_slice %arg3[%add3A_1578, %dma_start3A_1585] : memref<16384x128xi32, #tpu.memory_space<hbm>> -> memref<16x128xi32, #tpu.memory_space<hbm>>
        tpu.enqueue_dma source(%dma_start3A_1586 : memref<16x128xi32, #tpu.memory_space<hbm>>) target(%arg9 : memref<16x128xi32, #tpu.memory_space<vmem>>) target_semaphore(%arg16 : memref<!tpu.dma_semaphore, #tpu.memory_space<semaphore_mem>>)
      } else {
      }
      %broadcast_in_dim3A_1463 = arith.constant 0.000000e+00 : f32
      %broadcast_in_dim3A_1464 = vector.broadcast %broadcast_in_dim3A_1463 : f32 to vector<16xf32>
      %scan3A_1465 = arith.constant 0 : i32
      %scan3A_1466 = arith.constant 200 : i32
      %scan3A_1467 = arith.addi %scan3A_1465, %scan3A_1466 : i32
      %scan3A_1468 = arith.constant 1 : i32
      %scan3A_1469:16 = scf.for %scan3A_1572 = %scan3A_1465 to %scan3A_1467 step %scan3A_1468 iter_args(%scan3A_1573 = %broadcast_in_dim3A_1464, %scan3A_1574 = %broadcast_in_dim3A_1464, %scan3A_1575 = %broadcast_in_dim3A_1464, %scan3A_1576 = %broadcast_in_dim3A_1464, %scan3A_1577 = %broadcast_in_dim3A_1464, %scan3A_1578 = %broadcast_in_dim3A_1464, %scan3A_1579 = %broadcast_in_dim3A_1464, %scan3A_1580 = %broadcast_in_dim3A_1464, %scan3A_1581 = %broadcast_in_dim3A_1464, %scan3A_1582 = %broadcast_in_dim3A_1464, %scan3A_1583 = %broadcast_in_dim3A_1464, %scan3A_1584 = %broadcast_in_dim3A_1464, %scan3A_1585 = %broadcast_in_dim3A_1464, %scan3A_1586 = %broadcast_in_dim3A_1464, %scan3A_1587 = %broadcast_in_dim3A_1464, %scan3A_1588 = %broadcast_in_dim3A_1464) -> (vector<16xf32>, vector<16xf32>, vector<16xf32>, vector<16xf32>, vector<16xf32>, vector<16xf32>, vector<16xf32>, vector<16xf32>, vector<16xf32>, vector<16xf32>, vector<16xf32>, vector<16xf32>, vector<16xf32>, vector<16xf32>, vector<16xf32>, vector<16xf32>)  : i32 {
        %add3A_1589 = arith.constant 0 : i32
        %add3A_1590 = arith.addi %add3A_1589, %scan3A_1572 : i32
        %get3A = arith.index_cast %add3A_1590 : i32 to index
        %get3A_1591 = arith.constant 0 : index
        %get3A_1592 = tpu.vector_load %arg11[%get3A, %get3A_1591] {strides = array<i32>} : memref<3200x16xf32, #tpu.memory_space<vmem>>, vector<1x16xf32>,
        %get3A_1593 = vector.shape_cast %get3A_1592 : vector<1x16xf32> to vector<16xf32>
        %add3A_1594 = arith.addf %scan3A_1573, %get3A_1593 : vector<16xf32>
        %add3A_1595 = arith.constant 200 : i32
        %add3A_1596 = arith.addi %add3A_1595, %scan3A_1572 : i32
        %get3A_1597 = arith.index_cast %add3A_1596 : i32 to index
        %get3A_1598 = arith.constant 0 : index
        %get3A_1599 = tpu.vector_load %arg11[%get3A_1597, %get3A_1598] {strides = array<i32>} : memref<3200x16xf32, #tpu.memory_space<vmem>>, vector<1x16xf32>,
        %get3A_1600 = vector.shape_cast %get3A_1599 : vector<1x16xf32> to vector<16xf32>
        %add3A_1601 = arith.addf %scan3A_1574, %get3A_1600 : vector<16xf32>
        %add3A_1602 = arith.constant 400 : i32
        %add3A_1603 = arith.addi %add3A_1602, %scan3A_1572 : i32
        %get3A_1604 = arith.index_cast %add3A_1603 : i32 to index
        %get3A_1605 = arith.constant 0 : index
        %get3A_1606 = tpu.vector_load %arg11[%get3A_1604, %get3A_1605] {strides = array<i32>} : memref<3200x16xf32, #tpu.memory_space<vmem>>, vector<1x16xf32>,
        %get3A_1607 = vector.shape_cast %get3A_1606 : vector<1x16xf32> to vector<16xf32>
        %add3A_1608 = arith.addf %scan3A_1575, %get3A_1607 : vector<16xf32>
        %add3A_1609 = arith.constant 600 : i32
        %add3A_1610 = arith.addi %add3A_1609, %scan3A_1572 : i32
        %get3A_1611 = arith.index_cast %add3A_1610 : i32 to index
        %get3A_1612 = arith.constant 0 : index
        %get3A_1613 = tpu.vector_load %arg11[%get3A_1611, %get3A_1612] {strides = array<i32>} : memref<3200x16xf32, #tpu.memory_space<vmem>>, vector<1x16xf32>,
        %get3A_1614 = vector.shape_cast %get3A_1613 : vector<1x16xf32> to vector<16xf32>
        %add3A_1615 = arith.addf %scan3A_1576, %get3A_1614 : vector<16xf32>
        %add3A_1616 = arith.constant 800 : i32
        %add3A_1617 = arith.addi %add3A_1616, %scan3A_1572 : i32
        %get3A_1618 = arith.index_cast %add3A_1617 : i32 to index
        %get3A_1619 = arith.constant 0 : index
        %get3A_1620 = tpu.vector_load %arg11[%get3A_1618, %get3A_1619] {strides = array<i32>} : memref<3200x16xf32, #tpu.memory_space<vmem>>, vector<1x16xf32>,
        %get3A_1621 = vector.shape_cast %get3A_1620 : vector<1x16xf32> to vector<16xf32>
        %add3A_1622 = arith.addf %scan3A_1577, %get3A_1621 : vector<16xf32>
        %add3A_1623 = arith.constant 1000 : i32
        %add3A_1624 = arith.addi %add3A_1623, %scan3A_1572 : i32
        %get3A_1625 = arith.index_cast %add3A_1624 : i32 to index
        %get3A_1626 = arith.constant 0 : index
        %get3A_1627 = tpu.vector_load %arg11[%get3A_1625, %get3A_1626] {strides = array<i32>} : memref<3200x16xf32, #tpu.memory_space<vmem>>, vector<1x16xf32>,
        %get3A_1628 = vector.shape_cast %get3A_1627 : vector<1x16xf32> to vector<16xf32>
        %add3A_1629 = arith.addf %scan3A_1578, %get3A_1628 : vector<16xf32>
        %add3A_1630 = arith.constant 1200 : i32
        %add3A_1631 = arith.addi %add3A_1630, %scan3A_1572 : i32
        %get3A_1632 = arith.index_cast %add3A_1631 : i32 to index
        %get3A_1633 = arith.constant 0 : index
        %get3A_1634 = tpu.vector_load %arg11[%get3A_1632, %get3A_1633] {strides = array<i32>} : memref<3200x16xf32, #tpu.memory_space<vmem>>, vector<1x16xf32>,
        %get3A_1635 = vector.shape_cast %get3A_1634 : vector<1x16xf32> to vector<16xf32>
        %add3A_1636 = arith.addf %scan3A_1579, %get3A_1635 : vector<16xf32>
        %add3A_1637 = arith.constant 1400 : i32
        %add3A_1638 = arith.addi %add3A_1637, %scan3A_1572 : i32
        %get3A_1639 = arith.index_cast %add3A_1638 : i32 to index
        %get3A_1640 = arith.constant 0 : index
        %get3A_1641 = tpu.vector_load %arg11[%get3A_1639, %get3A_1640] {strides = array<i32>} : memref<3200x16xf32, #tpu.memory_space<vmem>>, vector<1x16xf32>,
        %get3A_1642 = vector.shape_cast %get3A_1641 : vector<1x16xf32> to vector<16xf32>
        %add3A_1643 = arith.addf %scan3A_1580, %get3A_1642 : vector<16xf32>
        %add3A_1644 = arith.constant 1600 : i32
        %add3A_1645 = arith.addi %add3A_1644, %scan3A_1572 : i32
        %get3A_1646 = arith.index_cast %add3A_1645 : i32 to index
        %get3A_1647 = arith.constant 0 : index
        %get3A_1648 = tpu.vector_load %arg11[%get3A_1646, %get3A_1647] {strides = array<i32>} : memref<3200x16xf32, #tpu.memory_space<vmem>>, vector<1x16xf32>,
        %get3A_1649 = vector.shape_cast %get3A_1648 : vector<1x16xf32> to vector<16xf32>
        %add3A_1650 = arith.addf %scan3A_1581, %get3A_1649 : vector<16xf32>
        %add3A_1651 = arith.constant 1800 : i32
        %add3A_1652 = arith.addi %add3A_1651, %scan3A_1572 : i32
        %get3A_1653 = arith.index_cast %add3A_1652 : i32 to index
        %get3A_1654 = arith.constant 0 : index
        %get3A_1655 = tpu.vector_load %arg11[%get3A_1653, %get3A_1654] {strides = array<i32>} : memref<3200x16xf32, #tpu.memory_space<vmem>>, vector<1x16xf32>,
        %get3A_1656 = vector.shape_cast %get3A_1655 : vector<1x16xf32> to vector<16xf32>
        %add3A_1657 = arith.addf %scan3A_1582, %get3A_1656 : vector<16xf32>
        %add3A_1658 = arith.constant 2000 : i32
        %add3A_1659 = arith.addi %add3A_1658, %scan3A_1572 : i32
        %get3A_1660 = arith.index_cast %add3A_1659 : i32 to index
        %get3A_1661 = arith.constant 0 : index
        %get3A_1662 = tpu.vector_load %arg11[%get3A_1660, %get3A_1661] {strides = array<i32>} : memref<3200x16xf32, #tpu.memory_space<vmem>>, vector<1x16xf32>,
        %get3A_1663 = vector.shape_cast %get3A_1662 : vector<1x16xf32> to vector<16xf32>
        %add3A_1664 = arith.addf %scan3A_1583, %get3A_1663 : vector<16xf32>
        %add3A_1665 = arith.constant 2200 : i32
        %add3A_1666 = arith.addi %add3A_1665, %scan3A_1572 : i32
        %get3A_1667 = arith.index_cast %add3A_1666 : i32 to index
        %get3A_1668 = arith.constant 0 : index
        %get3A_1669 = tpu.vector_load %arg11[%get3A_1667, %get3A_1668] {strides = array<i32>} : memref<3200x16xf32, #tpu.memory_space<vmem>>, vector<1x16xf32>,
        %get3A_1670 = vector.shape_cast %get3A_1669 : vector<1x16xf32> to vector<16xf32>
        %add3A_1671 = arith.addf %scan3A_1584, %get3A_1670 : vector<16xf32>
        %add3A_1672 = arith.constant 2400 : i32
        %add3A_1673 = arith.addi %add3A_1672, %scan3A_1572 : i32
        %get3A_1674 = arith.index_cast %add3A_1673 : i32 to index
        %get3A_1675 = arith.constant 0 : index
        %get3A_1676 = tpu.vector_load %arg11[%get3A_1674, %get3A_1675] {strides = array<i32>} : memref<3200x16xf32, #tpu.memory_space<vmem>>, vector<1x16xf32>,
        %get3A_1677 = vector.shape_cast %get3A_1676 : vector<1x16xf32> to vector<16xf32>
        %add3A_1678 = arith.addf %scan3A_1585, %get3A_1677 : vector<16xf32>
        %add3A_1679 = arith.constant 2600 : i32
        %add3A_1680 = arith.addi %add3A_1679, %scan3A_1572 : i32
        %get3A_1681 = arith.index_cast %add3A_1680 : i32 to index
        %get3A_1682 = arith.constant 0 : index
        %get3A_1683 = tpu.vector_load %arg11[%get3A_1681, %get3A_1682] {strides = array<i32>} : memref<3200x16xf32, #tpu.memory_space<vmem>>, vector<1x16xf32>,
        %get3A_1684 = vector.shape_cast %get3A_1683 : vector<1x16xf32> to vector<16xf32>
        %add3A_1685 = arith.addf %scan3A_1586, %get3A_1684 : vector<16xf32>
        %add3A_1686 = arith.constant 2800 : i32
        %add3A_1687 = arith.addi %add3A_1686, %scan3A_1572 : i32
        %get3A_1688 = arith.index_cast %add3A_1687 : i32 to index
        %get3A_1689 = arith.constant 0 : index
        %get3A_1690 = tpu.vector_load %arg11[%get3A_1688, %get3A_1689] {strides = array<i32>} : memref<3200x16xf32, #tpu.memory_space<vmem>>, vector<1x16xf32>,
        %get3A_1691 = vector.shape_cast %get3A_1690 : vector<1x16xf32> to vector<16xf32>
        %add3A_1692 = arith.addf %scan3A_1587, %get3A_1691 : vector<16xf32>
        %add3A_1693 = arith.constant 3000 : i32
        %add3A_1694 = arith.addi %add3A_1693, %scan3A_1572 : i32
        %get3A_1695 = arith.index_cast %add3A_1694 : i32 to index
        %get3A_1696 = arith.constant 0 : index
        %get3A_1697 = tpu.vector_load %arg11[%get3A_1695, %get3A_1696] {strides = array<i32>} : memref<3200x16xf32, #tpu.memory_space<vmem>>, vector<1x16xf32>,
        %get3A_1698 = vector.shape_cast %get3A_1697 : vector<1x16xf32> to vector<16xf32>
        %add3A_1699 = arith.addf %scan3A_1588, %get3A_1698 : vector<16xf32>
        scf.yield %add3A_1594, %add3A_1601, %add3A_1608, %add3A_1615, %add3A_1622, %add3A_1629, %add3A_1636, %add3A_1643, %add3A_1650, %add3A_1657, %add3A_1664, %add3A_1671, %add3A_1678, %add3A_1685, %add3A_1692, %add3A_1699 : vector<16xf32>, vector<16xf32>, vector<16xf32>, vector<16xf32>, vector<16xf32>, vector<16xf32>, vector<16xf32>, vector<16xf32>, vector<16xf32>, vector<16xf32>, vector<16xf32>, vector<16xf32>, vector<16xf32>, vector<16xf32>, vector<16xf32>, vector<16xf32>
      }
      %scan3A_1470 = arith.constant 200 : i32
      %swap3A_1471 = arith.constant 0 : i32
      %swap3A_1472 = arith.index_cast %swap3A_1471 : i32 to index
      %swap3A_1473 = arith.constant 0 : index
      %swap3A_1474 = tpu.vector_load %arg12[%swap3A_1472, %swap3A_1473] {strides = array<i32>} : memref<16x16xf32, #tpu.memory_space<vmem>>, vector<1x16xf32>,
      %swap3A_1475 = vector.shape_cast %swap3A_1474 : vector<1x16xf32> to vector<16xf32>
      %swap3A_1476 = vector.shape_cast %scan3A_1469#0 : vector<16xf32> to vector<1x16xf32>
      tpu.vector_store %arg12[%swap3A_1472, %swap3A_1473], %swap3A_1476 {strides = array<i32>} : memref<16x16xf32, #tpu.memory_space<vmem>>, vector<1x16xf32>,
      %swap3A_1477 = arith.constant 1 : i32
      %swap3A_1478 = arith.index_cast %swap3A_1477 : i32 to index
      %swap3A_1479 = arith.constant 0 : index
      %swap3A_1480 = tpu.vector_load %arg12[%swap3A_1478, %swap3A_1479] {strides = array<i32>} : memref<16x16xf32, #tpu.memory_space<vmem>>, vector<1x16xf32>,
      %swap3A_1481 = vector.shape_cast %swap3A_1480 : vector<1x16xf32> to vector<16xf32>
      %swap3A_1482 = vector.shape_cast %scan3A_1469#1 : vector<16xf32> to vector<1x16xf32>
      tpu.vector_store %arg12[%swap3A_1478, %swap3A_1479], %swap3A_1482 {strides = array<i32>} : memref<16x16xf32, #tpu.memory_space<vmem>>, vector<1x16xf32>,
      %swap3A_1483 = arith.constant 2 : i32
      %swap3A_1484 = arith.index_cast %swap3A_1483 : i32 to index
      %swap3A_1485 = arith.constant 0 : index
      %swap3A_1486 = tpu.vector_load %arg12[%swap3A_1484, %swap3A_1485] {strides = array<i32>} : memref<16x16xf32, #tpu.memory_space<vmem>>, vector<1x16xf32>,
      %swap3A_1487 = vector.shape_cast %swap3A_1486 : vector<1x16xf32> to vector<16xf32>
      %swap3A_1488 = vector.shape_cast %scan3A_1469#2 : vector<16xf32> to vector<1x16xf32>
      tpu.vector_store %arg12[%swap3A_1484, %swap3A_1485], %swap3A_1488 {strides = array<i32>} : memref<16x16xf32, #tpu.memory_space<vmem>>, vector<1x16xf32>,
      %swap3A_1489 = arith.constant 3 : i32
      %swap3A_1490 = arith.index_cast %swap3A_1489 : i32 to index
      %swap3A_1491 = arith.constant 0 : index
      %swap3A_1492 = tpu.vector_load %arg12[%swap3A_1490, %swap3A_1491] {strides = array<i32>} : memref<16x16xf32, #tpu.memory_space<vmem>>, vector<1x16xf32>,
      %swap3A_1493 = vector.shape_cast %swap3A_1492 : vector<1x16xf32> to vector<16xf32>
      %swap3A_1494 = vector.shape_cast %scan3A_1469#3 : vector<16xf32> to vector<1x16xf32>
      tpu.vector_store %arg12[%swap3A_1490, %swap3A_1491], %swap3A_1494 {strides = array<i32>} : memref<16x16xf32, #tpu.memory_space<vmem>>, vector<1x16xf32>,
      %swap3A_1495 = arith.constant 4 : i32
      %swap3A_1496 = arith.index_cast %swap3A_1495 : i32 to index
      %swap3A_1497 = arith.constant 0 : index
      %swap3A_1498 = tpu.vector_load %arg12[%swap3A_1496, %swap3A_1497] {strides = array<i32>} : memref<16x16xf32, #tpu.memory_space<vmem>>, vector<1x16xf32>,
      %swap3A_1499 = vector.shape_cast %swap3A_1498 : vector<1x16xf32> to vector<16xf32>
      %swap3A_1500 = vector.shape_cast %scan3A_1469#4 : vector<16xf32> to vector<1x16xf32>
      tpu.vector_store %arg12[%swap3A_1496, %swap3A_1497], %swap3A_1500 {strides = array<i32>} : memref<16x16xf32, #tpu.memory_space<vmem>>, vector<1x16xf32>,
      %swap3A_1501 = arith.constant 5 : i32
      %swap3A_1502 = arith.index_cast %swap3A_1501 : i32 to index
      %swap3A_1503 = arith.constant 0 : index
      %swap3A_1504 = tpu.vector_load %arg12[%swap3A_1502, %swap3A_1503] {strides = array<i32>} : memref<16x16xf32, #tpu.memory_space<vmem>>, vector<1x16xf32>,
      %swap3A_1505 = vector.shape_cast %swap3A_1504 : vector<1x16xf32> to vector<16xf32>
      %swap3A_1506 = vector.shape_cast %scan3A_1469#5 : vector<16xf32> to vector<1x16xf32>
      tpu.vector_store %arg12[%swap3A_1502, %swap3A_1503], %swap3A_1506 {strides = array<i32>} : memref<16x16xf32, #tpu.memory_space<vmem>>, vector<1x16xf32>,
      %swap3A_1507 = arith.constant 6 : i32
      %swap3A_1508 = arith.index_cast %swap3A_1507 : i32 to index
      %swap3A_1509 = arith.constant 0 : index
      %swap3A_1510 = tpu.vector_load %arg12[%swap3A_1508, %swap3A_1509] {strides = array<i32>} : memref<16x16xf32, #tpu.memory_space<vmem>>, vector<1x16xf32>,
      %swap3A_1511 = vector.shape_cast %swap3A_1510 : vector<1x16xf32> to vector<16xf32>
      %swap3A_1512 = vector.shape_cast %scan3A_1469#6 : vector<16xf32> to vector<1x16xf32>
      tpu.vector_store %arg12[%swap3A_1508, %swap3A_1509], %swap3A_1512 {strides = array<i32>} : memref<16x16xf32, #tpu.memory_space<vmem>>, vector<1x16xf32>,
      %swap3A_1513 = arith.constant 7 : i32
      %swap3A_1514 = arith.index_cast %swap3A_1513 : i32 to index
      %swap3A_1515 = arith.constant 0 : index
      %swap3A_1516 = tpu.vector_load %arg12[%swap3A_1514, %swap3A_1515] {strides = array<i32>} : memref<16x16xf32, #tpu.memory_space<vmem>>, vector<1x16xf32>,
      %swap3A_1517 = vector.shape_cast %swap3A_1516 : vector<1x16xf32> to vector<16xf32>
      %swap3A_1518 = vector.shape_cast %scan3A_1469#7 : vector<16xf32> to vector<1x16xf32>
      tpu.vector_store %arg12[%swap3A_1514, %swap3A_1515], %swap3A_1518 {strides = array<i32>} : memref<16x16xf32, #tpu.memory_space<vmem>>, vector<1x16xf32>,
      %swap3A_1519 = arith.constant 8 : i32
      %swap3A_1520 = arith.index_cast %swap3A_1519 : i32 to index
      %swap3A_1521 = arith.constant 0 : index
      %swap3A_1522 = tpu.vector_load %arg12[%swap3A_1520, %swap3A_1521] {strides = array<i32>} : memref<16x16xf32, #tpu.memory_space<vmem>>, vector<1x16xf32>,
      %swap3A_1523 = vector.shape_cast %swap3A_1522 : vector<1x16xf32> to vector<16xf32>
      %swap3A_1524 = vector.shape_cast %scan3A_1469#8 : vector<16xf32> to vector<1x16xf32>
      tpu.vector_store %arg12[%swap3A_1520, %swap3A_1521], %swap3A_1524 {strides = array<i32>} : memref<16x16xf32, #tpu.memory_space<vmem>>, vector<1x16xf32>,
      %swap3A_1525 = arith.constant 9 : i32
      %swap3A_1526 = arith.index_cast %swap3A_1525 : i32 to index
      %swap3A_1527 = arith.constant 0 : index
      %swap3A_1528 = tpu.vector_load %arg12[%swap3A_1526, %swap3A_1527] {strides = array<i32>} : memref<16x16xf32, #tpu.memory_space<vmem>>, vector<1x16xf32>,
      %swap3A_1529 = vector.shape_cast %swap3A_1528 : vector<1x16xf32> to vector<16xf32>
      %swap3A_1530 = vector.shape_cast %scan3A_1469#9 : vector<16xf32> to vector<1x16xf32>
      tpu.vector_store %arg12[%swap3A_1526, %swap3A_1527], %swap3A_1530 {strides = array<i32>} : memref<16x16xf32, #tpu.memory_space<vmem>>, vector<1x16xf32>,
      %swap3A_1531 = arith.constant 10 : i32
      %swap3A_1532 = arith.index_cast %swap3A_1531 : i32 to index
      %swap3A_1533 = arith.constant 0 : index
      %swap3A_1534 = tpu.vector_load %arg12[%swap3A_1532, %swap3A_1533] {strides = array<i32>} : memref<16x16xf32, #tpu.memory_space<vmem>>, vector<1x16xf32>,
      %swap3A_1535 = vector.shape_cast %swap3A_1534 : vector<1x16xf32> to vector<16xf32>
      %swap3A_1536 = vector.shape_cast %scan3A_1469#10 : vector<16xf32> to vector<1x16xf32>
      tpu.vector_store %arg12[%swap3A_1532, %swap3A_1533], %swap3A_1536 {strides = array<i32>} : memref<16x16xf32, #tpu.memory_space<vmem>>, vector<1x16xf32>,
      %swap3A_1537 = arith.constant 11 : i32
      %swap3A_1538 = arith.index_cast %swap3A_1537 : i32 to index
      %swap3A_1539 = arith.constant 0 : index
      %swap3A_1540 = tpu.vector_load %arg12[%swap3A_1538, %swap3A_1539] {strides = array<i32>} : memref<16x16xf32, #tpu.memory_space<vmem>>, vector<1x16xf32>,
      %swap3A_1541 = vector.shape_cast %swap3A_1540 : vector<1x16xf32> to vector<16xf32>
      %swap3A_1542 = vector.shape_cast %scan3A_1469#11 : vector<16xf32> to vector<1x16xf32>
      tpu.vector_store %arg12[%swap3A_1538, %swap3A_1539], %swap3A_1542 {strides = array<i32>} : memref<16x16xf32, #tpu.memory_space<vmem>>, vector<1x16xf32>,
      %swap3A_1543 = arith.constant 12 : i32
      %swap3A_1544 = arith.index_cast %swap3A_1543 : i32 to index
      %swap3A_1545 = arith.constant 0 : index
      %swap3A_1546 = tpu.vector_load %arg12[%swap3A_1544, %swap3A_1545] {strides = array<i32>} : memref<16x16xf32, #tpu.memory_space<vmem>>, vector<1x16xf32>,
      %swap3A_1547 = vector.shape_cast %swap3A_1546 : vector<1x16xf32> to vector<16xf32>
      %swap3A_1548 = vector.shape_cast %scan3A_1469#12 : vector<16xf32> to vector<1x16xf32>
      tpu.vector_store %arg12[%swap3A_1544, %swap3A_1545], %swap3A_1548 {strides = array<i32>} : memref<16x16xf32, #tpu.memory_space<vmem>>, vector<1x16xf32>,
      %swap3A_1549 = arith.constant 13 : i32
      %swap3A_1550 = arith.index_cast %swap3A_1549 : i32 to index
      %swap3A_1551 = arith.constant 0 : index
      %swap3A_1552 = tpu.vector_load %arg12[%swap3A_1550, %swap3A_1551] {strides = array<i32>} : memref<16x16xf32, #tpu.memory_space<vmem>>, vector<1x16xf32>,
      %swap3A_1553 = vector.shape_cast %swap3A_1552 : vector<1x16xf32> to vector<16xf32>
      %swap3A_1554 = vector.shape_cast %scan3A_1469#13 : vector<16xf32> to vector<1x16xf32>
      tpu.vector_store %arg12[%swap3A_1550, %swap3A_1551], %swap3A_1554 {strides = array<i32>} : memref<16x16xf32, #tpu.memory_space<vmem>>, vector<1x16xf32>,
      %swap3A_1555 = arith.constant 14 : i32
      %swap3A_1556 = arith.index_cast %swap3A_1555 : i32 to index
      %swap3A_1557 = arith.constant 0 : index
      %swap3A_1558 = tpu.vector_load %arg12[%swap3A_1556, %swap3A_1557] {strides = array<i32>} : memref<16x16xf32, #tpu.memory_space<vmem>>, vector<1x16xf32>,
      %swap3A_1559 = vector.shape_cast %swap3A_1558 : vector<1x16xf32> to vector<16xf32>
      %swap3A_1560 = vector.shape_cast %scan3A_1469#14 : vector<16xf32> to vector<1x16xf32>
      tpu.vector_store %arg12[%swap3A_1556, %swap3A_1557], %swap3A_1560 {strides = array<i32>} : memref<16x16xf32, #tpu.memory_space<vmem>>, vector<1x16xf32>,
      %swap3A_1561 = arith.constant 15 : i32
      %swap3A_1562 = arith.index_cast %swap3A_1561 : i32 to index
      %swap3A_1563 = arith.constant 0 : index
      %swap3A_1564 = tpu.vector_load %arg12[%swap3A_1562, %swap3A_1563] {strides = array<i32>} : memref<16x16xf32, #tpu.memory_space<vmem>>, vector<1x16xf32>,
      %swap3A_1565 = vector.shape_cast %swap3A_1564 : vector<1x16xf32> to vector<16xf32>
      %swap3A_1566 = vector.shape_cast %scan3A_1469#15 : vector<16xf32> to vector<1x16xf32>
      tpu.vector_store %arg12[%swap3A_1562, %swap3A_1563], %swap3A_1566 {strides = array<i32>} : memref<16x16xf32, #tpu.memory_space<vmem>>, vector<1x16xf32>,
      %mul3A_1567 = arith.constant 512 : i32
      %mul3A_1568 = arith.muli %add3A, %mul3A_1567 : i32
      %mul3A_1569 = arith.constant 16 : i32
      %mul3A_1570 = arith.muli %add3A_364, %mul3A_1569 : i32
      %add3A_1571 = arith.addi %mul3A_1568, %mul3A_1570 : i32
      "tpu.region"() ({
        %run_scoped3A = tpu.sem_alloc : memref<!tpu.dma_semaphore, #tpu.memory_space<semaphore_mem>>
        %dma_start3A_1572 = arith.constant 0 : i32
        %dma_start3A_1573 = tpu.memref_slice %arg5[%add3A_1571, %dma_start3A_1572] : memref<16384x16xf32, #tpu.memory_space<hbm>> -> memref<16x16xf32, #tpu.memory_space<hbm>>
        %dma_start3A_1574 = arith.constant 0 : i32
        %dma_start3A_1575 = tpu.memref_slice %arg5[%add3A_1571, %dma_start3A_1574] : memref<16384x16xf32, #tpu.memory_space<hbm>> -> memref<16x16xf32, #tpu.memory_space<hbm>>
        tpu.enqueue_dma source(%arg12 : memref<16x16xf32, #tpu.memory_space<vmem>>) target(%dma_start3A_1575 : memref<16x16xf32, #tpu.memory_space<hbm>>) target_semaphore(%run_scoped3A : memref<!tpu.dma_semaphore, #tpu.memory_space<semaphore_mem>>)
        %dma_wait3A_1576 = arith.constant 0 : i32
        %dma_wait3A_1577 = tpu.memref_slice %arg5[%add3A_1571, %dma_wait3A_1576] : memref<16384x16xf32, #tpu.memory_space<hbm>> -> memref<16x16xf32, #tpu.memory_space<hbm>>
        %dma_wait3A_1578 = arith.constant 0 : i32
        %dma_wait3A_1579 = tpu.memref_slice %arg5[%add3A_1571, %dma_wait3A_1578] : memref<16384x16xf32, #tpu.memory_space<hbm>> -> memref<16x16xf32, #tpu.memory_space<hbm>>
        tpu.wait_dma2 semaphore(%run_scoped3A : memref<!tpu.dma_semaphore, #tpu.memory_space<semaphore_mem>>) src(%arg12 : memref<16x16xf32, #tpu.memory_space<vmem>>) dst(%dma_wait3A_1579 : memref<16x16xf32, #tpu.memory_space<hbm>>)
        tpu.yield
      }) : () -> ()
    }
    %scan3A_359 = arith.constant 16 : i32
    return
  }
}

module attributes {stable_mosaic.version = 14 : i64} {
  func.func @_xprep_body(%arg0: i32, %arg1: memref<200x2048xi32, #tpu.memory_space<vmem>>, %arg2: memref<2048x128xi32, #tpu.memory_space<vmem>>, %arg3: memref<2048x128xi32, #tpu.memory_space<vmem>>) attributes {dimension_semantics = [#tpu.dimension_semantics<arbitrary>], iteration_bounds = array<i64: 8>, scalar_prefetch = 0 : i64, scratch_operands = 0 : i64, tpu.core_type = #tpu.core_type<tc>, window_params = [{transform_indices = @transform_0, window_bounds = array<i64: 200, 2048>}, {transform_indices = @transform_1, window_bounds = array<i64: 2048, 128>}, {transform_indices = @transform_2, window_bounds = array<i64: 2048, 128>}]} {
    %get3A = arith.constant 0 : index
    %get3A_0 = arith.constant 0 : index
    %get3A_1 = vector.load %arg1[%get3A, %get3A_0] : memref<200x2048xi32, #tpu.memory_space<vmem>>, vector<200x2048xi32>
    %and3A = arith.constant -8192 : i32
    %and3A_2 = vector.broadcast %and3A : i32 to vector<200x2048xi32>
    %and3A_3 = arith.andi %get3A_1, %and3A_2 : vector<200x2048xi32>
    %and3A_4 = arith.constant 8191 : i32
    %and3A_5 = vector.broadcast %and3A_4 : i32 to vector<200x2048xi32>
    %and3A_6 = arith.andi %get3A_1, %and3A_5 : vector<200x2048xi32>
    %shift_right_arithmetic3A = arith.constant 10 : i32
    %shift_right_arithmetic3A_7 = vector.broadcast %shift_right_arithmetic3A : i32 to vector<200x2048xi32>
    %shift_right_arithmetic3A_8 = arith.shrsi %and3A_6, %shift_right_arithmetic3A_7 : vector<200x2048xi32>
    %and3A_9 = arith.constant 1023 : i32
    %and3A_10 = vector.broadcast %and3A_9 : i32 to vector<200x2048xi32>
    %and3A_11 = arith.andi %and3A_6, %and3A_10 : vector<200x2048xi32>
    %shift_left3A = arith.constant 3 : i32
    %shift_left3A_12 = vector.broadcast %shift_left3A : i32 to vector<200x2048xi32>
    %shift_left3A_13 = arith.shli %and3A_11, %shift_left3A_12 : vector<200x2048xi32>
    %or3A = arith.ori %and3A_3, %shift_left3A_13 : vector<200x2048xi32>
    %or3A_14 = arith.ori %or3A, %shift_right_arithmetic3A_8 : vector<200x2048xi32>
    %sub3A = arith.constant 999424 : i32
    %sub3A_15 = vector.broadcast %sub3A : i32 to vector<200x2048xi32>
    %sub3A_16 = arith.subi %get3A_1, %sub3A_15 : vector<200x2048xi32>
    %shift_left3A_17 = arith.constant 3 : i32
    %shift_left3A_18 = vector.broadcast %shift_left3A_17 : i32 to vector<200x2048xi32>
    %shift_left3A_19 = arith.shli %sub3A_16, %shift_left3A_18 : vector<200x2048xi32>
    %add3A = arith.constant 999424 : i32
    %add3A_20 = vector.broadcast %add3A : i32 to vector<200x2048xi32>
    %add3A_21 = arith.addi %add3A_20, %shift_left3A_19 : vector<200x2048xi32>
    %lt3A = arith.constant 999424 : i32
    %lt3A_22 = vector.broadcast %lt3A : i32 to vector<200x2048xi32>
    %lt3A_23 = arith.cmpi slt, %get3A_1, %lt3A_22 : vector<200x2048xi32>
    %select_n3A = arith.select %lt3A_23, %or3A_14, %add3A_21 : vector<200x2048xi1>, vector<200x2048xi32>
    %transpose3A = tpu.transpose %select_n3A, [1, 0] : vector<200x2048xi32> -> vector<2048x200xi32>
    %slice3A = vector.extract_strided_slice %transpose3A {offsets = [0, 0], sizes = [2048, 128], strides = [1, 1]} : vector<2048x200xi32> to vector<2048x128xi32>
    %swap3A = arith.constant 0 : index
    %swap3A_24 = arith.constant 0 : index
    %swap3A_25 = vector.load %arg2[%swap3A, %swap3A_24] : memref<2048x128xi32, #tpu.memory_space<vmem>>, vector<2048x128xi32>
    tpu.vector_store %arg2[%swap3A, %swap3A_24], %slice3A {strides = array<i32>} : memref<2048x128xi32, #tpu.memory_space<vmem>>, vector<2048x128xi32>,
    %slice3A_26 = vector.extract_strided_slice %transpose3A {offsets = [0, 128], sizes = [2048, 72], strides = [1, 1]} : vector<2048x200xi32> to vector<2048x72xi32>
    %broadcast_in_dim3A = arith.constant 0 : i32
    %broadcast_in_dim3A_27 = vector.broadcast %broadcast_in_dim3A : i32 to vector<2048x56xi32>
    %concatenate3A = tpu.concatenate %slice3A_26, %broadcast_in_dim3A_27 in 1 : vector<2048x72xi32>, vector<2048x56xi32> -> vector<2048x128xi32>
    %swap3A_28 = arith.constant 0 : index
    %swap3A_29 = arith.constant 0 : index
    %swap3A_30 = vector.load %arg3[%swap3A_28, %swap3A_29] : memref<2048x128xi32, #tpu.memory_space<vmem>>, vector<2048x128xi32>
    tpu.vector_store %arg3[%swap3A_28, %swap3A_29], %concatenate3A {strides = array<i32>} : memref<2048x128xi32, #tpu.memory_space<vmem>>, vector<2048x128xi32>,
    return
  }
  func.func @transform_0(%arg0: i32) -> (i32, i32) {
    %c0_i32 = arith.constant 0 : i32
    %c0_i32_0 = arith.constant 0 : i32
    return %c0_i32, %arg0 : i32, i32
  }
  func.func @transform_1(%arg0: i32) -> (i32, i32) {
    %c0_i32 = arith.constant 0 : i32
    %c0_i32_0 = arith.constant 0 : i32
    return %arg0, %c0_i32 : i32, i32
  }
  func.func @transform_2(%arg0: i32) -> (i32, i32) {
    %c0_i32 = arith.constant 0 : i32
    %c0_i32_0 = arith.constant 0 : i32
    return %arg0, %c0_i32 : i32, i32
  }
}

module attributes {stable_mosaic.version = 14 : i64} {
  func.func @_pack_body(%arg0: i32, %arg1: memref<16x24576xf32, #tpu.memory_space<vmem>>, %arg2: memref<3072x128xf32, #tpu.memory_space<vmem>>) attributes {dimension_semantics = [#tpu.dimension_semantics<arbitrary>], iteration_bounds = array<i64: 41>, scalar_prefetch = 0 : i64, scratch_operands = 0 : i64, tpu.core_type = #tpu.core_type<tc>, window_params = [{transform_indices = @transform_0, window_bounds = array<i64: 16, 24576>}, {transform_indices = @transform_1, window_bounds = array<i64: 3072, 128>}]} {
    %get3A = arith.constant 0 : index
    %get3A_0 = arith.constant 0 : index
    %get3A_1 = vector.load %arg1[%get3A, %get3A_0] : memref<16x24576xf32, #tpu.memory_space<vmem>>, vector<16x1024xf32>
    %get3A_2 = arith.constant 0 : index
    %get3A_3 = arith.constant 1024 : index
    %get3A_4 = vector.load %arg1[%get3A_2, %get3A_3] : memref<16x24576xf32, #tpu.memory_space<vmem>>, vector<16x1024xf32>
    %get3A_5 = arith.constant 0 : index
    %get3A_6 = arith.constant 2048 : index
    %get3A_7 = vector.load %arg1[%get3A_5, %get3A_6] : memref<16x24576xf32, #tpu.memory_space<vmem>>, vector<16x1024xf32>
    %get3A_8 = arith.constant 0 : index
    %get3A_9 = arith.constant 3072 : index
    %get3A_10 = vector.load %arg1[%get3A_8, %get3A_9] : memref<16x24576xf32, #tpu.memory_space<vmem>>, vector<16x1024xf32>
    %get3A_11 = arith.constant 0 : index
    %get3A_12 = arith.constant 4096 : index
    %get3A_13 = vector.load %arg1[%get3A_11, %get3A_12] : memref<16x24576xf32, #tpu.memory_space<vmem>>, vector<16x1024xf32>
    %get3A_14 = arith.constant 0 : index
    %get3A_15 = arith.constant 5120 : index
    %get3A_16 = vector.load %arg1[%get3A_14, %get3A_15] : memref<16x24576xf32, #tpu.memory_space<vmem>>, vector<16x1024xf32>
    %get3A_17 = arith.constant 0 : index
    %get3A_18 = arith.constant 6144 : index
    %get3A_19 = vector.load %arg1[%get3A_17, %get3A_18] : memref<16x24576xf32, #tpu.memory_space<vmem>>, vector<16x1024xf32>
    %get3A_20 = arith.constant 0 : index
    %get3A_21 = arith.constant 7168 : index
    %get3A_22 = vector.load %arg1[%get3A_20, %get3A_21] : memref<16x24576xf32, #tpu.memory_space<vmem>>, vector<16x1024xf32>
    %concatenate3A = tpu.concatenate %get3A_1, %get3A_4, %get3A_7, %get3A_10, %get3A_13, %get3A_16, %get3A_19, %get3A_22 in 0 : vector<16x1024xf32>, vector<16x1024xf32>, vector<16x1024xf32>, vector<16x1024xf32>, vector<16x1024xf32>, vector<16x1024xf32>, vector<16x1024xf32>, vector<16x1024xf32> -> vector<128x1024xf32>
    %transpose3A = tpu.transpose %concatenate3A, [1, 0] : vector<128x1024xf32> -> vector<1024x128xf32>
    %swap3A = arith.constant 0 : index
    %swap3A_23 = arith.constant 0 : index
    %swap3A_24 = vector.load %arg2[%swap3A, %swap3A_23] : memref<3072x128xf32, #tpu.memory_space<vmem>>, vector<1024x128xf32>
    tpu.vector_store %arg2[%swap3A, %swap3A_23], %transpose3A {strides = array<i32>} : memref<3072x128xf32, #tpu.memory_space<vmem>>, vector<1024x128xf32>,
    %get3A_25 = arith.constant 0 : index
    %get3A_26 = arith.constant 8192 : index
    %get3A_27 = vector.load %arg1[%get3A_25, %get3A_26] : memref<16x24576xf32, #tpu.memory_space<vmem>>, vector<16x1024xf32>
    %get3A_28 = arith.constant 0 : index
    %get3A_29 = arith.constant 9216 : index
    %get3A_30 = vector.load %arg1[%get3A_28, %get3A_29] : memref<16x24576xf32, #tpu.memory_space<vmem>>, vector<16x1024xf32>
    %get3A_31 = arith.constant 0 : index
    %get3A_32 = arith.constant 10240 : index
    %get3A_33 = vector.load %arg1[%get3A_31, %get3A_32] : memref<16x24576xf32, #tpu.memory_space<vmem>>, vector<16x1024xf32>
    %get3A_34 = arith.constant 0 : index
    %get3A_35 = arith.constant 11264 : index
    %get3A_36 = vector.load %arg1[%get3A_34, %get3A_35] : memref<16x24576xf32, #tpu.memory_space<vmem>>, vector<16x1024xf32>
    %get3A_37 = arith.constant 0 : index
    %get3A_38 = arith.constant 12288 : index
    %get3A_39 = vector.load %arg1[%get3A_37, %get3A_38] : memref<16x24576xf32, #tpu.memory_space<vmem>>, vector<16x1024xf32>
    %get3A_40 = arith.constant 0 : index
    %get3A_41 = arith.constant 13312 : index
    %get3A_42 = vector.load %arg1[%get3A_40, %get3A_41] : memref<16x24576xf32, #tpu.memory_space<vmem>>, vector<16x1024xf32>
    %get3A_43 = arith.constant 0 : index
    %get3A_44 = arith.constant 14336 : index
    %get3A_45 = vector.load %arg1[%get3A_43, %get3A_44] : memref<16x24576xf32, #tpu.memory_space<vmem>>, vector<16x1024xf32>
    %get3A_46 = arith.constant 0 : index
    %get3A_47 = arith.constant 15360 : index
    %get3A_48 = vector.load %arg1[%get3A_46, %get3A_47] : memref<16x24576xf32, #tpu.memory_space<vmem>>, vector<16x1024xf32>
    %concatenate3A_49 = tpu.concatenate %get3A_27, %get3A_30, %get3A_33, %get3A_36, %get3A_39, %get3A_42, %get3A_45, %get3A_48 in 0 : vector<16x1024xf32>, vector<16x1024xf32>, vector<16x1024xf32>, vector<16x1024xf32>, vector<16x1024xf32>, vector<16x1024xf32>, vector<16x1024xf32>, vector<16x1024xf32> -> vector<128x1024xf32>
    %transpose3A_50 = tpu.transpose %concatenate3A_49, [1, 0] : vector<128x1024xf32> -> vector<1024x128xf32>
    %swap3A_51 = arith.constant 1024 : index
    %swap3A_52 = arith.constant 0 : index
    %swap3A_53 = vector.load %arg2[%swap3A_51, %swap3A_52] : memref<3072x128xf32, #tpu.memory_space<vmem>>, vector<1024x128xf32>
    tpu.vector_store %arg2[%swap3A_51, %swap3A_52], %transpose3A_50 {strides = array<i32>} : memref<3072x128xf32, #tpu.memory_space<vmem>>, vector<1024x128xf32>,
    %get3A_54 = arith.constant 0 : index
    %get3A_55 = arith.constant 16384 : index
    %get3A_56 = vector.load %arg1[%get3A_54, %get3A_55] : memref<16x24576xf32, #tpu.memory_space<vmem>>, vector<16x1024xf32>
    %get3A_57 = arith.constant 0 : index
    %get3A_58 = arith.constant 17408 : index
    %get3A_59 = vector.load %arg1[%get3A_57, %get3A_58] : memref<16x24576xf32, #tpu.memory_space<vmem>>, vector<16x1024xf32>
    %get3A_60 = arith.constant 0 : index
    %get3A_61 = arith.constant 18432 : index
    %get3A_62 = vector.load %arg1[%get3A_60, %get3A_61] : memref<16x24576xf32, #tpu.memory_space<vmem>>, vector<16x1024xf32>
    %get3A_63 = arith.constant 0 : index
    %get3A_64 = arith.constant 19456 : index
    %get3A_65 = vector.load %arg1[%get3A_63, %get3A_64] : memref<16x24576xf32, #tpu.memory_space<vmem>>, vector<16x1024xf32>
    %get3A_66 = arith.constant 0 : index
    %get3A_67 = arith.constant 20480 : index
    %get3A_68 = vector.load %arg1[%get3A_66, %get3A_67] : memref<16x24576xf32, #tpu.memory_space<vmem>>, vector<16x1024xf32>
    %get3A_69 = arith.constant 0 : index
    %get3A_70 = arith.constant 21504 : index
    %get3A_71 = vector.load %arg1[%get3A_69, %get3A_70] : memref<16x24576xf32, #tpu.memory_space<vmem>>, vector<16x1024xf32>
    %get3A_72 = arith.constant 0 : index
    %get3A_73 = arith.constant 22528 : index
    %get3A_74 = vector.load %arg1[%get3A_72, %get3A_73] : memref<16x24576xf32, #tpu.memory_space<vmem>>, vector<16x1024xf32>
    %get3A_75 = arith.constant 0 : index
    %get3A_76 = arith.constant 23552 : index
    %get3A_77 = vector.load %arg1[%get3A_75, %get3A_76] : memref<16x24576xf32, #tpu.memory_space<vmem>>, vector<16x1024xf32>
    %concatenate3A_78 = tpu.concatenate %get3A_56, %get3A_59, %get3A_62, %get3A_65, %get3A_68, %get3A_71, %get3A_74, %get3A_77 in 0 : vector<16x1024xf32>, vector<16x1024xf32>, vector<16x1024xf32>, vector<16x1024xf32>, vector<16x1024xf32>, vector<16x1024xf32>, vector<16x1024xf32>, vector<16x1024xf32> -> vector<128x1024xf32>
    %transpose3A_79 = tpu.transpose %concatenate3A_78, [1, 0] : vector<128x1024xf32> -> vector<1024x128xf32>
    %swap3A_80 = arith.constant 2048 : index
    %swap3A_81 = arith.constant 0 : index
    %swap3A_82 = vector.load %arg2[%swap3A_80, %swap3A_81] : memref<3072x128xf32, #tpu.memory_space<vmem>>, vector<1024x128xf32>
    tpu.vector_store %arg2[%swap3A_80, %swap3A_81], %transpose3A_79 {strides = array<i32>} : memref<3072x128xf32, #tpu.memory_space<vmem>>, vector<1024x128xf32>,
    return
  }
  func.func @transform_0(%arg0: i32) -> (i32, i32) {
    %c0_i32 = arith.constant 0 : i32
    %c0_i32_0 = arith.constant 0 : i32
    return %c0_i32, %arg0 : i32, i32
  }
  func.func @transform_1(%arg0: i32) -> (i32, i32) {
    %c0_i32 = arith.constant 0 : i32
    %c0_i32_0 = arith.constant 0 : i32
    return %arg0, %c0_i32 : i32, i32
  }
}

module attributes {stable_mosaic.version = 14 : i64} {
  func.func @_mlp_body(%arg0: i32, %arg1: memref<16384x16xf32, #tpu.memory_space<vmem>>, %arg2: memref<16x16xf32, #tpu.memory_space<vmem>>, %arg3: memref<1x16xf32, #tpu.memory_space<vmem>>, %arg4: memref<16x2xf32, #tpu.memory_space<vmem>>, %arg5: memref<1x2xf32, #tpu.memory_space<vmem>>, %arg6: memref<16384x2xf32, #tpu.memory_space<vmem>>) attributes {dimension_semantics = [#tpu.dimension_semantics<arbitrary>], iteration_bounds = array<i64: 1>, scalar_prefetch = 0 : i64, scratch_operands = 0 : i64, tpu.core_type = #tpu.core_type<tc>, window_params = [{transform_indices = @transform_0, window_bounds = array<i64: 16384, 16>}, {pipeline_mode = #tpu.pipeline_mode<synchronous>, transform_indices = @transform_1, window_bounds = array<i64: 16, 16>}, {pipeline_mode = #tpu.pipeline_mode<synchronous>, transform_indices = @transform_2, window_bounds = array<i64: 1, 16>}, {pipeline_mode = #tpu.pipeline_mode<synchronous>, transform_indices = @transform_3, window_bounds = array<i64: 16, 2>}, {pipeline_mode = #tpu.pipeline_mode<synchronous>, transform_indices = @transform_4, window_bounds = array<i64: 1, 2>}, {transform_indices = @transform_5, window_bounds = array<i64: 16384, 2>}]} {
    %get3A = arith.constant 0 : index
    %get3A_0 = arith.constant 0 : index
    %get3A_1 = vector.load %arg1[%get3A, %get3A_0] : memref<16384x16xf32, #tpu.memory_space<vmem>>, vector<16384x16xf32>
    %mul3A = arith.constant 5.000000e-03 : f32
    %mul3A_2 = vector.broadcast %mul3A : f32 to vector<16384x16xf32>
    %mul3A_3 = arith.mulf %get3A_1, %mul3A_2 : vector<16384x16xf32>
    %tanh3A = math.tanh %mul3A_3 : vector<16384x16xf32>
    %get3A_4 = arith.constant 0 : index
    %get3A_5 = arith.constant 0 : index
    %get3A_6 = vector.load %arg2[%get3A_4, %get3A_5] : memref<16x16xf32, #tpu.memory_space<vmem>>, vector<16x16xf32>
    %dot_general3A = arith.constant dense<0.000000e+00> : vector<16384x16xf32>
    %dot_general3A_7 = tpu.matmul %tanh3A, %get3A_6, %dot_general3A {dimension_numbers = #tpu.dot_dimension_numbers<[1], [0], [0], [1], [0, 0, 1, 1], [], []>, transpose_lhs_hint = false} : vector<16384x16xf32>, vector<16x16xf32>, vector<16384x16xf32> -> vector<16384x16xf32>
    %get3A_8 = arith.constant 0 : index
    %get3A_9 = arith.constant 0 : index
    %get3A_10 = vector.load %arg3[%get3A_8, %get3A_9] : memref<1x16xf32, #tpu.memory_space<vmem>>, vector<1x16xf32>
    %add3A = vector.broadcast %get3A_10 : vector<1x16xf32> to vector<16384x16xf32>
    %add3A_11 = arith.addf %dot_general3A_7, %add3A : vector<16384x16xf32>
    %tanh3A_12 = math.tanh %add3A_11 : vector<16384x16xf32>
    %get3A_13 = arith.constant 0 : index
    %get3A_14 = arith.constant 0 : index
    %get3A_15 = vector.load %arg4[%get3A_13, %get3A_14] : memref<16x2xf32, #tpu.memory_space<vmem>>, vector<16x2xf32>
    %dot_general3A_16 = arith.constant dense<0.000000e+00> : vector<16384x2xf32>
    %dot_general3A_17 = tpu.matmul %tanh3A_12, %get3A_15, %dot_general3A_16 {dimension_numbers = #tpu.dot_dimension_numbers<[1], [0], [0], [1], [0, 0, 1, 1], [], []>, transpose_lhs_hint = false} : vector<16384x16xf32>, vector<16x2xf32>, vector<16384x2xf32> -> vector<16384x2xf32>
    %get3A_18 = arith.constant 0 : index
    %get3A_19 = arith.constant 0 : index
    %get3A_20 = vector.load %arg5[%get3A_18, %get3A_19] : memref<1x2xf32, #tpu.memory_space<vmem>>, vector<1x2xf32>
    %add3A_21 = vector.broadcast %get3A_20 : vector<1x2xf32> to vector<16384x2xf32>
    %add3A_22 = arith.addf %dot_general3A_17, %add3A_21 : vector<16384x2xf32>
    %swap3A = arith.constant 0 : index
    %swap3A_23 = arith.constant 0 : index
    %swap3A_24 = vector.load %arg6[%swap3A, %swap3A_23] : memref<16384x2xf32, #tpu.memory_space<vmem>>, vector<16384x2xf32>
    tpu.vector_store %arg6[%swap3A, %swap3A_23], %add3A_22 {strides = array<i32>} : memref<16384x2xf32, #tpu.memory_space<vmem>>, vector<16384x2xf32>,
    return
  }
  func.func @transform_0(%arg0: i32) -> (i32, i32) {
    %c0_i32 = arith.constant 0 : i32
    %c0_i32_0 = arith.constant 0 : i32
    return %arg0, %c0_i32 : i32, i32
  }
  func.func @transform_1(%arg0: i32) -> (i32, i32) {
    %c0_i32 = arith.constant 0 : i32
    %c0_i32_0 = arith.constant 0 : i32
    %c0_i32_1 = arith.constant 0 : i32
    return %c0_i32, %c0_i32_0 : i32, i32
  }
  func.func @transform_2(%arg0: i32) -> (i32, i32) {
    %c0_i32 = arith.constant 0 : i32
    %c0_i32_0 = arith.constant 0 : i32
    %c0_i32_1 = arith.constant 0 : i32
    return %c0_i32, %c0_i32_0 : i32, i32
  }
  func.func @transform_3(%arg0: i32) -> (i32, i32) {
    %c0_i32 = arith.constant 0 : i32
    %c0_i32_0 = arith.constant 0 : i32
    %c0_i32_1 = arith.constant 0 : i32
    return %c0_i32, %c0_i32_0 : i32, i32
  }
  func.func @transform_4(%arg0: i32) -> (i32, i32) {
    %c0_i32 = arith.constant 0 : i32
    %c0_i32_0 = arith.constant 0 : i32
    %c0_i32_1 = arith.constant 0 : i32
    return %c0_i32, %c0_i32_0 : i32, i32
  }
  func.func @transform_5(%arg0: i32) -> (i32, i32) {
    %c0_i32 = arith.constant 0 : i32
    %c0_i32_0 = arith.constant 0 : i32
    return %arg0, %c0_i32 : i32, i32
  }
}

</mosaic_0001>

<sc_bundles>
// kernel: kernel.6.cloned.1.call-start
scs
__scs_entry_jumppad:
0x0: {  	(pc) =	sbr.rel $0x88, $3  }
0x1: {  	(tag) =	ssettag $0x0;
	lr =	simm.s32 $0x1  }
0x2: {  	[smem:$0x3F9B] =	sst lr;
	_ =	strace $0xD0000000  }
0x3: {  	_ = 	snop  }
0x4: {  	_ = 	snop  }
0x5: {  	_ = 	snop  }
0x6: {  	_ = 	snop  }
0x7: {  	_ = 	snop  }
__scs_overlays_trampoline_lowered:
0x8: {  	[smem:$0x3FAA] =	sst s0  }
0x9: {  	[smem:$0x3FAB] =	sst s1  }
0xa: {  	[smem:$0x3FAC] =	sst s2  }
0xb: {  	[smem:$0x3FAD] =	sst s3  }
0xc: {  	[smem:$0x3FAE] =	sst s4  }
0xd: {  	[smem:$0x3FAF] =	sst s5  }
0xe: {  	[smem:$0x3FB0] =	sst s6  }
0xf: {  	[smem:$0x3FB1] =	sst s7  }
0x10: {  	[smem:$0x3FB2] =	sst s8  }
0x11: {  	[smem:$0x3FB3] =	sst s9;
	s0 =	simm.s32 @!p0 $0x0  }
0x12: {  	s1 =	sld [smem:$0x3F99];
	s0 =	simm.s32 @p0 $0x1  }
0x13: {  	[smem:$0x3FB4] =	sst s0;
	s0 =	simm.s32 @!p1 $0x0  }
0x14: {  	s2 =	sld [smem:$0x3F98];
	s0 =	simm.s32 @p1 $0x1  }
0x15: {  	[smem:$0x3FB5] =	sst s0;
	s0 =	simm.s32 @!p2 $0x0  }
0x16: {  	s3 =	sld [smem:$0x3FDB];
	s0 =	simm.s32 @p2 $0x1  }
0x17: {  	s4 =	simm.s32 $0x1BF5;
	[smem:$0x3FB7] =	sst s0  }
0x18: {  	s0 =	sld [smem:$0x3F9A];
	_ =	swait.ge [sflag:s4], $0x0  }
0x19: {  	s7 =	sld [smem:$0x3F9B]  }
0x1a: {  	s8 =	sadd.s32 $0xFFFFE003, lr  }
0x1b: {  	s9 =	sadd.s32 $0xFFFFFEF7, lr;
	s5 =	simm.s32 $0xFFFFFFFF;
	p2 =	slt.u32 s8, $0xFFFFF086  }
0x1c: {  	p1 =	slt.u32 s9, $0xF7A;
	s5 =	simm.s32 @!p2 $0x0  }
0x1d: {  	s5 =	simm.s32 @p1 $0x1;
	p0 =	seq.s32 s7, s2  }
0x1e: {  	s7 =	smul.u32 @!p0 $0xF7A, s2;
	p2 =	seq.s32 @!p0 s5, $0x0  }
0x1f: {  	s9 =	smul.u32 $0xF7A, s1;
	s8 =	simm.s32 @!p0 $0x1BF5;
	p2 =	por !p2, p0  }
0x20: {  	[sflag:s8] =	ssyncset.s32 @!p0 $0xFFFFF086;
	s6 =	sadd.s32 @!p0 s3, s7;
	s7 =	simm.s32 @!p0 $0x108  }
0x21: {  	s3 =	sadd.s32 s3, s9;
	s6 =	sadd.s32 @!p0 $0x88, s6;
	s7 =	simm.s32 @p2 $0x1082  }
0x22: {  	[simem:s7], [sflag:s8] =	dma.local @!p0 [hbm:s6], $0xF7A  }
0x23: {  	s9 =	sor.u32 $0xD0000000, s2;
	s6 =	simm.s32 $0x108;
	_ =	swait.ge @!p0 [sflag:s8], $0x0  }
0x24: {  	s3 =	sadd.s32 $0x88, s3;
	s6 =	simm.s32 @!p1 $0x1082;
	[sflag:s4] =	ssyncset.s32 $0xFFFFF086  }
0x25: {  	[simem:s6], [sflag:s4] =	dma.local [hbm:s3], $0xF7A  }
0x26: {  	[smem:$0x3F9B] =	sst s1;
	(tag) =	ssettag s2;
	_ =	strace s9  }
0x27: {  	s1 =	sld [smem:$0x3FAB]  }
0x28: {  	s2 =	sld [smem:$0x3FAC]  }
0x29: {  	s4 =	sld [smem:$0x3FAE]  }
0x2a: {  	p0 =	seq.s32 s5, $0x0;
	s5 =	sld [smem:$0x3FAF]  }
0x2b: {  	s6 =	sld [smem:$0x3FB0]  }
0x2c: {  	s7 =	sld [smem:$0x3FB1]  }
0x2d: {  	s3 =	simm.s32 $0x108;
	s8 =	sld [smem:$0x3FB2]  }
0x2e: {  	s3 =	simm.s32 @!p0 $0x1082;
	s9 =	sld [smem:$0x3FB3]  }
0x2f: {  	lr =	sadd.s32 s0, s3;
	s0 =	sld [smem:$0x3FAA]  }
0x30: {  	s3 =	sld [smem:$0x3FAD]  }
0x31: {  	[smem:$0x3FB6] =	sst s10  }
0x32: {  	s10 =	sld [smem:$0x3FB4];
	_ =	sdelay $0x3  }
0x33: {  	p0 =	seq.s32 s10, $0x1;
	s10 =	sld [smem:$0x3FB6];
	_ =	sdelay $0x3  }
0x34: {  	[smem:$0x3FB6] =	sst s10  }
0x35: {  	s10 =	sld [smem:$0x3FB5];
	_ =	sdelay $0x3  }
0x36: {  	p1 =	seq.s32 s10, $0x1;
	s10 =	sld [smem:$0x3FB6];
	_ =	sdelay $0x3  }
0x37: {  	[smem:$0x3FB6] =	sst s10  }
0x38: {  	s10 =	sld [smem:$0x3FB7]  }
0x39: {  	_ = 	snop;
	(pc) =	sbr.ind lr, $3  }
0x3a: {  	_ = 	snop  }
0x3b: {  	_ = 	snop  }
0x3c: {  	p2 =	seq.s32 s10, $0x1;
	s10 =	sld [smem:$0x3FB6]  }
0x3d: {  	_ =	shalt  }
0x3e: {  	_ =	shalt  }
0x3f: {  	_ =	shalt  }
0x40: {  	_ =	shalt  }
0x41: {  	_ =	shalt  }
0x42: {  	_ =	shalt  }
0x43: {  	_ =	shalt  }
0x44: {  	_ =	shalt  }
0x45: {  	_ =	shalt  }
0x46: {  	_ =	shalt  }
0x47: {  	_ =	shalt  }
0x48: {  	_ =	shalt  }
0x49: {  	_ =	shalt  }
0x4a: {  	_ =	shalt  }
0x4b: {  	_ =	shalt  }
0x4c: {  	_ =	shalt  }
0x4d: {  	_ =	shalt  }
0x4e: {  	_ =	shalt  }
0x4f: {  	_ =	shalt  }
0x50: {  	_ =	shalt  }
0x51: {  	_ =	shalt  }
0x52: {  	_ =	shalt  }
0x53: {  	_ =	shalt  }
0x54: {  	_ =	shalt  }
0x55: {  	_ =	shalt  }
0x56: {  	_ =	shalt  }
0x57: {  	_ =	shalt  }
0x58: {  	_ =	shalt  }
0x59: {  	_ =	shalt  }
0x5a: {  	_ =	shalt  }
0x5b: {  	_ =	shalt  }
0x5c: {  	_ =	shalt  }
0x5d: {  	_ =	shalt  }
0x5e: {  	_ =	shalt  }
0x5f: {  	_ =	shalt  }
0x60: {  	_ =	shalt  }
0x61: {  	_ =	shalt  }
0x62: {  	_ =	shalt  }
0x63: {  	_ =	shalt  }
0x64: {  	_ =	shalt  }
0x65: {  	_ =	shalt  }
0x66: {  	_ =	shalt  }
0x67: {  	_ =	shalt  }
0x68: {  	_ =	shalt  }
0x69: {  	_ =	shalt  }
0x6a: {  	_ =	shalt  }
0x6b: {  	_ =	shalt  }
0x6c: {  	_ =	shalt  }
0x6d: {  	_ =	shalt  }
0x6e: {  	_ =	shalt  }
0x6f: {  	_ =	shalt  }
0x70: {  	_ =	shalt  }
0x71: {  	_ =	shalt  }
0x72: {  	_ =	shalt  }
0x73: {  	_ =	shalt  }
0x74: {  	_ =	shalt  }
0x75: {  	_ =	shalt  }
0x76: {  	_ =	shalt  }
0x77: {  	_ =	shalt  }
0x78: {  	_ =	shalt  }
0x79: {  	_ =	shalt  }
0x7a: {  	_ =	shalt  }
0x7b: {  	_ =	shalt  }
0x7c: {  	_ =	shalt  }
0x7d: {  	_ =	shalt  }
0x7e: {  	_ =	shalt  }
0x7f: {  	_ =	shalt  }
0x80: {  	_ =	shalt  }
0x81: {  	_ =	shalt  }
0x82: {  	_ =	shalt  }
0x83: {  	_ =	shalt  }
0x84: {  	_ =	shalt  }
0x85: {  	_ =	shalt  }
0x86: {  	_ =	shalt  }
0x87: {  	_ =	shalt  }
.Lfunc_end0:
.L_simem_size_0:
called_computation_lowered:
.L_overlay_start_0:
0x88: {  	s2 =	sld [smem:$0x3FD9]  }
0x89: {  	s3 =	sld [smem:$0x3FFE];
	_ =	sdelay $0x1  }
0x8a: {  	s1 =	srdreg.scid  }
0x8b: {  	s0 =	sand.u32 $0x1, s1  }
0x8c: {  	s16 =	sshll.u32 s0, $0xA;
	s2 =	sadd.s32 s3, s2  }
0x8d: {  	s2 =	sadd.s32 s2, s16  }
0x8e: {  	[smem:$0x3FC2] =	sst s2  }
0x8f: {  	_ = 	snop  }
0x90: {  	(tm) =	ssettm $0x1  }
0x91: {  	s17 =	sld [smem:$0x3FFB];
	_ =	sdelay $0x3  }
0x92: {  	_ =	strace s17  }
0x93: {  	s2 =	sld [smem:$0x3FFC];
	_ =	sdelay $0x3  }
0x94: {  	_ =	strace s2  }
0x95: {  	s2 =	sld [smem:$0x3FFD];
	_ =	sdelay $0x3  }
0x96: {  	_ =	strace s2  }
0x97: {  	_ =	strace $0x8FFFFFFF  }
0x98: {  	s18 =	sld [smem:$0x3FDB];
	_ =	sdelay $0x1  }
0x99: {  	s19 =	simm.s32 $_scs_section_size  }
0x9a: {  	s4 =	simm.s32 $_size__tile_overlayer_lowered;
	s5 =	simm.s32 $_tile_overlayer_lowered  }
0x9b: {  	s22 =	simm.s32 $0x1BFF;
	s21 =	sshll.u32 s5, $0x1;
	s2 =	sadd.s32 s19, s18  }
0x9c: {  	s6 =	simm.s32 $0x0;
	s20 =	sshll.u32 s4, $0x1;
	s4 =	sadd.s32 s21, s2  }
0x9d: {  	[timem:s6], [sflag:s22] =	dma.local [hbm:s4], s20  }
0x9e: {  	_ =	swait.ge [sflag:s22], s20  }
0x9f: {  	s3 =	ssub.s32 $0x0, s20;
	[sflag:s22] =	ssyncset.done $0x0  }
0xa0: {  	[sflag:s22] =	ssyncadd.s32 s3;
	_ =	sdelay $0x1  }
0xa1: {  	s23 =	simm.s32 $0x1B8B  }
0xa2: {  	_ =	swait.ge [sflag:s23], $0x1  }
0xa3: {  	[sflag:s23] =	ssyncset.done $0x0  }
0xa4: {  	s25 =	simm.s32 $0x1B8E;
	s24 =	sld [smem:$0x3FFE];
	[sflag:s23] =	ssyncadd.s32 $0xFFFFFFFF  }
0xa5: {  	s26 =	simm.s32 $execute0_lowered;
	[smem:$0x3FD2] =	sst s25  }
0xa6: {  	s4 =	sshll.u32 s26, $0x1;
	_ =	strace $0x80000046;
	[dreg:$0x1] =	wrdreg $0xFFFFFFFF  }
0xa7: {  	s28 =	simm.s32 $_size_execute0_lowered;
	s2 =	sadd.s32 s2, s4;
	[dreg:$0x0] =	wrdreg $0x0  }
0xa8: {  	s4 =	sshll.u32 s28, $0x1;
	[dreg:$0x2] =	wrdreg s2  }
0xa9: {  	[dreg:$0x3] =	wrdreg s4  }
0xaa: {  	[dreg:$0x4] =	wrdreg $0xC0  }
0xab: {  	_ =	task [dreg:s6], $0x5FFFF  }
0xac: {  	[dreg:$0x1] =	wrdreg $0xFFFFFFFF  }
0xad: {  	[dreg:$0x0] =	wrdreg $0x60  }
0xae: {  	[dreg:$0x2] =	wrdreg s24  }
0xaf: {  	[dreg:$0x3] =	wrdreg $0x9  }
0xb0: {  	_ =	task.clear_ibuf [dreg:s6], $0x4FFFF;
	_ =	strace $0x90000046  }
0xb1: {  	s29 =	simm.s32 $0x9;
	_ =	strace $0x80000048  }
0xb2: {  	_ =	swait.ge [sflag:s29], $0x1  }
0xb3: {  	[sflag:s29] =	ssyncadd.s32 $0xFFFFFFFF  }
0xb4: {  	_ =	strace $0x90000048  }
0xb5: {  	_ =	sfence  }
0xb6: {  	s30 =	sld [smem:$0x0];
	_ =	sdelay $0x2  }
0xb7: {  	s31 =	sshll.u32 s1, $0xD;
	s1 =	sshrl.u32 s1, $0x2  }
0xb8: {  	s3 =	sand.u32 $0x4000, s31;
	s1 =	sadd.s32 s1, s30  }
0xb9: {  	s0 =	sor.u32 s3, s0;
	s1 =	sshll.u32 s1, $0x11  }
0xba: {  	s0 =	sor.u32 s1, s0  }
0xbb: {  	s0 =	sadd.s32 $0x8F2B, s0  }
0xbc: {  	[sflag:s0] =	ssyncadd.remote.s32 $0x1  }
0xbd: {  	_ =	sfence.sel $0xFFFF  }
0xbe: {  	[dreg:$0x0] =	wrdreg $0xFFFFFFFF;
	(pc) =	sbr.abs _section_cstart, $3  }
0xbf: {  	[dreg:$0x1] =	wrdreg $0xFFFFFFFF  }
0xc0: {  	_ =	task.clear_ibuf [dreg:s6], $0x2FFFF;
	_ =	strace $0x9FFFFFFF  }
0xc1: {  	(tm) =	ssettm $0x7FFFFFFF  }
tec
execute0_lowered:
.L_overlay_start_1:
0x0: {  	(tag) =	ssettag $0x1  }
0x1: {  	s0 =	rddreg [dreg:$0x0]  }
0x2: {  	s1 =	simm.s32 $0x0;
	s2 =	srdreg.scid;
	s5 =	stileid.u32  }
0x3: {  	s16 =	simm.s32 $0x3;
	s17 =	simm.s32 $0x80;
	s19 =	simm.s32 $0x48  }
0x4: {  	s28 =	simm.s32 $0x19700;
	s22 =	simm.s32 $0x1F00;
	s29 =	simm.s32 $0x19F00  }
0x5: {  	s30 =	simm.s32 $0x1A380;
	s31 =	simm.s32 $0x1F80;
	s13 =	simm.s32 $0x0  }
0x6: {  	[smem:$0x7FF] =	sst s1;
	s3 =	sadd.s32 $0x1200, s0;
	s2 =	sand.u32 $0x1, s2  }
0x7: {  	s4 =	sadd.s32 $0x41200, s0;
	s7 =	sshll.u32 s5, $0x9;
	s6 =	sshll.u32 s2, $0xD  }
0x8: {  	s5 =	sadd.s32 $0x81200, s0;
	s2 =	ssub.s32 $0x2, s2;
	s6 =	sor.u32 s7, s6  }
0x9: {  	_ =	strace $0x80000047;
	s8 =	sshrl.u32 s2, $0x1;
	s7 =	sshll.u32 s6, $0x1  }
0xa: {  	s6 =	sshll.u32 s6, $0x4;
	s2 =	ssub.s32 s2, s8;
	s8 =	simm.s32 $0x2  }
0xb: {  	s0 =	sadd.s32 s7, s0;
	s23 =	sor.u32 $0x100, s6;
	s24 =	sadd.s32 s3, s6  }
0xc: {  	s25 =	sadd.s32 s4, s6;
	s10 =	sor.u32 $0x200, s6;
	s12 =	sor.u32 $0x300, s6  }
0xd: {  	s2 =	smax.u32 s2, $0x1;
	s6 =	simm.s32 $0x1B000;
	[dreg:$0x2] =	wrdreg s24  }
0xe: {  	[dreg:$0x3] =	wrdreg s25;
	s26 =	sadd.s32 s3, s23;
	s7 =	sadd.s32 s4, s23  }
0xf: {  	s11 =	sadd.s32 $0x26D200, s0;
	[dreg:$0x6] =	wrdreg s2;
	s14 =	sadd.s32 $0x26D220, s0  }
0x10: {  	s24 =	simm.s32 $0x4;
	s25 =	simm.s32 $0x19280;
	s23 =	simm.s32 $0x1780  }
0x11: {  	s0 =	simm.s32 $0x1AB80;
	s2 =	simm.s32 $0x1;
	[dreg:$0x4] =	wrdreg s26  }
0x12: {  	[dreg:$0x5] =	wrdreg s7;
	s26 =	simm.s32 $0x1700;
	s7 =	simm.s32 $0x5  }
.LBB2_1:
0x13: {  	[dreg:$0x7] =	wrdreg s13  }
0x14: {  	s9 =	rddreg [dreg:$0x2]  }
0x15: {  	[tilespmem:s1], [sflag:$0x3] =	stream.linear.gather [hbm4b:s9+s1], $0x800, $0x38;
	[tilespmem:$0x1B100] =	vst v63  }
0x16: {  	s18 =	rddreg [dreg:$0x3];
	s20 =	simm.s32 $0x800  }
0x17: {  	[tilespmem:s20], [sflag:$0x3] =	stream.linear.gather [hbm4b:s18+s1], $0x800, $0x38;
	[tilespmem:$0x1B100] =	vst v63  }
0x18: {  	_ =	swait.ge [sflag:s16], $0x800  }
0x19: {  	[sflag:s16] =	ssyncset.done $0x0  }
0x1a: {  	[sflag:s16] =	ssyncadd.s32 $0xFFFFF800  }
0x1b: {  	_ =	swait.ge [sflag:s16], $0x800  }
0x1c: {  	[sflag:s16] =	ssyncset.done $0x0  }
0x1d: {  	s21 =	simm.s32 $0x2000;
	[sflag:s16] =	ssyncadd.s32 $0xFFFFF800  }
0x1e: {  	[tilespmem:s21], [sflag:$0x1] =	stream.indirect.gather [hbm4b:s5+s17], $0x10, s1, s17, $0xb8;
	[tilespmem:$0x1B100] =	vst v63  }
0x1f: {  	s15 =	simm.s32 $0x2800  }
0x20: {  	[tilespmem:s15], [sflag:$0x1] =	stream.indirect.gather [hbm4b:s5+s19], $0x10, s20, s19, $0xb8;
	[tilespmem:$0x1B100] =	vst v63  }
0x21: {  	s18 =	simm.s32 $0x2C80  }
0x22: {  	[tilespmem:s18], [sflag:$0x1] =	stream.indirect.gather [hbm4b:s5+s17], $0x10, s17, s17, $0xb8;
	[tilespmem:$0x1B100] =	vst v63  }
0x23: {  	s21 =	simm.s32 $0x3480;
	s20 =	simm.s32 $0x880  }
0x24: {  	[tilespmem:s21], [sflag:$0x1] =	stream.indirect.gather [hbm4b:s5+s19], $0x10, s20, s19, $0xb8;
	[tilespmem:$0x1B100] =	vst v63  }
0x25: {  	s15 =	simm.s32 $0x100;
	s18 =	simm.s32 $0x3900  }
0x26: {  	[tilespmem:s18], [sflag:$0x1] =	stream.indirect.gather [hbm4b:s5+s17], $0x10, s15, s17, $0xb8;
	[tilespmem:$0x1B100] =	vst v63  }
0x27: {  	s20 =	simm.s32 $0x900;
	s21 =	simm.s32 $0x4100  }
0x28: {  	[tilespmem:s21], [sflag:$0x1] =	stream.indirect.gather [hbm4b:s5+s19], $0x10, s20, s19, $0xb8;
	[tilespmem:$0x1B100] =	vst v63  }
0x29: {  	s15 =	simm.s32 $0x180;
	s18 =	simm.s32 $0x4580  }
0x2a: {  	[tilespmem:s18], [sflag:$0x1] =	stream.indirect.gather [hbm4b:s5+s17], $0x10, s15, s17, $0xb8;
	[tilespmem:$0x1B100] =	vst v63  }
0x2b: {  	s20 =	simm.s32 $0x980;
	s21 =	simm.s32 $0x4D80  }
0x2c: {  	[tilespmem:s21], [sflag:$0x1] =	stream.indirect.gather [hbm4b:s5+s19], $0x10, s20, s19, $0xb8;
	[tilespmem:$0x1B100] =	vst v63  }
0x2d: {  	s15 =	simm.s32 $0x200;
	s18 =	simm.s32 $0x5200  }
0x2e: {  	[tilespmem:s18], [sflag:$0x1] =	stream.indirect.gather [hbm4b:s5+s17], $0x10, s15, s17, $0xb8;
	[tilespmem:$0x1B100] =	vst v63  }
0x2f: {  	s20 =	simm.s32 $0xA00;
	s21 =	simm.s32 $0x5A00  }
0x30: {  	[tilespmem:s21], [sflag:$0x1] =	stream.indirect.gather [hbm4b:s5+s19], $0x10, s20, s19, $0xb8;
	[tilespmem:$0x1B100] =	vst v63  }
0x31: {  	s15 =	simm.s32 $0x280;
	s18 =	simm.s32 $0x5E80  }
0x32: {  	[tilespmem:s18], [sflag:$0x1] =	stream.indirect.gather [hbm4b:s5+s17], $0x10, s15, s17, $0xb8;
	[tilespmem:$0x1B100] =	vst v63  }
0x33: {  	s20 =	simm.s32 $0xA80;
	s21 =	simm.s32 $0x6680  }
0x34: {  	[tilespmem:s21], [sflag:$0x1] =	stream.indirect.gather [hbm4b:s5+s19], $0x10, s20, s19, $0xb8;
	[tilespmem:$0x1B100] =	vst v63  }
0x35: {  	s15 =	simm.s32 $0x300;
	s18 =	simm.s32 $0x6B00  }
0x36: {  	[tilespmem:s18], [sflag:$0x1] =	stream.indirect.gather [hbm4b:s5+s17], $0x10, s15, s17, $0xb8;
	[tilespmem:$0x1B100] =	vst v63  }
0x37: {  	s20 =	simm.s32 $0xB00;
	s21 =	simm.s32 $0x7300  }
0x38: {  	[tilespmem:s21], [sflag:$0x1] =	stream.indirect.gather [hbm4b:s5+s19], $0x10, s20, s19, $0xb8;
	[tilespmem:$0x1B100] =	vst v63  }
0x39: {  	s15 =	simm.s32 $0x380;
	s18 =	simm.s32 $0x7780  }
0x3a: {  	[tilespmem:s18], [sflag:$0x1] =	stream.indirect.gather [hbm4b:s5+s17], $0x10, s15, s17, $0xb8;
	[tilespmem:$0x1B100] =	vst v63  }
0x3b: {  	s20 =	simm.s32 $0xB80;
	s21 =	simm.s32 $0x7F80  }
0x3c: {  	[tilespmem:s21], [sflag:$0x1] =	stream.indirect.gather [hbm4b:s5+s19], $0x10, s20, s19, $0xb8;
	[tilespmem:$0x1B100] =	vst v63  }
0x3d: {  	s15 =	simm.s32 $0x400;
	s18 =	simm.s32 $0x8400  }
0x3e: {  	[tilespmem:s18], [sflag:$0x1] =	stream.indirect.gather [hbm4b:s5+s17], $0x10, s15, s17, $0xb8;
	[tilespmem:$0x1B100] =	vst v63  }
0x3f: {  	s20 =	simm.s32 $0xC00;
	s21 =	simm.s32 $0x8C00  }
0x40: {  	[tilespmem:s21], [sflag:$0x1] =	stream.indirect.gather [hbm4b:s5+s19], $0x10, s20, s19, $0xb8;
	[tilespmem:$0x1B100] =	vst v63  }
0x41: {  	s15 =	simm.s32 $0x480;
	s18 =	simm.s32 $0x9080  }
0x42: {  	[tilespmem:s18], [sflag:$0x1] =	stream.indirect.gather [hbm4b:s5+s17], $0x10, s15, s17, $0xb8;
	[tilespmem:$0x1B100] =	vst v63  }
0x43: {  	s20 =	simm.s32 $0xC80;
	s21 =	simm.s32 $0x9880  }
0x44: {  	[tilespmem:s21], [sflag:$0x1] =	stream.indirect.gather [hbm4b:s5+s19], $0x10, s20, s19, $0xb8;
	[tilespmem:$0x1B100] =	vst v63  }
0x45: {  	s15 =	simm.s32 $0x500;
	s18 =	simm.s32 $0x9D00  }
0x46: {  	[tilespmem:s18], [sflag:$0x1] =	stream.indirect.gather [hbm4b:s5+s17], $0x10, s15, s17, $0xb8;
	[tilespmem:$0x1B100] =	vst v63  }
0x47: {  	s20 =	simm.s32 $0xD00;
	s21 =	simm.s32 $0xA500  }
0x48: {  	[tilespmem:s21], [sflag:$0x1] =	stream.indirect.gather [hbm4b:s5+s19], $0x10, s20, s19, $0xb8;
	[tilespmem:$0x1B100] =	vst v63  }
0x49: {  	s15 =	simm.s32 $0x580;
	s18 =	simm.s32 $0xA980  }
0x4a: {  	[tilespmem:s18], [sflag:$0x1] =	stream.indirect.gather [hbm4b:s5+s17], $0x10, s15, s17, $0xb8;
	[tilespmem:$0x1B100] =	vst v63  }
0x4b: {  	s20 =	simm.s32 $0xD80;
	s21 =	simm.s32 $0xB180  }
0x4c: {  	[tilespmem:s21], [sflag:$0x1] =	stream.indirect.gather [hbm4b:s5+s19], $0x10, s20, s19, $0xb8;
	[tilespmem:$0x1B100] =	vst v63  }
0x4d: {  	s15 =	simm.s32 $0x600;
	s18 =	simm.s32 $0xB600  }
0x4e: {  	[tilespmem:s18], [sflag:$0x1] =	stream.indirect.gather [hbm4b:s5+s17], $0x10, s15, s17, $0xb8;
	[tilespmem:$0x1B100] =	vst v63  }
0x4f: {  	s20 =	simm.s32 $0xE00;
	s21 =	simm.s32 $0xBE00  }
0x50: {  	[tilespmem:s21], [sflag:$0x1] =	stream.indirect.gather [hbm4b:s5+s19], $0x10, s20, s19, $0xb8;
	[tilespmem:$0x1B100] =	vst v63  }
0x51: {  	s15 =	simm.s32 $0x680;
	s18 =	simm.s32 $0xC280  }
0x52: {  	[tilespmem:s18], [sflag:$0x1] =	stream.indirect.gather [hbm4b:s5+s17], $0x10, s15, s17, $0xb8;
	[tilespmem:$0x1B100] =	vst v63  }
0x53: {  	s20 =	simm.s32 $0xE80;
	s21 =	simm.s32 $0xCA80  }
0x54: {  	[tilespmem:s21], [sflag:$0x1] =	stream.indirect.gather [hbm4b:s5+s19], $0x10, s20, s19, $0xb8;
	[tilespmem:$0x1B100] =	vst v63  }
0x55: {  	s15 =	simm.s32 $0x700;
	s18 =	simm.s32 $0xCF00  }
0x56: {  	[tilespmem:s18], [sflag:$0x1] =	stream.indirect.gather [hbm4b:s5+s17], $0x10, s15, s17, $0xb8;
	[tilespmem:$0x1B100] =	vst v63  }
0x57: {  	s20 =	simm.s32 $0xF00;
	s21 =	simm.s32 $0xD700  }
0x58: {  	[tilespmem:s21], [sflag:$0x1] =	stream.indirect.gather [hbm4b:s5+s19], $0x10, s20, s19, $0xb8;
	[tilespmem:$0x1B100] =	vst v63  }
0x59: {  	s15 =	simm.s32 $0x780;
	s18 =	simm.s32 $0xDB80  }
0x5a: {  	[tilespmem:s18], [sflag:$0x1] =	stream.indirect.gather [hbm4b:s5+s17], $0x10, s15, s17, $0xb8;
	[tilespmem:$0x1B100] =	vst v63  }
0x5b: {  	s20 =	simm.s32 $0xF80;
	s21 =	simm.s32 $0xE380  }
0x5c: {  	[tilespmem:s21], [sflag:$0x1] =	stream.indirect.gather [hbm4b:s5+s19], $0x10, s20, s19, $0xb8;
	[tilespmem:$0x1B100] =	vst v63  }
0x5d: {  	s15 =	rddreg [dreg:$0x4];
	s18 =	simm.s32 $0x1000  }
0x5e: {  	[tilespmem:s18], [sflag:$0x4] =	stream.linear.gather [hbm4b:s15+s1], $0x800, $0x38;
	[tilespmem:$0x1B100] =	vst v63  }
0x5f: {  	s9 =	simm.s32 $0x0;
	s20 =	rddreg [dreg:$0x5];
	s21 =	simm.s32 $0x1800  }
0x60: {  	[tilespmem:s21], [sflag:$0x4] =	stream.linear.gather [hbm4b:s20+s1], $0x800, $0x38;
	[tilespmem:$0x1B100] =	vst v63  }
.LBB2_2:
0x61: {  	_ =	swait.ge [sflag:s24], $0x800  }
0x62: {  	[sflag:s24] =	ssyncset.done $0x0  }
0x63: {  	[sflag:s24] =	ssyncadd.s32 $0xFFFFF800  }
0x64: {  	_ =	swait.ge [sflag:s24], $0x800  }
0x65: {  	[sflag:s24] =	ssyncset.done $0x0  }
0x66: {  	s13 =	simm.s32 $0x1000;
	s15 =	simm.s32 $0xE800;
	[sflag:s24] =	ssyncadd.s32 $0xFFFFF800  }
0x67: {  	[tilespmem:s15], [sflag:$0x2] =	stream.indirect.gather [hbm4b:s5+s17], $0x10, s13, s17, $0xb8;
	[tilespmem:$0x1B100] =	vst v63  }
0x68: {  	s20 =	simm.s32 $0x1800;
	s21 =	simm.s32 $0xF000  }
0x69: {  	[tilespmem:s21], [sflag:$0x2] =	stream.indirect.gather [hbm4b:s5+s19], $0x10, s20, s19, $0xb8;
	[tilespmem:$0x1B100] =	vst v63  }
0x6a: {  	s18 =	simm.s32 $0xF480;
	s15 =	simm.s32 $0x1080  }
0x6b: {  	[tilespmem:s18], [sflag:$0x2] =	stream.indirect.gather [hbm4b:s5+s17], $0x10, s15, s17, $0xb8;
	[tilespmem:$0x1B100] =	vst v63  }
0x6c: {  	s20 =	simm.s32 $0x1880;
	s21 =	simm.s32 $0xFC80  }
0x6d: {  	[tilespmem:s21], [sflag:$0x2] =	stream.indirect.gather [hbm4b:s5+s19], $0x10, s20, s19, $0xb8;
	[tilespmem:$0x1B100] =	vst v63  }
0x6e: {  	s15 =	simm.s32 $0x1100;
	s18 =	simm.s32 $0x10100  }
0x6f: {  	[tilespmem:s18], [sflag:$0x2] =	stream.indirect.gather [hbm4b:s5+s17], $0x10, s15, s17, $0xb8;
	[tilespmem:$0x1B100] =	vst v63  }
0x70: {  	s20 =	simm.s32 $0x1900;
	s21 =	simm.s32 $0x10900  }
0x71: {  	[tilespmem:s21], [sflag:$0x2] =	stream.indirect.gather [hbm4b:s5+s19], $0x10, s20, s19, $0xb8;
	[tilespmem:$0x1B100] =	vst v63  }
0x72: {  	s15 =	simm.s32 $0x1180;
	s18 =	simm.s32 $0x10D80  }
0x73: {  	[tilespmem:s18], [sflag:$0x2] =	stream.indirect.gather [hbm4b:s5+s17], $0x10, s15, s17, $0xb8;
	[tilespmem:$0x1B100] =	vst v63  }
0x74: {  	s20 =	simm.s32 $0x1980;
	s21 =	simm.s32 $0x11580  }
0x75: {  	[tilespmem:s21], [sflag:$0x2] =	stream.indirect.gather [hbm4b:s5+s19], $0x10, s20, s19, $0xb8;
	[tilespmem:$0x1B100] =	vst v63  }
0x76: {  	s15 =	simm.s32 $0x1200;
	s18 =	simm.s32 $0x11A00  }
0x77: {  	[tilespmem:s18], [sflag:$0x2] =	stream.indirect.gather [hbm4b:s5+s17], $0x10, s15, s17, $0xb8;
	[tilespmem:$0x1B100] =	vst v63  }
0x78: {  	s20 =	simm.s32 $0x1A00;
	s21 =	simm.s32 $0x12200  }
0x79: {  	[tilespmem:s21], [sflag:$0x2] =	stream.indirect.gather [hbm4b:s5+s19], $0x10, s20, s19, $0xb8;
	[tilespmem:$0x1B100] =	vst v63  }
0x7a: {  	s15 =	simm.s32 $0x1280;
	s18 =	simm.s32 $0x12680  }
0x7b: {  	[tilespmem:s18], [sflag:$0x2] =	stream.indirect.gather [hbm4b:s5+s17], $0x10, s15, s17, $0xb8;
	[tilespmem:$0x1B100] =	vst v63  }
0x7c: {  	s20 =	simm.s32 $0x1A80;
	s21 =	simm.s32 $0x12E80  }
0x7d: {  	[tilespmem:s21], [sflag:$0x2] =	stream.indirect.gather [hbm4b:s5+s19], $0x10, s20, s19, $0xb8;
	[tilespmem:$0x1B100] =	vst v63  }
0x7e: {  	s15 =	simm.s32 $0x1300;
	s18 =	simm.s32 $0x13300  }
0x7f: {  	[tilespmem:s18], [sflag:$0x2] =	stream.indirect.gather [hbm4b:s5+s17], $0x10, s15, s17, $0xb8;
	[tilespmem:$0x1B100] =	vst v63  }
0x80: {  	s20 =	simm.s32 $0x1B00;
	s21 =	simm.s32 $0x13B00  }
0x81: {  	[tilespmem:s21], [sflag:$0x2] =	stream.indirect.gather [hbm4b:s5+s19], $0x10, s20, s19, $0xb8;
	[tilespmem:$0x1B100] =	vst v63  }
0x82: {  	s15 =	simm.s32 $0x1380;
	s18 =	simm.s32 $0x13F80  }
0x83: {  	[tilespmem:s18], [sflag:$0x2] =	stream.indirect.gather [hbm4b:s5+s17], $0x10, s15, s17, $0xb8;
	[tilespmem:$0x1B100] =	vst v63  }
0x84: {  	s20 =	simm.s32 $0x1B80;
	s21 =	simm.s32 $0x14780  }
0x85: {  	[tilespmem:s21], [sflag:$0x2] =	stream.indirect.gather [hbm4b:s5+s19], $0x10, s20, s19, $0xb8;
	[tilespmem:$0x1B100] =	vst v63  }
0x86: {  	s15 =	simm.s32 $0x1400;
	s18 =	simm.s32 $0x14C00  }
0x87: {  	[tilespmem:s18], [sflag:$0x2] =	stream.indirect.gather [hbm4b:s5+s17], $0x10, s15, s17, $0xb8;
	[tilespmem:$0x1B100] =	vst v63  }
0x88: {  	s20 =	simm.s32 $0x1C00;
	s21 =	simm.s32 $0x15400  }
0x89: {  	[tilespmem:s21], [sflag:$0x2] =	stream.indirect.gather [hbm4b:s5+s19], $0x10, s20, s19, $0xb8;
	[tilespmem:$0x1B100] =	vst v63  }
0x8a: {  	s15 =	simm.s32 $0x1480;
	s18 =	simm.s32 $0x15880  }
0x8b: {  	[tilespmem:s18], [sflag:$0x2] =	stream.indirect.gather [hbm4b:s5+s17], $0x10, s15, s17, $0xb8;
	[tilespmem:$0x1B100] =	vst v63  }
0x8c: {  	s20 =	simm.s32 $0x1C80;
	s21 =	simm.s32 $0x16080  }
0x8d: {  	[tilespmem:s21], [sflag:$0x2] =	stream.indirect.gather [hbm4b:s5+s19], $0x10, s20, s19, $0xb8;
	[tilespmem:$0x1B100] =	vst v63  }
0x8e: {  	s15 =	simm.s32 $0x1500;
	s18 =	simm.s32 $0x16500  }
0x8f: {  	[tilespmem:s18], [sflag:$0x2] =	stream.indirect.gather [hbm4b:s5+s17], $0x10, s15, s17, $0xb8;
	[tilespmem:$0x1B100] =	vst v63  }
0x90: {  	s20 =	simm.s32 $0x1D00;
	s21 =	simm.s32 $0x16D00  }
0x91: {  	[tilespmem:s21], [sflag:$0x2] =	stream.indirect.gather [hbm4b:s5+s19], $0x10, s20, s19, $0xb8;
	[tilespmem:$0x1B100] =	vst v63  }
0x92: {  	s15 =	simm.s32 $0x1580;
	s18 =	simm.s32 $0x17180  }
0x93: {  	[tilespmem:s18], [sflag:$0x2] =	stream.indirect.gather [hbm4b:s5+s17], $0x10, s15, s17, $0xb8;
	[tilespmem:$0x1B100] =	vst v63  }
0x94: {  	s20 =	simm.s32 $0x1D80;
	s21 =	simm.s32 $0x17980  }
0x95: {  	[tilespmem:s21], [sflag:$0x2] =	stream.indirect.gather [hbm4b:s5+s19], $0x10, s20, s19, $0xb8;
	[tilespmem:$0x1B100] =	vst v63  }
0x96: {  	s15 =	simm.s32 $0x1600;
	s18 =	simm.s32 $0x17E00  }
0x97: {  	[tilespmem:s18], [sflag:$0x2] =	stream.indirect.gather [hbm4b:s5+s17], $0x10, s15, s17, $0xb8;
	[tilespmem:$0x1B100] =	vst v63  }
0x98: {  	s20 =	simm.s32 $0x1E00;
	s21 =	simm.s32 $0x18600  }
0x99: {  	[tilespmem:s21], [sflag:$0x2] =	stream.indirect.gather [hbm4b:s5+s19], $0x10, s20, s19, $0xb8;
	[tilespmem:$0x1B100] =	vst v63  }
0x9a: {  	s15 =	simm.s32 $0x1680;
	s18 =	simm.s32 $0x18A80  }
0x9b: {  	[tilespmem:s18], [sflag:$0x2] =	stream.indirect.gather [hbm4b:s5+s17], $0x10, s15, s17, $0xb8;
	[tilespmem:$0x1B100] =	vst v63  }
0x9c: {  	s20 =	simm.s32 $0x1E80  }
0x9d: {  	[tilespmem:s25], [sflag:$0x2] =	stream.indirect.gather [hbm4b:s5+s19], $0x10, s20, s19, $0xb8;
	[tilespmem:$0x1B100] =	vst v63  }
0x9e: {  	_ = 	snop  }
0x9f: {  	[tilespmem:s28], [sflag:$0x2] =	stream.indirect.gather [hbm4b:s5+s17], $0x10, s26, s17, $0xb8;
	[tilespmem:$0x1B100] =	vst v63  }
0xa0: {  	_ = 	snop  }
0xa1: {  	[tilespmem:s29], [sflag:$0x2] =	stream.indirect.gather [hbm4b:s5+s19], $0x10, s22, s19, $0xb8;
	[tilespmem:$0x1B100] =	vst v63  }
0xa2: {  	_ = 	snop  }
0xa3: {  	[tilespmem:s30], [sflag:$0x2] =	stream.indirect.gather [hbm4b:s5+s17], $0x10, s23, s17, $0xb8;
	[tilespmem:$0x1B100] =	vst v63  }
0xa4: {  	_ = 	snop  }
0xa5: {  	[tilespmem:s0], [sflag:$0x2] =	stream.indirect.gather [hbm4b:s5+s19], $0x10, s31, s19, $0xb8;
	[tilespmem:$0x1B100] =	vst v63  }
0xa6: {  	_ =	swait.ge [sflag:s2], $0x800  }
0xa7: {  	[sflag:s2] =	ssyncset.done $0x0  }
0xa8: {  	[sflag:s2] =	ssyncadd.s32 $0xFFFFF800  }
0xa9: {  	_ =	swait.ge [sflag:s2], $0x480  }
0xaa: {  	[sflag:s2] =	ssyncset.done $0x0  }
0xab: {  	[sflag:s2] =	ssyncadd.s32 $0xFFFFFB80  }
0xac: {  	_ =	swait.ge [sflag:s2], $0x800  }
0xad: {  	[sflag:s2] =	ssyncset.done $0x0  }
0xae: {  	[sflag:s2] =	ssyncadd.s32 $0xFFFFF800  }
0xaf: {  	_ =	swait.ge [sflag:s2], $0x480  }
0xb0: {  	[sflag:s2] =	ssyncset.done $0x0  }
0xb1: {  	[sflag:s2] =	ssyncadd.s32 $0xFFFFFB80  }
0xb2: {  	_ =	swait.ge [sflag:s2], $0x800  }
0xb3: {  	[sflag:s2] =	ssyncset.done $0x0  }
0xb4: {  	[sflag:s2] =	ssyncadd.s32 $0xFFFFF800  }
0xb5: {  	_ =	swait.ge [sflag:s2], $0x480  }
0xb6: {  	[sflag:s2] =	ssyncset.done $0x0  }
0xb7: {  	[sflag:s2] =	ssyncadd.s32 $0xFFFFFB80  }
0xb8: {  	_ =	swait.ge [sflag:s2], $0x800  }
0xb9: {  	[sflag:s2] =	ssyncset.done $0x0  }
0xba: {  	[sflag:s2] =	ssyncadd.s32 $0xFFFFF800  }
0xbb: {  	_ =	swait.ge [sflag:s2], $0x480  }
0xbc: {  	[sflag:s2] =	ssyncset.done $0x0  }
0xbd: {  	[sflag:s2] =	ssyncadd.s32 $0xFFFFFB80  }
0xbe: {  	_ =	swait.ge [sflag:s2], $0x800  }
0xbf: {  	[sflag:s2] =	ssyncset.done $0x0  }
0xc0: {  	[sflag:s2] =	ssyncadd.s32 $0xFFFFF800  }
0xc1: {  	_ =	swait.ge [sflag:s2], $0x480  }
0xc2: {  	[sflag:s2] =	ssyncset.done $0x0  }
0xc3: {  	[sflag:s2] =	ssyncadd.s32 $0xFFFFFB80  }
0xc4: {  	_ =	swait.ge [sflag:s2], $0x800  }
0xc5: {  	[sflag:s2] =	ssyncset.done $0x0  }
0xc6: {  	[sflag:s2] =	ssyncadd.s32 $0xFFFFF800  }
0xc7: {  	_ =	swait.ge [sflag:s2], $0x480  }
0xc8: {  	[sflag:s2] =	ssyncset.done $0x0  }
0xc9: {  	[sflag:s2] =	ssyncadd.s32 $0xFFFFFB80  }
0xca: {  	_ =	swait.ge [sflag:s2], $0x800  }
0xcb: {  	[sflag:s2] =	ssyncset.done $0x0  }
0xcc: {  	[sflag:s2] =	ssyncadd.s32 $0xFFFFF800  }
0xcd: {  	_ =	swait.ge [sflag:s2], $0x480  }
0xce: {  	[sflag:s2] =	ssyncset.done $0x0  }
0xcf: {  	[sflag:s2] =	ssyncadd.s32 $0xFFFFFB80  }
0xd0: {  	_ =	swait.ge [sflag:s2], $0x800  }
0xd1: {  	[sflag:s2] =	ssyncset.done $0x0  }
0xd2: {  	[sflag:s2] =	ssyncadd.s32 $0xFFFFF800  }
0xd3: {  	_ =	swait.ge [sflag:s2], $0x480  }
0xd4: {  	[sflag:s2] =	ssyncset.done $0x0  }
0xd5: {  	[sflag:s2] =	ssyncadd.s32 $0xFFFFFB80  }
0xd6: {  	_ =	swait.ge [sflag:s2], $0x800  }
0xd7: {  	[sflag:s2] =	ssyncset.done $0x0  }
0xd8: {  	[sflag:s2] =	ssyncadd.s32 $0xFFFFF800  }
0xd9: {  	_ =	swait.ge [sflag:s2], $0x480  }
0xda: {  	[sflag:s2] =	ssyncset.done $0x0  }
0xdb: {  	[sflag:s2] =	ssyncadd.s32 $0xFFFFFB80  }
0xdc: {  	_ =	swait.ge [sflag:s2], $0x800  }
0xdd: {  	[sflag:s2] =	ssyncset.done $0x0  }
0xde: {  	[sflag:s2] =	ssyncadd.s32 $0xFFFFF800  }
0xdf: {  	_ =	swait.ge [sflag:s2], $0x480  }
0xe0: {  	[sflag:s2] =	ssyncset.done $0x0  }
0xe1: {  	[sflag:s2] =	ssyncadd.s32 $0xFFFFFB80  }
0xe2: {  	_ =	swait.ge [sflag:s2], $0x800  }
0xe3: {  	[sflag:s2] =	ssyncset.done $0x0  }
0xe4: {  	[sflag:s2] =	ssyncadd.s32 $0xFFFFF800  }
0xe5: {  	_ =	swait.ge [sflag:s2], $0x480  }
0xe6: {  	[sflag:s2] =	ssyncset.done $0x0  }
0xe7: {  	[sflag:s2] =	ssyncadd.s32 $0xFFFFFB80  }
0xe8: {  	_ =	swait.ge [sflag:s2], $0x800  }
0xe9: {  	[sflag:s2] =	ssyncset.done $0x0  }
0xea: {  	[sflag:s2] =	ssyncadd.s32 $0xFFFFF800  }
0xeb: {  	_ =	swait.ge [sflag:s2], $0x480  }
0xec: {  	[sflag:s2] =	ssyncset.done $0x0  }
0xed: {  	[sflag:s2] =	ssyncadd.s32 $0xFFFFFB80  }
0xee: {  	_ =	swait.ge [sflag:s2], $0x800  }
0xef: {  	[sflag:s2] =	ssyncset.done $0x0  }
0xf0: {  	[sflag:s2] =	ssyncadd.s32 $0xFFFFF800  }
0xf1: {  	_ =	swait.ge [sflag:s2], $0x480  }
0xf2: {  	[sflag:s2] =	ssyncset.done $0x0  }
0xf3: {  	[sflag:s2] =	ssyncadd.s32 $0xFFFFFB80  }
0xf4: {  	_ =	swait.ge [sflag:s2], $0x800  }
0xf5: {  	[sflag:s2] =	ssyncset.done $0x0  }
0xf6: {  	[sflag:s2] =	ssyncadd.s32 $0xFFFFF800  }
0xf7: {  	_ =	swait.ge [sflag:s2], $0x480  }
0xf8: {  	[sflag:s2] =	ssyncset.done $0x0  }
0xf9: {  	[sflag:s2] =	ssyncadd.s32 $0xFFFFFB80  }
0xfa: {  	_ =	swait.ge [sflag:s2], $0x800  }
0xfb: {  	[sflag:s2] =	ssyncset.done $0x0  }
0xfc: {  	[sflag:s2] =	ssyncadd.s32 $0xFFFFF800  }
0xfd: {  	_ =	swait.ge [sflag:s2], $0x480  }
0xfe: {  	[sflag:s2] =	ssyncset.done $0x0  }
0xff: {  	[sflag:s2] =	ssyncadd.s32 $0xFFFFFB80  }
0x100: {  	_ =	swait.ge [sflag:s2], $0x800  }
0x101: {  	[sflag:s2] =	ssyncset.done $0x0  }
0x102: {  	[sflag:s2] =	ssyncadd.s32 $0xFFFFF800  }
0x103: {  	p0 =	seq.s32 s9, $0xF;
	s13 =	sshll.u32 s9, $0x9;
	_ =	swait.ge [sflag:s2], $0x480  }
0x104: {  	s18 =	sadd.s32 @!p0 s13, s10;
	[sflag:s2] =	ssyncset.done $0x0  }
0x105: {  	s21 =	simm.s32 @!p0 $0x0;
	s20 =	sadd.s32 @!p0 s3, s18;
	[sflag:s2] =	ssyncadd.s32 $0xFFFFFB80  }
0x106: {  	[tilespmem:s21], [sflag:$0x3] =	stream.linear.gather @!p0 [hbm4b:s20+s21], $0x800, $0x38;
	[tilespmem:$0x1B100] =	vst v63  }
0x107: {  	s18 =	sadd.s32 @!p0 s4, s18;
	s20 =	simm.s32 @!p0 $0x800  }
0x108: {  	[tilespmem:s20], [sflag:$0x3] =	stream.linear.gather @!p0 [hbm4b:s18+s21], $0x800, $0x38;
	[tilespmem:$0x1B100] =	vst v63  }
0x109: {  	s21 =	simm.s32 $0x0  }
0x10a: {  	v0 =	vld [tilespmem:s21+$0xDB80]  }
0x10b: {  	v2 =	vld [tilespmem:s21+$0x2000]  }
0x10c: {  	v3 =	vld [tilespmem:s21+$0x2C80]  }
0x10d: {  	v4 =	vld [tilespmem:s21+$0x3900]  }
0x10e: {  	v5 =	vld [tilespmem:s21+$0x4580]  }
0x10f: {  	v6 =	vld [tilespmem:s21+$0x5200]  }
0x110: {  	v7 =	vld [tilespmem:s21+$0x5E80]  }
0x111: {  	v8 =	vld [tilespmem:s21+$0x6B00]  }
0x112: {  	v16 =	vld [tilespmem:s21+$0x7780]  }
0x113: {  	v1 =	vimm.f32 $0.0e+00;
	v20 =	vld [tilespmem:s21+$0x8400]  }
0x114: {  	v21 =	vld [tilespmem:s21+$0x9080];
	v0 =	vadd.f32 v0, v1  }
0x115: {  	v15 =	vadd.f32 v2, v1;
	v14 =	vadd.f32 v3, v1  }
0x116: {  	v17 =	vld [tilespmem:s21+$0x9D00];
	v13 =	vadd.f32 v4, v1;
	v11 =	vadd.f32 v5, v1  }
0x117: {  	v18 =	vld [tilespmem:s21+$0xA980];
	v12 =	vadd.f32 v6, v1;
	v9 =	vadd.f32 v7, v1  }
0x118: {  	v19 =	vld [tilespmem:s21+$0xB600];
	v10 =	vadd.f32 v8, v1;
	v7 =	vadd.f32 v16, v1  }
0x119: {  	v5 =	vadd.f32 v20, v1;
	v16 =	vld [tilespmem:s21+$0xC280];
	v3 =	vadd.f32 v21, v1;
	v6 =	vimm.f32 $0.0e+00  }
0x11a: {  	s18 =	simm.s32 $0x10;
	s20 =	simm.s32 $0x80;
	v20 =	vld [tilespmem:s21+$0xCF00];
	v8 =	vimm.f32 $0.0e+00;
	v4 =	vimm.f32 $0.0e+00;
	v2 =	vimm.f32 $0.0e+00  }
.LBB2_3:
0x11b: {  	p1 =	sne.s32 s20, $0x31C0;
	v21 =	vld [tilespmem:s18+$0xDB80];
	v1 =	vadd.f32 v17, v1  }
0x11c: {  	v17 =	vld [tilespmem:s18+$0x2000];
	v6 =	vadd.f32 v18, v6  }
0x11d: {  	v18 =	vld [tilespmem:s18+$0x2C80];
	v8 =	vadd.f32 v19, v8  }
0x11e: {  	v19 =	vld [tilespmem:s18+$0x3900];
	v4 =	vadd.f32 v16, v4  }
0x11f: {  	v16 =	vld [tilespmem:s18+$0x4580];
	v2 =	vadd.f32 v20, v2  }
0x120: {  	v20 =	vld [tilespmem:s18+$0x5200];
	v0 =	vadd.f32 v21, v0  }
0x121: {  	v15 =	vadd.f32 v17, v15;
	v17 =	vld [tilespmem:s18+$0x5E80]  }
0x122: {  	v14 =	vadd.f32 v18, v14;
	v18 =	vld [tilespmem:s18+$0x6B00]  }
0x123: {  	v13 =	vadd.f32 v19, v13;
	v19 =	vld [tilespmem:s18+$0x7780]  }
0x124: {  	v11 =	vadd.f32 v16, v11;
	v16 =	vld [tilespmem:s18+$0x8400]  }
0x125: {  	v12 =	vadd.f32 v20, v12;
	v20 =	vld [tilespmem:s18+$0x9080]  }
.Ltmp0:
0x126: {  	v9 =	vadd.f32 v17, v9;
	v17 =	vld [tilespmem:s18+$0x9D00];
	(pc) =	sbr.rel @p1 .LBB2_3-.Ltmp0, $4  }
0x127: {  	v10 =	vadd.f32 v18, v10;
	v18 =	vld [tilespmem:s18+$0xA980]  }
0x128: {  	v7 =	vadd.f32 v19, v7;
	v19 =	vld [tilespmem:s18+$0xB600]  }
0x129: {  	v5 =	vadd.f32 v16, v5;
	v16 =	vld [tilespmem:s18+$0xC280]  }
0x12a: {  	v3 =	vadd.f32 v20, v3;
	v20 =	vld [tilespmem:s18+$0xCF00];
	s18 =	sshra.s32 s20, $0x2;
	s20 =	sadd.s32 $0x40, s20  }
0x12b: {  	v21 =	vld [tilespmem:s18+$0xDB80]  }
0x12c: {  	v22 =	vld [tilespmem:s18+$0x2000]  }
0x12d: {  	v23 =	vld [tilespmem:s18+$0x2C80]  }
0x12e: {  	v24 =	vld [tilespmem:s18+$0x3900]  }
0x12f: {  	v25 =	vld [tilespmem:s18+$0x4580]  }
0x130: {  	v26 =	vld [tilespmem:s18+$0x5200]  }
0x131: {  	v27 =	vld [tilespmem:s18+$0x5E80]  }
0x132: {  	v28 =	vld [tilespmem:s18+$0x6B00]  }
0x133: {  	v29 =	vld [tilespmem:s18+$0x7780]  }
0x134: {  	v30 =	vld [tilespmem:s18+$0x8400]  }
0x135: {  	v31 =	vld [tilespmem:s18+$0x9080]  }
0x136: {  	v32 =	vld [tilespmem:s18+$0x9D00]  }
0x137: {  	v33 =	vld [tilespmem:s18+$0xA980]  }
0x138: {  	v34 =	vld [tilespmem:s18+$0xB600];
	v15 =	vadd.f32 v22, v15  }
0x139: {  	v58 =	vld [tilespmem:s18+$0xC280];
	v14 =	vadd.f32 v23, v14  }
0x13a: {  	v59 =	vld [tilespmem:s18+$0xCF00];
	v13 =	vadd.f32 v24, v13;
	[tilespmem:$0x1B000] =	vst v15  }
0x13b: {  	v11 =	vadd.f32 v25, v11;
	[tilespmem:$0x1B010] =	vst v14  }
0x13c: {  	v12 =	vadd.f32 v26, v12;
	[tilespmem:$0x1B020] =	vst v13  }
0x13d: {  	v9 =	vadd.f32 v27, v9;
	[tilespmem:$0x1B030] =	vst v11  }
0x13e: {  	v10 =	vadd.f32 v28, v10;
	[tilespmem:$0x1B040] =	vst v12  }
0x13f: {  	v7 =	vadd.f32 v29, v7;
	[tilespmem:$0x1B050] =	vst v9  }
0x140: {  	v1 =	vadd.f32 v17, v1;
	v5 =	vadd.f32 v30, v5;
	[tilespmem:$0x1B060] =	vst v10  }
0x141: {  	v6 =	vadd.f32 v18, v6;
	v3 =	vadd.f32 v31, v3;
	[tilespmem:$0x1B070] =	vst v7  }
0x142: {  	v60 =	vadd.f32 v19, v8;
	v1 =	vadd.f32 v32, v1;
	[tilespmem:$0x1B080] =	vst v5  }
0x143: {  	v4 =	vadd.f32 v16, v4;
	v61 =	vadd.f32 v33, v6;
	[tilespmem:$0x1B090] =	vst v3  }
0x144: {  	v62 =	vadd.f32 v34, v60;
	[tilespmem:$0x1B0A0] =	vst v1  }
0x145: {  	v2 =	vadd.f32 v20, v2;
	v63 =	vadd.f32 v58, v4;
	[tilespmem:$0x1B0B0] =	vst v61  }
0x146: {  	v0 =	vadd.f32 v21, v0;
	[tilespmem:$0x1B0C0] =	vst v62  }
0x147: {  	v2 =	vadd.f32 v59, v2;
	[tilespmem:$0x1B0D0] =	vst v63  }
0x148: {  	s18 =	sshll.u32 s9, $0x6;
	[tilespmem:$0x1B0F0] =	vst v0  }
.Ltmp1:
0x149: {  	s20 =	sadd.s32 s18, s11;
	[tilespmem:$0x1B0E0] =	vst v2;
	(pc) =	sbr.rel @p0 .LBB2_6-.Ltmp1, $4  }
0x14a: {  	[hbm4b:s20+s1] =	stream.linear.scatter [tilespmem:s6], [sflag:$0x5], $0x100, $0x38;
	[tilespmem:$0x1B100] =	vst v63  }
0x14b: {  	_ =	swait.ge [sflag:s7], $0x100  }
0x14c: {  	[sflag:s7] =	ssyncset.done $0x0  }
0x14d: {  	[sflag:s7] =	ssyncadd.s32 $0xFFFFFF00  }
0x14e: {  	_ =	swait.ge [sflag:s16], $0x800  }
0x14f: {  	[sflag:s16] =	ssyncset.done $0x0  }
0x150: {  	[sflag:s16] =	ssyncadd.s32 $0xFFFFF800  }
0x151: {  	_ =	swait.ge [sflag:s16], $0x800  }
0x152: {  	[sflag:s16] =	ssyncset.done $0x0  }
0x153: {  	s15 =	simm.s32 $0x2000;
	[sflag:s16] =	ssyncadd.s32 $0xFFFFF800  }
0x154: {  	[tilespmem:s15], [sflag:$0x1] =	stream.indirect.gather [hbm4b:s5+s17], $0x10, s1, s17, $0xb8;
	[tilespmem:$0x1B100] =	vst v63  }
0x155: {  	s21 =	simm.s32 $0x800;
	s20 =	simm.s32 $0x2800  }
0x156: {  	[tilespmem:s20], [sflag:$0x1] =	stream.indirect.gather [hbm4b:s5+s19], $0x10, s21, s19, $0xb8;
	[tilespmem:$0x1B100] =	vst v63  }
0x157: {  	s21 =	simm.s32 $0x2C80  }
0x158: {  	[tilespmem:s21], [sflag:$0x1] =	stream.indirect.gather [hbm4b:s5+s17], $0x10, s17, s17, $0xb8;
	[tilespmem:$0x1B100] =	vst v63  }
0x159: {  	s20 =	simm.s32 $0x880;
	s21 =	simm.s32 $0x3480  }
0x15a: {  	[tilespmem:s21], [sflag:$0x1] =	stream.indirect.gather [hbm4b:s5+s19], $0x10, s20, s19, $0xb8;
	[tilespmem:$0x1B100] =	vst v63  }
0x15b: {  	s20 =	simm.s32 $0x100;
	s21 =	simm.s32 $0x3900  }
0x15c: {  	[tilespmem:s21], [sflag:$0x1] =	stream.indirect.gather [hbm4b:s5+s17], $0x10, s20, s17, $0xb8;
	[tilespmem:$0x1B100] =	vst v63  }
0x15d: {  	s20 =	simm.s32 $0x900;
	s21 =	simm.s32 $0x4100  }
0x15e: {  	[tilespmem:s21], [sflag:$0x1] =	stream.indirect.gather [hbm4b:s5+s19], $0x10, s20, s19, $0xb8;
	[tilespmem:$0x1B100] =	vst v63  }
0x15f: {  	s20 =	simm.s32 $0x180;
	s21 =	simm.s32 $0x4580  }
0x160: {  	[tilespmem:s21], [sflag:$0x1] =	stream.indirect.gather [hbm4b:s5+s17], $0x10, s20, s17, $0xb8;
	[tilespmem:$0x1B100] =	vst v63  }
0x161: {  	s20 =	simm.s32 $0x980;
	s21 =	simm.s32 $0x4D80  }
0x162: {  	[tilespmem:s21], [sflag:$0x1] =	stream.indirect.gather [hbm4b:s5+s19], $0x10, s20, s19, $0xb8;
	[tilespmem:$0x1B100] =	vst v63  }
0x163: {  	s20 =	simm.s32 $0x200;
	s21 =	simm.s32 $0x5200  }
0x164: {  	[tilespmem:s21], [sflag:$0x1] =	stream.indirect.gather [hbm4b:s5+s17], $0x10, s20, s17, $0xb8;
	[tilespmem:$0x1B100] =	vst v63  }
0x165: {  	s20 =	simm.s32 $0xA00;
	s21 =	simm.s32 $0x5A00  }
0x166: {  	[tilespmem:s21], [sflag:$0x1] =	stream.indirect.gather [hbm4b:s5+s19], $0x10, s20, s19, $0xb8;
	[tilespmem:$0x1B100] =	vst v63  }
0x167: {  	s20 =	simm.s32 $0x280;
	s21 =	simm.s32 $0x5E80  }
0x168: {  	[tilespmem:s21], [sflag:$0x1] =	stream.indirect.gather [hbm4b:s5+s17], $0x10, s20, s17, $0xb8;
	[tilespmem:$0x1B100] =	vst v63  }
0x169: {  	s20 =	simm.s32 $0xA80;
	s21 =	simm.s32 $0x6680  }
0x16a: {  	[tilespmem:s21], [sflag:$0x1] =	stream.indirect.gather [hbm4b:s5+s19], $0x10, s20, s19, $0xb8;
	[tilespmem:$0x1B100] =	vst v63  }
0x16b: {  	s20 =	simm.s32 $0x300;
	s21 =	simm.s32 $0x6B00  }
0x16c: {  	[tilespmem:s21], [sflag:$0x1] =	stream.indirect.gather [hbm4b:s5+s17], $0x10, s20, s17, $0xb8;
	[tilespmem:$0x1B100] =	vst v63  }
0x16d: {  	s20 =	simm.s32 $0xB00;
	s21 =	simm.s32 $0x7300  }
0x16e: {  	[tilespmem:s21], [sflag:$0x1] =	stream.indirect.gather [hbm4b:s5+s19], $0x10, s20, s19, $0xb8;
	[tilespmem:$0x1B100] =	vst v63  }
0x16f: {  	s20 =	simm.s32 $0x380;
	s21 =	simm.s32 $0x7780  }
0x170: {  	[tilespmem:s21], [sflag:$0x1] =	stream.indirect.gather [hbm4b:s5+s17], $0x10, s20, s17, $0xb8;
	[tilespmem:$0x1B100] =	vst v63  }
0x171: {  	s20 =	simm.s32 $0xB80;
	s21 =	simm.s32 $0x7F80  }
0x172: {  	[tilespmem:s21], [sflag:$0x1] =	stream.indirect.gather [hbm4b:s5+s19], $0x10, s20, s19, $0xb8;
	[tilespmem:$0x1B100] =	vst v63  }
0x173: {  	s20 =	simm.s32 $0x400;
	s21 =	simm.s32 $0x8400  }
0x174: {  	[tilespmem:s21], [sflag:$0x1] =	stream.indirect.gather [hbm4b:s5+s17], $0x10, s20, s17, $0xb8;
	[tilespmem:$0x1B100] =	vst v63  }
0x175: {  	s20 =	simm.s32 $0xC00;
	s21 =	simm.s32 $0x8C00  }
0x176: {  	[tilespmem:s21], [sflag:$0x1] =	stream.indirect.gather [hbm4b:s5+s19], $0x10, s20, s19, $0xb8;
	[tilespmem:$0x1B100] =	vst v63  }
0x177: {  	s20 =	simm.s32 $0x480;
	s21 =	simm.s32 $0x9080  }
0x178: {  	[tilespmem:s21], [sflag:$0x1] =	stream.indirect.gather [hbm4b:s5+s17], $0x10, s20, s17, $0xb8;
	[tilespmem:$0x1B100] =	vst v63  }
0x179: {  	s20 =	simm.s32 $0xC80;
	s21 =	simm.s32 $0x9880  }
0x17a: {  	[tilespmem:s21], [sflag:$0x1] =	stream.indirect.gather [hbm4b:s5+s19], $0x10, s20, s19, $0xb8;
	[tilespmem:$0x1B100] =	vst v63  }
0x17b: {  	s20 =	simm.s32 $0x500;
	s21 =	simm.s32 $0x9D00  }
0x17c: {  	[tilespmem:s21], [sflag:$0x1] =	stream.indirect.gather [hbm4b:s5+s17], $0x10, s20, s17, $0xb8;
	[tilespmem:$0x1B100] =	vst v63  }
0x17d: {  	s20 =	simm.s32 $0xD00;
	s21 =	simm.s32 $0xA500  }
0x17e: {  	[tilespmem:s21], [sflag:$0x1] =	stream.indirect.gather [hbm4b:s5+s19], $0x10, s20, s19, $0xb8;
	[tilespmem:$0x1B100] =	vst v63  }
0x17f: {  	s20 =	simm.s32 $0x580;
	s21 =	simm.s32 $0xA980  }
0x180: {  	[tilespmem:s21], [sflag:$0x1] =	stream.indirect.gather [hbm4b:s5+s17], $0x10, s20, s17, $0xb8;
	[tilespmem:$0x1B100] =	vst v63  }
0x181: {  	s20 =	simm.s32 $0xD80;
	s21 =	simm.s32 $0xB180  }
0x182: {  	[tilespmem:s21], [sflag:$0x1] =	stream.indirect.gather [hbm4b:s5+s19], $0x10, s20, s19, $0xb8;
	[tilespmem:$0x1B100] =	vst v63  }
0x183: {  	s20 =	simm.s32 $0x600;
	s21 =	simm.s32 $0xB600  }
0x184: {  	[tilespmem:s21], [sflag:$0x1] =	stream.indirect.gather [hbm4b:s5+s17], $0x10, s20, s17, $0xb8;
	[tilespmem:$0x1B100] =	vst v63  }
0x185: {  	s20 =	simm.s32 $0xE00;
	s21 =	simm.s32 $0xBE00  }
0x186: {  	[tilespmem:s21], [sflag:$0x1] =	stream.indirect.gather [hbm4b:s5+s19], $0x10, s20, s19, $0xb8;
	[tilespmem:$0x1B100] =	vst v63  }
0x187: {  	s20 =	simm.s32 $0x680;
	s21 =	simm.s32 $0xC280  }
0x188: {  	[tilespmem:s21], [sflag:$0x1] =	stream.indirect.gather [hbm4b:s5+s17], $0x10, s20, s17, $0xb8;
	[tilespmem:$0x1B100] =	vst v63  }
0x189: {  	s20 =	simm.s32 $0xE80;
	s21 =	simm.s32 $0xCA80  }
0x18a: {  	[tilespmem:s21], [sflag:$0x1] =	stream.indirect.gather [hbm4b:s5+s19], $0x10, s20, s19, $0xb8;
	[tilespmem:$0x1B100] =	vst v63  }
0x18b: {  	s20 =	simm.s32 $0x700;
	s21 =	simm.s32 $0xCF00  }
0x18c: {  	[tilespmem:s21], [sflag:$0x1] =	stream.indirect.gather [hbm4b:s5+s17], $0x10, s20, s17, $0xb8;
	[tilespmem:$0x1B100] =	vst v63  }
0x18d: {  	s20 =	simm.s32 $0xF00;
	s21 =	simm.s32 $0xD700  }
0x18e: {  	[tilespmem:s21], [sflag:$0x1] =	stream.indirect.gather [hbm4b:s5+s19], $0x10, s20, s19, $0xb8;
	[tilespmem:$0x1B100] =	vst v63  }
0x18f: {  	s20 =	simm.s32 $0x780;
	s21 =	simm.s32 $0xDB80  }
0x190: {  	[tilespmem:s21], [sflag:$0x1] =	stream.indirect.gather [hbm4b:s5+s17], $0x10, s20, s17, $0xb8;
	[tilespmem:$0x1B100] =	vst v63  }
0x191: {  	s20 =	simm.s32 $0xF80;
	s21 =	simm.s32 $0xE380  }
0x192: {  	[tilespmem:s21], [sflag:$0x1] =	stream.indirect.gather [hbm4b:s5+s19], $0x10, s20, s19, $0xb8;
	[tilespmem:$0x1B100] =	vst v63  }
.LBB2_6:
0x193: {  	_ =	swait.ge [sflag:s8], $0x800  }
0x194: {  	[sflag:s8] =	ssyncset.done $0x0  }
0x195: {  	[sflag:s8] =	ssyncadd.s32 $0xFFFFF800  }
0x196: {  	_ =	swait.ge [sflag:s8], $0x480  }
0x197: {  	[sflag:s8] =	ssyncset.done $0x0  }
0x198: {  	[sflag:s8] =	ssyncadd.s32 $0xFFFFFB80  }
0x199: {  	_ =	swait.ge [sflag:s8], $0x800  }
0x19a: {  	[sflag:s8] =	ssyncset.done $0x0  }
0x19b: {  	[sflag:s8] =	ssyncadd.s32 $0xFFFFF800  }
0x19c: {  	_ =	swait.ge [sflag:s8], $0x480  }
0x19d: {  	[sflag:s8] =	ssyncset.done $0x0  }
0x19e: {  	[sflag:s8] =	ssyncadd.s32 $0xFFFFFB80  }
0x19f: {  	_ =	swait.ge [sflag:s8], $0x800  }
0x1a0: {  	[sflag:s8] =	ssyncset.done $0x0  }
0x1a1: {  	[sflag:s8] =	ssyncadd.s32 $0xFFFFF800  }
0x1a2: {  	_ =	swait.ge [sflag:s8], $0x480  }
0x1a3: {  	[sflag:s8] =	ssyncset.done $0x0  }
0x1a4: {  	[sflag:s8] =	ssyncadd.s32 $0xFFFFFB80  }
0x1a5: {  	_ =	swait.ge [sflag:s8], $0x800  }
0x1a6: {  	[sflag:s8] =	ssyncset.done $0x0  }
0x1a7: {  	[sflag:s8] =	ssyncadd.s32 $0xFFFFF800  }
0x1a8: {  	_ =	swait.ge [sflag:s8], $0x480  }
0x1a9: {  	[sflag:s8] =	ssyncset.done $0x0  }
0x1aa: {  	[sflag:s8] =	ssyncadd.s32 $0xFFFFFB80  }
0x1ab: {  	_ =	swait.ge [sflag:s8], $0x800  }
0x1ac: {  	[sflag:s8] =	ssyncset.done $0x0  }
0x1ad: {  	[sflag:s8] =	ssyncadd.s32 $0xFFFFF800  }
0x1ae: {  	_ =	swait.ge [sflag:s8], $0x480  }
0x1af: {  	[sflag:s8] =	ssyncset.done $0x0  }
0x1b0: {  	[sflag:s8] =	ssyncadd.s32 $0xFFFFFB80  }
0x1b1: {  	_ =	swait.ge [sflag:s8], $0x800  }
0x1b2: {  	[sflag:s8] =	ssyncset.done $0x0  }
0x1b3: {  	[sflag:s8] =	ssyncadd.s32 $0xFFFFF800  }
0x1b4: {  	_ =	swait.ge [sflag:s8], $0x480  }
0x1b5: {  	[sflag:s8] =	ssyncset.done $0x0  }
0x1b6: {  	[sflag:s8] =	ssyncadd.s32 $0xFFFFFB80  }
0x1b7: {  	_ =	swait.ge [sflag:s8], $0x800  }
0x1b8: {  	[sflag:s8] =	ssyncset.done $0x0  }
0x1b9: {  	[sflag:s8] =	ssyncadd.s32 $0xFFFFF800  }
0x1ba: {  	_ =	swait.ge [sflag:s8], $0x480  }
0x1bb: {  	[sflag:s8] =	ssyncset.done $0x0  }
0x1bc: {  	[sflag:s8] =	ssyncadd.s32 $0xFFFFFB80  }
0x1bd: {  	_ =	swait.ge [sflag:s8], $0x800  }
0x1be: {  	[sflag:s8] =	ssyncset.done $0x0  }
0x1bf: {  	[sflag:s8] =	ssyncadd.s32 $0xFFFFF800  }
0x1c0: {  	_ =	swait.ge [sflag:s8], $0x480  }
0x1c1: {  	[sflag:s8] =	ssyncset.done $0x0  }
0x1c2: {  	[sflag:s8] =	ssyncadd.s32 $0xFFFFFB80  }
0x1c3: {  	_ =	swait.ge [sflag:s8], $0x800  }
0x1c4: {  	[sflag:s8] =	ssyncset.done $0x0  }
0x1c5: {  	[sflag:s8] =	ssyncadd.s32 $0xFFFFF800  }
0x1c6: {  	_ =	swait.ge [sflag:s8], $0x480  }
0x1c7: {  	[sflag:s8] =	ssyncset.done $0x0  }
0x1c8: {  	[sflag:s8] =	ssyncadd.s32 $0xFFFFFB80  }
0x1c9: {  	_ =	swait.ge [sflag:s8], $0x800  }
0x1ca: {  	[sflag:s8] =	ssyncset.done $0x0  }
0x1cb: {  	[sflag:s8] =	ssyncadd.s32 $0xFFFFF800  }
0x1cc: {  	_ =	swait.ge [sflag:s8], $0x480  }
0x1cd: {  	[sflag:s8] =	ssyncset.done $0x0  }
0x1ce: {  	[sflag:s8] =	ssyncadd.s32 $0xFFFFFB80  }
0x1cf: {  	_ =	swait.ge [sflag:s8], $0x800  }
0x1d0: {  	[sflag:s8] =	ssyncset.done $0x0  }
0x1d1: {  	[sflag:s8] =	ssyncadd.s32 $0xFFFFF800  }
0x1d2: {  	_ =	swait.ge [sflag:s8], $0x480  }
0x1d3: {  	[sflag:s8] =	ssyncset.done $0x0  }
0x1d4: {  	[sflag:s8] =	ssyncadd.s32 $0xFFFFFB80  }
0x1d5: {  	_ =	swait.ge [sflag:s8], $0x800  }
0x1d6: {  	[sflag:s8] =	ssyncset.done $0x0  }
0x1d7: {  	[sflag:s8] =	ssyncadd.s32 $0xFFFFF800  }
0x1d8: {  	_ =	swait.ge [sflag:s8], $0x480  }
0x1d9: {  	[sflag:s8] =	ssyncset.done $0x0  }
0x1da: {  	[sflag:s8] =	ssyncadd.s32 $0xFFFFFB80  }
0x1db: {  	_ =	swait.ge [sflag:s8], $0x800  }
0x1dc: {  	[sflag:s8] =	ssyncset.done $0x0  }
0x1dd: {  	[sflag:s8] =	ssyncadd.s32 $0xFFFFF800  }
0x1de: {  	_ =	swait.ge [sflag:s8], $0x480  }
0x1df: {  	[sflag:s8] =	ssyncset.done $0x0  }
0x1e0: {  	[sflag:s8] =	ssyncadd.s32 $0xFFFFFB80  }
0x1e1: {  	_ =	swait.ge [sflag:s8], $0x800  }
0x1e2: {  	[sflag:s8] =	ssyncset.done $0x0  }
0x1e3: {  	[sflag:s8] =	ssyncadd.s32 $0xFFFFF800  }
0x1e4: {  	_ =	swait.ge [sflag:s8], $0x480  }
0x1e5: {  	[sflag:s8] =	ssyncset.done $0x0  }
0x1e6: {  	[sflag:s8] =	ssyncadd.s32 $0xFFFFFB80  }
0x1e7: {  	_ =	swait.ge [sflag:s8], $0x800  }
0x1e8: {  	[sflag:s8] =	ssyncset.done $0x0  }
0x1e9: {  	[sflag:s8] =	ssyncadd.s32 $0xFFFFF800  }
0x1ea: {  	_ =	swait.ge [sflag:s8], $0x480  }
0x1eb: {  	[sflag:s8] =	ssyncset.done $0x0  }
0x1ec: {  	[sflag:s8] =	ssyncadd.s32 $0xFFFFFB80  }
0x1ed: {  	_ =	swait.ge [sflag:s8], $0x800  }
0x1ee: {  	[sflag:s8] =	ssyncset.done $0x0  }
0x1ef: {  	[sflag:s8] =	ssyncadd.s32 $0xFFFFF800  }
0x1f0: {  	_ =	swait.ge [sflag:s8], $0x480  }
0x1f1: {  	s13 =	sadd.s32 @!p0 s13, s12;
	s21 =	simm.s32 @!p0 $0x0;
	[sflag:s8] =	ssyncset.done $0x0  }
0x1f2: {  	s15 =	simm.s32 @!p0 $0x1000;
	s20 =	sadd.s32 @!p0 s3, s13;
	[sflag:s8] =	ssyncadd.s32 $0xFFFFFB80  }
0x1f3: {  	[tilespmem:s15], [sflag:$0x4] =	stream.linear.gather @!p0 [hbm4b:s20+s21], $0x800, $0x38;
	[tilespmem:$0x1B100] =	vst v63  }
0x1f4: {  	s13 =	sadd.s32 @!p0 s4, s13;
	s15 =	simm.s32 @!p0 $0x1800  }
0x1f5: {  	[tilespmem:s15], [sflag:$0x4] =	stream.linear.gather @!p0 [hbm4b:s13+s21], $0x800, $0x38;
	[tilespmem:$0x1B100] =	vst v63  }
0x1f6: {  	s21 =	simm.s32 $0x0  }
0x1f7: {  	v0 =	vld [tilespmem:s21+$0x1A380]  }
0x1f8: {  	v2 =	vld [tilespmem:s21+$0xE800]  }
0x1f9: {  	v3 =	vld [tilespmem:s21+$0xF480]  }
0x1fa: {  	v4 =	vld [tilespmem:s21+$0x10100]  }
0x1fb: {  	v5 =	vld [tilespmem:s21+$0x10D80]  }
0x1fc: {  	v6 =	vld [tilespmem:s21+$0x11A00]  }
0x1fd: {  	v7 =	vld [tilespmem:s21+$0x12680]  }
0x1fe: {  	v8 =	vld [tilespmem:s21+$0x13300]  }
0x1ff: {  	v16 =	vld [tilespmem:s21+$0x13F80]  }
0x200: {  	v1 =	vimm.f32 $0.0e+00;
	v20 =	vld [tilespmem:s21+$0x14C00]  }
0x201: {  	v21 =	vld [tilespmem:s21+$0x15880];
	v0 =	vadd.f32 v0, v1  }
0x202: {  	v15 =	vadd.f32 v2, v1;
	v14 =	vadd.f32 v3, v1  }
0x203: {  	v17 =	vld [tilespmem:s21+$0x16500];
	v13 =	vadd.f32 v4, v1;
	v11 =	vadd.f32 v5, v1  }
0x204: {  	v18 =	vld [tilespmem:s21+$0x17180];
	v12 =	vadd.f32 v6, v1;
	v9 =	vadd.f32 v7, v1  }
0x205: {  	v19 =	vld [tilespmem:s21+$0x17E00];
	v10 =	vadd.f32 v8, v1;
	v7 =	vadd.f32 v16, v1  }
0x206: {  	v5 =	vadd.f32 v20, v1;
	v16 =	vld [tilespmem:s21+$0x18A80];
	v3 =	vadd.f32 v21, v1;
	v6 =	vimm.f32 $0.0e+00  }
0x207: {  	s20 =	simm.s32 $0x80;
	s13 =	simm.s32 $0x10;
	v20 =	vld [tilespmem:s21+$0x19700];
	v8 =	vimm.f32 $0.0e+00;
	v4 =	vimm.f32 $0.0e+00;
	v2 =	vimm.f32 $0.0e+00  }
.LBB2_7:
0x208: {  	p0 =	sne.s32 s20, $0x31C0;
	v21 =	vld [tilespmem:s13+$0x1A380];
	v1 =	vadd.f32 v17, v1  }
0x209: {  	v17 =	vld [tilespmem:s13+$0xE800];
	v6 =	vadd.f32 v18, v6  }
0x20a: {  	v18 =	vld [tilespmem:s13+$0xF480];
	v8 =	vadd.f32 v19, v8  }
0x20b: {  	v19 =	vld [tilespmem:s13+$0x10100];
	v4 =	vadd.f32 v16, v4  }
0x20c: {  	v16 =	vld [tilespmem:s13+$0x10D80];
	v2 =	vadd.f32 v20, v2  }
0x20d: {  	v20 =	vld [tilespmem:s13+$0x11A00];
	v0 =	vadd.f32 v21, v0  }
0x20e: {  	v15 =	vadd.f32 v17, v15;
	v17 =	vld [tilespmem:s13+$0x12680]  }
0x20f: {  	v14 =	vadd.f32 v18, v14;
	v18 =	vld [tilespmem:s13+$0x13300]  }
0x210: {  	v13 =	vadd.f32 v19, v13;
	v19 =	vld [tilespmem:s13+$0x13F80]  }
0x211: {  	v11 =	vadd.f32 v16, v11;
	v16 =	vld [tilespmem:s13+$0x14C00]  }
0x212: {  	v12 =	vadd.f32 v20, v12;
	v20 =	vld [tilespmem:s13+$0x15880]  }
.Ltmp2:
0x213: {  	v9 =	vadd.f32 v17, v9;
	v17 =	vld [tilespmem:s13+$0x16500];
	(pc) =	sbr.rel @p0 .LBB2_7-.Ltmp2, $4  }
0x214: {  	v10 =	vadd.f32 v18, v10;
	v18 =	vld [tilespmem:s13+$0x17180]  }
0x215: {  	v7 =	vadd.f32 v19, v7;
	v19 =	vld [tilespmem:s13+$0x17E00]  }
0x216: {  	v5 =	vadd.f32 v16, v5;
	v16 =	vld [tilespmem:s13+$0x18A80]  }
0x217: {  	v3 =	vadd.f32 v20, v3;
	v20 =	vld [tilespmem:s13+$0x19700];
	s13 =	sshra.s32 s20, $0x2;
	s20 =	sadd.s32 $0x40, s20  }
0x218: {  	v21 =	vld [tilespmem:s13+$0x1A380]  }
0x219: {  	v22 =	vld [tilespmem:s13+$0xE800]  }
0x21a: {  	v23 =	vld [tilespmem:s13+$0xF480]  }
0x21b: {  	v24 =	vld [tilespmem:s13+$0x10100]  }
0x21c: {  	v25 =	vld [tilespmem:s13+$0x10D80]  }
0x21d: {  	v26 =	vld [tilespmem:s13+$0x11A00]  }
0x21e: {  	v27 =	vld [tilespmem:s13+$0x12680]  }
0x21f: {  	v28 =	vld [tilespmem:s13+$0x13300]  }
0x220: {  	v29 =	vld [tilespmem:s13+$0x13F80]  }
0x221: {  	v30 =	vld [tilespmem:s13+$0x14C00]  }
0x222: {  	v31 =	vld [tilespmem:s13+$0x15880]  }
0x223: {  	v32 =	vld [tilespmem:s13+$0x16500]  }
0x224: {  	v33 =	vld [tilespmem:s13+$0x17180]  }
0x225: {  	v34 =	vld [tilespmem:s13+$0x17E00];
	v15 =	vadd.f32 v22, v15  }
0x226: {  	v58 =	vld [tilespmem:s13+$0x18A80];
	v14 =	vadd.f32 v23, v14  }
0x227: {  	v59 =	vld [tilespmem:s13+$0x19700];
	v13 =	vadd.f32 v24, v13;
	[tilespmem:$0x1B000] =	vst v15  }
0x228: {  	v11 =	vadd.f32 v25, v11;
	[tilespmem:$0x1B010] =	vst v14  }
0x229: {  	v12 =	vadd.f32 v26, v12;
	[tilespmem:$0x1B020] =	vst v13  }
0x22a: {  	v9 =	vadd.f32 v27, v9;
	[tilespmem:$0x1B030] =	vst v11  }
0x22b: {  	v10 =	vadd.f32 v28, v10;
	[tilespmem:$0x1B040] =	vst v12  }
0x22c: {  	v7 =	vadd.f32 v29, v7;
	[tilespmem:$0x1B050] =	vst v9  }
0x22d: {  	v1 =	vadd.f32 v17, v1;
	v5 =	vadd.f32 v30, v5;
	[tilespmem:$0x1B060] =	vst v10  }
0x22e: {  	v6 =	vadd.f32 v18, v6;
	v3 =	vadd.f32 v31, v3;
	[tilespmem:$0x1B070] =	vst v7  }
0x22f: {  	v60 =	vadd.f32 v19, v8;
	v1 =	vadd.f32 v32, v1;
	[tilespmem:$0x1B080] =	vst v5  }
0x230: {  	v4 =	vadd.f32 v16, v4;
	v61 =	vadd.f32 v33, v6;
	[tilespmem:$0x1B090] =	vst v3  }
0x231: {  	v62 =	vadd.f32 v34, v60;
	[tilespmem:$0x1B0A0] =	vst v1  }
0x232: {  	v2 =	vadd.f32 v20, v2;
	v63 =	vadd.f32 v58, v4;
	[tilespmem:$0x1B0B0] =	vst v61  }
0x233: {  	v0 =	vadd.f32 v21, v0;
	[tilespmem:$0x1B0C0] =	vst v62  }
0x234: {  	s9 =	sadd.s32 $0x1, s9;
	v2 =	vadd.f32 v59, v2;
	[tilespmem:$0x1B0D0] =	vst v63  }
0x235: {  	p0 =	sne.s32 s9, $0x10;
	[tilespmem:$0x1B0F0] =	vst v0  }
.Ltmp3:
0x236: {  	s21 =	sadd.s32 s14, s18;
	[tilespmem:$0x1B0E0] =	vst v2;
	(pc) =	sbr.rel @p0 .LBB2_2-.Ltmp3, $4  }
0x237: {  	[hbm4b:s21+s1] =	stream.linear.scatter [tilespmem:s6], [sflag:$0x5], $0x100, $0x38;
	[tilespmem:$0x1B100] =	vst v63  }
0x238: {  	_ =	swait.ge [sflag:s7], $0x100  }
0x239: {  	[sflag:s7] =	ssyncset.done $0x0  }
0x23a: {  	[sflag:s7] =	ssyncadd.s32 $0xFFFFFF00  }
0x23b: {  	s13 =	rddreg [dreg:$0x7]  }
0x23c: {  	s9 =	rddreg [dreg:$0x6];
	s13 =	sadd.s32 $0x1, s13  }
0x23d: {  	p0 =	sne.s32 s13, s9  }
.Ltmp4:
0x23e: {  	_ = 	snop;
	(pc) =	sbr.rel @p0 .LBB2_1-.Ltmp4, $1  }
0x23f: {  	_ =	sdelay $0x3  }
0x240: {  	_ =	sfence.sel $0x180000  }
0x241: {  	[bflag:$0x0] =	sbarrier.arrive $0xFFFF  }
0x242: {  	_ =	strace $0x90000047  }
0x243: {  	s0 =	stileid.u32;
	[bflag:$0x2] =	sbarrier.arrive $0xFFFF  }
0x244: {  	p0 =	sne.s32 s0, $0x0;
	s0 =	rddreg [dreg:$0x1]  }
0x245: {  	s0 =	sadd.s32 @!p0 $0x100000, s0  }
0x246: {  	[sflag:s0] =	ssyncadd.tile.s32 @!p0 $0x1;
	_ =	shalt  }
.Lfunc_end2:
_tile_overlayer_lowered:
.L_overlay_start_2:
0x247: {  	(tag) =	ssettag $0x2  }
0x248: {  	s0 =	rddreg [dreg:$0x0];
	s2 =	stileid.u32  }
0x249: {  	s1 =	rddreg [dreg:$0x1];
	p0 =	sne.s32 s2, $0x0  }
0x24a: {  	s3 =	rddreg [dreg:$0x2];
	[bflag:$0x3] =	sbarrier.arrive $0xFFFF;
	s2 =	simm.s32 @!p0 $0x1C05  }
0x24b: {  	[timem:s3], [sflag:s2] =	dma.local @!p0 [hbm:s0], s1  }
0x24c: {  	s0 =	simm.s32 @!p0 $0x5  }
0x24d: {  	_ =	swait.ge @!p0 [sflag:s0], s1  }
0x24e: {  	s1 =	ssub.s32 @!p0 $0x0, s1;
	[sflag:s0] =	ssyncset.done @!p0 $0x0  }
0x24f: {  	[sflag:s0] =	ssyncadd.s32 @!p0 s1  }
0x250: {  	[bflag:$0x3] =	sbarrier.arrive $0xFFFF  }
0x251: {  	_ =	shalt  }

</sc_bundles>
